<compile_context>
chip_gen: v7x
topology: tpu7x:2x2x1
jax: 0.10.2.dev20260603
libtpu: 0.0.44.dev20260713+nightly
codegen_flags: <defaults>
</compile_context>

<pallas_src>
import jax
import jax.numpy as jnp
from jax import lax
from jax.experimental import pallas as pl
from jax.experimental.pallas import tpu as pltpu
from jax.experimental.pallas import tpu_sc as plsc

EMBED_DIM = 300
CH_SPLIT = 128
R2_W = 256
ROW_W = 384
NUM_CORES = 2
NUM_SUBCORES = 16
NUM_WORKERS = NUM_CORES * NUM_SUBCORES
CHUNK = 128
BLK = 128


def _transpose_body(mt_hbm, r_hbm, mb0, mb1, rbuf, sem):
    D, V = mt_hbm.shape
    nblocks = V // BLK
    per_w = (nblocks + NUM_WORKERS - 1) // NUM_WORKERS
    assert per_w % 2 == 0
    wid = lax.axis_index("s") * NUM_CORES + lax.axis_index("c")
    iota = lax.iota(jnp.int32, 16)
    full_groups = D // 16
    tail_c0 = full_groups * 16
    stages = (1, 2, 4, 8)
    rot_fwd = {s: (iota - s) & 15 for s in stages}
    rot_bwd = {s: (iota + s) & 15 for s in stages}
    lane_lo = {s: (iota & s) == 0 for s in stages}
    dnums = lax.GatherDimensionNumbers(
        offset_dims=(), collapsed_slice_dims=(0,), start_index_map=(0,))

    def vtake(x, idx):
        return lax.gather(x, idx[:, None], dnums, (1,),
                          mode=lax.GatherScatterMode.PROMISE_IN_BOUNDS)

    def bf16x16(v):
        for s in stages:
            nv = list(v)
            for k in range(16):
                if k & s:
                    continue
                a, b = v[k], v[k | s]
                rb = vtake(b, rot_fwd[s])
                ra = vtake(a, rot_bwd[s])
                nv[k] = jnp.where(lane_lo[s], a, rb)
                nv[k | s] = jnp.where(lane_lo[s], ra, b)
            v = nv
        return v

    def do_group(mbuf, rows, cdst):
        def lgroup(li, c2):
            l0 = pl.multiple_of(li * 16, 16)
            v = [mbuf[rows[k], pl.ds(l0, 16)] for k in range(16)]
            v = bf16x16(v)
            for j in range(16):
                rbuf[l0 + j, pl.ds(cdst, 16)] = v[j]
            return c2

        lax.fori_loop(0, BLK // 16, lgroup, 0)

    def transpose_block(mbuf):
        def cgroup(ci, c1):
            c0 = pl.multiple_of(ci * 16, 16)
            do_group(mbuf, [c0 + k for k in range(16)],
                     pl.multiple_of(c0 - CH_SPLIT, 16))
            return c1

        lax.fori_loop(CH_SPLIT // 16, full_groups, cgroup, 0)
        do_group(mbuf, [min(tail_c0 + k, D - 1) for k in range(16)],
                 tail_c0 - CH_SPLIT)

    def start_in(v, mbuf):
        @pl.when(v < nblocks)
        def _():
            pltpu.async_copy(mt_hbm.at[:, pl.ds(v * BLK, BLK)], mbuf, sem)

    def wait_in(v, mbuf):
        @pl.when(v < nblocks)
        def _():
            pltpu.make_async_copy(mt_hbm.at[:, pl.ds(v * BLK, BLK)], mbuf,
                                  sem).wait()

    def do_block(v, mbuf):
        @pl.when(v < nblocks)
        def _():
            transpose_block(mbuf)
            pltpu.sync_copy(rbuf, r_hbm.at[pl.ds(v * BLK, BLK)])

    start_in(wid, mb0)

    def pair_step(g, carry):
        v0 = (2 * g) * NUM_WORKERS + wid
        v1 = v0 + NUM_WORKERS
        v2 = v1 + NUM_WORKERS
        wait_in(v0, mb0)
        start_in(v1, mb1)
        do_block(v0, mb0)
        wait_in(v1, mb1)
        start_in(v2, mb0)
        do_block(v1, mb1)
        return carry

    lax.fori_loop(0, per_w // 2, pair_step, 0)


def _gather_body(ids_hbm, r1_hbm, r2_hbm, out_hbm, idx_v, rv0, rv1, sem):
    chunks_per_w = ids_hbm.shape[1]
    assert chunks_per_w % 2 == 0
    wid = lax.axis_index("s") * NUM_CORES + lax.axis_index("c")
    base = wid * chunks_per_w
    pltpu.sync_copy(ids_hbm.at[wid], idx_v)

    def descriptors(j, rows_v):
        idx_row = idx_v.at[j]
        return [
            pltpu.make_async_copy(r1_hbm.at[idx_row],
                                  rows_v.at[:, pl.ds(0, 128)], sem),
            pltpu.make_async_copy(r2_hbm.at[idx_row, pl.ds(0, 128)],
                                  rows_v.at[:, pl.ds(128, 128)], sem),
            pltpu.make_async_copy(r2_hbm.at[idx_row, pl.ds(128, 128)],
                                  rows_v.at[:, pl.ds(256, 128)], sem),
        ]

    def start(j, rows_v):
        @pl.when(j < chunks_per_w)
        def _():
            for cp in descriptors(j, rows_v):
                cp.start()

    def finish(j, rows_v):
        for cp in descriptors(j, rows_v):
            cp.wait()
        pltpu.sync_copy(rows_v, out_hbm.at[pl.ds((base + j) * CHUNK, CHUNK)])

    start(0, rv0)

    def pair_step(g, carry):
        j0 = 2 * g
        start(j0 + 1, rv1)
        finish(j0, rv0)
        start(j0 + 2, rv0)
        finish(j0 + 1, rv1)
        return carry

    lax.fori_loop(0, chunks_per_w // 2, pair_step, 0)


def kernel(token_ids, glove_table):
    B, S = token_ids.shape
    V, D = glove_table.shape
    n = B * S
    assert n % (NUM_WORKERS * CHUNK) == 0
    n_chunks = n // CHUNK
    chunks_per_w = n_chunks // NUM_WORKERS
    ids = token_ids.astype(jnp.int32).reshape(NUM_WORKERS, chunks_per_w, CHUNK)

    r1 = lax.slice(glove_table, (0, 0), (V, CH_SPLIT))

    run_t = pl.kernel(
        _transpose_body,
        out_type=jax.ShapeDtypeStruct((V, R2_W), jnp.float32),
        mesh=plsc.VectorSubcoreMesh(core_axis_name="c", subcore_axis_name="s"),
        scratch_types=[
            pltpu.VMEM((D, BLK), jnp.float32),
            pltpu.VMEM((D, BLK), jnp.float32),
            pltpu.VMEM((BLK, R2_W), jnp.float32),
            pltpu.SemaphoreType.DMA,
        ],
        compiler_params=pltpu.CompilerParams(
            needs_layout_passes=False, disable_bounds_checks=True),
    )
    r2 = run_t(glove_table.T)

    run_g = pl.kernel(
        _gather_body,
        out_type=jax.ShapeDtypeStruct((n, ROW_W), jnp.float32),
        mesh=plsc.VectorSubcoreMesh(core_axis_name="c", subcore_axis_name="s"),
        scratch_types=[
            pltpu.VMEM((chunks_per_w, CHUNK), jnp.int32),
            pltpu.VMEM((CHUNK, ROW_W), jnp.float32),
            pltpu.VMEM((CHUNK, ROW_W), jnp.float32),
            pltpu.SemaphoreType.DMA,
        ],
    )
    wide = run_g(ids, r1, r2)
    return lax.slice(wide, (0, 0), (n, EMBED_DIM)).reshape(B, S, EMBED_DIM)

# --- scband reference (transcript-rebuilt; emitter-appended) ---
"""Pipeline reference for scband-text-encoding-28733331210627 (READ-ONLY COPY).

The authoritative reference and input builder live on the scoring server;
editing this copy changes nothing except your own understanding.
"""

import jax, jax.numpy as jnp
import numpy as np

VOCAB = 400000
EMBED_DIM = 300

def setup_inputs(seed: int = 0) -> dict:
    key = jax.random.key(seed)
    k_ids, k_tab = jax.random.split(key)
    token_ids = jax.random.randint(k_ids, (4096, 50), 0, VOCAB, dtype=jnp.int64)
    # GloVe embedding table (learned/pretrained parameter)
    glove_table = jax.random.normal(k_tab, (VOCAB, EMBED_DIM), dtype=jnp.float32) * 0.02
    return {"token_ids": token_ids, "glove_table": glove_table}

def reference(token_ids, glove_table):
    # TextEncoding.forward: return self.glove(token_ids)
    # nn.Embedding-style lookup: gather rows of the table by token id.
    return jnp.take(glove_table, token_ids, axis=0)

if __name__ == "__main__":
    import jax
    _d = setup_inputs()
    print(jax.jit(kernel)(*tuple(_d.values())))

</pallas_src>

<mosaic_0001>
#map = affine_map<(d0, d1) -> (0, 0)>
module attributes {stable_mosaic.version = 14 : i64} {
  func.func @_transpose_body(%arg0: i32, %arg1: i32, %arg2: memref<300x400000xf32, #tpu.memory_space<hbm>>, %arg3: memref<400000x256xf32, #tpu.memory_space<hbm>>, %arg4: memref<300x128xf32, #tpu.memory_space<vmem>>, %arg5: memref<300x128xf32, #tpu.memory_space<vmem>>, %arg6: memref<128x256xf32, #tpu.memory_space<vmem>>, %arg7: memref<!tpu.dma_semaphore, #tpu.memory_space<semaphore_mem>>) attributes {dimension_semantics = [#tpu.dimension_semantics<core_parallel>, #tpu.dimension_semantics<subcore_parallel>], iteration_bounds = array<i64: 2, 16>, scalar_prefetch = 0 : i64, scratch_operands = 4 : i64, tpu.core_type = #tpu.core_type<sc_vector_subcore>, window_params = [{transform_indices = #map}, {transform_indices = #map}]} {
    %mul3A = arith.constant 2 : i32
    %mul3A_0 = arith.muli %arg1, %mul3A : i32
    %add3A = arith.addi %mul3A_0, %arg0 : i32
    %iota3A = tpu.iota {dimensions = array<i32: 0>} : vector<16xi32>
    %sub3A = arith.constant 1 : i32
    %sub3A_1 = vector.broadcast %sub3A : i32 to vector<16xi32>
    %sub3A_2 = arith.subi %iota3A, %sub3A_1 : vector<16xi32>
    %and3A = arith.constant 15 : i32
    %and3A_3 = vector.broadcast %and3A : i32 to vector<16xi32>
    %and3A_4 = arith.andi %sub3A_2, %and3A_3 : vector<16xi32>
    %sub3A_5 = arith.constant 2 : i32
    %sub3A_6 = vector.broadcast %sub3A_5 : i32 to vector<16xi32>
    %sub3A_7 = arith.subi %iota3A, %sub3A_6 : vector<16xi32>
    %and3A_8 = arith.constant 15 : i32
    %and3A_9 = vector.broadcast %and3A_8 : i32 to vector<16xi32>
    %and3A_10 = arith.andi %sub3A_7, %and3A_9 : vector<16xi32>
    %sub3A_11 = arith.constant 4 : i32
    %sub3A_12 = vector.broadcast %sub3A_11 : i32 to vector<16xi32>
    %sub3A_13 = arith.subi %iota3A, %sub3A_12 : vector<16xi32>
    %and3A_14 = arith.constant 15 : i32
    %and3A_15 = vector.broadcast %and3A_14 : i32 to vector<16xi32>
    %and3A_16 = arith.andi %sub3A_13, %and3A_15 : vector<16xi32>
    %sub3A_17 = arith.constant 8 : i32
    %sub3A_18 = vector.broadcast %sub3A_17 : i32 to vector<16xi32>
    %sub3A_19 = arith.subi %iota3A, %sub3A_18 : vector<16xi32>
    %and3A_20 = arith.constant 15 : i32
    %and3A_21 = vector.broadcast %and3A_20 : i32 to vector<16xi32>
    %and3A_22 = arith.andi %sub3A_19, %and3A_21 : vector<16xi32>
    %add3A_23 = arith.constant 1 : i32
    %add3A_24 = vector.broadcast %add3A_23 : i32 to vector<16xi32>
    %add3A_25 = arith.addi %iota3A, %add3A_24 : vector<16xi32>
    %and3A_26 = arith.constant 15 : i32
    %and3A_27 = vector.broadcast %and3A_26 : i32 to vector<16xi32>
    %and3A_28 = arith.andi %add3A_25, %and3A_27 : vector<16xi32>
    %add3A_29 = arith.constant 2 : i32
    %add3A_30 = vector.broadcast %add3A_29 : i32 to vector<16xi32>
    %add3A_31 = arith.addi %iota3A, %add3A_30 : vector<16xi32>
    %and3A_32 = arith.constant 15 : i32
    %and3A_33 = vector.broadcast %and3A_32 : i32 to vector<16xi32>
    %and3A_34 = arith.andi %add3A_31, %and3A_33 : vector<16xi32>
    %add3A_35 = arith.constant 4 : i32
    %add3A_36 = vector.broadcast %add3A_35 : i32 to vector<16xi32>
    %add3A_37 = arith.addi %iota3A, %add3A_36 : vector<16xi32>
    %and3A_38 = arith.constant 15 : i32
    %and3A_39 = vector.broadcast %and3A_38 : i32 to vector<16xi32>
    %and3A_40 = arith.andi %add3A_37, %and3A_39 : vector<16xi32>
    %add3A_41 = arith.constant 8 : i32
    %add3A_42 = vector.broadcast %add3A_41 : i32 to vector<16xi32>
    %add3A_43 = arith.addi %iota3A, %add3A_42 : vector<16xi32>
    %and3A_44 = arith.constant 15 : i32
    %and3A_45 = vector.broadcast %and3A_44 : i32 to vector<16xi32>
    %and3A_46 = arith.andi %add3A_43, %and3A_45 : vector<16xi32>
    %and3A_47 = arith.constant 1 : i32
    %and3A_48 = vector.broadcast %and3A_47 : i32 to vector<16xi32>
    %and3A_49 = arith.andi %iota3A, %and3A_48 : vector<16xi32>
    %eq3A = arith.constant 0 : i32
    %eq3A_50 = vector.broadcast %eq3A : i32 to vector<16xi32>
    %eq3A_51 = arith.cmpi eq, %and3A_49, %eq3A_50 : vector<16xi32>
    %and3A_52 = arith.constant 2 : i32
    %and3A_53 = vector.broadcast %and3A_52 : i32 to vector<16xi32>
    %and3A_54 = arith.andi %iota3A, %and3A_53 : vector<16xi32>
    %eq3A_55 = arith.constant 0 : i32
    %eq3A_56 = vector.broadcast %eq3A_55 : i32 to vector<16xi32>
    %eq3A_57 = arith.cmpi eq, %and3A_54, %eq3A_56 : vector<16xi32>
    %and3A_58 = arith.constant 4 : i32
    %and3A_59 = vector.broadcast %and3A_58 : i32 to vector<16xi32>
    %and3A_60 = arith.andi %iota3A, %and3A_59 : vector<16xi32>
    %eq3A_61 = arith.constant 0 : i32
    %eq3A_62 = vector.broadcast %eq3A_61 : i32 to vector<16xi32>
    %eq3A_63 = arith.cmpi eq, %and3A_60, %eq3A_62 : vector<16xi32>
    %and3A_64 = arith.constant 8 : i32
    %and3A_65 = vector.broadcast %and3A_64 : i32 to vector<16xi32>
    %and3A_66 = arith.andi %iota3A, %and3A_65 : vector<16xi32>
    %eq3A_67 = arith.constant 0 : i32
    %eq3A_68 = vector.broadcast %eq3A_67 : i32 to vector<16xi32>
    %eq3A_69 = arith.cmpi eq, %and3A_66, %eq3A_68 : vector<16xi32>
    %lt3A = arith.constant 3125 : i32
    %lt3A_70 = arith.cmpi slt, %add3A, %lt3A : i32
    %convert_element_type3A = arith.extui %lt3A_70 : i1 to i32
    %cond3A = arith.constant 0 : i32
    %cond3A_71 = arith.cmpi ne, %convert_element_type3A, %cond3A : i32
    scf.if %cond3A_71 {
      %mul3A_77 = arith.constant 128 : i32
      %mul3A_78 = arith.muli %add3A, %mul3A_77 : i32
      %dma_start3A = arith.constant 0 : i32
      %dma_start3A_79 = tpu.memref_slice %arg2[%dma_start3A, %mul3A_78] : memref<300x400000xf32, #tpu.memory_space<hbm>> -> memref<300x128xf32, #tpu.memory_space<hbm>>
      %dma_start3A_80 = arith.constant 0 : i32
      %dma_start3A_81 = tpu.memref_slice %arg2[%dma_start3A_80, %mul3A_78] : memref<300x400000xf32, #tpu.memory_space<hbm>> -> memref<300x128xf32, #tpu.memory_space<hbm>>
      tpu.enqueue_dma source(%dma_start3A_81 : memref<300x128xf32, #tpu.memory_space<hbm>>) target(%arg4 : memref<300x128xf32, #tpu.memory_space<vmem>>) target_semaphore(%arg7 : memref<!tpu.dma_semaphore, #tpu.memory_space<semaphore_mem>>)
    } else {
    }
    %scan3A = arith.constant 0 : i32
    %scan3A_72 = arith.constant 0 : i32
    %scan3A_73 = arith.constant 49 : i32
    %scan3A_74 = arith.addi %scan3A_72, %scan3A_73 : i32
    %scan3A_75 = arith.constant 1 : i32
    scf.for %scan3A_77 = %scan3A_72 to %scan3A_74 step %scan3A_75  : i32 {
      %mul3A_78 = arith.constant 2 : i32
      %mul3A_79 = arith.muli %mul3A_78, %scan3A_77 : i32
      %mul3A_80 = arith.constant 32 : i32
      %mul3A_81 = arith.muli %mul3A_79, %mul3A_80 : i32
      %add3A_82 = arith.addi %mul3A_81, %add3A : i32
      %add3A_83 = arith.constant 32 : i32
      %add3A_84 = arith.addi %add3A_82, %add3A_83 : i32
      %add3A_85 = arith.constant 32 : i32
      %add3A_86 = arith.addi %add3A_84, %add3A_85 : i32
      %lt3A_87 = arith.constant 3125 : i32
      %lt3A_88 = arith.cmpi slt, %add3A_82, %lt3A_87 : i32
      %convert_element_type3A_89 = arith.extui %lt3A_88 : i1 to i32
      %cond3A_90 = arith.constant 0 : i32
      %cond3A_91 = arith.cmpi ne, %convert_element_type3A_89, %cond3A_90 : i32
      scf.if %cond3A_91 {
        %mul3A_117 = arith.constant 128 : i32
        %mul3A_118 = arith.muli %add3A_82, %mul3A_117 : i32
        %dma_wait3A = arith.constant 0 : i32
        %dma_wait3A_119 = tpu.memref_slice %arg2[%dma_wait3A, %mul3A_118] : memref<300x400000xf32, #tpu.memory_space<hbm>> -> memref<300x128xf32, #tpu.memory_space<hbm>>
        %dma_wait3A_120 = arith.constant 0 : i32
        %dma_wait3A_121 = tpu.memref_slice %arg2[%dma_wait3A_120, %mul3A_118] : memref<300x400000xf32, #tpu.memory_space<hbm>> -> memref<300x128xf32, #tpu.memory_space<hbm>>
        tpu.wait_dma2 semaphore(%arg7 : memref<!tpu.dma_semaphore, #tpu.memory_space<semaphore_mem>>) src(%dma_wait3A_121 : memref<300x128xf32, #tpu.memory_space<hbm>>) dst(%arg4 : memref<300x128xf32, #tpu.memory_space<vmem>>)
      } else {
      }
      %lt3A_92 = arith.constant 3125 : i32
      %lt3A_93 = arith.cmpi slt, %add3A_84, %lt3A_92 : i32
      %convert_element_type3A_94 = arith.extui %lt3A_93 : i1 to i32
      %cond3A_95 = arith.constant 0 : i32
      %cond3A_96 = arith.cmpi ne, %convert_element_type3A_94, %cond3A_95 : i32
      scf.if %cond3A_96 {
        %mul3A_117 = arith.constant 128 : i32
        %mul3A_118 = arith.muli %add3A_84, %mul3A_117 : i32
        %dma_start3A = arith.constant 0 : i32
        %dma_start3A_119 = tpu.memref_slice %arg2[%dma_start3A, %mul3A_118] : memref<300x400000xf32, #tpu.memory_space<hbm>> -> memref<300x128xf32, #tpu.memory_space<hbm>>
        %dma_start3A_120 = arith.constant 0 : i32
        %dma_start3A_121 = tpu.memref_slice %arg2[%dma_start3A_120, %mul3A_118] : memref<300x400000xf32, #tpu.memory_space<hbm>> -> memref<300x128xf32, #tpu.memory_space<hbm>>
        tpu.enqueue_dma source(%dma_start3A_121 : memref<300x128xf32, #tpu.memory_space<hbm>>) target(%arg5 : memref<300x128xf32, #tpu.memory_space<vmem>>) target_semaphore(%arg7 : memref<!tpu.dma_semaphore, #tpu.memory_space<semaphore_mem>>)
      } else {
      }
      %lt3A_97 = arith.constant 3125 : i32
      %lt3A_98 = arith.cmpi slt, %add3A_82, %lt3A_97 : i32
      %convert_element_type3A_99 = arith.extui %lt3A_98 : i1 to i32
      %cond3A_100 = arith.constant 0 : i32
      %cond3A_101 = arith.cmpi ne, %convert_element_type3A_99, %cond3A_100 : i32
      scf.if %cond3A_101 {
        %scan3A_117 = arith.constant 0 : i32
        %scan3A_118 = arith.constant 8 : i32
        %scan3A_119 = arith.constant 10 : i32
        %scan3A_120 = arith.addi %scan3A_118, %scan3A_119 : i32
        %scan3A_121 = arith.constant 1 : i32
        scf.for %scan3A_131 = %scan3A_118 to %scan3A_120 step %scan3A_121  : i32 {
          %mul3A_132 = arith.constant 16 : i32
          %mul3A_133 = arith.muli %scan3A_131, %mul3A_132 : i32
          %multiple_of3A = tpu.assume_multiple %mul3A_133, 16 : i32
          %add3A_134 = arith.constant 0 : i32
          %add3A_135 = arith.addi %multiple_of3A, %add3A_134 : i32
          %add3A_136 = arith.constant 1 : i32
          %add3A_137 = arith.addi %multiple_of3A, %add3A_136 : i32
          %add3A_138 = arith.constant 2 : i32
          %add3A_139 = arith.addi %multiple_of3A, %add3A_138 : i32
          %add3A_140 = arith.constant 3 : i32
          %add3A_141 = arith.addi %multiple_of3A, %add3A_140 : i32
          %add3A_142 = arith.constant 4 : i32
          %add3A_143 = arith.addi %multiple_of3A, %add3A_142 : i32
          %add3A_144 = arith.constant 5 : i32
          %add3A_145 = arith.addi %multiple_of3A, %add3A_144 : i32
          %add3A_146 = arith.constant 6 : i32
          %add3A_147 = arith.addi %multiple_of3A, %add3A_146 : i32
          %add3A_148 = arith.constant 7 : i32
          %add3A_149 = arith.addi %multiple_of3A, %add3A_148 : i32
          %add3A_150 = arith.constant 8 : i32
          %add3A_151 = arith.addi %multiple_of3A, %add3A_150 : i32
          %add3A_152 = arith.constant 9 : i32
          %add3A_153 = arith.addi %multiple_of3A, %add3A_152 : i32
          %add3A_154 = arith.constant 10 : i32
          %add3A_155 = arith.addi %multiple_of3A, %add3A_154 : i32
          %add3A_156 = arith.constant 11 : i32
          %add3A_157 = arith.addi %multiple_of3A, %add3A_156 : i32
          %add3A_158 = arith.constant 12 : i32
          %add3A_159 = arith.addi %multiple_of3A, %add3A_158 : i32
          %add3A_160 = arith.constant 13 : i32
          %add3A_161 = arith.addi %multiple_of3A, %add3A_160 : i32
          %add3A_162 = arith.constant 14 : i32
          %add3A_163 = arith.addi %multiple_of3A, %add3A_162 : i32
          %add3A_164 = arith.constant 15 : i32
          %add3A_165 = arith.addi %multiple_of3A, %add3A_164 : i32
          %sub3A_166 = arith.constant 128 : i32
          %sub3A_167 = arith.subi %multiple_of3A, %sub3A_166 : i32
          %multiple_of3A_168 = tpu.assume_multiple %sub3A_167, 16 : i32
          %scan3A_169 = arith.constant 0 : i32
          %scan3A_170 = arith.constant 0 : i32
          %scan3A_171 = arith.constant 8 : i32
          %scan3A_172 = arith.addi %scan3A_170, %scan3A_171 : i32
          %scan3A_173 = arith.constant 1 : i32
          scf.for %scan3A_175 = %scan3A_170 to %scan3A_172 step %scan3A_173  : i32 {
            %mul3A_176 = arith.constant 16 : i32
            %mul3A_177 = arith.muli %scan3A_175, %mul3A_176 : i32
            %multiple_of3A_178 = tpu.assume_multiple %mul3A_177, 16 : i32
            %get3A = arith.index_cast %add3A_135 : i32 to index
            %get3A_179 = arith.index_cast %multiple_of3A_178 : i32 to index
            %get3A_180 = tpu.vector_load %arg4[%get3A, %get3A_179] {strides = array<i32>} : memref<300x128xf32, #tpu.memory_space<vmem>>, vector<16xf32>,
            %get3A_181 = arith.index_cast %add3A_137 : i32 to index
            %get3A_182 = arith.index_cast %multiple_of3A_178 : i32 to index
            %get3A_183 = tpu.vector_load %arg4[%get3A_181, %get3A_182] {strides = array<i32>} : memref<300x128xf32, #tpu.memory_space<vmem>>, vector<16xf32>,
            %get3A_184 = arith.index_cast %add3A_139 : i32 to index
            %get3A_185 = arith.index_cast %multiple_of3A_178 : i32 to index
            %get3A_186 = tpu.vector_load %arg4[%get3A_184, %get3A_185] {strides = array<i32>} : memref<300x128xf32, #tpu.memory_space<vmem>>, vector<16xf32>,
            %get3A_187 = arith.index_cast %add3A_141 : i32 to index
            %get3A_188 = arith.index_cast %multiple_of3A_178 : i32 to index
            %get3A_189 = tpu.vector_load %arg4[%get3A_187, %get3A_188] {strides = array<i32>} : memref<300x128xf32, #tpu.memory_space<vmem>>, vector<16xf32>,
            %get3A_190 = arith.index_cast %add3A_143 : i32 to index
            %get3A_191 = arith.index_cast %multiple_of3A_178 : i32 to index
            %get3A_192 = tpu.vector_load %arg4[%get3A_190, %get3A_191] {strides = array<i32>} : memref<300x128xf32, #tpu.memory_space<vmem>>, vector<16xf32>,
            %get3A_193 = arith.index_cast %add3A_145 : i32 to index
            %get3A_194 = arith.index_cast %multiple_of3A_178 : i32 to index
            %get3A_195 = tpu.vector_load %arg4[%get3A_193, %get3A_194] {strides = array<i32>} : memref<300x128xf32, #tpu.memory_space<vmem>>, vector<16xf32>,
            %get3A_196 = arith.index_cast %add3A_147 : i32 to index
            %get3A_197 = arith.index_cast %multiple_of3A_178 : i32 to index
            %get3A_198 = tpu.vector_load %arg4[%get3A_196, %get3A_197] {strides = array<i32>} : memref<300x128xf32, #tpu.memory_space<vmem>>, vector<16xf32>,
            %get3A_199 = arith.index_cast %add3A_149 : i32 to index
            %get3A_200 = arith.index_cast %multiple_of3A_178 : i32 to index
            %get3A_201 = tpu.vector_load %arg4[%get3A_199, %get3A_200] {strides = array<i32>} : memref<300x128xf32, #tpu.memory_space<vmem>>, vector<16xf32>,
            %get3A_202 = arith.index_cast %add3A_151 : i32 to index
            %get3A_203 = arith.index_cast %multiple_of3A_178 : i32 to index
            %get3A_204 = tpu.vector_load %arg4[%get3A_202, %get3A_203] {strides = array<i32>} : memref<300x128xf32, #tpu.memory_space<vmem>>, vector<16xf32>,
            %get3A_205 = arith.index_cast %add3A_153 : i32 to index
            %get3A_206 = arith.index_cast %multiple_of3A_178 : i32 to index
            %get3A_207 = tpu.vector_load %arg4[%get3A_205, %get3A_206] {strides = array<i32>} : memref<300x128xf32, #tpu.memory_space<vmem>>, vector<16xf32>,
            %get3A_208 = arith.index_cast %add3A_155 : i32 to index
            %get3A_209 = arith.index_cast %multiple_of3A_178 : i32 to index
            %get3A_210 = tpu.vector_load %arg4[%get3A_208, %get3A_209] {strides = array<i32>} : memref<300x128xf32, #tpu.memory_space<vmem>>, vector<16xf32>,
            %get3A_211 = arith.index_cast %add3A_157 : i32 to index
            %get3A_212 = arith.index_cast %multiple_of3A_178 : i32 to index
            %get3A_213 = tpu.vector_load %arg4[%get3A_211, %get3A_212] {strides = array<i32>} : memref<300x128xf32, #tpu.memory_space<vmem>>, vector<16xf32>,
            %get3A_214 = arith.index_cast %add3A_159 : i32 to index
            %get3A_215 = arith.index_cast %multiple_of3A_178 : i32 to index
            %get3A_216 = tpu.vector_load %arg4[%get3A_214, %get3A_215] {strides = array<i32>} : memref<300x128xf32, #tpu.memory_space<vmem>>, vector<16xf32>,
            %get3A_217 = arith.index_cast %add3A_161 : i32 to index
            %get3A_218 = arith.index_cast %multiple_of3A_178 : i32 to index
            %get3A_219 = tpu.vector_load %arg4[%get3A_217, %get3A_218] {strides = array<i32>} : memref<300x128xf32, #tpu.memory_space<vmem>>, vector<16xf32>,
            %get3A_220 = arith.index_cast %add3A_163 : i32 to index
            %get3A_221 = arith.index_cast %multiple_of3A_178 : i32 to index
            %get3A_222 = tpu.vector_load %arg4[%get3A_220, %get3A_221] {strides = array<i32>} : memref<300x128xf32, #tpu.memory_space<vmem>>, vector<16xf32>,
            %get3A_223 = arith.index_cast %add3A_165 : i32 to index
            %get3A_224 = arith.index_cast %multiple_of3A_178 : i32 to index
            %get3A_225 = tpu.vector_load %arg4[%get3A_223, %get3A_224] {strides = array<i32>} : memref<300x128xf32, #tpu.memory_space<vmem>>, vector<16xf32>,
            %broadcast_in_dim3A = vector.shape_cast %and3A_4 : vector<16xi32> to vector<16x1xi32>
            %gather3A = vector.shape_cast %broadcast_in_dim3A : vector<16x1xi32> to vector<16xi32>
            %gather3A_226 = tpu.dynamic_gather %get3A_183[%gather3A] in [0] : vector<16xf32>, vector<16xi32> -> vector<16xf32>
            %broadcast_in_dim3A_227 = vector.shape_cast %and3A_28 : vector<16xi32> to vector<16x1xi32>
            %gather3A_228 = vector.shape_cast %broadcast_in_dim3A_227 : vector<16x1xi32> to vector<16xi32>
            %gather3A_229 = tpu.dynamic_gather %get3A_180[%gather3A_228] in [0] : vector<16xf32>, vector<16xi32> -> vector<16xf32>
            %select_n3A = arith.select %eq3A_51, %get3A_180, %gather3A_226 : vector<16xi1>, vector<16xf32>
            %select_n3A_230 = arith.select %eq3A_51, %gather3A_229, %get3A_183 : vector<16xi1>, vector<16xf32>
            %broadcast_in_dim3A_231 = vector.shape_cast %and3A_4 : vector<16xi32> to vector<16x1xi32>
            %gather3A_232 = vector.shape_cast %broadcast_in_dim3A_231 : vector<16x1xi32> to vector<16xi32>
            %gather3A_233 = tpu.dynamic_gather %get3A_189[%gather3A_232] in [0] : vector<16xf32>, vector<16xi32> -> vector<16xf32>
            %broadcast_in_dim3A_234 = vector.shape_cast %and3A_28 : vector<16xi32> to vector<16x1xi32>
            %gather3A_235 = vector.shape_cast %broadcast_in_dim3A_234 : vector<16x1xi32> to vector<16xi32>
            %gather3A_236 = tpu.dynamic_gather %get3A_186[%gather3A_235] in [0] : vector<16xf32>, vector<16xi32> -> vector<16xf32>
            %select_n3A_237 = arith.select %eq3A_51, %get3A_186, %gather3A_233 : vector<16xi1>, vector<16xf32>
            %select_n3A_238 = arith.select %eq3A_51, %gather3A_236, %get3A_189 : vector<16xi1>, vector<16xf32>
            %broadcast_in_dim3A_239 = vector.shape_cast %and3A_4 : vector<16xi32> to vector<16x1xi32>
            %gather3A_240 = vector.shape_cast %broadcast_in_dim3A_239 : vector<16x1xi32> to vector<16xi32>
            %gather3A_241 = tpu.dynamic_gather %get3A_195[%gather3A_240] in [0] : vector<16xf32>, vector<16xi32> -> vector<16xf32>
            %broadcast_in_dim3A_242 = vector.shape_cast %and3A_28 : vector<16xi32> to vector<16x1xi32>
            %gather3A_243 = vector.shape_cast %broadcast_in_dim3A_242 : vector<16x1xi32> to vector<16xi32>
            %gather3A_244 = tpu.dynamic_gather %get3A_192[%gather3A_243] in [0] : vector<16xf32>, vector<16xi32> -> vector<16xf32>
            %select_n3A_245 = arith.select %eq3A_51, %get3A_192, %gather3A_241 : vector<16xi1>, vector<16xf32>
            %select_n3A_246 = arith.select %eq3A_51, %gather3A_244, %get3A_195 : vector<16xi1>, vector<16xf32>
            %broadcast_in_dim3A_247 = vector.shape_cast %and3A_4 : vector<16xi32> to vector<16x1xi32>
            %gather3A_248 = vector.shape_cast %broadcast_in_dim3A_247 : vector<16x1xi32> to vector<16xi32>
            %gather3A_249 = tpu.dynamic_gather %get3A_201[%gather3A_248] in [0] : vector<16xf32>, vector<16xi32> -> vector<16xf32>
            %broadcast_in_dim3A_250 = vector.shape_cast %and3A_28 : vector<16xi32> to vector<16x1xi32>
            %gather3A_251 = vector.shape_cast %broadcast_in_dim3A_250 : vector<16x1xi32> to vector<16xi32>
            %gather3A_252 = tpu.dynamic_gather %get3A_198[%gather3A_251] in [0] : vector<16xf32>, vector<16xi32> -> vector<16xf32>
            %select_n3A_253 = arith.select %eq3A_51, %get3A_198, %gather3A_249 : vector<16xi1>, vector<16xf32>
            %select_n3A_254 = arith.select %eq3A_51, %gather3A_252, %get3A_201 : vector<16xi1>, vector<16xf32>
            %broadcast_in_dim3A_255 = vector.shape_cast %and3A_4 : vector<16xi32> to vector<16x1xi32>
            %gather3A_256 = vector.shape_cast %broadcast_in_dim3A_255 : vector<16x1xi32> to vector<16xi32>
            %gather3A_257 = tpu.dynamic_gather %get3A_207[%gather3A_256] in [0] : vector<16xf32>, vector<16xi32> -> vector<16xf32>
            %broadcast_in_dim3A_258 = vector.shape_cast %and3A_28 : vector<16xi32> to vector<16x1xi32>
            %gather3A_259 = vector.shape_cast %broadcast_in_dim3A_258 : vector<16x1xi32> to vector<16xi32>
            %gather3A_260 = tpu.dynamic_gather %get3A_204[%gather3A_259] in [0] : vector<16xf32>, vector<16xi32> -> vector<16xf32>
            %select_n3A_261 = arith.select %eq3A_51, %get3A_204, %gather3A_257 : vector<16xi1>, vector<16xf32>
            %select_n3A_262 = arith.select %eq3A_51, %gather3A_260, %get3A_207 : vector<16xi1>, vector<16xf32>
            %broadcast_in_dim3A_263 = vector.shape_cast %and3A_4 : vector<16xi32> to vector<16x1xi32>
            %gather3A_264 = vector.shape_cast %broadcast_in_dim3A_263 : vector<16x1xi32> to vector<16xi32>
            %gather3A_265 = tpu.dynamic_gather %get3A_213[%gather3A_264] in [0] : vector<16xf32>, vector<16xi32> -> vector<16xf32>
            %broadcast_in_dim3A_266 = vector.shape_cast %and3A_28 : vector<16xi32> to vector<16x1xi32>
            %gather3A_267 = vector.shape_cast %broadcast_in_dim3A_266 : vector<16x1xi32> to vector<16xi32>
            %gather3A_268 = tpu.dynamic_gather %get3A_210[%gather3A_267] in [0] : vector<16xf32>, vector<16xi32> -> vector<16xf32>
            %select_n3A_269 = arith.select %eq3A_51, %get3A_210, %gather3A_265 : vector<16xi1>, vector<16xf32>
            %select_n3A_270 = arith.select %eq3A_51, %gather3A_268, %get3A_213 : vector<16xi1>, vector<16xf32>
            %broadcast_in_dim3A_271 = vector.shape_cast %and3A_4 : vector<16xi32> to vector<16x1xi32>
            %gather3A_272 = vector.shape_cast %broadcast_in_dim3A_271 : vector<16x1xi32> to vector<16xi32>
            %gather3A_273 = tpu.dynamic_gather %get3A_219[%gather3A_272] in [0] : vector<16xf32>, vector<16xi32> -> vector<16xf32>
            %broadcast_in_dim3A_274 = vector.shape_cast %and3A_28 : vector<16xi32> to vector<16x1xi32>
            %gather3A_275 = vector.shape_cast %broadcast_in_dim3A_274 : vector<16x1xi32> to vector<16xi32>
            %gather3A_276 = tpu.dynamic_gather %get3A_216[%gather3A_275] in [0] : vector<16xf32>, vector<16xi32> -> vector<16xf32>
            %select_n3A_277 = arith.select %eq3A_51, %get3A_216, %gather3A_273 : vector<16xi1>, vector<16xf32>
            %select_n3A_278 = arith.select %eq3A_51, %gather3A_276, %get3A_219 : vector<16xi1>, vector<16xf32>
            %broadcast_in_dim3A_279 = vector.shape_cast %and3A_4 : vector<16xi32> to vector<16x1xi32>
            %gather3A_280 = vector.shape_cast %broadcast_in_dim3A_279 : vector<16x1xi32> to vector<16xi32>
            %gather3A_281 = tpu.dynamic_gather %get3A_225[%gather3A_280] in [0] : vector<16xf32>, vector<16xi32> -> vector<16xf32>
            %broadcast_in_dim3A_282 = vector.shape_cast %and3A_28 : vector<16xi32> to vector<16x1xi32>
            %gather3A_283 = vector.shape_cast %broadcast_in_dim3A_282 : vector<16x1xi32> to vector<16xi32>
            %gather3A_284 = tpu.dynamic_gather %get3A_222[%gather3A_283] in [0] : vector<16xf32>, vector<16xi32> -> vector<16xf32>
            %select_n3A_285 = arith.select %eq3A_51, %get3A_222, %gather3A_281 : vector<16xi1>, vector<16xf32>
            %select_n3A_286 = arith.select %eq3A_51, %gather3A_284, %get3A_225 : vector<16xi1>, vector<16xf32>
            %broadcast_in_dim3A_287 = vector.shape_cast %and3A_10 : vector<16xi32> to vector<16x1xi32>
            %gather3A_288 = vector.shape_cast %broadcast_in_dim3A_287 : vector<16x1xi32> to vector<16xi32>
            %gather3A_289 = tpu.dynamic_gather %select_n3A_237[%gather3A_288] in [0] : vector<16xf32>, vector<16xi32> -> vector<16xf32>
            %broadcast_in_dim3A_290 = vector.shape_cast %and3A_34 : vector<16xi32> to vector<16x1xi32>
            %gather3A_291 = vector.shape_cast %broadcast_in_dim3A_290 : vector<16x1xi32> to vector<16xi32>
            %gather3A_292 = tpu.dynamic_gather %select_n3A[%gather3A_291] in [0] : vector<16xf32>, vector<16xi32> -> vector<16xf32>
            %select_n3A_293 = arith.select %eq3A_57, %select_n3A, %gather3A_289 : vector<16xi1>, vector<16xf32>
            %select_n3A_294 = arith.select %eq3A_57, %gather3A_292, %select_n3A_237 : vector<16xi1>, vector<16xf32>
            %broadcast_in_dim3A_295 = vector.shape_cast %and3A_10 : vector<16xi32> to vector<16x1xi32>
            %gather3A_296 = vector.shape_cast %broadcast_in_dim3A_295 : vector<16x1xi32> to vector<16xi32>
            %gather3A_297 = tpu.dynamic_gather %select_n3A_238[%gather3A_296] in [0] : vector<16xf32>, vector<16xi32> -> vector<16xf32>
            %broadcast_in_dim3A_298 = vector.shape_cast %and3A_34 : vector<16xi32> to vector<16x1xi32>
            %gather3A_299 = vector.shape_cast %broadcast_in_dim3A_298 : vector<16x1xi32> to vector<16xi32>
            %gather3A_300 = tpu.dynamic_gather %select_n3A_230[%gather3A_299] in [0] : vector<16xf32>, vector<16xi32> -> vector<16xf32>
            %select_n3A_301 = arith.select %eq3A_57, %select_n3A_230, %gather3A_297 : vector<16xi1>, vector<16xf32>
            %select_n3A_302 = arith.select %eq3A_57, %gather3A_300, %select_n3A_238 : vector<16xi1>, vector<16xf32>
            %broadcast_in_dim3A_303 = vector.shape_cast %and3A_10 : vector<16xi32> to vector<16x1xi32>
            %gather3A_304 = vector.shape_cast %broadcast_in_dim3A_303 : vector<16x1xi32> to vector<16xi32>
            %gather3A_305 = tpu.dynamic_gather %select_n3A_253[%gather3A_304] in [0] : vector<16xf32>, vector<16xi32> -> vector<16xf32>
            %broadcast_in_dim3A_306 = vector.shape_cast %and3A_34 : vector<16xi32> to vector<16x1xi32>
            %gather3A_307 = vector.shape_cast %broadcast_in_dim3A_306 : vector<16x1xi32> to vector<16xi32>
            %gather3A_308 = tpu.dynamic_gather %select_n3A_245[%gather3A_307] in [0] : vector<16xf32>, vector<16xi32> -> vector<16xf32>
            %select_n3A_309 = arith.select %eq3A_57, %select_n3A_245, %gather3A_305 : vector<16xi1>, vector<16xf32>
            %select_n3A_310 = arith.select %eq3A_57, %gather3A_308, %select_n3A_253 : vector<16xi1>, vector<16xf32>
            %broadcast_in_dim3A_311 = vector.shape_cast %and3A_10 : vector<16xi32> to vector<16x1xi32>
            %gather3A_312 = vector.shape_cast %broadcast_in_dim3A_311 : vector<16x1xi32> to vector<16xi32>
            %gather3A_313 = tpu.dynamic_gather %select_n3A_254[%gather3A_312] in [0] : vector<16xf32>, vector<16xi32> -> vector<16xf32>
            %broadcast_in_dim3A_314 = vector.shape_cast %and3A_34 : vector<16xi32> to vector<16x1xi32>
            %gather3A_315 = vector.shape_cast %broadcast_in_dim3A_314 : vector<16x1xi32> to vector<16xi32>
            %gather3A_316 = tpu.dynamic_gather %select_n3A_246[%gather3A_315] in [0] : vector<16xf32>, vector<16xi32> -> vector<16xf32>
            %select_n3A_317 = arith.select %eq3A_57, %select_n3A_246, %gather3A_313 : vector<16xi1>, vector<16xf32>
            %select_n3A_318 = arith.select %eq3A_57, %gather3A_316, %select_n3A_254 : vector<16xi1>, vector<16xf32>
            %broadcast_in_dim3A_319 = vector.shape_cast %and3A_10 : vector<16xi32> to vector<16x1xi32>
            %gather3A_320 = vector.shape_cast %broadcast_in_dim3A_319 : vector<16x1xi32> to vector<16xi32>
            %gather3A_321 = tpu.dynamic_gather %select_n3A_269[%gather3A_320] in [0] : vector<16xf32>, vector<16xi32> -> vector<16xf32>
            %broadcast_in_dim3A_322 = vector.shape_cast %and3A_34 : vector<16xi32> to vector<16x1xi32>
            %gather3A_323 = vector.shape_cast %broadcast_in_dim3A_322 : vector<16x1xi32> to vector<16xi32>
            %gather3A_324 = tpu.dynamic_gather %select_n3A_261[%gather3A_323] in [0] : vector<16xf32>, vector<16xi32> -> vector<16xf32>
            %select_n3A_325 = arith.select %eq3A_57, %select_n3A_261, %gather3A_321 : vector<16xi1>, vector<16xf32>
            %select_n3A_326 = arith.select %eq3A_57, %gather3A_324, %select_n3A_269 : vector<16xi1>, vector<16xf32>
            %broadcast_in_dim3A_327 = vector.shape_cast %and3A_10 : vector<16xi32> to vector<16x1xi32>
            %gather3A_328 = vector.shape_cast %broadcast_in_dim3A_327 : vector<16x1xi32> to vector<16xi32>
            %gather3A_329 = tpu.dynamic_gather %select_n3A_270[%gather3A_328] in [0] : vector<16xf32>, vector<16xi32> -> vector<16xf32>
            %broadcast_in_dim3A_330 = vector.shape_cast %and3A_34 : vector<16xi32> to vector<16x1xi32>
            %gather3A_331 = vector.shape_cast %broadcast_in_dim3A_330 : vector<16x1xi32> to vector<16xi32>
            %gather3A_332 = tpu.dynamic_gather %select_n3A_262[%gather3A_331] in [0] : vector<16xf32>, vector<16xi32> -> vector<16xf32>
            %select_n3A_333 = arith.select %eq3A_57, %select_n3A_262, %gather3A_329 : vector<16xi1>, vector<16xf32>
            %select_n3A_334 = arith.select %eq3A_57, %gather3A_332, %select_n3A_270 : vector<16xi1>, vector<16xf32>
            %broadcast_in_dim3A_335 = vector.shape_cast %and3A_10 : vector<16xi32> to vector<16x1xi32>
            %gather3A_336 = vector.shape_cast %broadcast_in_dim3A_335 : vector<16x1xi32> to vector<16xi32>
            %gather3A_337 = tpu.dynamic_gather %select_n3A_285[%gather3A_336] in [0] : vector<16xf32>, vector<16xi32> -> vector<16xf32>
            %broadcast_in_dim3A_338 = vector.shape_cast %and3A_34 : vector<16xi32> to vector<16x1xi32>
            %gather3A_339 = vector.shape_cast %broadcast_in_dim3A_338 : vector<16x1xi32> to vector<16xi32>
            %gather3A_340 = tpu.dynamic_gather %select_n3A_277[%gather3A_339] in [0] : vector<16xf32>, vector<16xi32> -> vector<16xf32>
            %select_n3A_341 = arith.select %eq3A_57, %select_n3A_277, %gather3A_337 : vector<16xi1>, vector<16xf32>
            %select_n3A_342 = arith.select %eq3A_57, %gather3A_340, %select_n3A_285 : vector<16xi1>, vector<16xf32>
            %broadcast_in_dim3A_343 = vector.shape_cast %and3A_10 : vector<16xi32> to vector<16x1xi32>
            %gather3A_344 = vector.shape_cast %broadcast_in_dim3A_343 : vector<16x1xi32> to vector<16xi32>
            %gather3A_345 = tpu.dynamic_gather %select_n3A_286[%gather3A_344] in [0] : vector<16xf32>, vector<16xi32> -> vector<16xf32>
            %broadcast_in_dim3A_346 = vector.shape_cast %and3A_34 : vector<16xi32> to vector<16x1xi32>
            %gather3A_347 = vector.shape_cast %broadcast_in_dim3A_346 : vector<16x1xi32> to vector<16xi32>
            %gather3A_348 = tpu.dynamic_gather %select_n3A_278[%gather3A_347] in [0] : vector<16xf32>, vector<16xi32> -> vector<16xf32>
            %select_n3A_349 = arith.select %eq3A_57, %select_n3A_278, %gather3A_345 : vector<16xi1>, vector<16xf32>
            %select_n3A_350 = arith.select %eq3A_57, %gather3A_348, %select_n3A_286 : vector<16xi1>, vector<16xf32>
            %broadcast_in_dim3A_351 = vector.shape_cast %and3A_16 : vector<16xi32> to vector<16x1xi32>
            %gather3A_352 = vector.shape_cast %broadcast_in_dim3A_351 : vector<16x1xi32> to vector<16xi32>
            %gather3A_353 = tpu.dynamic_gather %select_n3A_309[%gather3A_352] in [0] : vector<16xf32>, vector<16xi32> -> vector<16xf32>
            %broadcast_in_dim3A_354 = vector.shape_cast %and3A_40 : vector<16xi32> to vector<16x1xi32>
            %gather3A_355 = vector.shape_cast %broadcast_in_dim3A_354 : vector<16x1xi32> to vector<16xi32>
            %gather3A_356 = tpu.dynamic_gather %select_n3A_293[%gather3A_355] in [0] : vector<16xf32>, vector<16xi32> -> vector<16xf32>
            %select_n3A_357 = arith.select %eq3A_63, %select_n3A_293, %gather3A_353 : vector<16xi1>, vector<16xf32>
            %select_n3A_358 = arith.select %eq3A_63, %gather3A_356, %select_n3A_309 : vector<16xi1>, vector<16xf32>
            %broadcast_in_dim3A_359 = vector.shape_cast %and3A_16 : vector<16xi32> to vector<16x1xi32>
            %gather3A_360 = vector.shape_cast %broadcast_in_dim3A_359 : vector<16x1xi32> to vector<16xi32>
            %gather3A_361 = tpu.dynamic_gather %select_n3A_317[%gather3A_360] in [0] : vector<16xf32>, vector<16xi32> -> vector<16xf32>
            %broadcast_in_dim3A_362 = vector.shape_cast %and3A_40 : vector<16xi32> to vector<16x1xi32>
            %gather3A_363 = vector.shape_cast %broadcast_in_dim3A_362 : vector<16x1xi32> to vector<16xi32>
            %gather3A_364 = tpu.dynamic_gather %select_n3A_301[%gather3A_363] in [0] : vector<16xf32>, vector<16xi32> -> vector<16xf32>
            %select_n3A_365 = arith.select %eq3A_63, %select_n3A_301, %gather3A_361 : vector<16xi1>, vector<16xf32>
            %select_n3A_366 = arith.select %eq3A_63, %gather3A_364, %select_n3A_317 : vector<16xi1>, vector<16xf32>
            %broadcast_in_dim3A_367 = vector.shape_cast %and3A_16 : vector<16xi32> to vector<16x1xi32>
            %gather3A_368 = vector.shape_cast %broadcast_in_dim3A_367 : vector<16x1xi32> to vector<16xi32>
            %gather3A_369 = tpu.dynamic_gather %select_n3A_310[%gather3A_368] in [0] : vector<16xf32>, vector<16xi32> -> vector<16xf32>
            %broadcast_in_dim3A_370 = vector.shape_cast %and3A_40 : vector<16xi32> to vector<16x1xi32>
            %gather3A_371 = vector.shape_cast %broadcast_in_dim3A_370 : vector<16x1xi32> to vector<16xi32>
            %gather3A_372 = tpu.dynamic_gather %select_n3A_294[%gather3A_371] in [0] : vector<16xf32>, vector<16xi32> -> vector<16xf32>
            %select_n3A_373 = arith.select %eq3A_63, %select_n3A_294, %gather3A_369 : vector<16xi1>, vector<16xf32>
            %select_n3A_374 = arith.select %eq3A_63, %gather3A_372, %select_n3A_310 : vector<16xi1>, vector<16xf32>
            %broadcast_in_dim3A_375 = vector.shape_cast %and3A_16 : vector<16xi32> to vector<16x1xi32>
            %gather3A_376 = vector.shape_cast %broadcast_in_dim3A_375 : vector<16x1xi32> to vector<16xi32>
            %gather3A_377 = tpu.dynamic_gather %select_n3A_318[%gather3A_376] in [0] : vector<16xf32>, vector<16xi32> -> vector<16xf32>
            %broadcast_in_dim3A_378 = vector.shape_cast %and3A_40 : vector<16xi32> to vector<16x1xi32>
            %gather3A_379 = vector.shape_cast %broadcast_in_dim3A_378 : vector<16x1xi32> to vector<16xi32>
            %gather3A_380 = tpu.dynamic_gather %select_n3A_302[%gather3A_379] in [0] : vector<16xf32>, vector<16xi32> -> vector<16xf32>
            %select_n3A_381 = arith.select %eq3A_63, %select_n3A_302, %gather3A_377 : vector<16xi1>, vector<16xf32>
            %select_n3A_382 = arith.select %eq3A_63, %gather3A_380, %select_n3A_318 : vector<16xi1>, vector<16xf32>
            %broadcast_in_dim3A_383 = vector.shape_cast %and3A_16 : vector<16xi32> to vector<16x1xi32>
            %gather3A_384 = vector.shape_cast %broadcast_in_dim3A_383 : vector<16x1xi32> to vector<16xi32>
            %gather3A_385 = tpu.dynamic_gather %select_n3A_341[%gather3A_384] in [0] : vector<16xf32>, vector<16xi32> -> vector<16xf32>
            %broadcast_in_dim3A_386 = vector.shape_cast %and3A_40 : vector<16xi32> to vector<16x1xi32>
            %gather3A_387 = vector.shape_cast %broadcast_in_dim3A_386 : vector<16x1xi32> to vector<16xi32>
            %gather3A_388 = tpu.dynamic_gather %select_n3A_325[%gather3A_387] in [0] : vector<16xf32>, vector<16xi32> -> vector<16xf32>
            %select_n3A_389 = arith.select %eq3A_63, %select_n3A_325, %gather3A_385 : vector<16xi1>, vector<16xf32>
            %select_n3A_390 = arith.select %eq3A_63, %gather3A_388, %select_n3A_341 : vector<16xi1>, vector<16xf32>
            %broadcast_in_dim3A_391 = vector.shape_cast %and3A_16 : vector<16xi32> to vector<16x1xi32>
            %gather3A_392 = vector.shape_cast %broadcast_in_dim3A_391 : vector<16x1xi32> to vector<16xi32>
            %gather3A_393 = tpu.dynamic_gather %select_n3A_349[%gather3A_392] in [0] : vector<16xf32>, vector<16xi32> -> vector<16xf32>
            %broadcast_in_dim3A_394 = vector.shape_cast %and3A_40 : vector<16xi32> to vector<16x1xi32>
            %gather3A_395 = vector.shape_cast %broadcast_in_dim3A_394 : vector<16x1xi32> to vector<16xi32>
            %gather3A_396 = tpu.dynamic_gather %select_n3A_333[%gather3A_395] in [0] : vector<16xf32>, vector<16xi32> -> vector<16xf32>
            %select_n3A_397 = arith.select %eq3A_63, %select_n3A_333, %gather3A_393 : vector<16xi1>, vector<16xf32>
            %select_n3A_398 = arith.select %eq3A_63, %gather3A_396, %select_n3A_349 : vector<16xi1>, vector<16xf32>
            %broadcast_in_dim3A_399 = vector.shape_cast %and3A_16 : vector<16xi32> to vector<16x1xi32>
            %gather3A_400 = vector.shape_cast %broadcast_in_dim3A_399 : vector<16x1xi32> to vector<16xi32>
            %gather3A_401 = tpu.dynamic_gather %select_n3A_342[%gather3A_400] in [0] : vector<16xf32>, vector<16xi32> -> vector<16xf32>
            %broadcast_in_dim3A_402 = vector.shape_cast %and3A_40 : vector<16xi32> to vector<16x1xi32>
            %gather3A_403 = vector.shape_cast %broadcast_in_dim3A_402 : vector<16x1xi32> to vector<16xi32>
            %gather3A_404 = tpu.dynamic_gather %select_n3A_326[%gather3A_403] in [0] : vector<16xf32>, vector<16xi32> -> vector<16xf32>
            %select_n3A_405 = arith.select %eq3A_63, %select_n3A_326, %gather3A_401 : vector<16xi1>, vector<16xf32>
            %select_n3A_406 = arith.select %eq3A_63, %gather3A_404, %select_n3A_342 : vector<16xi1>, vector<16xf32>
            %broadcast_in_dim3A_407 = vector.shape_cast %and3A_16 : vector<16xi32> to vector<16x1xi32>
            %gather3A_408 = vector.shape_cast %broadcast_in_dim3A_407 : vector<16x1xi32> to vector<16xi32>
            %gather3A_409 = tpu.dynamic_gather %select_n3A_350[%gather3A_408] in [0] : vector<16xf32>, vector<16xi32> -> vector<16xf32>
            %broadcast_in_dim3A_410 = vector.shape_cast %and3A_40 : vector<16xi32> to vector<16x1xi32>
            %gather3A_411 = vector.shape_cast %broadcast_in_dim3A_410 : vector<16x1xi32> to vector<16xi32>
            %gather3A_412 = tpu.dynamic_gather %select_n3A_334[%gather3A_411] in [0] : vector<16xf32>, vector<16xi32> -> vector<16xf32>
            %select_n3A_413 = arith.select %eq3A_63, %select_n3A_334, %gather3A_409 : vector<16xi1>, vector<16xf32>
            %select_n3A_414 = arith.select %eq3A_63, %gather3A_412, %select_n3A_350 : vector<16xi1>, vector<16xf32>
            %broadcast_in_dim3A_415 = vector.shape_cast %and3A_22 : vector<16xi32> to vector<16x1xi32>
            %gather3A_416 = vector.shape_cast %broadcast_in_dim3A_415 : vector<16x1xi32> to vector<16xi32>
            %gather3A_417 = tpu.dynamic_gather %select_n3A_389[%gather3A_416] in [0] : vector<16xf32>, vector<16xi32> -> vector<16xf32>
            %broadcast_in_dim3A_418 = vector.shape_cast %and3A_46 : vector<16xi32> to vector<16x1xi32>
            %gather3A_419 = vector.shape_cast %broadcast_in_dim3A_418 : vector<16x1xi32> to vector<16xi32>
            %gather3A_420 = tpu.dynamic_gather %select_n3A_357[%gather3A_419] in [0] : vector<16xf32>, vector<16xi32> -> vector<16xf32>
            %select_n3A_421 = arith.select %eq3A_69, %select_n3A_357, %gather3A_417 : vector<16xi1>, vector<16xf32>
            %select_n3A_422 = arith.select %eq3A_69, %gather3A_420, %select_n3A_389 : vector<16xi1>, vector<16xf32>
            %broadcast_in_dim3A_423 = vector.shape_cast %and3A_22 : vector<16xi32> to vector<16x1xi32>
            %gather3A_424 = vector.shape_cast %broadcast_in_dim3A_423 : vector<16x1xi32> to vector<16xi32>
            %gather3A_425 = tpu.dynamic_gather %select_n3A_397[%gather3A_424] in [0] : vector<16xf32>, vector<16xi32> -> vector<16xf32>
            %broadcast_in_dim3A_426 = vector.shape_cast %and3A_46 : vector<16xi32> to vector<16x1xi32>
            %gather3A_427 = vector.shape_cast %broadcast_in_dim3A_426 : vector<16x1xi32> to vector<16xi32>
            %gather3A_428 = tpu.dynamic_gather %select_n3A_365[%gather3A_427] in [0] : vector<16xf32>, vector<16xi32> -> vector<16xf32>
            %select_n3A_429 = arith.select %eq3A_69, %select_n3A_365, %gather3A_425 : vector<16xi1>, vector<16xf32>
            %select_n3A_430 = arith.select %eq3A_69, %gather3A_428, %select_n3A_397 : vector<16xi1>, vector<16xf32>
            %broadcast_in_dim3A_431 = vector.shape_cast %and3A_22 : vector<16xi32> to vector<16x1xi32>
            %gather3A_432 = vector.shape_cast %broadcast_in_dim3A_431 : vector<16x1xi32> to vector<16xi32>
            %gather3A_433 = tpu.dynamic_gather %select_n3A_405[%gather3A_432] in [0] : vector<16xf32>, vector<16xi32> -> vector<16xf32>
            %broadcast_in_dim3A_434 = vector.shape_cast %and3A_46 : vector<16xi32> to vector<16x1xi32>
            %gather3A_435 = vector.shape_cast %broadcast_in_dim3A_434 : vector<16x1xi32> to vector<16xi32>
            %gather3A_436 = tpu.dynamic_gather %select_n3A_373[%gather3A_435] in [0] : vector<16xf32>, vector<16xi32> -> vector<16xf32>
            %select_n3A_437 = arith.select %eq3A_69, %select_n3A_373, %gather3A_433 : vector<16xi1>, vector<16xf32>
            %select_n3A_438 = arith.select %eq3A_69, %gather3A_436, %select_n3A_405 : vector<16xi1>, vector<16xf32>
            %broadcast_in_dim3A_439 = vector.shape_cast %and3A_22 : vector<16xi32> to vector<16x1xi32>
            %gather3A_440 = vector.shape_cast %broadcast_in_dim3A_439 : vector<16x1xi32> to vector<16xi32>
            %gather3A_441 = tpu.dynamic_gather %select_n3A_413[%gather3A_440] in [0] : vector<16xf32>, vector<16xi32> -> vector<16xf32>
            %broadcast_in_dim3A_442 = vector.shape_cast %and3A_46 : vector<16xi32> to vector<16x1xi32>
            %gather3A_443 = vector.shape_cast %broadcast_in_dim3A_442 : vector<16x1xi32> to vector<16xi32>
            %gather3A_444 = tpu.dynamic_gather %select_n3A_381[%gather3A_443] in [0] : vector<16xf32>, vector<16xi32> -> vector<16xf32>
            %select_n3A_445 = arith.select %eq3A_69, %select_n3A_381, %gather3A_441 : vector<16xi1>, vector<16xf32>
            %select_n3A_446 = arith.select %eq3A_69, %gather3A_444, %select_n3A_413 : vector<16xi1>, vector<16xf32>
            %broadcast_in_dim3A_447 = vector.shape_cast %and3A_22 : vector<16xi32> to vector<16x1xi32>
            %gather3A_448 = vector.shape_cast %broadcast_in_dim3A_447 : vector<16x1xi32> to vector<16xi32>
            %gather3A_449 = tpu.dynamic_gather %select_n3A_390[%gather3A_448] in [0] : vector<16xf32>, vector<16xi32> -> vector<16xf32>
            %broadcast_in_dim3A_450 = vector.shape_cast %and3A_46 : vector<16xi32> to vector<16x1xi32>
            %gather3A_451 = vector.shape_cast %broadcast_in_dim3A_450 : vector<16x1xi32> to vector<16xi32>
            %gather3A_452 = tpu.dynamic_gather %select_n3A_358[%gather3A_451] in [0] : vector<16xf32>, vector<16xi32> -> vector<16xf32>
            %select_n3A_453 = arith.select %eq3A_69, %select_n3A_358, %gather3A_449 : vector<16xi1>, vector<16xf32>
            %select_n3A_454 = arith.select %eq3A_69, %gather3A_452, %select_n3A_390 : vector<16xi1>, vector<16xf32>
            %broadcast_in_dim3A_455 = vector.shape_cast %and3A_22 : vector<16xi32> to vector<16x1xi32>
            %gather3A_456 = vector.shape_cast %broadcast_in_dim3A_455 : vector<16x1xi32> to vector<16xi32>
            %gather3A_457 = tpu.dynamic_gather %select_n3A_398[%gather3A_456] in [0] : vector<16xf32>, vector<16xi32> -> vector<16xf32>
            %broadcast_in_dim3A_458 = vector.shape_cast %and3A_46 : vector<16xi32> to vector<16x1xi32>
            %gather3A_459 = vector.shape_cast %broadcast_in_dim3A_458 : vector<16x1xi32> to vector<16xi32>
            %gather3A_460 = tpu.dynamic_gather %select_n3A_366[%gather3A_459] in [0] : vector<16xf32>, vector<16xi32> -> vector<16xf32>
            %select_n3A_461 = arith.select %eq3A_69, %select_n3A_366, %gather3A_457 : vector<16xi1>, vector<16xf32>
            %select_n3A_462 = arith.select %eq3A_69, %gather3A_460, %select_n3A_398 : vector<16xi1>, vector<16xf32>
            %broadcast_in_dim3A_463 = vector.shape_cast %and3A_22 : vector<16xi32> to vector<16x1xi32>
            %gather3A_464 = vector.shape_cast %broadcast_in_dim3A_463 : vector<16x1xi32> to vector<16xi32>
            %gather3A_465 = tpu.dynamic_gather %select_n3A_406[%gather3A_464] in [0] : vector<16xf32>, vector<16xi32> -> vector<16xf32>
            %broadcast_in_dim3A_466 = vector.shape_cast %and3A_46 : vector<16xi32> to vector<16x1xi32>
            %gather3A_467 = vector.shape_cast %broadcast_in_dim3A_466 : vector<16x1xi32> to vector<16xi32>
            %gather3A_468 = tpu.dynamic_gather %select_n3A_374[%gather3A_467] in [0] : vector<16xf32>, vector<16xi32> -> vector<16xf32>
            %select_n3A_469 = arith.select %eq3A_69, %select_n3A_374, %gather3A_465 : vector<16xi1>, vector<16xf32>
            %select_n3A_470 = arith.select %eq3A_69, %gather3A_468, %select_n3A_406 : vector<16xi1>, vector<16xf32>
            %broadcast_in_dim3A_471 = vector.shape_cast %and3A_22 : vector<16xi32> to vector<16x1xi32>
            %gather3A_472 = vector.shape_cast %broadcast_in_dim3A_471 : vector<16x1xi32> to vector<16xi32>
            %gather3A_473 = tpu.dynamic_gather %select_n3A_414[%gather3A_472] in [0] : vector<16xf32>, vector<16xi32> -> vector<16xf32>
            %broadcast_in_dim3A_474 = vector.shape_cast %and3A_46 : vector<16xi32> to vector<16x1xi32>
            %gather3A_475 = vector.shape_cast %broadcast_in_dim3A_474 : vector<16x1xi32> to vector<16xi32>
            %gather3A_476 = tpu.dynamic_gather %select_n3A_382[%gather3A_475] in [0] : vector<16xf32>, vector<16xi32> -> vector<16xf32>
            %select_n3A_477 = arith.select %eq3A_69, %select_n3A_382, %gather3A_473 : vector<16xi1>, vector<16xf32>
            %select_n3A_478 = arith.select %eq3A_69, %gather3A_476, %select_n3A_414 : vector<16xi1>, vector<16xf32>
            %add3A_479 = arith.constant 0 : i32
            %add3A_480 = arith.addi %multiple_of3A_178, %add3A_479 : i32
            %swap3A = arith.index_cast %add3A_480 : i32 to index
            %swap3A_481 = arith.index_cast %multiple_of3A_168 : i32 to index
            %swap3A_482 = tpu.vector_load %arg6[%swap3A, %swap3A_481] {strides = array<i32>} : memref<128x256xf32, #tpu.memory_space<vmem>>, vector<16xf32>,
            tpu.vector_store %arg6[%swap3A, %swap3A_481], %select_n3A_421 {strides = array<i32>} : memref<128x256xf32, #tpu.memory_space<vmem>>, vector<16xf32>,
            %add3A_483 = arith.constant 1 : i32
            %add3A_484 = arith.addi %multiple_of3A_178, %add3A_483 : i32
            %swap3A_485 = arith.index_cast %add3A_484 : i32 to index
            %swap3A_486 = arith.index_cast %multiple_of3A_168 : i32 to index
            %swap3A_487 = tpu.vector_load %arg6[%swap3A_485, %swap3A_486] {strides = array<i32>} : memref<128x256xf32, #tpu.memory_space<vmem>>, vector<16xf32>,
            tpu.vector_store %arg6[%swap3A_485, %swap3A_486], %select_n3A_429 {strides = array<i32>} : memref<128x256xf32, #tpu.memory_space<vmem>>, vector<16xf32>,
            %add3A_488 = arith.constant 2 : i32
            %add3A_489 = arith.addi %multiple_of3A_178, %add3A_488 : i32
            %swap3A_490 = arith.index_cast %add3A_489 : i32 to index
            %swap3A_491 = arith.index_cast %multiple_of3A_168 : i32 to index
            %swap3A_492 = tpu.vector_load %arg6[%swap3A_490, %swap3A_491] {strides = array<i32>} : memref<128x256xf32, #tpu.memory_space<vmem>>, vector<16xf32>,
            tpu.vector_store %arg6[%swap3A_490, %swap3A_491], %select_n3A_437 {strides = array<i32>} : memref<128x256xf32, #tpu.memory_space<vmem>>, vector<16xf32>,
            %add3A_493 = arith.constant 3 : i32
            %add3A_494 = arith.addi %multiple_of3A_178, %add3A_493 : i32
            %swap3A_495 = arith.index_cast %add3A_494 : i32 to index
            %swap3A_496 = arith.index_cast %multiple_of3A_168 : i32 to index
            %swap3A_497 = tpu.vector_load %arg6[%swap3A_495, %swap3A_496] {strides = array<i32>} : memref<128x256xf32, #tpu.memory_space<vmem>>, vector<16xf32>,
            tpu.vector_store %arg6[%swap3A_495, %swap3A_496], %select_n3A_445 {strides = array<i32>} : memref<128x256xf32, #tpu.memory_space<vmem>>, vector<16xf32>,
            %add3A_498 = arith.constant 4 : i32
            %add3A_499 = arith.addi %multiple_of3A_178, %add3A_498 : i32
            %swap3A_500 = arith.index_cast %add3A_499 : i32 to index
            %swap3A_501 = arith.index_cast %multiple_of3A_168 : i32 to index
            %swap3A_502 = tpu.vector_load %arg6[%swap3A_500, %swap3A_501] {strides = array<i32>} : memref<128x256xf32, #tpu.memory_space<vmem>>, vector<16xf32>,
            tpu.vector_store %arg6[%swap3A_500, %swap3A_501], %select_n3A_453 {strides = array<i32>} : memref<128x256xf32, #tpu.memory_space<vmem>>, vector<16xf32>,
            %add3A_503 = arith.constant 5 : i32
            %add3A_504 = arith.addi %multiple_of3A_178, %add3A_503 : i32
            %swap3A_505 = arith.index_cast %add3A_504 : i32 to index
            %swap3A_506 = arith.index_cast %multiple_of3A_168 : i32 to index
            %swap3A_507 = tpu.vector_load %arg6[%swap3A_505, %swap3A_506] {strides = array<i32>} : memref<128x256xf32, #tpu.memory_space<vmem>>, vector<16xf32>,
            tpu.vector_store %arg6[%swap3A_505, %swap3A_506], %select_n3A_461 {strides = array<i32>} : memref<128x256xf32, #tpu.memory_space<vmem>>, vector<16xf32>,
            %add3A_508 = arith.constant 6 : i32
            %add3A_509 = arith.addi %multiple_of3A_178, %add3A_508 : i32
            %swap3A_510 = arith.index_cast %add3A_509 : i32 to index
            %swap3A_511 = arith.index_cast %multiple_of3A_168 : i32 to index
            %swap3A_512 = tpu.vector_load %arg6[%swap3A_510, %swap3A_511] {strides = array<i32>} : memref<128x256xf32, #tpu.memory_space<vmem>>, vector<16xf32>,
            tpu.vector_store %arg6[%swap3A_510, %swap3A_511], %select_n3A_469 {strides = array<i32>} : memref<128x256xf32, #tpu.memory_space<vmem>>, vector<16xf32>,
            %add3A_513 = arith.constant 7 : i32
            %add3A_514 = arith.addi %multiple_of3A_178, %add3A_513 : i32
            %swap3A_515 = arith.index_cast %add3A_514 : i32 to index
            %swap3A_516 = arith.index_cast %multiple_of3A_168 : i32 to index
            %swap3A_517 = tpu.vector_load %arg6[%swap3A_515, %swap3A_516] {strides = array<i32>} : memref<128x256xf32, #tpu.memory_space<vmem>>, vector<16xf32>,
            tpu.vector_store %arg6[%swap3A_515, %swap3A_516], %select_n3A_477 {strides = array<i32>} : memref<128x256xf32, #tpu.memory_space<vmem>>, vector<16xf32>,
            %add3A_518 = arith.constant 8 : i32
            %add3A_519 = arith.addi %multiple_of3A_178, %add3A_518 : i32
            %swap3A_520 = arith.index_cast %add3A_519 : i32 to index
            %swap3A_521 = arith.index_cast %multiple_of3A_168 : i32 to index
            %swap3A_522 = tpu.vector_load %arg6[%swap3A_520, %swap3A_521] {strides = array<i32>} : memref<128x256xf32, #tpu.memory_space<vmem>>, vector<16xf32>,
            tpu.vector_store %arg6[%swap3A_520, %swap3A_521], %select_n3A_422 {strides = array<i32>} : memref<128x256xf32, #tpu.memory_space<vmem>>, vector<16xf32>,
            %add3A_523 = arith.constant 9 : i32
            %add3A_524 = arith.addi %multiple_of3A_178, %add3A_523 : i32
            %swap3A_525 = arith.index_cast %add3A_524 : i32 to index
            %swap3A_526 = arith.index_cast %multiple_of3A_168 : i32 to index
            %swap3A_527 = tpu.vector_load %arg6[%swap3A_525, %swap3A_526] {strides = array<i32>} : memref<128x256xf32, #tpu.memory_space<vmem>>, vector<16xf32>,
            tpu.vector_store %arg6[%swap3A_525, %swap3A_526], %select_n3A_430 {strides = array<i32>} : memref<128x256xf32, #tpu.memory_space<vmem>>, vector<16xf32>,
            %add3A_528 = arith.constant 10 : i32
            %add3A_529 = arith.addi %multiple_of3A_178, %add3A_528 : i32
            %swap3A_530 = arith.index_cast %add3A_529 : i32 to index
            %swap3A_531 = arith.index_cast %multiple_of3A_168 : i32 to index
            %swap3A_532 = tpu.vector_load %arg6[%swap3A_530, %swap3A_531] {strides = array<i32>} : memref<128x256xf32, #tpu.memory_space<vmem>>, vector<16xf32>,
            tpu.vector_store %arg6[%swap3A_530, %swap3A_531], %select_n3A_438 {strides = array<i32>} : memref<128x256xf32, #tpu.memory_space<vmem>>, vector<16xf32>,
            %add3A_533 = arith.constant 11 : i32
            %add3A_534 = arith.addi %multiple_of3A_178, %add3A_533 : i32
            %swap3A_535 = arith.index_cast %add3A_534 : i32 to index
            %swap3A_536 = arith.index_cast %multiple_of3A_168 : i32 to index
            %swap3A_537 = tpu.vector_load %arg6[%swap3A_535, %swap3A_536] {strides = array<i32>} : memref<128x256xf32, #tpu.memory_space<vmem>>, vector<16xf32>,
            tpu.vector_store %arg6[%swap3A_535, %swap3A_536], %select_n3A_446 {strides = array<i32>} : memref<128x256xf32, #tpu.memory_space<vmem>>, vector<16xf32>,
            %add3A_538 = arith.constant 12 : i32
            %add3A_539 = arith.addi %multiple_of3A_178, %add3A_538 : i32
            %swap3A_540 = arith.index_cast %add3A_539 : i32 to index
            %swap3A_541 = arith.index_cast %multiple_of3A_168 : i32 to index
            %swap3A_542 = tpu.vector_load %arg6[%swap3A_540, %swap3A_541] {strides = array<i32>} : memref<128x256xf32, #tpu.memory_space<vmem>>, vector<16xf32>,
            tpu.vector_store %arg6[%swap3A_540, %swap3A_541], %select_n3A_454 {strides = array<i32>} : memref<128x256xf32, #tpu.memory_space<vmem>>, vector<16xf32>,
            %add3A_543 = arith.constant 13 : i32
            %add3A_544 = arith.addi %multiple_of3A_178, %add3A_543 : i32
            %swap3A_545 = arith.index_cast %add3A_544 : i32 to index
            %swap3A_546 = arith.index_cast %multiple_of3A_168 : i32 to index
            %swap3A_547 = tpu.vector_load %arg6[%swap3A_545, %swap3A_546] {strides = array<i32>} : memref<128x256xf32, #tpu.memory_space<vmem>>, vector<16xf32>,
            tpu.vector_store %arg6[%swap3A_545, %swap3A_546], %select_n3A_462 {strides = array<i32>} : memref<128x256xf32, #tpu.memory_space<vmem>>, vector<16xf32>,
            %add3A_548 = arith.constant 14 : i32
            %add3A_549 = arith.addi %multiple_of3A_178, %add3A_548 : i32
            %swap3A_550 = arith.index_cast %add3A_549 : i32 to index
            %swap3A_551 = arith.index_cast %multiple_of3A_168 : i32 to index
            %swap3A_552 = tpu.vector_load %arg6[%swap3A_550, %swap3A_551] {strides = array<i32>} : memref<128x256xf32, #tpu.memory_space<vmem>>, vector<16xf32>,
            tpu.vector_store %arg6[%swap3A_550, %swap3A_551], %select_n3A_470 {strides = array<i32>} : memref<128x256xf32, #tpu.memory_space<vmem>>, vector<16xf32>,
            %add3A_553 = arith.constant 15 : i32
            %add3A_554 = arith.addi %multiple_of3A_178, %add3A_553 : i32
            %swap3A_555 = arith.index_cast %add3A_554 : i32 to index
            %swap3A_556 = arith.index_cast %multiple_of3A_168 : i32 to index
            %swap3A_557 = tpu.vector_load %arg6[%swap3A_555, %swap3A_556] {strides = array<i32>} : memref<128x256xf32, #tpu.memory_space<vmem>>, vector<16xf32>,
            tpu.vector_store %arg6[%swap3A_555, %swap3A_556], %select_n3A_478 {strides = array<i32>} : memref<128x256xf32, #tpu.memory_space<vmem>>, vector<16xf32>,
          }
          %scan3A_174 = arith.constant 8 : i32
        }
        %scan3A_122 = arith.constant 10 : i32
        %scan3A_123 = arith.constant 0 : i32
        %scan3A_124 = arith.constant 0 : i32
        %scan3A_125 = arith.constant 8 : i32
        %scan3A_126 = arith.addi %scan3A_124, %scan3A_125 : i32
        %scan3A_127 = arith.constant 1 : i32
        scf.for %scan3A_131 = %scan3A_124 to %scan3A_126 step %scan3A_127  : i32 {
          %mul3A_132 = arith.constant 16 : i32
          %mul3A_133 = arith.muli %scan3A_131, %mul3A_132 : i32
          %multiple_of3A = tpu.assume_multiple %mul3A_133, 16 : i32
          %get3A = arith.constant 288 : i32
          %get3A_134 = arith.index_cast %get3A : i32 to index
          %get3A_135 = arith.index_cast %multiple_of3A : i32 to index
          %get3A_136 = tpu.vector_load %arg4[%get3A_134, %get3A_135] {strides = array<i32>} : memref<300x128xf32, #tpu.memory_space<vmem>>, vector<16xf32>,
          %get3A_137 = arith.constant 289 : i32
          %get3A_138 = arith.index_cast %get3A_137 : i32 to index
          %get3A_139 = arith.index_cast %multiple_of3A : i32 to index
          %get3A_140 = tpu.vector_load %arg4[%get3A_138, %get3A_139] {strides = array<i32>} : memref<300x128xf32, #tpu.memory_space<vmem>>, vector<16xf32>,
          %get3A_141 = arith.constant 290 : i32
          %get3A_142 = arith.index_cast %get3A_141 : i32 to index
          %get3A_143 = arith.index_cast %multiple_of3A : i32 to index
          %get3A_144 = tpu.vector_load %arg4[%get3A_142, %get3A_143] {strides = array<i32>} : memref<300x128xf32, #tpu.memory_space<vmem>>, vector<16xf32>,
          %get3A_145 = arith.constant 291 : i32
          %get3A_146 = arith.index_cast %get3A_145 : i32 to index
          %get3A_147 = arith.index_cast %multiple_of3A : i32 to index
          %get3A_148 = tpu.vector_load %arg4[%get3A_146, %get3A_147] {strides = array<i32>} : memref<300x128xf32, #tpu.memory_space<vmem>>, vector<16xf32>,
          %get3A_149 = arith.constant 292 : i32
          %get3A_150 = arith.index_cast %get3A_149 : i32 to index
          %get3A_151 = arith.index_cast %multiple_of3A : i32 to index
          %get3A_152 = tpu.vector_load %arg4[%get3A_150, %get3A_151] {strides = array<i32>} : memref<300x128xf32, #tpu.memory_space<vmem>>, vector<16xf32>,
          %get3A_153 = arith.constant 293 : i32
          %get3A_154 = arith.index_cast %get3A_153 : i32 to index
          %get3A_155 = arith.index_cast %multiple_of3A : i32 to index
          %get3A_156 = tpu.vector_load %arg4[%get3A_154, %get3A_155] {strides = array<i32>} : memref<300x128xf32, #tpu.memory_space<vmem>>, vector<16xf32>,
          %get3A_157 = arith.constant 294 : i32
          %get3A_158 = arith.index_cast %get3A_157 : i32 to index
          %get3A_159 = arith.index_cast %multiple_of3A : i32 to index
          %get3A_160 = tpu.vector_load %arg4[%get3A_158, %get3A_159] {strides = array<i32>} : memref<300x128xf32, #tpu.memory_space<vmem>>, vector<16xf32>,
          %get3A_161 = arith.constant 295 : i32
          %get3A_162 = arith.index_cast %get3A_161 : i32 to index
          %get3A_163 = arith.index_cast %multiple_of3A : i32 to index
          %get3A_164 = tpu.vector_load %arg4[%get3A_162, %get3A_163] {strides = array<i32>} : memref<300x128xf32, #tpu.memory_space<vmem>>, vector<16xf32>,
          %get3A_165 = arith.constant 296 : i32
          %get3A_166 = arith.index_cast %get3A_165 : i32 to index
          %get3A_167 = arith.index_cast %multiple_of3A : i32 to index
          %get3A_168 = tpu.vector_load %arg4[%get3A_166, %get3A_167] {strides = array<i32>} : memref<300x128xf32, #tpu.memory_space<vmem>>, vector<16xf32>,
          %get3A_169 = arith.constant 297 : i32
          %get3A_170 = arith.index_cast %get3A_169 : i32 to index
          %get3A_171 = arith.index_cast %multiple_of3A : i32 to index
          %get3A_172 = tpu.vector_load %arg4[%get3A_170, %get3A_171] {strides = array<i32>} : memref<300x128xf32, #tpu.memory_space<vmem>>, vector<16xf32>,
          %get3A_173 = arith.constant 298 : i32
          %get3A_174 = arith.index_cast %get3A_173 : i32 to index
          %get3A_175 = arith.index_cast %multiple_of3A : i32 to index
          %get3A_176 = tpu.vector_load %arg4[%get3A_174, %get3A_175] {strides = array<i32>} : memref<300x128xf32, #tpu.memory_space<vmem>>, vector<16xf32>,
          %get3A_177 = arith.constant 299 : i32
          %get3A_178 = arith.index_cast %get3A_177 : i32 to index
          %get3A_179 = arith.index_cast %multiple_of3A : i32 to index
          %get3A_180 = tpu.vector_load %arg4[%get3A_178, %get3A_179] {strides = array<i32>} : memref<300x128xf32, #tpu.memory_space<vmem>>, vector<16xf32>,
          %get3A_181 = arith.constant 299 : i32
          %get3A_182 = arith.index_cast %get3A_181 : i32 to index
          %get3A_183 = arith.index_cast %multiple_of3A : i32 to index
          %get3A_184 = tpu.vector_load %arg4[%get3A_182, %get3A_183] {strides = array<i32>} : memref<300x128xf32, #tpu.memory_space<vmem>>, vector<16xf32>,
          %get3A_185 = arith.constant 299 : i32
          %get3A_186 = arith.index_cast %get3A_185 : i32 to index
          %get3A_187 = arith.index_cast %multiple_of3A : i32 to index
          %get3A_188 = tpu.vector_load %arg4[%get3A_186, %get3A_187] {strides = array<i32>} : memref<300x128xf32, #tpu.memory_space<vmem>>, vector<16xf32>,
          %get3A_189 = arith.constant 299 : i32
          %get3A_190 = arith.index_cast %get3A_189 : i32 to index
          %get3A_191 = arith.index_cast %multiple_of3A : i32 to index
          %get3A_192 = tpu.vector_load %arg4[%get3A_190, %get3A_191] {strides = array<i32>} : memref<300x128xf32, #tpu.memory_space<vmem>>, vector<16xf32>,
          %get3A_193 = arith.constant 299 : i32
          %get3A_194 = arith.index_cast %get3A_193 : i32 to index
          %get3A_195 = arith.index_cast %multiple_of3A : i32 to index
          %get3A_196 = tpu.vector_load %arg4[%get3A_194, %get3A_195] {strides = array<i32>} : memref<300x128xf32, #tpu.memory_space<vmem>>, vector<16xf32>,
          %broadcast_in_dim3A = vector.shape_cast %and3A_4 : vector<16xi32> to vector<16x1xi32>
          %gather3A = vector.shape_cast %broadcast_in_dim3A : vector<16x1xi32> to vector<16xi32>
          %gather3A_197 = tpu.dynamic_gather %get3A_140[%gather3A] in [0] : vector<16xf32>, vector<16xi32> -> vector<16xf32>
          %broadcast_in_dim3A_198 = vector.shape_cast %and3A_28 : vector<16xi32> to vector<16x1xi32>
          %gather3A_199 = vector.shape_cast %broadcast_in_dim3A_198 : vector<16x1xi32> to vector<16xi32>
          %gather3A_200 = tpu.dynamic_gather %get3A_136[%gather3A_199] in [0] : vector<16xf32>, vector<16xi32> -> vector<16xf32>
          %select_n3A = arith.select %eq3A_51, %get3A_136, %gather3A_197 : vector<16xi1>, vector<16xf32>
          %select_n3A_201 = arith.select %eq3A_51, %gather3A_200, %get3A_140 : vector<16xi1>, vector<16xf32>
          %broadcast_in_dim3A_202 = vector.shape_cast %and3A_4 : vector<16xi32> to vector<16x1xi32>
          %gather3A_203 = vector.shape_cast %broadcast_in_dim3A_202 : vector<16x1xi32> to vector<16xi32>
          %gather3A_204 = tpu.dynamic_gather %get3A_148[%gather3A_203] in [0] : vector<16xf32>, vector<16xi32> -> vector<16xf32>
          %broadcast_in_dim3A_205 = vector.shape_cast %and3A_28 : vector<16xi32> to vector<16x1xi32>
          %gather3A_206 = vector.shape_cast %broadcast_in_dim3A_205 : vector<16x1xi32> to vector<16xi32>
          %gather3A_207 = tpu.dynamic_gather %get3A_144[%gather3A_206] in [0] : vector<16xf32>, vector<16xi32> -> vector<16xf32>
          %select_n3A_208 = arith.select %eq3A_51, %get3A_144, %gather3A_204 : vector<16xi1>, vector<16xf32>
          %select_n3A_209 = arith.select %eq3A_51, %gather3A_207, %get3A_148 : vector<16xi1>, vector<16xf32>
          %broadcast_in_dim3A_210 = vector.shape_cast %and3A_4 : vector<16xi32> to vector<16x1xi32>
          %gather3A_211 = vector.shape_cast %broadcast_in_dim3A_210 : vector<16x1xi32> to vector<16xi32>
          %gather3A_212 = tpu.dynamic_gather %get3A_156[%gather3A_211] in [0] : vector<16xf32>, vector<16xi32> -> vector<16xf32>
          %broadcast_in_dim3A_213 = vector.shape_cast %and3A_28 : vector<16xi32> to vector<16x1xi32>
          %gather3A_214 = vector.shape_cast %broadcast_in_dim3A_213 : vector<16x1xi32> to vector<16xi32>
          %gather3A_215 = tpu.dynamic_gather %get3A_152[%gather3A_214] in [0] : vector<16xf32>, vector<16xi32> -> vector<16xf32>
          %select_n3A_216 = arith.select %eq3A_51, %get3A_152, %gather3A_212 : vector<16xi1>, vector<16xf32>
          %select_n3A_217 = arith.select %eq3A_51, %gather3A_215, %get3A_156 : vector<16xi1>, vector<16xf32>
          %broadcast_in_dim3A_218 = vector.shape_cast %and3A_4 : vector<16xi32> to vector<16x1xi32>
          %gather3A_219 = vector.shape_cast %broadcast_in_dim3A_218 : vector<16x1xi32> to vector<16xi32>
          %gather3A_220 = tpu.dynamic_gather %get3A_164[%gather3A_219] in [0] : vector<16xf32>, vector<16xi32> -> vector<16xf32>
          %broadcast_in_dim3A_221 = vector.shape_cast %and3A_28 : vector<16xi32> to vector<16x1xi32>
          %gather3A_222 = vector.shape_cast %broadcast_in_dim3A_221 : vector<16x1xi32> to vector<16xi32>
          %gather3A_223 = tpu.dynamic_gather %get3A_160[%gather3A_222] in [0] : vector<16xf32>, vector<16xi32> -> vector<16xf32>
          %select_n3A_224 = arith.select %eq3A_51, %get3A_160, %gather3A_220 : vector<16xi1>, vector<16xf32>
          %select_n3A_225 = arith.select %eq3A_51, %gather3A_223, %get3A_164 : vector<16xi1>, vector<16xf32>
          %broadcast_in_dim3A_226 = vector.shape_cast %and3A_4 : vector<16xi32> to vector<16x1xi32>
          %gather3A_227 = vector.shape_cast %broadcast_in_dim3A_226 : vector<16x1xi32> to vector<16xi32>
          %gather3A_228 = tpu.dynamic_gather %get3A_172[%gather3A_227] in [0] : vector<16xf32>, vector<16xi32> -> vector<16xf32>
          %broadcast_in_dim3A_229 = vector.shape_cast %and3A_28 : vector<16xi32> to vector<16x1xi32>
          %gather3A_230 = vector.shape_cast %broadcast_in_dim3A_229 : vector<16x1xi32> to vector<16xi32>
          %gather3A_231 = tpu.dynamic_gather %get3A_168[%gather3A_230] in [0] : vector<16xf32>, vector<16xi32> -> vector<16xf32>
          %select_n3A_232 = arith.select %eq3A_51, %get3A_168, %gather3A_228 : vector<16xi1>, vector<16xf32>
          %select_n3A_233 = arith.select %eq3A_51, %gather3A_231, %get3A_172 : vector<16xi1>, vector<16xf32>
          %broadcast_in_dim3A_234 = vector.shape_cast %and3A_4 : vector<16xi32> to vector<16x1xi32>
          %gather3A_235 = vector.shape_cast %broadcast_in_dim3A_234 : vector<16x1xi32> to vector<16xi32>
          %gather3A_236 = tpu.dynamic_gather %get3A_180[%gather3A_235] in [0] : vector<16xf32>, vector<16xi32> -> vector<16xf32>
          %broadcast_in_dim3A_237 = vector.shape_cast %and3A_28 : vector<16xi32> to vector<16x1xi32>
          %gather3A_238 = vector.shape_cast %broadcast_in_dim3A_237 : vector<16x1xi32> to vector<16xi32>
          %gather3A_239 = tpu.dynamic_gather %get3A_176[%gather3A_238] in [0] : vector<16xf32>, vector<16xi32> -> vector<16xf32>
          %select_n3A_240 = arith.select %eq3A_51, %get3A_176, %gather3A_236 : vector<16xi1>, vector<16xf32>
          %select_n3A_241 = arith.select %eq3A_51, %gather3A_239, %get3A_180 : vector<16xi1>, vector<16xf32>
          %broadcast_in_dim3A_242 = vector.shape_cast %and3A_4 : vector<16xi32> to vector<16x1xi32>
          %gather3A_243 = vector.shape_cast %broadcast_in_dim3A_242 : vector<16x1xi32> to vector<16xi32>
          %gather3A_244 = tpu.dynamic_gather %get3A_188[%gather3A_243] in [0] : vector<16xf32>, vector<16xi32> -> vector<16xf32>
          %broadcast_in_dim3A_245 = vector.shape_cast %and3A_28 : vector<16xi32> to vector<16x1xi32>
          %gather3A_246 = vector.shape_cast %broadcast_in_dim3A_245 : vector<16x1xi32> to vector<16xi32>
          %gather3A_247 = tpu.dynamic_gather %get3A_184[%gather3A_246] in [0] : vector<16xf32>, vector<16xi32> -> vector<16xf32>
          %select_n3A_248 = arith.select %eq3A_51, %get3A_184, %gather3A_244 : vector<16xi1>, vector<16xf32>
          %select_n3A_249 = arith.select %eq3A_51, %gather3A_247, %get3A_188 : vector<16xi1>, vector<16xf32>
          %broadcast_in_dim3A_250 = vector.shape_cast %and3A_4 : vector<16xi32> to vector<16x1xi32>
          %gather3A_251 = vector.shape_cast %broadcast_in_dim3A_250 : vector<16x1xi32> to vector<16xi32>
          %gather3A_252 = tpu.dynamic_gather %get3A_196[%gather3A_251] in [0] : vector<16xf32>, vector<16xi32> -> vector<16xf32>
          %broadcast_in_dim3A_253 = vector.shape_cast %and3A_28 : vector<16xi32> to vector<16x1xi32>
          %gather3A_254 = vector.shape_cast %broadcast_in_dim3A_253 : vector<16x1xi32> to vector<16xi32>
          %gather3A_255 = tpu.dynamic_gather %get3A_192[%gather3A_254] in [0] : vector<16xf32>, vector<16xi32> -> vector<16xf32>
          %select_n3A_256 = arith.select %eq3A_51, %get3A_192, %gather3A_252 : vector<16xi1>, vector<16xf32>
          %select_n3A_257 = arith.select %eq3A_51, %gather3A_255, %get3A_196 : vector<16xi1>, vector<16xf32>
          %broadcast_in_dim3A_258 = vector.shape_cast %and3A_10 : vector<16xi32> to vector<16x1xi32>
          %gather3A_259 = vector.shape_cast %broadcast_in_dim3A_258 : vector<16x1xi32> to vector<16xi32>
          %gather3A_260 = tpu.dynamic_gather %select_n3A_208[%gather3A_259] in [0] : vector<16xf32>, vector<16xi32> -> vector<16xf32>
          %broadcast_in_dim3A_261 = vector.shape_cast %and3A_34 : vector<16xi32> to vector<16x1xi32>
          %gather3A_262 = vector.shape_cast %broadcast_in_dim3A_261 : vector<16x1xi32> to vector<16xi32>
          %gather3A_263 = tpu.dynamic_gather %select_n3A[%gather3A_262] in [0] : vector<16xf32>, vector<16xi32> -> vector<16xf32>
          %select_n3A_264 = arith.select %eq3A_57, %select_n3A, %gather3A_260 : vector<16xi1>, vector<16xf32>
          %select_n3A_265 = arith.select %eq3A_57, %gather3A_263, %select_n3A_208 : vector<16xi1>, vector<16xf32>
          %broadcast_in_dim3A_266 = vector.shape_cast %and3A_10 : vector<16xi32> to vector<16x1xi32>
          %gather3A_267 = vector.shape_cast %broadcast_in_dim3A_266 : vector<16x1xi32> to vector<16xi32>
          %gather3A_268 = tpu.dynamic_gather %select_n3A_209[%gather3A_267] in [0] : vector<16xf32>, vector<16xi32> -> vector<16xf32>
          %broadcast_in_dim3A_269 = vector.shape_cast %and3A_34 : vector<16xi32> to vector<16x1xi32>
          %gather3A_270 = vector.shape_cast %broadcast_in_dim3A_269 : vector<16x1xi32> to vector<16xi32>
          %gather3A_271 = tpu.dynamic_gather %select_n3A_201[%gather3A_270] in [0] : vector<16xf32>, vector<16xi32> -> vector<16xf32>
          %select_n3A_272 = arith.select %eq3A_57, %select_n3A_201, %gather3A_268 : vector<16xi1>, vector<16xf32>
          %select_n3A_273 = arith.select %eq3A_57, %gather3A_271, %select_n3A_209 : vector<16xi1>, vector<16xf32>
          %broadcast_in_dim3A_274 = vector.shape_cast %and3A_10 : vector<16xi32> to vector<16x1xi32>
          %gather3A_275 = vector.shape_cast %broadcast_in_dim3A_274 : vector<16x1xi32> to vector<16xi32>
          %gather3A_276 = tpu.dynamic_gather %select_n3A_224[%gather3A_275] in [0] : vector<16xf32>, vector<16xi32> -> vector<16xf32>
          %broadcast_in_dim3A_277 = vector.shape_cast %and3A_34 : vector<16xi32> to vector<16x1xi32>
          %gather3A_278 = vector.shape_cast %broadcast_in_dim3A_277 : vector<16x1xi32> to vector<16xi32>
          %gather3A_279 = tpu.dynamic_gather %select_n3A_216[%gather3A_278] in [0] : vector<16xf32>, vector<16xi32> -> vector<16xf32>
          %select_n3A_280 = arith.select %eq3A_57, %select_n3A_216, %gather3A_276 : vector<16xi1>, vector<16xf32>
          %select_n3A_281 = arith.select %eq3A_57, %gather3A_279, %select_n3A_224 : vector<16xi1>, vector<16xf32>
          %broadcast_in_dim3A_282 = vector.shape_cast %and3A_10 : vector<16xi32> to vector<16x1xi32>
          %gather3A_283 = vector.shape_cast %broadcast_in_dim3A_282 : vector<16x1xi32> to vector<16xi32>
          %gather3A_284 = tpu.dynamic_gather %select_n3A_225[%gather3A_283] in [0] : vector<16xf32>, vector<16xi32> -> vector<16xf32>
          %broadcast_in_dim3A_285 = vector.shape_cast %and3A_34 : vector<16xi32> to vector<16x1xi32>
          %gather3A_286 = vector.shape_cast %broadcast_in_dim3A_285 : vector<16x1xi32> to vector<16xi32>
          %gather3A_287 = tpu.dynamic_gather %select_n3A_217[%gather3A_286] in [0] : vector<16xf32>, vector<16xi32> -> vector<16xf32>
          %select_n3A_288 = arith.select %eq3A_57, %select_n3A_217, %gather3A_284 : vector<16xi1>, vector<16xf32>
          %select_n3A_289 = arith.select %eq3A_57, %gather3A_287, %select_n3A_225 : vector<16xi1>, vector<16xf32>
          %broadcast_in_dim3A_290 = vector.shape_cast %and3A_10 : vector<16xi32> to vector<16x1xi32>
          %gather3A_291 = vector.shape_cast %broadcast_in_dim3A_290 : vector<16x1xi32> to vector<16xi32>
          %gather3A_292 = tpu.dynamic_gather %select_n3A_240[%gather3A_291] in [0] : vector<16xf32>, vector<16xi32> -> vector<16xf32>
          %broadcast_in_dim3A_293 = vector.shape_cast %and3A_34 : vector<16xi32> to vector<16x1xi32>
          %gather3A_294 = vector.shape_cast %broadcast_in_dim3A_293 : vector<16x1xi32> to vector<16xi32>
          %gather3A_295 = tpu.dynamic_gather %select_n3A_232[%gather3A_294] in [0] : vector<16xf32>, vector<16xi32> -> vector<16xf32>
          %select_n3A_296 = arith.select %eq3A_57, %select_n3A_232, %gather3A_292 : vector<16xi1>, vector<16xf32>
          %select_n3A_297 = arith.select %eq3A_57, %gather3A_295, %select_n3A_240 : vector<16xi1>, vector<16xf32>
          %broadcast_in_dim3A_298 = vector.shape_cast %and3A_10 : vector<16xi32> to vector<16x1xi32>
          %gather3A_299 = vector.shape_cast %broadcast_in_dim3A_298 : vector<16x1xi32> to vector<16xi32>
          %gather3A_300 = tpu.dynamic_gather %select_n3A_241[%gather3A_299] in [0] : vector<16xf32>, vector<16xi32> -> vector<16xf32>
          %broadcast_in_dim3A_301 = vector.shape_cast %and3A_34 : vector<16xi32> to vector<16x1xi32>
          %gather3A_302 = vector.shape_cast %broadcast_in_dim3A_301 : vector<16x1xi32> to vector<16xi32>
          %gather3A_303 = tpu.dynamic_gather %select_n3A_233[%gather3A_302] in [0] : vector<16xf32>, vector<16xi32> -> vector<16xf32>
          %select_n3A_304 = arith.select %eq3A_57, %select_n3A_233, %gather3A_300 : vector<16xi1>, vector<16xf32>
          %select_n3A_305 = arith.select %eq3A_57, %gather3A_303, %select_n3A_241 : vector<16xi1>, vector<16xf32>
          %broadcast_in_dim3A_306 = vector.shape_cast %and3A_10 : vector<16xi32> to vector<16x1xi32>
          %gather3A_307 = vector.shape_cast %broadcast_in_dim3A_306 : vector<16x1xi32> to vector<16xi32>
          %gather3A_308 = tpu.dynamic_gather %select_n3A_256[%gather3A_307] in [0] : vector<16xf32>, vector<16xi32> -> vector<16xf32>
          %broadcast_in_dim3A_309 = vector.shape_cast %and3A_34 : vector<16xi32> to vector<16x1xi32>
          %gather3A_310 = vector.shape_cast %broadcast_in_dim3A_309 : vector<16x1xi32> to vector<16xi32>
          %gather3A_311 = tpu.dynamic_gather %select_n3A_248[%gather3A_310] in [0] : vector<16xf32>, vector<16xi32> -> vector<16xf32>
          %select_n3A_312 = arith.select %eq3A_57, %select_n3A_248, %gather3A_308 : vector<16xi1>, vector<16xf32>
          %select_n3A_313 = arith.select %eq3A_57, %gather3A_311, %select_n3A_256 : vector<16xi1>, vector<16xf32>
          %broadcast_in_dim3A_314 = vector.shape_cast %and3A_10 : vector<16xi32> to vector<16x1xi32>
          %gather3A_315 = vector.shape_cast %broadcast_in_dim3A_314 : vector<16x1xi32> to vector<16xi32>
          %gather3A_316 = tpu.dynamic_gather %select_n3A_257[%gather3A_315] in [0] : vector<16xf32>, vector<16xi32> -> vector<16xf32>
          %broadcast_in_dim3A_317 = vector.shape_cast %and3A_34 : vector<16xi32> to vector<16x1xi32>
          %gather3A_318 = vector.shape_cast %broadcast_in_dim3A_317 : vector<16x1xi32> to vector<16xi32>
          %gather3A_319 = tpu.dynamic_gather %select_n3A_249[%gather3A_318] in [0] : vector<16xf32>, vector<16xi32> -> vector<16xf32>
          %select_n3A_320 = arith.select %eq3A_57, %select_n3A_249, %gather3A_316 : vector<16xi1>, vector<16xf32>
          %select_n3A_321 = arith.select %eq3A_57, %gather3A_319, %select_n3A_257 : vector<16xi1>, vector<16xf32>
          %broadcast_in_dim3A_322 = vector.shape_cast %and3A_16 : vector<16xi32> to vector<16x1xi32>
          %gather3A_323 = vector.shape_cast %broadcast_in_dim3A_322 : vector<16x1xi32> to vector<16xi32>
          %gather3A_324 = tpu.dynamic_gather %select_n3A_280[%gather3A_323] in [0] : vector<16xf32>, vector<16xi32> -> vector<16xf32>
          %broadcast_in_dim3A_325 = vector.shape_cast %and3A_40 : vector<16xi32> to vector<16x1xi32>
          %gather3A_326 = vector.shape_cast %broadcast_in_dim3A_325 : vector<16x1xi32> to vector<16xi32>
          %gather3A_327 = tpu.dynamic_gather %select_n3A_264[%gather3A_326] in [0] : vector<16xf32>, vector<16xi32> -> vector<16xf32>
          %select_n3A_328 = arith.select %eq3A_63, %select_n3A_264, %gather3A_324 : vector<16xi1>, vector<16xf32>
          %select_n3A_329 = arith.select %eq3A_63, %gather3A_327, %select_n3A_280 : vector<16xi1>, vector<16xf32>
          %broadcast_in_dim3A_330 = vector.shape_cast %and3A_16 : vector<16xi32> to vector<16x1xi32>
          %gather3A_331 = vector.shape_cast %broadcast_in_dim3A_330 : vector<16x1xi32> to vector<16xi32>
          %gather3A_332 = tpu.dynamic_gather %select_n3A_288[%gather3A_331] in [0] : vector<16xf32>, vector<16xi32> -> vector<16xf32>
          %broadcast_in_dim3A_333 = vector.shape_cast %and3A_40 : vector<16xi32> to vector<16x1xi32>
          %gather3A_334 = vector.shape_cast %broadcast_in_dim3A_333 : vector<16x1xi32> to vector<16xi32>
          %gather3A_335 = tpu.dynamic_gather %select_n3A_272[%gather3A_334] in [0] : vector<16xf32>, vector<16xi32> -> vector<16xf32>
          %select_n3A_336 = arith.select %eq3A_63, %select_n3A_272, %gather3A_332 : vector<16xi1>, vector<16xf32>
          %select_n3A_337 = arith.select %eq3A_63, %gather3A_335, %select_n3A_288 : vector<16xi1>, vector<16xf32>
          %broadcast_in_dim3A_338 = vector.shape_cast %and3A_16 : vector<16xi32> to vector<16x1xi32>
          %gather3A_339 = vector.shape_cast %broadcast_in_dim3A_338 : vector<16x1xi32> to vector<16xi32>
          %gather3A_340 = tpu.dynamic_gather %select_n3A_281[%gather3A_339] in [0] : vector<16xf32>, vector<16xi32> -> vector<16xf32>
          %broadcast_in_dim3A_341 = vector.shape_cast %and3A_40 : vector<16xi32> to vector<16x1xi32>
          %gather3A_342 = vector.shape_cast %broadcast_in_dim3A_341 : vector<16x1xi32> to vector<16xi32>
          %gather3A_343 = tpu.dynamic_gather %select_n3A_265[%gather3A_342] in [0] : vector<16xf32>, vector<16xi32> -> vector<16xf32>
          %select_n3A_344 = arith.select %eq3A_63, %select_n3A_265, %gather3A_340 : vector<16xi1>, vector<16xf32>
          %select_n3A_345 = arith.select %eq3A_63, %gather3A_343, %select_n3A_281 : vector<16xi1>, vector<16xf32>
          %broadcast_in_dim3A_346 = vector.shape_cast %and3A_16 : vector<16xi32> to vector<16x1xi32>
          %gather3A_347 = vector.shape_cast %broadcast_in_dim3A_346 : vector<16x1xi32> to vector<16xi32>
          %gather3A_348 = tpu.dynamic_gather %select_n3A_289[%gather3A_347] in [0] : vector<16xf32>, vector<16xi32> -> vector<16xf32>
          %broadcast_in_dim3A_349 = vector.shape_cast %and3A_40 : vector<16xi32> to vector<16x1xi32>
          %gather3A_350 = vector.shape_cast %broadcast_in_dim3A_349 : vector<16x1xi32> to vector<16xi32>
          %gather3A_351 = tpu.dynamic_gather %select_n3A_273[%gather3A_350] in [0] : vector<16xf32>, vector<16xi32> -> vector<16xf32>
          %select_n3A_352 = arith.select %eq3A_63, %select_n3A_273, %gather3A_348 : vector<16xi1>, vector<16xf32>
          %select_n3A_353 = arith.select %eq3A_63, %gather3A_351, %select_n3A_289 : vector<16xi1>, vector<16xf32>
          %broadcast_in_dim3A_354 = vector.shape_cast %and3A_16 : vector<16xi32> to vector<16x1xi32>
          %gather3A_355 = vector.shape_cast %broadcast_in_dim3A_354 : vector<16x1xi32> to vector<16xi32>
          %gather3A_356 = tpu.dynamic_gather %select_n3A_312[%gather3A_355] in [0] : vector<16xf32>, vector<16xi32> -> vector<16xf32>
          %broadcast_in_dim3A_357 = vector.shape_cast %and3A_40 : vector<16xi32> to vector<16x1xi32>
          %gather3A_358 = vector.shape_cast %broadcast_in_dim3A_357 : vector<16x1xi32> to vector<16xi32>
          %gather3A_359 = tpu.dynamic_gather %select_n3A_296[%gather3A_358] in [0] : vector<16xf32>, vector<16xi32> -> vector<16xf32>
          %select_n3A_360 = arith.select %eq3A_63, %select_n3A_296, %gather3A_356 : vector<16xi1>, vector<16xf32>
          %select_n3A_361 = arith.select %eq3A_63, %gather3A_359, %select_n3A_312 : vector<16xi1>, vector<16xf32>
          %broadcast_in_dim3A_362 = vector.shape_cast %and3A_16 : vector<16xi32> to vector<16x1xi32>
          %gather3A_363 = vector.shape_cast %broadcast_in_dim3A_362 : vector<16x1xi32> to vector<16xi32>
          %gather3A_364 = tpu.dynamic_gather %select_n3A_320[%gather3A_363] in [0] : vector<16xf32>, vector<16xi32> -> vector<16xf32>
          %broadcast_in_dim3A_365 = vector.shape_cast %and3A_40 : vector<16xi32> to vector<16x1xi32>
          %gather3A_366 = vector.shape_cast %broadcast_in_dim3A_365 : vector<16x1xi32> to vector<16xi32>
          %gather3A_367 = tpu.dynamic_gather %select_n3A_304[%gather3A_366] in [0] : vector<16xf32>, vector<16xi32> -> vector<16xf32>
          %select_n3A_368 = arith.select %eq3A_63, %select_n3A_304, %gather3A_364 : vector<16xi1>, vector<16xf32>
          %select_n3A_369 = arith.select %eq3A_63, %gather3A_367, %select_n3A_320 : vector<16xi1>, vector<16xf32>
          %broadcast_in_dim3A_370 = vector.shape_cast %and3A_16 : vector<16xi32> to vector<16x1xi32>
          %gather3A_371 = vector.shape_cast %broadcast_in_dim3A_370 : vector<16x1xi32> to vector<16xi32>
          %gather3A_372 = tpu.dynamic_gather %select_n3A_313[%gather3A_371] in [0] : vector<16xf32>, vector<16xi32> -> vector<16xf32>
          %broadcast_in_dim3A_373 = vector.shape_cast %and3A_40 : vector<16xi32> to vector<16x1xi32>
          %gather3A_374 = vector.shape_cast %broadcast_in_dim3A_373 : vector<16x1xi32> to vector<16xi32>
          %gather3A_375 = tpu.dynamic_gather %select_n3A_297[%gather3A_374] in [0] : vector<16xf32>, vector<16xi32> -> vector<16xf32>
          %select_n3A_376 = arith.select %eq3A_63, %select_n3A_297, %gather3A_372 : vector<16xi1>, vector<16xf32>
          %select_n3A_377 = arith.select %eq3A_63, %gather3A_375, %select_n3A_313 : vector<16xi1>, vector<16xf32>
          %broadcast_in_dim3A_378 = vector.shape_cast %and3A_16 : vector<16xi32> to vector<16x1xi32>
          %gather3A_379 = vector.shape_cast %broadcast_in_dim3A_378 : vector<16x1xi32> to vector<16xi32>
          %gather3A_380 = tpu.dynamic_gather %select_n3A_321[%gather3A_379] in [0] : vector<16xf32>, vector<16xi32> -> vector<16xf32>
          %broadcast_in_dim3A_381 = vector.shape_cast %and3A_40 : vector<16xi32> to vector<16x1xi32>
          %gather3A_382 = vector.shape_cast %broadcast_in_dim3A_381 : vector<16x1xi32> to vector<16xi32>
          %gather3A_383 = tpu.dynamic_gather %select_n3A_305[%gather3A_382] in [0] : vector<16xf32>, vector<16xi32> -> vector<16xf32>
          %select_n3A_384 = arith.select %eq3A_63, %select_n3A_305, %gather3A_380 : vector<16xi1>, vector<16xf32>
          %select_n3A_385 = arith.select %eq3A_63, %gather3A_383, %select_n3A_321 : vector<16xi1>, vector<16xf32>
          %broadcast_in_dim3A_386 = vector.shape_cast %and3A_22 : vector<16xi32> to vector<16x1xi32>
          %gather3A_387 = vector.shape_cast %broadcast_in_dim3A_386 : vector<16x1xi32> to vector<16xi32>
          %gather3A_388 = tpu.dynamic_gather %select_n3A_360[%gather3A_387] in [0] : vector<16xf32>, vector<16xi32> -> vector<16xf32>
          %broadcast_in_dim3A_389 = vector.shape_cast %and3A_46 : vector<16xi32> to vector<16x1xi32>
          %gather3A_390 = vector.shape_cast %broadcast_in_dim3A_389 : vector<16x1xi32> to vector<16xi32>
          %gather3A_391 = tpu.dynamic_gather %select_n3A_328[%gather3A_390] in [0] : vector<16xf32>, vector<16xi32> -> vector<16xf32>
          %select_n3A_392 = arith.select %eq3A_69, %select_n3A_328, %gather3A_388 : vector<16xi1>, vector<16xf32>
          %select_n3A_393 = arith.select %eq3A_69, %gather3A_391, %select_n3A_360 : vector<16xi1>, vector<16xf32>
          %broadcast_in_dim3A_394 = vector.shape_cast %and3A_22 : vector<16xi32> to vector<16x1xi32>
          %gather3A_395 = vector.shape_cast %broadcast_in_dim3A_394 : vector<16x1xi32> to vector<16xi32>
          %gather3A_396 = tpu.dynamic_gather %select_n3A_368[%gather3A_395] in [0] : vector<16xf32>, vector<16xi32> -> vector<16xf32>
          %broadcast_in_dim3A_397 = vector.shape_cast %and3A_46 : vector<16xi32> to vector<16x1xi32>
          %gather3A_398 = vector.shape_cast %broadcast_in_dim3A_397 : vector<16x1xi32> to vector<16xi32>
          %gather3A_399 = tpu.dynamic_gather %select_n3A_336[%gather3A_398] in [0] : vector<16xf32>, vector<16xi32> -> vector<16xf32>
          %select_n3A_400 = arith.select %eq3A_69, %select_n3A_336, %gather3A_396 : vector<16xi1>, vector<16xf32>
          %select_n3A_401 = arith.select %eq3A_69, %gather3A_399, %select_n3A_368 : vector<16xi1>, vector<16xf32>
          %broadcast_in_dim3A_402 = vector.shape_cast %and3A_22 : vector<16xi32> to vector<16x1xi32>
          %gather3A_403 = vector.shape_cast %broadcast_in_dim3A_402 : vector<16x1xi32> to vector<16xi32>
          %gather3A_404 = tpu.dynamic_gather %select_n3A_376[%gather3A_403] in [0] : vector<16xf32>, vector<16xi32> -> vector<16xf32>
          %broadcast_in_dim3A_405 = vector.shape_cast %and3A_46 : vector<16xi32> to vector<16x1xi32>
          %gather3A_406 = vector.shape_cast %broadcast_in_dim3A_405 : vector<16x1xi32> to vector<16xi32>
          %gather3A_407 = tpu.dynamic_gather %select_n3A_344[%gather3A_406] in [0] : vector<16xf32>, vector<16xi32> -> vector<16xf32>
          %select_n3A_408 = arith.select %eq3A_69, %select_n3A_344, %gather3A_404 : vector<16xi1>, vector<16xf32>
          %select_n3A_409 = arith.select %eq3A_69, %gather3A_407, %select_n3A_376 : vector<16xi1>, vector<16xf32>
          %broadcast_in_dim3A_410 = vector.shape_cast %and3A_22 : vector<16xi32> to vector<16x1xi32>
          %gather3A_411 = vector.shape_cast %broadcast_in_dim3A_410 : vector<16x1xi32> to vector<16xi32>
          %gather3A_412 = tpu.dynamic_gather %select_n3A_384[%gather3A_411] in [0] : vector<16xf32>, vector<16xi32> -> vector<16xf32>
          %broadcast_in_dim3A_413 = vector.shape_cast %and3A_46 : vector<16xi32> to vector<16x1xi32>
          %gather3A_414 = vector.shape_cast %broadcast_in_dim3A_413 : vector<16x1xi32> to vector<16xi32>
          %gather3A_415 = tpu.dynamic_gather %select_n3A_352[%gather3A_414] in [0] : vector<16xf32>, vector<16xi32> -> vector<16xf32>
          %select_n3A_416 = arith.select %eq3A_69, %select_n3A_352, %gather3A_412 : vector<16xi1>, vector<16xf32>
          %select_n3A_417 = arith.select %eq3A_69, %gather3A_415, %select_n3A_384 : vector<16xi1>, vector<16xf32>
          %broadcast_in_dim3A_418 = vector.shape_cast %and3A_22 : vector<16xi32> to vector<16x1xi32>
          %gather3A_419 = vector.shape_cast %broadcast_in_dim3A_418 : vector<16x1xi32> to vector<16xi32>
          %gather3A_420 = tpu.dynamic_gather %select_n3A_361[%gather3A_419] in [0] : vector<16xf32>, vector<16xi32> -> vector<16xf32>
          %broadcast_in_dim3A_421 = vector.shape_cast %and3A_46 : vector<16xi32> to vector<16x1xi32>
          %gather3A_422 = vector.shape_cast %broadcast_in_dim3A_421 : vector<16x1xi32> to vector<16xi32>
          %gather3A_423 = tpu.dynamic_gather %select_n3A_329[%gather3A_422] in [0] : vector<16xf32>, vector<16xi32> -> vector<16xf32>
          %select_n3A_424 = arith.select %eq3A_69, %select_n3A_329, %gather3A_420 : vector<16xi1>, vector<16xf32>
          %select_n3A_425 = arith.select %eq3A_69, %gather3A_423, %select_n3A_361 : vector<16xi1>, vector<16xf32>
          %broadcast_in_dim3A_426 = vector.shape_cast %and3A_22 : vector<16xi32> to vector<16x1xi32>
          %gather3A_427 = vector.shape_cast %broadcast_in_dim3A_426 : vector<16x1xi32> to vector<16xi32>
          %gather3A_428 = tpu.dynamic_gather %select_n3A_369[%gather3A_427] in [0] : vector<16xf32>, vector<16xi32> -> vector<16xf32>
          %broadcast_in_dim3A_429 = vector.shape_cast %and3A_46 : vector<16xi32> to vector<16x1xi32>
          %gather3A_430 = vector.shape_cast %broadcast_in_dim3A_429 : vector<16x1xi32> to vector<16xi32>
          %gather3A_431 = tpu.dynamic_gather %select_n3A_337[%gather3A_430] in [0] : vector<16xf32>, vector<16xi32> -> vector<16xf32>
          %select_n3A_432 = arith.select %eq3A_69, %select_n3A_337, %gather3A_428 : vector<16xi1>, vector<16xf32>
          %select_n3A_433 = arith.select %eq3A_69, %gather3A_431, %select_n3A_369 : vector<16xi1>, vector<16xf32>
          %broadcast_in_dim3A_434 = vector.shape_cast %and3A_22 : vector<16xi32> to vector<16x1xi32>
          %gather3A_435 = vector.shape_cast %broadcast_in_dim3A_434 : vector<16x1xi32> to vector<16xi32>
          %gather3A_436 = tpu.dynamic_gather %select_n3A_377[%gather3A_435] in [0] : vector<16xf32>, vector<16xi32> -> vector<16xf32>
          %broadcast_in_dim3A_437 = vector.shape_cast %and3A_46 : vector<16xi32> to vector<16x1xi32>
          %gather3A_438 = vector.shape_cast %broadcast_in_dim3A_437 : vector<16x1xi32> to vector<16xi32>
          %gather3A_439 = tpu.dynamic_gather %select_n3A_345[%gather3A_438] in [0] : vector<16xf32>, vector<16xi32> -> vector<16xf32>
          %select_n3A_440 = arith.select %eq3A_69, %select_n3A_345, %gather3A_436 : vector<16xi1>, vector<16xf32>
          %select_n3A_441 = arith.select %eq3A_69, %gather3A_439, %select_n3A_377 : vector<16xi1>, vector<16xf32>
          %broadcast_in_dim3A_442 = vector.shape_cast %and3A_22 : vector<16xi32> to vector<16x1xi32>
          %gather3A_443 = vector.shape_cast %broadcast_in_dim3A_442 : vector<16x1xi32> to vector<16xi32>
          %gather3A_444 = tpu.dynamic_gather %select_n3A_385[%gather3A_443] in [0] : vector<16xf32>, vector<16xi32> -> vector<16xf32>
          %broadcast_in_dim3A_445 = vector.shape_cast %and3A_46 : vector<16xi32> to vector<16x1xi32>
          %gather3A_446 = vector.shape_cast %broadcast_in_dim3A_445 : vector<16x1xi32> to vector<16xi32>
          %gather3A_447 = tpu.dynamic_gather %select_n3A_353[%gather3A_446] in [0] : vector<16xf32>, vector<16xi32> -> vector<16xf32>
          %select_n3A_448 = arith.select %eq3A_69, %select_n3A_353, %gather3A_444 : vector<16xi1>, vector<16xf32>
          %select_n3A_449 = arith.select %eq3A_69, %gather3A_447, %select_n3A_385 : vector<16xi1>, vector<16xf32>
          %add3A_450 = arith.constant 0 : i32
          %add3A_451 = arith.addi %multiple_of3A, %add3A_450 : i32
          %swap3A = arith.index_cast %add3A_451 : i32 to index
          %swap3A_452 = arith.constant 160 : index
          %swap3A_453 = tpu.vector_load %arg6[%swap3A, %swap3A_452] {strides = array<i32>} : memref<128x256xf32, #tpu.memory_space<vmem>>, vector<16xf32>,
          tpu.vector_store %arg6[%swap3A, %swap3A_452], %select_n3A_392 {strides = array<i32>} : memref<128x256xf32, #tpu.memory_space<vmem>>, vector<16xf32>,
          %add3A_454 = arith.constant 1 : i32
          %add3A_455 = arith.addi %multiple_of3A, %add3A_454 : i32
          %swap3A_456 = arith.index_cast %add3A_455 : i32 to index
          %swap3A_457 = arith.constant 160 : index
          %swap3A_458 = tpu.vector_load %arg6[%swap3A_456, %swap3A_457] {strides = array<i32>} : memref<128x256xf32, #tpu.memory_space<vmem>>, vector<16xf32>,
          tpu.vector_store %arg6[%swap3A_456, %swap3A_457], %select_n3A_400 {strides = array<i32>} : memref<128x256xf32, #tpu.memory_space<vmem>>, vector<16xf32>,
          %add3A_459 = arith.constant 2 : i32
          %add3A_460 = arith.addi %multiple_of3A, %add3A_459 : i32
          %swap3A_461 = arith.index_cast %add3A_460 : i32 to index
          %swap3A_462 = arith.constant 160 : index
          %swap3A_463 = tpu.vector_load %arg6[%swap3A_461, %swap3A_462] {strides = array<i32>} : memref<128x256xf32, #tpu.memory_space<vmem>>, vector<16xf32>,
          tpu.vector_store %arg6[%swap3A_461, %swap3A_462], %select_n3A_408 {strides = array<i32>} : memref<128x256xf32, #tpu.memory_space<vmem>>, vector<16xf32>,
          %add3A_464 = arith.constant 3 : i32
          %add3A_465 = arith.addi %multiple_of3A, %add3A_464 : i32
          %swap3A_466 = arith.index_cast %add3A_465 : i32 to index
          %swap3A_467 = arith.constant 160 : index
          %swap3A_468 = tpu.vector_load %arg6[%swap3A_466, %swap3A_467] {strides = array<i32>} : memref<128x256xf32, #tpu.memory_space<vmem>>, vector<16xf32>,
          tpu.vector_store %arg6[%swap3A_466, %swap3A_467], %select_n3A_416 {strides = array<i32>} : memref<128x256xf32, #tpu.memory_space<vmem>>, vector<16xf32>,
          %add3A_469 = arith.constant 4 : i32
          %add3A_470 = arith.addi %multiple_of3A, %add3A_469 : i32
          %swap3A_471 = arith.index_cast %add3A_470 : i32 to index
          %swap3A_472 = arith.constant 160 : index
          %swap3A_473 = tpu.vector_load %arg6[%swap3A_471, %swap3A_472] {strides = array<i32>} : memref<128x256xf32, #tpu.memory_space<vmem>>, vector<16xf32>,
          tpu.vector_store %arg6[%swap3A_471, %swap3A_472], %select_n3A_424 {strides = array<i32>} : memref<128x256xf32, #tpu.memory_space<vmem>>, vector<16xf32>,
          %add3A_474 = arith.constant 5 : i32
          %add3A_475 = arith.addi %multiple_of3A, %add3A_474 : i32
          %swap3A_476 = arith.index_cast %add3A_475 : i32 to index
          %swap3A_477 = arith.constant 160 : index
          %swap3A_478 = tpu.vector_load %arg6[%swap3A_476, %swap3A_477] {strides = array<i32>} : memref<128x256xf32, #tpu.memory_space<vmem>>, vector<16xf32>,
          tpu.vector_store %arg6[%swap3A_476, %swap3A_477], %select_n3A_432 {strides = array<i32>} : memref<128x256xf32, #tpu.memory_space<vmem>>, vector<16xf32>,
          %add3A_479 = arith.constant 6 : i32
          %add3A_480 = arith.addi %multiple_of3A, %add3A_479 : i32
          %swap3A_481 = arith.index_cast %add3A_480 : i32 to index
          %swap3A_482 = arith.constant 160 : index
          %swap3A_483 = tpu.vector_load %arg6[%swap3A_481, %swap3A_482] {strides = array<i32>} : memref<128x256xf32, #tpu.memory_space<vmem>>, vector<16xf32>,
          tpu.vector_store %arg6[%swap3A_481, %swap3A_482], %select_n3A_440 {strides = array<i32>} : memref<128x256xf32, #tpu.memory_space<vmem>>, vector<16xf32>,
          %add3A_484 = arith.constant 7 : i32
          %add3A_485 = arith.addi %multiple_of3A, %add3A_484 : i32
          %swap3A_486 = arith.index_cast %add3A_485 : i32 to index
          %swap3A_487 = arith.constant 160 : index
          %swap3A_488 = tpu.vector_load %arg6[%swap3A_486, %swap3A_487] {strides = array<i32>} : memref<128x256xf32, #tpu.memory_space<vmem>>, vector<16xf32>,
          tpu.vector_store %arg6[%swap3A_486, %swap3A_487], %select_n3A_448 {strides = array<i32>} : memref<128x256xf32, #tpu.memory_space<vmem>>, vector<16xf32>,
          %add3A_489 = arith.constant 8 : i32
          %add3A_490 = arith.addi %multiple_of3A, %add3A_489 : i32
          %swap3A_491 = arith.index_cast %add3A_490 : i32 to index
          %swap3A_492 = arith.constant 160 : index
          %swap3A_493 = tpu.vector_load %arg6[%swap3A_491, %swap3A_492] {strides = array<i32>} : memref<128x256xf32, #tpu.memory_space<vmem>>, vector<16xf32>,
          tpu.vector_store %arg6[%swap3A_491, %swap3A_492], %select_n3A_393 {strides = array<i32>} : memref<128x256xf32, #tpu.memory_space<vmem>>, vector<16xf32>,
          %add3A_494 = arith.constant 9 : i32
          %add3A_495 = arith.addi %multiple_of3A, %add3A_494 : i32
          %swap3A_496 = arith.index_cast %add3A_495 : i32 to index
          %swap3A_497 = arith.constant 160 : index
          %swap3A_498 = tpu.vector_load %arg6[%swap3A_496, %swap3A_497] {strides = array<i32>} : memref<128x256xf32, #tpu.memory_space<vmem>>, vector<16xf32>,
          tpu.vector_store %arg6[%swap3A_496, %swap3A_497], %select_n3A_401 {strides = array<i32>} : memref<128x256xf32, #tpu.memory_space<vmem>>, vector<16xf32>,
          %add3A_499 = arith.constant 10 : i32
          %add3A_500 = arith.addi %multiple_of3A, %add3A_499 : i32
          %swap3A_501 = arith.index_cast %add3A_500 : i32 to index
          %swap3A_502 = arith.constant 160 : index
          %swap3A_503 = tpu.vector_load %arg6[%swap3A_501, %swap3A_502] {strides = array<i32>} : memref<128x256xf32, #tpu.memory_space<vmem>>, vector<16xf32>,
          tpu.vector_store %arg6[%swap3A_501, %swap3A_502], %select_n3A_409 {strides = array<i32>} : memref<128x256xf32, #tpu.memory_space<vmem>>, vector<16xf32>,
          %add3A_504 = arith.constant 11 : i32
          %add3A_505 = arith.addi %multiple_of3A, %add3A_504 : i32
          %swap3A_506 = arith.index_cast %add3A_505 : i32 to index
          %swap3A_507 = arith.constant 160 : index
          %swap3A_508 = tpu.vector_load %arg6[%swap3A_506, %swap3A_507] {strides = array<i32>} : memref<128x256xf32, #tpu.memory_space<vmem>>, vector<16xf32>,
          tpu.vector_store %arg6[%swap3A_506, %swap3A_507], %select_n3A_417 {strides = array<i32>} : memref<128x256xf32, #tpu.memory_space<vmem>>, vector<16xf32>,
          %add3A_509 = arith.constant 12 : i32
          %add3A_510 = arith.addi %multiple_of3A, %add3A_509 : i32
          %swap3A_511 = arith.index_cast %add3A_510 : i32 to index
          %swap3A_512 = arith.constant 160 : index
          %swap3A_513 = tpu.vector_load %arg6[%swap3A_511, %swap3A_512] {strides = array<i32>} : memref<128x256xf32, #tpu.memory_space<vmem>>, vector<16xf32>,
          tpu.vector_store %arg6[%swap3A_511, %swap3A_512], %select_n3A_425 {strides = array<i32>} : memref<128x256xf32, #tpu.memory_space<vmem>>, vector<16xf32>,
          %add3A_514 = arith.constant 13 : i32
          %add3A_515 = arith.addi %multiple_of3A, %add3A_514 : i32
          %swap3A_516 = arith.index_cast %add3A_515 : i32 to index
          %swap3A_517 = arith.constant 160 : index
          %swap3A_518 = tpu.vector_load %arg6[%swap3A_516, %swap3A_517] {strides = array<i32>} : memref<128x256xf32, #tpu.memory_space<vmem>>, vector<16xf32>,
          tpu.vector_store %arg6[%swap3A_516, %swap3A_517], %select_n3A_433 {strides = array<i32>} : memref<128x256xf32, #tpu.memory_space<vmem>>, vector<16xf32>,
          %add3A_519 = arith.constant 14 : i32
          %add3A_520 = arith.addi %multiple_of3A, %add3A_519 : i32
          %swap3A_521 = arith.index_cast %add3A_520 : i32 to index
          %swap3A_522 = arith.constant 160 : index
          %swap3A_523 = tpu.vector_load %arg6[%swap3A_521, %swap3A_522] {strides = array<i32>} : memref<128x256xf32, #tpu.memory_space<vmem>>, vector<16xf32>,
          tpu.vector_store %arg6[%swap3A_521, %swap3A_522], %select_n3A_441 {strides = array<i32>} : memref<128x256xf32, #tpu.memory_space<vmem>>, vector<16xf32>,
          %add3A_524 = arith.constant 15 : i32
          %add3A_525 = arith.addi %multiple_of3A, %add3A_524 : i32
          %swap3A_526 = arith.index_cast %add3A_525 : i32 to index
          %swap3A_527 = arith.constant 160 : index
          %swap3A_528 = tpu.vector_load %arg6[%swap3A_526, %swap3A_527] {strides = array<i32>} : memref<128x256xf32, #tpu.memory_space<vmem>>, vector<16xf32>,
          tpu.vector_store %arg6[%swap3A_526, %swap3A_527], %select_n3A_449 {strides = array<i32>} : memref<128x256xf32, #tpu.memory_space<vmem>>, vector<16xf32>,
        }
        %scan3A_128 = arith.constant 8 : i32
        %mul3A_129 = arith.constant 128 : i32
        %mul3A_130 = arith.muli %add3A_82, %mul3A_129 : i32
        "tpu.region"() ({
          %run_scoped3A = tpu.sem_alloc : memref<!tpu.dma_semaphore, #tpu.memory_space<semaphore_mem>>
          %dma_start3A = arith.constant 0 : i32
          %dma_start3A_131 = tpu.memref_slice %arg3[%mul3A_130, %dma_start3A] : memref<400000x256xf32, #tpu.memory_space<hbm>> -> memref<128x256xf32, #tpu.memory_space<hbm>>
          %dma_start3A_132 = arith.constant 0 : i32
          %dma_start3A_133 = tpu.memref_slice %arg3[%mul3A_130, %dma_start3A_132] : memref<400000x256xf32, #tpu.memory_space<hbm>> -> memref<128x256xf32, #tpu.memory_space<hbm>>
          tpu.enqueue_dma source(%arg6 : memref<128x256xf32, #tpu.memory_space<vmem>>) target(%dma_start3A_133 : memref<128x256xf32, #tpu.memory_space<hbm>>) target_semaphore(%run_scoped3A : memref<!tpu.dma_semaphore, #tpu.memory_space<semaphore_mem>>)
          %dma_wait3A = arith.constant 0 : i32
          %dma_wait3A_134 = tpu.memref_slice %arg3[%mul3A_130, %dma_wait3A] : memref<400000x256xf32, #tpu.memory_space<hbm>> -> memref<128x256xf32, #tpu.memory_space<hbm>>
          %dma_wait3A_135 = arith.constant 0 : i32
          %dma_wait3A_136 = tpu.memref_slice %arg3[%mul3A_130, %dma_wait3A_135] : memref<400000x256xf32, #tpu.memory_space<hbm>> -> memref<128x256xf32, #tpu.memory_space<hbm>>
          tpu.wait_dma2 semaphore(%run_scoped3A : memref<!tpu.dma_semaphore, #tpu.memory_space<semaphore_mem>>) src(%arg6 : memref<128x256xf32, #tpu.memory_space<vmem>>) dst(%dma_wait3A_136 : memref<128x256xf32, #tpu.memory_space<hbm>>)
          tpu.yield
        }) : () -> ()
      } else {
      }
      %lt3A_102 = arith.constant 3125 : i32
      %lt3A_103 = arith.cmpi slt, %add3A_84, %lt3A_102 : i32
      %convert_element_type3A_104 = arith.extui %lt3A_103 : i1 to i32
      %cond3A_105 = arith.constant 0 : i32
      %cond3A_106 = arith.cmpi ne, %convert_element_type3A_104, %cond3A_105 : i32
      scf.if %cond3A_106 {
        %mul3A_117 = arith.constant 128 : i32
        %mul3A_118 = arith.muli %add3A_84, %mul3A_117 : i32
        %dma_wait3A = arith.constant 0 : i32
        %dma_wait3A_119 = tpu.memref_slice %arg2[%dma_wait3A, %mul3A_118] : memref<300x400000xf32, #tpu.memory_space<hbm>> -> memref<300x128xf32, #tpu.memory_space<hbm>>
        %dma_wait3A_120 = arith.constant 0 : i32
        %dma_wait3A_121 = tpu.memref_slice %arg2[%dma_wait3A_120, %mul3A_118] : memref<300x400000xf32, #tpu.memory_space<hbm>> -> memref<300x128xf32, #tpu.memory_space<hbm>>
        tpu.wait_dma2 semaphore(%arg7 : memref<!tpu.dma_semaphore, #tpu.memory_space<semaphore_mem>>) src(%dma_wait3A_121 : memref<300x128xf32, #tpu.memory_space<hbm>>) dst(%arg5 : memref<300x128xf32, #tpu.memory_space<vmem>>)
      } else {
      }
      %lt3A_107 = arith.constant 3125 : i32
      %lt3A_108 = arith.cmpi slt, %add3A_86, %lt3A_107 : i32
      %convert_element_type3A_109 = arith.extui %lt3A_108 : i1 to i32
      %cond3A_110 = arith.constant 0 : i32
      %cond3A_111 = arith.cmpi ne, %convert_element_type3A_109, %cond3A_110 : i32
      scf.if %cond3A_111 {
        %mul3A_117 = arith.constant 128 : i32
        %mul3A_118 = arith.muli %add3A_86, %mul3A_117 : i32
        %dma_start3A = arith.constant 0 : i32
        %dma_start3A_119 = tpu.memref_slice %arg2[%dma_start3A, %mul3A_118] : memref<300x400000xf32, #tpu.memory_space<hbm>> -> memref<300x128xf32, #tpu.memory_space<hbm>>
        %dma_start3A_120 = arith.constant 0 : i32
        %dma_start3A_121 = tpu.memref_slice %arg2[%dma_start3A_120, %mul3A_118] : memref<300x400000xf32, #tpu.memory_space<hbm>> -> memref<300x128xf32, #tpu.memory_space<hbm>>
        tpu.enqueue_dma source(%dma_start3A_121 : memref<300x128xf32, #tpu.memory_space<hbm>>) target(%arg4 : memref<300x128xf32, #tpu.memory_space<vmem>>) target_semaphore(%arg7 : memref<!tpu.dma_semaphore, #tpu.memory_space<semaphore_mem>>)
      } else {
      }
      %lt3A_112 = arith.constant 3125 : i32
      %lt3A_113 = arith.cmpi slt, %add3A_84, %lt3A_112 : i32
      %convert_element_type3A_114 = arith.extui %lt3A_113 : i1 to i32
      %cond3A_115 = arith.constant 0 : i32
      %cond3A_116 = arith.cmpi ne, %convert_element_type3A_114, %cond3A_115 : i32
      scf.if %cond3A_116 {
        %scan3A_117 = arith.constant 0 : i32
        %scan3A_118 = arith.constant 8 : i32
        %scan3A_119 = arith.constant 10 : i32
        %scan3A_120 = arith.addi %scan3A_118, %scan3A_119 : i32
        %scan3A_121 = arith.constant 1 : i32
        scf.for %scan3A_131 = %scan3A_118 to %scan3A_120 step %scan3A_121  : i32 {
          %mul3A_132 = arith.constant 16 : i32
          %mul3A_133 = arith.muli %scan3A_131, %mul3A_132 : i32
          %multiple_of3A = tpu.assume_multiple %mul3A_133, 16 : i32
          %add3A_134 = arith.constant 0 : i32
          %add3A_135 = arith.addi %multiple_of3A, %add3A_134 : i32
          %add3A_136 = arith.constant 1 : i32
          %add3A_137 = arith.addi %multiple_of3A, %add3A_136 : i32
          %add3A_138 = arith.constant 2 : i32
          %add3A_139 = arith.addi %multiple_of3A, %add3A_138 : i32
          %add3A_140 = arith.constant 3 : i32
          %add3A_141 = arith.addi %multiple_of3A, %add3A_140 : i32
          %add3A_142 = arith.constant 4 : i32
          %add3A_143 = arith.addi %multiple_of3A, %add3A_142 : i32
          %add3A_144 = arith.constant 5 : i32
          %add3A_145 = arith.addi %multiple_of3A, %add3A_144 : i32
          %add3A_146 = arith.constant 6 : i32
          %add3A_147 = arith.addi %multiple_of3A, %add3A_146 : i32
          %add3A_148 = arith.constant 7 : i32
          %add3A_149 = arith.addi %multiple_of3A, %add3A_148 : i32
          %add3A_150 = arith.constant 8 : i32
          %add3A_151 = arith.addi %multiple_of3A, %add3A_150 : i32
          %add3A_152 = arith.constant 9 : i32
          %add3A_153 = arith.addi %multiple_of3A, %add3A_152 : i32
          %add3A_154 = arith.constant 10 : i32
          %add3A_155 = arith.addi %multiple_of3A, %add3A_154 : i32
          %add3A_156 = arith.constant 11 : i32
          %add3A_157 = arith.addi %multiple_of3A, %add3A_156 : i32
          %add3A_158 = arith.constant 12 : i32
          %add3A_159 = arith.addi %multiple_of3A, %add3A_158 : i32
          %add3A_160 = arith.constant 13 : i32
          %add3A_161 = arith.addi %multiple_of3A, %add3A_160 : i32
          %add3A_162 = arith.constant 14 : i32
          %add3A_163 = arith.addi %multiple_of3A, %add3A_162 : i32
          %add3A_164 = arith.constant 15 : i32
          %add3A_165 = arith.addi %multiple_of3A, %add3A_164 : i32
          %sub3A_166 = arith.constant 128 : i32
          %sub3A_167 = arith.subi %multiple_of3A, %sub3A_166 : i32
          %multiple_of3A_168 = tpu.assume_multiple %sub3A_167, 16 : i32
          %scan3A_169 = arith.constant 0 : i32
          %scan3A_170 = arith.constant 0 : i32
          %scan3A_171 = arith.constant 8 : i32
          %scan3A_172 = arith.addi %scan3A_170, %scan3A_171 : i32
          %scan3A_173 = arith.constant 1 : i32
          scf.for %scan3A_175 = %scan3A_170 to %scan3A_172 step %scan3A_173  : i32 {
            %mul3A_176 = arith.constant 16 : i32
            %mul3A_177 = arith.muli %scan3A_175, %mul3A_176 : i32
            %multiple_of3A_178 = tpu.assume_multiple %mul3A_177, 16 : i32
            %get3A = arith.index_cast %add3A_135 : i32 to index
            %get3A_179 = arith.index_cast %multiple_of3A_178 : i32 to index
            %get3A_180 = tpu.vector_load %arg5[%get3A, %get3A_179] {strides = array<i32>} : memref<300x128xf32, #tpu.memory_space<vmem>>, vector<16xf32>,
            %get3A_181 = arith.index_cast %add3A_137 : i32 to index
            %get3A_182 = arith.index_cast %multiple_of3A_178 : i32 to index
            %get3A_183 = tpu.vector_load %arg5[%get3A_181, %get3A_182] {strides = array<i32>} : memref<300x128xf32, #tpu.memory_space<vmem>>, vector<16xf32>,
            %get3A_184 = arith.index_cast %add3A_139 : i32 to index
            %get3A_185 = arith.index_cast %multiple_of3A_178 : i32 to index
            %get3A_186 = tpu.vector_load %arg5[%get3A_184, %get3A_185] {strides = array<i32>} : memref<300x128xf32, #tpu.memory_space<vmem>>, vector<16xf32>,
            %get3A_187 = arith.index_cast %add3A_141 : i32 to index
            %get3A_188 = arith.index_cast %multiple_of3A_178 : i32 to index
            %get3A_189 = tpu.vector_load %arg5[%get3A_187, %get3A_188] {strides = array<i32>} : memref<300x128xf32, #tpu.memory_space<vmem>>, vector<16xf32>,
            %get3A_190 = arith.index_cast %add3A_143 : i32 to index
            %get3A_191 = arith.index_cast %multiple_of3A_178 : i32 to index
            %get3A_192 = tpu.vector_load %arg5[%get3A_190, %get3A_191] {strides = array<i32>} : memref<300x128xf32, #tpu.memory_space<vmem>>, vector<16xf32>,
            %get3A_193 = arith.index_cast %add3A_145 : i32 to index
            %get3A_194 = arith.index_cast %multiple_of3A_178 : i32 to index
            %get3A_195 = tpu.vector_load %arg5[%get3A_193, %get3A_194] {strides = array<i32>} : memref<300x128xf32, #tpu.memory_space<vmem>>, vector<16xf32>,
            %get3A_196 = arith.index_cast %add3A_147 : i32 to index
            %get3A_197 = arith.index_cast %multiple_of3A_178 : i32 to index
            %get3A_198 = tpu.vector_load %arg5[%get3A_196, %get3A_197] {strides = array<i32>} : memref<300x128xf32, #tpu.memory_space<vmem>>, vector<16xf32>,
            %get3A_199 = arith.index_cast %add3A_149 : i32 to index
            %get3A_200 = arith.index_cast %multiple_of3A_178 : i32 to index
            %get3A_201 = tpu.vector_load %arg5[%get3A_199, %get3A_200] {strides = array<i32>} : memref<300x128xf32, #tpu.memory_space<vmem>>, vector<16xf32>,
            %get3A_202 = arith.index_cast %add3A_151 : i32 to index
            %get3A_203 = arith.index_cast %multiple_of3A_178 : i32 to index
            %get3A_204 = tpu.vector_load %arg5[%get3A_202, %get3A_203] {strides = array<i32>} : memref<300x128xf32, #tpu.memory_space<vmem>>, vector<16xf32>,
            %get3A_205 = arith.index_cast %add3A_153 : i32 to index
            %get3A_206 = arith.index_cast %multiple_of3A_178 : i32 to index
            %get3A_207 = tpu.vector_load %arg5[%get3A_205, %get3A_206] {strides = array<i32>} : memref<300x128xf32, #tpu.memory_space<vmem>>, vector<16xf32>,
            %get3A_208 = arith.index_cast %add3A_155 : i32 to index
            %get3A_209 = arith.index_cast %multiple_of3A_178 : i32 to index
            %get3A_210 = tpu.vector_load %arg5[%get3A_208, %get3A_209] {strides = array<i32>} : memref<300x128xf32, #tpu.memory_space<vmem>>, vector<16xf32>,
            %get3A_211 = arith.index_cast %add3A_157 : i32 to index
            %get3A_212 = arith.index_cast %multiple_of3A_178 : i32 to index
            %get3A_213 = tpu.vector_load %arg5[%get3A_211, %get3A_212] {strides = array<i32>} : memref<300x128xf32, #tpu.memory_space<vmem>>, vector<16xf32>,
            %get3A_214 = arith.index_cast %add3A_159 : i32 to index
            %get3A_215 = arith.index_cast %multiple_of3A_178 : i32 to index
            %get3A_216 = tpu.vector_load %arg5[%get3A_214, %get3A_215] {strides = array<i32>} : memref<300x128xf32, #tpu.memory_space<vmem>>, vector<16xf32>,
            %get3A_217 = arith.index_cast %add3A_161 : i32 to index
            %get3A_218 = arith.index_cast %multiple_of3A_178 : i32 to index
            %get3A_219 = tpu.vector_load %arg5[%get3A_217, %get3A_218] {strides = array<i32>} : memref<300x128xf32, #tpu.memory_space<vmem>>, vector<16xf32>,
            %get3A_220 = arith.index_cast %add3A_163 : i32 to index
            %get3A_221 = arith.index_cast %multiple_of3A_178 : i32 to index
            %get3A_222 = tpu.vector_load %arg5[%get3A_220, %get3A_221] {strides = array<i32>} : memref<300x128xf32, #tpu.memory_space<vmem>>, vector<16xf32>,
            %get3A_223 = arith.index_cast %add3A_165 : i32 to index
            %get3A_224 = arith.index_cast %multiple_of3A_178 : i32 to index
            %get3A_225 = tpu.vector_load %arg5[%get3A_223, %get3A_224] {strides = array<i32>} : memref<300x128xf32, #tpu.memory_space<vmem>>, vector<16xf32>,
            %broadcast_in_dim3A = vector.shape_cast %and3A_4 : vector<16xi32> to vector<16x1xi32>
            %gather3A = vector.shape_cast %broadcast_in_dim3A : vector<16x1xi32> to vector<16xi32>
            %gather3A_226 = tpu.dynamic_gather %get3A_183[%gather3A] in [0] : vector<16xf32>, vector<16xi32> -> vector<16xf32>
            %broadcast_in_dim3A_227 = vector.shape_cast %and3A_28 : vector<16xi32> to vector<16x1xi32>
            %gather3A_228 = vector.shape_cast %broadcast_in_dim3A_227 : vector<16x1xi32> to vector<16xi32>
            %gather3A_229 = tpu.dynamic_gather %get3A_180[%gather3A_228] in [0] : vector<16xf32>, vector<16xi32> -> vector<16xf32>
            %select_n3A = arith.select %eq3A_51, %get3A_180, %gather3A_226 : vector<16xi1>, vector<16xf32>
            %select_n3A_230 = arith.select %eq3A_51, %gather3A_229, %get3A_183 : vector<16xi1>, vector<16xf32>
            %broadcast_in_dim3A_231 = vector.shape_cast %and3A_4 : vector<16xi32> to vector<16x1xi32>
            %gather3A_232 = vector.shape_cast %broadcast_in_dim3A_231 : vector<16x1xi32> to vector<16xi32>
            %gather3A_233 = tpu.dynamic_gather %get3A_189[%gather3A_232] in [0] : vector<16xf32>, vector<16xi32> -> vector<16xf32>
            %broadcast_in_dim3A_234 = vector.shape_cast %and3A_28 : vector<16xi32> to vector<16x1xi32>
            %gather3A_235 = vector.shape_cast %broadcast_in_dim3A_234 : vector<16x1xi32> to vector<16xi32>
            %gather3A_236 = tpu.dynamic_gather %get3A_186[%gather3A_235] in [0] : vector<16xf32>, vector<16xi32> -> vector<16xf32>
            %select_n3A_237 = arith.select %eq3A_51, %get3A_186, %gather3A_233 : vector<16xi1>, vector<16xf32>
            %select_n3A_238 = arith.select %eq3A_51, %gather3A_236, %get3A_189 : vector<16xi1>, vector<16xf32>
            %broadcast_in_dim3A_239 = vector.shape_cast %and3A_4 : vector<16xi32> to vector<16x1xi32>
            %gather3A_240 = vector.shape_cast %broadcast_in_dim3A_239 : vector<16x1xi32> to vector<16xi32>
            %gather3A_241 = tpu.dynamic_gather %get3A_195[%gather3A_240] in [0] : vector<16xf32>, vector<16xi32> -> vector<16xf32>
            %broadcast_in_dim3A_242 = vector.shape_cast %and3A_28 : vector<16xi32> to vector<16x1xi32>
            %gather3A_243 = vector.shape_cast %broadcast_in_dim3A_242 : vector<16x1xi32> to vector<16xi32>
            %gather3A_244 = tpu.dynamic_gather %get3A_192[%gather3A_243] in [0] : vector<16xf32>, vector<16xi32> -> vector<16xf32>
            %select_n3A_245 = arith.select %eq3A_51, %get3A_192, %gather3A_241 : vector<16xi1>, vector<16xf32>
            %select_n3A_246 = arith.select %eq3A_51, %gather3A_244, %get3A_195 : vector<16xi1>, vector<16xf32>
            %broadcast_in_dim3A_247 = vector.shape_cast %and3A_4 : vector<16xi32> to vector<16x1xi32>
            %gather3A_248 = vector.shape_cast %broadcast_in_dim3A_247 : vector<16x1xi32> to vector<16xi32>
            %gather3A_249 = tpu.dynamic_gather %get3A_201[%gather3A_248] in [0] : vector<16xf32>, vector<16xi32> -> vector<16xf32>
            %broadcast_in_dim3A_250 = vector.shape_cast %and3A_28 : vector<16xi32> to vector<16x1xi32>
            %gather3A_251 = vector.shape_cast %broadcast_in_dim3A_250 : vector<16x1xi32> to vector<16xi32>
            %gather3A_252 = tpu.dynamic_gather %get3A_198[%gather3A_251] in [0] : vector<16xf32>, vector<16xi32> -> vector<16xf32>
            %select_n3A_253 = arith.select %eq3A_51, %get3A_198, %gather3A_249 : vector<16xi1>, vector<16xf32>
            %select_n3A_254 = arith.select %eq3A_51, %gather3A_252, %get3A_201 : vector<16xi1>, vector<16xf32>
            %broadcast_in_dim3A_255 = vector.shape_cast %and3A_4 : vector<16xi32> to vector<16x1xi32>
            %gather3A_256 = vector.shape_cast %broadcast_in_dim3A_255 : vector<16x1xi32> to vector<16xi32>
            %gather3A_257 = tpu.dynamic_gather %get3A_207[%gather3A_256] in [0] : vector<16xf32>, vector<16xi32> -> vector<16xf32>
            %broadcast_in_dim3A_258 = vector.shape_cast %and3A_28 : vector<16xi32> to vector<16x1xi32>
            %gather3A_259 = vector.shape_cast %broadcast_in_dim3A_258 : vector<16x1xi32> to vector<16xi32>
            %gather3A_260 = tpu.dynamic_gather %get3A_204[%gather3A_259] in [0] : vector<16xf32>, vector<16xi32> -> vector<16xf32>
            %select_n3A_261 = arith.select %eq3A_51, %get3A_204, %gather3A_257 : vector<16xi1>, vector<16xf32>
            %select_n3A_262 = arith.select %eq3A_51, %gather3A_260, %get3A_207 : vector<16xi1>, vector<16xf32>
            %broadcast_in_dim3A_263 = vector.shape_cast %and3A_4 : vector<16xi32> to vector<16x1xi32>
            %gather3A_264 = vector.shape_cast %broadcast_in_dim3A_263 : vector<16x1xi32> to vector<16xi32>
            %gather3A_265 = tpu.dynamic_gather %get3A_213[%gather3A_264] in [0] : vector<16xf32>, vector<16xi32> -> vector<16xf32>
            %broadcast_in_dim3A_266 = vector.shape_cast %and3A_28 : vector<16xi32> to vector<16x1xi32>
            %gather3A_267 = vector.shape_cast %broadcast_in_dim3A_266 : vector<16x1xi32> to vector<16xi32>
            %gather3A_268 = tpu.dynamic_gather %get3A_210[%gather3A_267] in [0] : vector<16xf32>, vector<16xi32> -> vector<16xf32>
            %select_n3A_269 = arith.select %eq3A_51, %get3A_210, %gather3A_265 : vector<16xi1>, vector<16xf32>
            %select_n3A_270 = arith.select %eq3A_51, %gather3A_268, %get3A_213 : vector<16xi1>, vector<16xf32>
            %broadcast_in_dim3A_271 = vector.shape_cast %and3A_4 : vector<16xi32> to vector<16x1xi32>
            %gather3A_272 = vector.shape_cast %broadcast_in_dim3A_271 : vector<16x1xi32> to vector<16xi32>
            %gather3A_273 = tpu.dynamic_gather %get3A_219[%gather3A_272] in [0] : vector<16xf32>, vector<16xi32> -> vector<16xf32>
            %broadcast_in_dim3A_274 = vector.shape_cast %and3A_28 : vector<16xi32> to vector<16x1xi32>
            %gather3A_275 = vector.shape_cast %broadcast_in_dim3A_274 : vector<16x1xi32> to vector<16xi32>
            %gather3A_276 = tpu.dynamic_gather %get3A_216[%gather3A_275] in [0] : vector<16xf32>, vector<16xi32> -> vector<16xf32>
            %select_n3A_277 = arith.select %eq3A_51, %get3A_216, %gather3A_273 : vector<16xi1>, vector<16xf32>
            %select_n3A_278 = arith.select %eq3A_51, %gather3A_276, %get3A_219 : vector<16xi1>, vector<16xf32>
            %broadcast_in_dim3A_279 = vector.shape_cast %and3A_4 : vector<16xi32> to vector<16x1xi32>
            %gather3A_280 = vector.shape_cast %broadcast_in_dim3A_279 : vector<16x1xi32> to vector<16xi32>
            %gather3A_281 = tpu.dynamic_gather %get3A_225[%gather3A_280] in [0] : vector<16xf32>, vector<16xi32> -> vector<16xf32>
            %broadcast_in_dim3A_282 = vector.shape_cast %and3A_28 : vector<16xi32> to vector<16x1xi32>
            %gather3A_283 = vector.shape_cast %broadcast_in_dim3A_282 : vector<16x1xi32> to vector<16xi32>
            %gather3A_284 = tpu.dynamic_gather %get3A_222[%gather3A_283] in [0] : vector<16xf32>, vector<16xi32> -> vector<16xf32>
            %select_n3A_285 = arith.select %eq3A_51, %get3A_222, %gather3A_281 : vector<16xi1>, vector<16xf32>
            %select_n3A_286 = arith.select %eq3A_51, %gather3A_284, %get3A_225 : vector<16xi1>, vector<16xf32>
            %broadcast_in_dim3A_287 = vector.shape_cast %and3A_10 : vector<16xi32> to vector<16x1xi32>
            %gather3A_288 = vector.shape_cast %broadcast_in_dim3A_287 : vector<16x1xi32> to vector<16xi32>
            %gather3A_289 = tpu.dynamic_gather %select_n3A_237[%gather3A_288] in [0] : vector<16xf32>, vector<16xi32> -> vector<16xf32>
            %broadcast_in_dim3A_290 = vector.shape_cast %and3A_34 : vector<16xi32> to vector<16x1xi32>
            %gather3A_291 = vector.shape_cast %broadcast_in_dim3A_290 : vector<16x1xi32> to vector<16xi32>
            %gather3A_292 = tpu.dynamic_gather %select_n3A[%gather3A_291] in [0] : vector<16xf32>, vector<16xi32> -> vector<16xf32>
            %select_n3A_293 = arith.select %eq3A_57, %select_n3A, %gather3A_289 : vector<16xi1>, vector<16xf32>
            %select_n3A_294 = arith.select %eq3A_57, %gather3A_292, %select_n3A_237 : vector<16xi1>, vector<16xf32>
            %broadcast_in_dim3A_295 = vector.shape_cast %and3A_10 : vector<16xi32> to vector<16x1xi32>
            %gather3A_296 = vector.shape_cast %broadcast_in_dim3A_295 : vector<16x1xi32> to vector<16xi32>
            %gather3A_297 = tpu.dynamic_gather %select_n3A_238[%gather3A_296] in [0] : vector<16xf32>, vector<16xi32> -> vector<16xf32>
            %broadcast_in_dim3A_298 = vector.shape_cast %and3A_34 : vector<16xi32> to vector<16x1xi32>
            %gather3A_299 = vector.shape_cast %broadcast_in_dim3A_298 : vector<16x1xi32> to vector<16xi32>
            %gather3A_300 = tpu.dynamic_gather %select_n3A_230[%gather3A_299] in [0] : vector<16xf32>, vector<16xi32> -> vector<16xf32>
            %select_n3A_301 = arith.select %eq3A_57, %select_n3A_230, %gather3A_297 : vector<16xi1>, vector<16xf32>
            %select_n3A_302 = arith.select %eq3A_57, %gather3A_300, %select_n3A_238 : vector<16xi1>, vector<16xf32>
            %broadcast_in_dim3A_303 = vector.shape_cast %and3A_10 : vector<16xi32> to vector<16x1xi32>
            %gather3A_304 = vector.shape_cast %broadcast_in_dim3A_303 : vector<16x1xi32> to vector<16xi32>
            %gather3A_305 = tpu.dynamic_gather %select_n3A_253[%gather3A_304] in [0] : vector<16xf32>, vector<16xi32> -> vector<16xf32>
            %broadcast_in_dim3A_306 = vector.shape_cast %and3A_34 : vector<16xi32> to vector<16x1xi32>
            %gather3A_307 = vector.shape_cast %broadcast_in_dim3A_306 : vector<16x1xi32> to vector<16xi32>
            %gather3A_308 = tpu.dynamic_gather %select_n3A_245[%gather3A_307] in [0] : vector<16xf32>, vector<16xi32> -> vector<16xf32>
            %select_n3A_309 = arith.select %eq3A_57, %select_n3A_245, %gather3A_305 : vector<16xi1>, vector<16xf32>
            %select_n3A_310 = arith.select %eq3A_57, %gather3A_308, %select_n3A_253 : vector<16xi1>, vector<16xf32>
            %broadcast_in_dim3A_311 = vector.shape_cast %and3A_10 : vector<16xi32> to vector<16x1xi32>
            %gather3A_312 = vector.shape_cast %broadcast_in_dim3A_311 : vector<16x1xi32> to vector<16xi32>
            %gather3A_313 = tpu.dynamic_gather %select_n3A_254[%gather3A_312] in [0] : vector<16xf32>, vector<16xi32> -> vector<16xf32>
            %broadcast_in_dim3A_314 = vector.shape_cast %and3A_34 : vector<16xi32> to vector<16x1xi32>
            %gather3A_315 = vector.shape_cast %broadcast_in_dim3A_314 : vector<16x1xi32> to vector<16xi32>
            %gather3A_316 = tpu.dynamic_gather %select_n3A_246[%gather3A_315] in [0] : vector<16xf32>, vector<16xi32> -> vector<16xf32>
            %select_n3A_317 = arith.select %eq3A_57, %select_n3A_246, %gather3A_313 : vector<16xi1>, vector<16xf32>
            %select_n3A_318 = arith.select %eq3A_57, %gather3A_316, %select_n3A_254 : vector<16xi1>, vector<16xf32>
            %broadcast_in_dim3A_319 = vector.shape_cast %and3A_10 : vector<16xi32> to vector<16x1xi32>
            %gather3A_320 = vector.shape_cast %broadcast_in_dim3A_319 : vector<16x1xi32> to vector<16xi32>
            %gather3A_321 = tpu.dynamic_gather %select_n3A_269[%gather3A_320] in [0] : vector<16xf32>, vector<16xi32> -> vector<16xf32>
            %broadcast_in_dim3A_322 = vector.shape_cast %and3A_34 : vector<16xi32> to vector<16x1xi32>
            %gather3A_323 = vector.shape_cast %broadcast_in_dim3A_322 : vector<16x1xi32> to vector<16xi32>
            %gather3A_324 = tpu.dynamic_gather %select_n3A_261[%gather3A_323] in [0] : vector<16xf32>, vector<16xi32> -> vector<16xf32>
            %select_n3A_325 = arith.select %eq3A_57, %select_n3A_261, %gather3A_321 : vector<16xi1>, vector<16xf32>
            %select_n3A_326 = arith.select %eq3A_57, %gather3A_324, %select_n3A_269 : vector<16xi1>, vector<16xf32>
            %broadcast_in_dim3A_327 = vector.shape_cast %and3A_10 : vector<16xi32> to vector<16x1xi32>
            %gather3A_328 = vector.shape_cast %broadcast_in_dim3A_327 : vector<16x1xi32> to vector<16xi32>
            %gather3A_329 = tpu.dynamic_gather %select_n3A_270[%gather3A_328] in [0] : vector<16xf32>, vector<16xi32> -> vector<16xf32>
            %broadcast_in_dim3A_330 = vector.shape_cast %and3A_34 : vector<16xi32> to vector<16x1xi32>
            %gather3A_331 = vector.shape_cast %broadcast_in_dim3A_330 : vector<16x1xi32> to vector<16xi32>
            %gather3A_332 = tpu.dynamic_gather %select_n3A_262[%gather3A_331] in [0] : vector<16xf32>, vector<16xi32> -> vector<16xf32>
            %select_n3A_333 = arith.select %eq3A_57, %select_n3A_262, %gather3A_329 : vector<16xi1>, vector<16xf32>
            %select_n3A_334 = arith.select %eq3A_57, %gather3A_332, %select_n3A_270 : vector<16xi1>, vector<16xf32>
            %broadcast_in_dim3A_335 = vector.shape_cast %and3A_10 : vector<16xi32> to vector<16x1xi32>
            %gather3A_336 = vector.shape_cast %broadcast_in_dim3A_335 : vector<16x1xi32> to vector<16xi32>
            %gather3A_337 = tpu.dynamic_gather %select_n3A_285[%gather3A_336] in [0] : vector<16xf32>, vector<16xi32> -> vector<16xf32>
            %broadcast_in_dim3A_338 = vector.shape_cast %and3A_34 : vector<16xi32> to vector<16x1xi32>
            %gather3A_339 = vector.shape_cast %broadcast_in_dim3A_338 : vector<16x1xi32> to vector<16xi32>
            %gather3A_340 = tpu.dynamic_gather %select_n3A_277[%gather3A_339] in [0] : vector<16xf32>, vector<16xi32> -> vector<16xf32>
            %select_n3A_341 = arith.select %eq3A_57, %select_n3A_277, %gather3A_337 : vector<16xi1>, vector<16xf32>
            %select_n3A_342 = arith.select %eq3A_57, %gather3A_340, %select_n3A_285 : vector<16xi1>, vector<16xf32>
            %broadcast_in_dim3A_343 = vector.shape_cast %and3A_10 : vector<16xi32> to vector<16x1xi32>
            %gather3A_344 = vector.shape_cast %broadcast_in_dim3A_343 : vector<16x1xi32> to vector<16xi32>
            %gather3A_345 = tpu.dynamic_gather %select_n3A_286[%gather3A_344] in [0] : vector<16xf32>, vector<16xi32> -> vector<16xf32>
            %broadcast_in_dim3A_346 = vector.shape_cast %and3A_34 : vector<16xi32> to vector<16x1xi32>
            %gather3A_347 = vector.shape_cast %broadcast_in_dim3A_346 : vector<16x1xi32> to vector<16xi32>
            %gather3A_348 = tpu.dynamic_gather %select_n3A_278[%gather3A_347] in [0] : vector<16xf32>, vector<16xi32> -> vector<16xf32>
            %select_n3A_349 = arith.select %eq3A_57, %select_n3A_278, %gather3A_345 : vector<16xi1>, vector<16xf32>
            %select_n3A_350 = arith.select %eq3A_57, %gather3A_348, %select_n3A_286 : vector<16xi1>, vector<16xf32>
            %broadcast_in_dim3A_351 = vector.shape_cast %and3A_16 : vector<16xi32> to vector<16x1xi32>
            %gather3A_352 = vector.shape_cast %broadcast_in_dim3A_351 : vector<16x1xi32> to vector<16xi32>
            %gather3A_353 = tpu.dynamic_gather %select_n3A_309[%gather3A_352] in [0] : vector<16xf32>, vector<16xi32> -> vector<16xf32>
            %broadcast_in_dim3A_354 = vector.shape_cast %and3A_40 : vector<16xi32> to vector<16x1xi32>
            %gather3A_355 = vector.shape_cast %broadcast_in_dim3A_354 : vector<16x1xi32> to vector<16xi32>
            %gather3A_356 = tpu.dynamic_gather %select_n3A_293[%gather3A_355] in [0] : vector<16xf32>, vector<16xi32> -> vector<16xf32>
            %select_n3A_357 = arith.select %eq3A_63, %select_n3A_293, %gather3A_353 : vector<16xi1>, vector<16xf32>
            %select_n3A_358 = arith.select %eq3A_63, %gather3A_356, %select_n3A_309 : vector<16xi1>, vector<16xf32>
            %broadcast_in_dim3A_359 = vector.shape_cast %and3A_16 : vector<16xi32> to vector<16x1xi32>
            %gather3A_360 = vector.shape_cast %broadcast_in_dim3A_359 : vector<16x1xi32> to vector<16xi32>
            %gather3A_361 = tpu.dynamic_gather %select_n3A_317[%gather3A_360] in [0] : vector<16xf32>, vector<16xi32> -> vector<16xf32>
            %broadcast_in_dim3A_362 = vector.shape_cast %and3A_40 : vector<16xi32> to vector<16x1xi32>
            %gather3A_363 = vector.shape_cast %broadcast_in_dim3A_362 : vector<16x1xi32> to vector<16xi32>
            %gather3A_364 = tpu.dynamic_gather %select_n3A_301[%gather3A_363] in [0] : vector<16xf32>, vector<16xi32> -> vector<16xf32>
            %select_n3A_365 = arith.select %eq3A_63, %select_n3A_301, %gather3A_361 : vector<16xi1>, vector<16xf32>
            %select_n3A_366 = arith.select %eq3A_63, %gather3A_364, %select_n3A_317 : vector<16xi1>, vector<16xf32>
            %broadcast_in_dim3A_367 = vector.shape_cast %and3A_16 : vector<16xi32> to vector<16x1xi32>
            %gather3A_368 = vector.shape_cast %broadcast_in_dim3A_367 : vector<16x1xi32> to vector<16xi32>
            %gather3A_369 = tpu.dynamic_gather %select_n3A_310[%gather3A_368] in [0] : vector<16xf32>, vector<16xi32> -> vector<16xf32>
            %broadcast_in_dim3A_370 = vector.shape_cast %and3A_40 : vector<16xi32> to vector<16x1xi32>
            %gather3A_371 = vector.shape_cast %broadcast_in_dim3A_370 : vector<16x1xi32> to vector<16xi32>
            %gather3A_372 = tpu.dynamic_gather %select_n3A_294[%gather3A_371] in [0] : vector<16xf32>, vector<16xi32> -> vector<16xf32>
            %select_n3A_373 = arith.select %eq3A_63, %select_n3A_294, %gather3A_369 : vector<16xi1>, vector<16xf32>
            %select_n3A_374 = arith.select %eq3A_63, %gather3A_372, %select_n3A_310 : vector<16xi1>, vector<16xf32>
            %broadcast_in_dim3A_375 = vector.shape_cast %and3A_16 : vector<16xi32> to vector<16x1xi32>
            %gather3A_376 = vector.shape_cast %broadcast_in_dim3A_375 : vector<16x1xi32> to vector<16xi32>
            %gather3A_377 = tpu.dynamic_gather %select_n3A_318[%gather3A_376] in [0] : vector<16xf32>, vector<16xi32> -> vector<16xf32>
            %broadcast_in_dim3A_378 = vector.shape_cast %and3A_40 : vector<16xi32> to vector<16x1xi32>
            %gather3A_379 = vector.shape_cast %broadcast_in_dim3A_378 : vector<16x1xi32> to vector<16xi32>
            %gather3A_380 = tpu.dynamic_gather %select_n3A_302[%gather3A_379] in [0] : vector<16xf32>, vector<16xi32> -> vector<16xf32>
            %select_n3A_381 = arith.select %eq3A_63, %select_n3A_302, %gather3A_377 : vector<16xi1>, vector<16xf32>
            %select_n3A_382 = arith.select %eq3A_63, %gather3A_380, %select_n3A_318 : vector<16xi1>, vector<16xf32>
            %broadcast_in_dim3A_383 = vector.shape_cast %and3A_16 : vector<16xi32> to vector<16x1xi32>
            %gather3A_384 = vector.shape_cast %broadcast_in_dim3A_383 : vector<16x1xi32> to vector<16xi32>
            %gather3A_385 = tpu.dynamic_gather %select_n3A_341[%gather3A_384] in [0] : vector<16xf32>, vector<16xi32> -> vector<16xf32>
            %broadcast_in_dim3A_386 = vector.shape_cast %and3A_40 : vector<16xi32> to vector<16x1xi32>
            %gather3A_387 = vector.shape_cast %broadcast_in_dim3A_386 : vector<16x1xi32> to vector<16xi32>
            %gather3A_388 = tpu.dynamic_gather %select_n3A_325[%gather3A_387] in [0] : vector<16xf32>, vector<16xi32> -> vector<16xf32>
            %select_n3A_389 = arith.select %eq3A_63, %select_n3A_325, %gather3A_385 : vector<16xi1>, vector<16xf32>
            %select_n3A_390 = arith.select %eq3A_63, %gather3A_388, %select_n3A_341 : vector<16xi1>, vector<16xf32>
            %broadcast_in_dim3A_391 = vector.shape_cast %and3A_16 : vector<16xi32> to vector<16x1xi32>
            %gather3A_392 = vector.shape_cast %broadcast_in_dim3A_391 : vector<16x1xi32> to vector<16xi32>
            %gather3A_393 = tpu.dynamic_gather %select_n3A_349[%gather3A_392] in [0] : vector<16xf32>, vector<16xi32> -> vector<16xf32>
            %broadcast_in_dim3A_394 = vector.shape_cast %and3A_40 : vector<16xi32> to vector<16x1xi32>
            %gather3A_395 = vector.shape_cast %broadcast_in_dim3A_394 : vector<16x1xi32> to vector<16xi32>
            %gather3A_396 = tpu.dynamic_gather %select_n3A_333[%gather3A_395] in [0] : vector<16xf32>, vector<16xi32> -> vector<16xf32>
            %select_n3A_397 = arith.select %eq3A_63, %select_n3A_333, %gather3A_393 : vector<16xi1>, vector<16xf32>
            %select_n3A_398 = arith.select %eq3A_63, %gather3A_396, %select_n3A_349 : vector<16xi1>, vector<16xf32>
            %broadcast_in_dim3A_399 = vector.shape_cast %and3A_16 : vector<16xi32> to vector<16x1xi32>
            %gather3A_400 = vector.shape_cast %broadcast_in_dim3A_399 : vector<16x1xi32> to vector<16xi32>
            %gather3A_401 = tpu.dynamic_gather %select_n3A_342[%gather3A_400] in [0] : vector<16xf32>, vector<16xi32> -> vector<16xf32>
            %broadcast_in_dim3A_402 = vector.shape_cast %and3A_40 : vector<16xi32> to vector<16x1xi32>
            %gather3A_403 = vector.shape_cast %broadcast_in_dim3A_402 : vector<16x1xi32> to vector<16xi32>
            %gather3A_404 = tpu.dynamic_gather %select_n3A_326[%gather3A_403] in [0] : vector<16xf32>, vector<16xi32> -> vector<16xf32>
            %select_n3A_405 = arith.select %eq3A_63, %select_n3A_326, %gather3A_401 : vector<16xi1>, vector<16xf32>
            %select_n3A_406 = arith.select %eq3A_63, %gather3A_404, %select_n3A_342 : vector<16xi1>, vector<16xf32>
            %broadcast_in_dim3A_407 = vector.shape_cast %and3A_16 : vector<16xi32> to vector<16x1xi32>
            %gather3A_408 = vector.shape_cast %broadcast_in_dim3A_407 : vector<16x1xi32> to vector<16xi32>
            %gather3A_409 = tpu.dynamic_gather %select_n3A_350[%gather3A_408] in [0] : vector<16xf32>, vector<16xi32> -> vector<16xf32>
            %broadcast_in_dim3A_410 = vector.shape_cast %and3A_40 : vector<16xi32> to vector<16x1xi32>
            %gather3A_411 = vector.shape_cast %broadcast_in_dim3A_410 : vector<16x1xi32> to vector<16xi32>
            %gather3A_412 = tpu.dynamic_gather %select_n3A_334[%gather3A_411] in [0] : vector<16xf32>, vector<16xi32> -> vector<16xf32>
            %select_n3A_413 = arith.select %eq3A_63, %select_n3A_334, %gather3A_409 : vector<16xi1>, vector<16xf32>
            %select_n3A_414 = arith.select %eq3A_63, %gather3A_412, %select_n3A_350 : vector<16xi1>, vector<16xf32>
            %broadcast_in_dim3A_415 = vector.shape_cast %and3A_22 : vector<16xi32> to vector<16x1xi32>
            %gather3A_416 = vector.shape_cast %broadcast_in_dim3A_415 : vector<16x1xi32> to vector<16xi32>
            %gather3A_417 = tpu.dynamic_gather %select_n3A_389[%gather3A_416] in [0] : vector<16xf32>, vector<16xi32> -> vector<16xf32>
            %broadcast_in_dim3A_418 = vector.shape_cast %and3A_46 : vector<16xi32> to vector<16x1xi32>
            %gather3A_419 = vector.shape_cast %broadcast_in_dim3A_418 : vector<16x1xi32> to vector<16xi32>
            %gather3A_420 = tpu.dynamic_gather %select_n3A_357[%gather3A_419] in [0] : vector<16xf32>, vector<16xi32> -> vector<16xf32>
            %select_n3A_421 = arith.select %eq3A_69, %select_n3A_357, %gather3A_417 : vector<16xi1>, vector<16xf32>
            %select_n3A_422 = arith.select %eq3A_69, %gather3A_420, %select_n3A_389 : vector<16xi1>, vector<16xf32>
            %broadcast_in_dim3A_423 = vector.shape_cast %and3A_22 : vector<16xi32> to vector<16x1xi32>
            %gather3A_424 = vector.shape_cast %broadcast_in_dim3A_423 : vector<16x1xi32> to vector<16xi32>
            %gather3A_425 = tpu.dynamic_gather %select_n3A_397[%gather3A_424] in [0] : vector<16xf32>, vector<16xi32> -> vector<16xf32>
            %broadcast_in_dim3A_426 = vector.shape_cast %and3A_46 : vector<16xi32> to vector<16x1xi32>
            %gather3A_427 = vector.shape_cast %broadcast_in_dim3A_426 : vector<16x1xi32> to vector<16xi32>
            %gather3A_428 = tpu.dynamic_gather %select_n3A_365[%gather3A_427] in [0] : vector<16xf32>, vector<16xi32> -> vector<16xf32>
            %select_n3A_429 = arith.select %eq3A_69, %select_n3A_365, %gather3A_425 : vector<16xi1>, vector<16xf32>
            %select_n3A_430 = arith.select %eq3A_69, %gather3A_428, %select_n3A_397 : vector<16xi1>, vector<16xf32>
            %broadcast_in_dim3A_431 = vector.shape_cast %and3A_22 : vector<16xi32> to vector<16x1xi32>
            %gather3A_432 = vector.shape_cast %broadcast_in_dim3A_431 : vector<16x1xi32> to vector<16xi32>
            %gather3A_433 = tpu.dynamic_gather %select_n3A_405[%gather3A_432] in [0] : vector<16xf32>, vector<16xi32> -> vector<16xf32>
            %broadcast_in_dim3A_434 = vector.shape_cast %and3A_46 : vector<16xi32> to vector<16x1xi32>
            %gather3A_435 = vector.shape_cast %broadcast_in_dim3A_434 : vector<16x1xi32> to vector<16xi32>
            %gather3A_436 = tpu.dynamic_gather %select_n3A_373[%gather3A_435] in [0] : vector<16xf32>, vector<16xi32> -> vector<16xf32>
            %select_n3A_437 = arith.select %eq3A_69, %select_n3A_373, %gather3A_433 : vector<16xi1>, vector<16xf32>
            %select_n3A_438 = arith.select %eq3A_69, %gather3A_436, %select_n3A_405 : vector<16xi1>, vector<16xf32>
            %broadcast_in_dim3A_439 = vector.shape_cast %and3A_22 : vector<16xi32> to vector<16x1xi32>
            %gather3A_440 = vector.shape_cast %broadcast_in_dim3A_439 : vector<16x1xi32> to vector<16xi32>
            %gather3A_441 = tpu.dynamic_gather %select_n3A_413[%gather3A_440] in [0] : vector<16xf32>, vector<16xi32> -> vector<16xf32>
            %broadcast_in_dim3A_442 = vector.shape_cast %and3A_46 : vector<16xi32> to vector<16x1xi32>
            %gather3A_443 = vector.shape_cast %broadcast_in_dim3A_442 : vector<16x1xi32> to vector<16xi32>
            %gather3A_444 = tpu.dynamic_gather %select_n3A_381[%gather3A_443] in [0] : vector<16xf32>, vector<16xi32> -> vector<16xf32>
            %select_n3A_445 = arith.select %eq3A_69, %select_n3A_381, %gather3A_441 : vector<16xi1>, vector<16xf32>
            %select_n3A_446 = arith.select %eq3A_69, %gather3A_444, %select_n3A_413 : vector<16xi1>, vector<16xf32>
            %broadcast_in_dim3A_447 = vector.shape_cast %and3A_22 : vector<16xi32> to vector<16x1xi32>
            %gather3A_448 = vector.shape_cast %broadcast_in_dim3A_447 : vector<16x1xi32> to vector<16xi32>
            %gather3A_449 = tpu.dynamic_gather %select_n3A_390[%gather3A_448] in [0] : vector<16xf32>, vector<16xi32> -> vector<16xf32>
            %broadcast_in_dim3A_450 = vector.shape_cast %and3A_46 : vector<16xi32> to vector<16x1xi32>
            %gather3A_451 = vector.shape_cast %broadcast_in_dim3A_450 : vector<16x1xi32> to vector<16xi32>
            %gather3A_452 = tpu.dynamic_gather %select_n3A_358[%gather3A_451] in [0] : vector<16xf32>, vector<16xi32> -> vector<16xf32>
            %select_n3A_453 = arith.select %eq3A_69, %select_n3A_358, %gather3A_449 : vector<16xi1>, vector<16xf32>
            %select_n3A_454 = arith.select %eq3A_69, %gather3A_452, %select_n3A_390 : vector<16xi1>, vector<16xf32>
            %broadcast_in_dim3A_455 = vector.shape_cast %and3A_22 : vector<16xi32> to vector<16x1xi32>
            %gather3A_456 = vector.shape_cast %broadcast_in_dim3A_455 : vector<16x1xi32> to vector<16xi32>
            %gather3A_457 = tpu.dynamic_gather %select_n3A_398[%gather3A_456] in [0] : vector<16xf32>, vector<16xi32> -> vector<16xf32>
            %broadcast_in_dim3A_458 = vector.shape_cast %and3A_46 : vector<16xi32> to vector<16x1xi32>
            %gather3A_459 = vector.shape_cast %broadcast_in_dim3A_458 : vector<16x1xi32> to vector<16xi32>
            %gather3A_460 = tpu.dynamic_gather %select_n3A_366[%gather3A_459] in [0] : vector<16xf32>, vector<16xi32> -> vector<16xf32>
            %select_n3A_461 = arith.select %eq3A_69, %select_n3A_366, %gather3A_457 : vector<16xi1>, vector<16xf32>
            %select_n3A_462 = arith.select %eq3A_69, %gather3A_460, %select_n3A_398 : vector<16xi1>, vector<16xf32>
            %broadcast_in_dim3A_463 = vector.shape_cast %and3A_22 : vector<16xi32> to vector<16x1xi32>
            %gather3A_464 = vector.shape_cast %broadcast_in_dim3A_463 : vector<16x1xi32> to vector<16xi32>
            %gather3A_465 = tpu.dynamic_gather %select_n3A_406[%gather3A_464] in [0] : vector<16xf32>, vector<16xi32> -> vector<16xf32>
            %broadcast_in_dim3A_466 = vector.shape_cast %and3A_46 : vector<16xi32> to vector<16x1xi32>
            %gather3A_467 = vector.shape_cast %broadcast_in_dim3A_466 : vector<16x1xi32> to vector<16xi32>
            %gather3A_468 = tpu.dynamic_gather %select_n3A_374[%gather3A_467] in [0] : vector<16xf32>, vector<16xi32> -> vector<16xf32>
            %select_n3A_469 = arith.select %eq3A_69, %select_n3A_374, %gather3A_465 : vector<16xi1>, vector<16xf32>
            %select_n3A_470 = arith.select %eq3A_69, %gather3A_468, %select_n3A_406 : vector<16xi1>, vector<16xf32>
            %broadcast_in_dim3A_471 = vector.shape_cast %and3A_22 : vector<16xi32> to vector<16x1xi32>
            %gather3A_472 = vector.shape_cast %broadcast_in_dim3A_471 : vector<16x1xi32> to vector<16xi32>
            %gather3A_473 = tpu.dynamic_gather %select_n3A_414[%gather3A_472] in [0] : vector<16xf32>, vector<16xi32> -> vector<16xf32>
            %broadcast_in_dim3A_474 = vector.shape_cast %and3A_46 : vector<16xi32> to vector<16x1xi32>
            %gather3A_475 = vector.shape_cast %broadcast_in_dim3A_474 : vector<16x1xi32> to vector<16xi32>
            %gather3A_476 = tpu.dynamic_gather %select_n3A_382[%gather3A_475] in [0] : vector<16xf32>, vector<16xi32> -> vector<16xf32>
            %select_n3A_477 = arith.select %eq3A_69, %select_n3A_382, %gather3A_473 : vector<16xi1>, vector<16xf32>
            %select_n3A_478 = arith.select %eq3A_69, %gather3A_476, %select_n3A_414 : vector<16xi1>, vector<16xf32>
            %add3A_479 = arith.constant 0 : i32
            %add3A_480 = arith.addi %multiple_of3A_178, %add3A_479 : i32
            %swap3A = arith.index_cast %add3A_480 : i32 to index
            %swap3A_481 = arith.index_cast %multiple_of3A_168 : i32 to index
            %swap3A_482 = tpu.vector_load %arg6[%swap3A, %swap3A_481] {strides = array<i32>} : memref<128x256xf32, #tpu.memory_space<vmem>>, vector<16xf32>,
            tpu.vector_store %arg6[%swap3A, %swap3A_481], %select_n3A_421 {strides = array<i32>} : memref<128x256xf32, #tpu.memory_space<vmem>>, vector<16xf32>,
            %add3A_483 = arith.constant 1 : i32
            %add3A_484 = arith.addi %multiple_of3A_178, %add3A_483 : i32
            %swap3A_485 = arith.index_cast %add3A_484 : i32 to index
            %swap3A_486 = arith.index_cast %multiple_of3A_168 : i32 to index
            %swap3A_487 = tpu.vector_load %arg6[%swap3A_485, %swap3A_486] {strides = array<i32>} : memref<128x256xf32, #tpu.memory_space<vmem>>, vector<16xf32>,
            tpu.vector_store %arg6[%swap3A_485, %swap3A_486], %select_n3A_429 {strides = array<i32>} : memref<128x256xf32, #tpu.memory_space<vmem>>, vector<16xf32>,
            %add3A_488 = arith.constant 2 : i32
            %add3A_489 = arith.addi %multiple_of3A_178, %add3A_488 : i32
            %swap3A_490 = arith.index_cast %add3A_489 : i32 to index
            %swap3A_491 = arith.index_cast %multiple_of3A_168 : i32 to index
            %swap3A_492 = tpu.vector_load %arg6[%swap3A_490, %swap3A_491] {strides = array<i32>} : memref<128x256xf32, #tpu.memory_space<vmem>>, vector<16xf32>,
            tpu.vector_store %arg6[%swap3A_490, %swap3A_491], %select_n3A_437 {strides = array<i32>} : memref<128x256xf32, #tpu.memory_space<vmem>>, vector<16xf32>,
            %add3A_493 = arith.constant 3 : i32
            %add3A_494 = arith.addi %multiple_of3A_178, %add3A_493 : i32
            %swap3A_495 = arith.index_cast %add3A_494 : i32 to index
            %swap3A_496 = arith.index_cast %multiple_of3A_168 : i32 to index
            %swap3A_497 = tpu.vector_load %arg6[%swap3A_495, %swap3A_496] {strides = array<i32>} : memref<128x256xf32, #tpu.memory_space<vmem>>, vector<16xf32>,
            tpu.vector_store %arg6[%swap3A_495, %swap3A_496], %select_n3A_445 {strides = array<i32>} : memref<128x256xf32, #tpu.memory_space<vmem>>, vector<16xf32>,
            %add3A_498 = arith.constant 4 : i32
            %add3A_499 = arith.addi %multiple_of3A_178, %add3A_498 : i32
            %swap3A_500 = arith.index_cast %add3A_499 : i32 to index
            %swap3A_501 = arith.index_cast %multiple_of3A_168 : i32 to index
            %swap3A_502 = tpu.vector_load %arg6[%swap3A_500, %swap3A_501] {strides = array<i32>} : memref<128x256xf32, #tpu.memory_space<vmem>>, vector<16xf32>,
            tpu.vector_store %arg6[%swap3A_500, %swap3A_501], %select_n3A_453 {strides = array<i32>} : memref<128x256xf32, #tpu.memory_space<vmem>>, vector<16xf32>,
            %add3A_503 = arith.constant 5 : i32
            %add3A_504 = arith.addi %multiple_of3A_178, %add3A_503 : i32
            %swap3A_505 = arith.index_cast %add3A_504 : i32 to index
            %swap3A_506 = arith.index_cast %multiple_of3A_168 : i32 to index
            %swap3A_507 = tpu.vector_load %arg6[%swap3A_505, %swap3A_506] {strides = array<i32>} : memref<128x256xf32, #tpu.memory_space<vmem>>, vector<16xf32>,
            tpu.vector_store %arg6[%swap3A_505, %swap3A_506], %select_n3A_461 {strides = array<i32>} : memref<128x256xf32, #tpu.memory_space<vmem>>, vector<16xf32>,
            %add3A_508 = arith.constant 6 : i32
            %add3A_509 = arith.addi %multiple_of3A_178, %add3A_508 : i32
            %swap3A_510 = arith.index_cast %add3A_509 : i32 to index
            %swap3A_511 = arith.index_cast %multiple_of3A_168 : i32 to index
            %swap3A_512 = tpu.vector_load %arg6[%swap3A_510, %swap3A_511] {strides = array<i32>} : memref<128x256xf32, #tpu.memory_space<vmem>>, vector<16xf32>,
            tpu.vector_store %arg6[%swap3A_510, %swap3A_511], %select_n3A_469 {strides = array<i32>} : memref<128x256xf32, #tpu.memory_space<vmem>>, vector<16xf32>,
            %add3A_513 = arith.constant 7 : i32
            %add3A_514 = arith.addi %multiple_of3A_178, %add3A_513 : i32
            %swap3A_515 = arith.index_cast %add3A_514 : i32 to index
            %swap3A_516 = arith.index_cast %multiple_of3A_168 : i32 to index
            %swap3A_517 = tpu.vector_load %arg6[%swap3A_515, %swap3A_516] {strides = array<i32>} : memref<128x256xf32, #tpu.memory_space<vmem>>, vector<16xf32>,
            tpu.vector_store %arg6[%swap3A_515, %swap3A_516], %select_n3A_477 {strides = array<i32>} : memref<128x256xf32, #tpu.memory_space<vmem>>, vector<16xf32>,
            %add3A_518 = arith.constant 8 : i32
            %add3A_519 = arith.addi %multiple_of3A_178, %add3A_518 : i32
            %swap3A_520 = arith.index_cast %add3A_519 : i32 to index
            %swap3A_521 = arith.index_cast %multiple_of3A_168 : i32 to index
            %swap3A_522 = tpu.vector_load %arg6[%swap3A_520, %swap3A_521] {strides = array<i32>} : memref<128x256xf32, #tpu.memory_space<vmem>>, vector<16xf32>,
            tpu.vector_store %arg6[%swap3A_520, %swap3A_521], %select_n3A_422 {strides = array<i32>} : memref<128x256xf32, #tpu.memory_space<vmem>>, vector<16xf32>,
            %add3A_523 = arith.constant 9 : i32
            %add3A_524 = arith.addi %multiple_of3A_178, %add3A_523 : i32
            %swap3A_525 = arith.index_cast %add3A_524 : i32 to index
            %swap3A_526 = arith.index_cast %multiple_of3A_168 : i32 to index
            %swap3A_527 = tpu.vector_load %arg6[%swap3A_525, %swap3A_526] {strides = array<i32>} : memref<128x256xf32, #tpu.memory_space<vmem>>, vector<16xf32>,
            tpu.vector_store %arg6[%swap3A_525, %swap3A_526], %select_n3A_430 {strides = array<i32>} : memref<128x256xf32, #tpu.memory_space<vmem>>, vector<16xf32>,
            %add3A_528 = arith.constant 10 : i32
            %add3A_529 = arith.addi %multiple_of3A_178, %add3A_528 : i32
            %swap3A_530 = arith.index_cast %add3A_529 : i32 to index
            %swap3A_531 = arith.index_cast %multiple_of3A_168 : i32 to index
            %swap3A_532 = tpu.vector_load %arg6[%swap3A_530, %swap3A_531] {strides = array<i32>} : memref<128x256xf32, #tpu.memory_space<vmem>>, vector<16xf32>,
            tpu.vector_store %arg6[%swap3A_530, %swap3A_531], %select_n3A_438 {strides = array<i32>} : memref<128x256xf32, #tpu.memory_space<vmem>>, vector<16xf32>,
            %add3A_533 = arith.constant 11 : i32
            %add3A_534 = arith.addi %multiple_of3A_178, %add3A_533 : i32
            %swap3A_535 = arith.index_cast %add3A_534 : i32 to index
            %swap3A_536 = arith.index_cast %multiple_of3A_168 : i32 to index
            %swap3A_537 = tpu.vector_load %arg6[%swap3A_535, %swap3A_536] {strides = array<i32>} : memref<128x256xf32, #tpu.memory_space<vmem>>, vector<16xf32>,
            tpu.vector_store %arg6[%swap3A_535, %swap3A_536], %select_n3A_446 {strides = array<i32>} : memref<128x256xf32, #tpu.memory_space<vmem>>, vector<16xf32>,
            %add3A_538 = arith.constant 12 : i32
            %add3A_539 = arith.addi %multiple_of3A_178, %add3A_538 : i32
            %swap3A_540 = arith.index_cast %add3A_539 : i32 to index
            %swap3A_541 = arith.index_cast %multiple_of3A_168 : i32 to index
            %swap3A_542 = tpu.vector_load %arg6[%swap3A_540, %swap3A_541] {strides = array<i32>} : memref<128x256xf32, #tpu.memory_space<vmem>>, vector<16xf32>,
            tpu.vector_store %arg6[%swap3A_540, %swap3A_541], %select_n3A_454 {strides = array<i32>} : memref<128x256xf32, #tpu.memory_space<vmem>>, vector<16xf32>,
            %add3A_543 = arith.constant 13 : i32
            %add3A_544 = arith.addi %multiple_of3A_178, %add3A_543 : i32
            %swap3A_545 = arith.index_cast %add3A_544 : i32 to index
            %swap3A_546 = arith.index_cast %multiple_of3A_168 : i32 to index
            %swap3A_547 = tpu.vector_load %arg6[%swap3A_545, %swap3A_546] {strides = array<i32>} : memref<128x256xf32, #tpu.memory_space<vmem>>, vector<16xf32>,
            tpu.vector_store %arg6[%swap3A_545, %swap3A_546], %select_n3A_462 {strides = array<i32>} : memref<128x256xf32, #tpu.memory_space<vmem>>, vector<16xf32>,
            %add3A_548 = arith.constant 14 : i32
            %add3A_549 = arith.addi %multiple_of3A_178, %add3A_548 : i32
            %swap3A_550 = arith.index_cast %add3A_549 : i32 to index
            %swap3A_551 = arith.index_cast %multiple_of3A_168 : i32 to index
            %swap3A_552 = tpu.vector_load %arg6[%swap3A_550, %swap3A_551] {strides = array<i32>} : memref<128x256xf32, #tpu.memory_space<vmem>>, vector<16xf32>,
            tpu.vector_store %arg6[%swap3A_550, %swap3A_551], %select_n3A_470 {strides = array<i32>} : memref<128x256xf32, #tpu.memory_space<vmem>>, vector<16xf32>,
            %add3A_553 = arith.constant 15 : i32
            %add3A_554 = arith.addi %multiple_of3A_178, %add3A_553 : i32
            %swap3A_555 = arith.index_cast %add3A_554 : i32 to index
            %swap3A_556 = arith.index_cast %multiple_of3A_168 : i32 to index
            %swap3A_557 = tpu.vector_load %arg6[%swap3A_555, %swap3A_556] {strides = array<i32>} : memref<128x256xf32, #tpu.memory_space<vmem>>, vector<16xf32>,
            tpu.vector_store %arg6[%swap3A_555, %swap3A_556], %select_n3A_478 {strides = array<i32>} : memref<128x256xf32, #tpu.memory_space<vmem>>, vector<16xf32>,
          }
          %scan3A_174 = arith.constant 8 : i32
        }
        %scan3A_122 = arith.constant 10 : i32
        %scan3A_123 = arith.constant 0 : i32
        %scan3A_124 = arith.constant 0 : i32
        %scan3A_125 = arith.constant 8 : i32
        %scan3A_126 = arith.addi %scan3A_124, %scan3A_125 : i32
        %scan3A_127 = arith.constant 1 : i32
        scf.for %scan3A_131 = %scan3A_124 to %scan3A_126 step %scan3A_127  : i32 {
          %mul3A_132 = arith.constant 16 : i32
          %mul3A_133 = arith.muli %scan3A_131, %mul3A_132 : i32
          %multiple_of3A = tpu.assume_multiple %mul3A_133, 16 : i32
          %get3A = arith.constant 288 : i32
          %get3A_134 = arith.index_cast %get3A : i32 to index
          %get3A_135 = arith.index_cast %multiple_of3A : i32 to index
          %get3A_136 = tpu.vector_load %arg5[%get3A_134, %get3A_135] {strides = array<i32>} : memref<300x128xf32, #tpu.memory_space<vmem>>, vector<16xf32>,
          %get3A_137 = arith.constant 289 : i32
          %get3A_138 = arith.index_cast %get3A_137 : i32 to index
          %get3A_139 = arith.index_cast %multiple_of3A : i32 to index
          %get3A_140 = tpu.vector_load %arg5[%get3A_138, %get3A_139] {strides = array<i32>} : memref<300x128xf32, #tpu.memory_space<vmem>>, vector<16xf32>,
          %get3A_141 = arith.constant 290 : i32
          %get3A_142 = arith.index_cast %get3A_141 : i32 to index
          %get3A_143 = arith.index_cast %multiple_of3A : i32 to index
          %get3A_144 = tpu.vector_load %arg5[%get3A_142, %get3A_143] {strides = array<i32>} : memref<300x128xf32, #tpu.memory_space<vmem>>, vector<16xf32>,
          %get3A_145 = arith.constant 291 : i32
          %get3A_146 = arith.index_cast %get3A_145 : i32 to index
          %get3A_147 = arith.index_cast %multiple_of3A : i32 to index
          %get3A_148 = tpu.vector_load %arg5[%get3A_146, %get3A_147] {strides = array<i32>} : memref<300x128xf32, #tpu.memory_space<vmem>>, vector<16xf32>,
          %get3A_149 = arith.constant 292 : i32
          %get3A_150 = arith.index_cast %get3A_149 : i32 to index
          %get3A_151 = arith.index_cast %multiple_of3A : i32 to index
          %get3A_152 = tpu.vector_load %arg5[%get3A_150, %get3A_151] {strides = array<i32>} : memref<300x128xf32, #tpu.memory_space<vmem>>, vector<16xf32>,
          %get3A_153 = arith.constant 293 : i32
          %get3A_154 = arith.index_cast %get3A_153 : i32 to index
          %get3A_155 = arith.index_cast %multiple_of3A : i32 to index
          %get3A_156 = tpu.vector_load %arg5[%get3A_154, %get3A_155] {strides = array<i32>} : memref<300x128xf32, #tpu.memory_space<vmem>>, vector<16xf32>,
          %get3A_157 = arith.constant 294 : i32
          %get3A_158 = arith.index_cast %get3A_157 : i32 to index
          %get3A_159 = arith.index_cast %multiple_of3A : i32 to index
          %get3A_160 = tpu.vector_load %arg5[%get3A_158, %get3A_159] {strides = array<i32>} : memref<300x128xf32, #tpu.memory_space<vmem>>, vector<16xf32>,
          %get3A_161 = arith.constant 295 : i32
          %get3A_162 = arith.index_cast %get3A_161 : i32 to index
          %get3A_163 = arith.index_cast %multiple_of3A : i32 to index
          %get3A_164 = tpu.vector_load %arg5[%get3A_162, %get3A_163] {strides = array<i32>} : memref<300x128xf32, #tpu.memory_space<vmem>>, vector<16xf32>,
          %get3A_165 = arith.constant 296 : i32
          %get3A_166 = arith.index_cast %get3A_165 : i32 to index
          %get3A_167 = arith.index_cast %multiple_of3A : i32 to index
          %get3A_168 = tpu.vector_load %arg5[%get3A_166, %get3A_167] {strides = array<i32>} : memref<300x128xf32, #tpu.memory_space<vmem>>, vector<16xf32>,
          %get3A_169 = arith.constant 297 : i32
          %get3A_170 = arith.index_cast %get3A_169 : i32 to index
          %get3A_171 = arith.index_cast %multiple_of3A : i32 to index
          %get3A_172 = tpu.vector_load %arg5[%get3A_170, %get3A_171] {strides = array<i32>} : memref<300x128xf32, #tpu.memory_space<vmem>>, vector<16xf32>,
          %get3A_173 = arith.constant 298 : i32
          %get3A_174 = arith.index_cast %get3A_173 : i32 to index
          %get3A_175 = arith.index_cast %multiple_of3A : i32 to index
          %get3A_176 = tpu.vector_load %arg5[%get3A_174, %get3A_175] {strides = array<i32>} : memref<300x128xf32, #tpu.memory_space<vmem>>, vector<16xf32>,
          %get3A_177 = arith.constant 299 : i32
          %get3A_178 = arith.index_cast %get3A_177 : i32 to index
          %get3A_179 = arith.index_cast %multiple_of3A : i32 to index
          %get3A_180 = tpu.vector_load %arg5[%get3A_178, %get3A_179] {strides = array<i32>} : memref<300x128xf32, #tpu.memory_space<vmem>>, vector<16xf32>,
          %get3A_181 = arith.constant 299 : i32
          %get3A_182 = arith.index_cast %get3A_181 : i32 to index
          %get3A_183 = arith.index_cast %multiple_of3A : i32 to index
          %get3A_184 = tpu.vector_load %arg5[%get3A_182, %get3A_183] {strides = array<i32>} : memref<300x128xf32, #tpu.memory_space<vmem>>, vector<16xf32>,
          %get3A_185 = arith.constant 299 : i32
          %get3A_186 = arith.index_cast %get3A_185 : i32 to index
          %get3A_187 = arith.index_cast %multiple_of3A : i32 to index
          %get3A_188 = tpu.vector_load %arg5[%get3A_186, %get3A_187] {strides = array<i32>} : memref<300x128xf32, #tpu.memory_space<vmem>>, vector<16xf32>,
          %get3A_189 = arith.constant 299 : i32
          %get3A_190 = arith.index_cast %get3A_189 : i32 to index
          %get3A_191 = arith.index_cast %multiple_of3A : i32 to index
          %get3A_192 = tpu.vector_load %arg5[%get3A_190, %get3A_191] {strides = array<i32>} : memref<300x128xf32, #tpu.memory_space<vmem>>, vector<16xf32>,
          %get3A_193 = arith.constant 299 : i32
          %get3A_194 = arith.index_cast %get3A_193 : i32 to index
          %get3A_195 = arith.index_cast %multiple_of3A : i32 to index
          %get3A_196 = tpu.vector_load %arg5[%get3A_194, %get3A_195] {strides = array<i32>} : memref<300x128xf32, #tpu.memory_space<vmem>>, vector<16xf32>,
          %broadcast_in_dim3A = vector.shape_cast %and3A_4 : vector<16xi32> to vector<16x1xi32>
          %gather3A = vector.shape_cast %broadcast_in_dim3A : vector<16x1xi32> to vector<16xi32>
          %gather3A_197 = tpu.dynamic_gather %get3A_140[%gather3A] in [0] : vector<16xf32>, vector<16xi32> -> vector<16xf32>
          %broadcast_in_dim3A_198 = vector.shape_cast %and3A_28 : vector<16xi32> to vector<16x1xi32>
          %gather3A_199 = vector.shape_cast %broadcast_in_dim3A_198 : vector<16x1xi32> to vector<16xi32>
          %gather3A_200 = tpu.dynamic_gather %get3A_136[%gather3A_199] in [0] : vector<16xf32>, vector<16xi32> -> vector<16xf32>
          %select_n3A = arith.select %eq3A_51, %get3A_136, %gather3A_197 : vector<16xi1>, vector<16xf32>
          %select_n3A_201 = arith.select %eq3A_51, %gather3A_200, %get3A_140 : vector<16xi1>, vector<16xf32>
          %broadcast_in_dim3A_202 = vector.shape_cast %and3A_4 : vector<16xi32> to vector<16x1xi32>
          %gather3A_203 = vector.shape_cast %broadcast_in_dim3A_202 : vector<16x1xi32> to vector<16xi32>
          %gather3A_204 = tpu.dynamic_gather %get3A_148[%gather3A_203] in [0] : vector<16xf32>, vector<16xi32> -> vector<16xf32>
          %broadcast_in_dim3A_205 = vector.shape_cast %and3A_28 : vector<16xi32> to vector<16x1xi32>
          %gather3A_206 = vector.shape_cast %broadcast_in_dim3A_205 : vector<16x1xi32> to vector<16xi32>
          %gather3A_207 = tpu.dynamic_gather %get3A_144[%gather3A_206] in [0] : vector<16xf32>, vector<16xi32> -> vector<16xf32>
          %select_n3A_208 = arith.select %eq3A_51, %get3A_144, %gather3A_204 : vector<16xi1>, vector<16xf32>
          %select_n3A_209 = arith.select %eq3A_51, %gather3A_207, %get3A_148 : vector<16xi1>, vector<16xf32>
          %broadcast_in_dim3A_210 = vector.shape_cast %and3A_4 : vector<16xi32> to vector<16x1xi32>
          %gather3A_211 = vector.shape_cast %broadcast_in_dim3A_210 : vector<16x1xi32> to vector<16xi32>
          %gather3A_212 = tpu.dynamic_gather %get3A_156[%gather3A_211] in [0] : vector<16xf32>, vector<16xi32> -> vector<16xf32>
          %broadcast_in_dim3A_213 = vector.shape_cast %and3A_28 : vector<16xi32> to vector<16x1xi32>
          %gather3A_214 = vector.shape_cast %broadcast_in_dim3A_213 : vector<16x1xi32> to vector<16xi32>
          %gather3A_215 = tpu.dynamic_gather %get3A_152[%gather3A_214] in [0] : vector<16xf32>, vector<16xi32> -> vector<16xf32>
          %select_n3A_216 = arith.select %eq3A_51, %get3A_152, %gather3A_212 : vector<16xi1>, vector<16xf32>
          %select_n3A_217 = arith.select %eq3A_51, %gather3A_215, %get3A_156 : vector<16xi1>, vector<16xf32>
          %broadcast_in_dim3A_218 = vector.shape_cast %and3A_4 : vector<16xi32> to vector<16x1xi32>
          %gather3A_219 = vector.shape_cast %broadcast_in_dim3A_218 : vector<16x1xi32> to vector<16xi32>
          %gather3A_220 = tpu.dynamic_gather %get3A_164[%gather3A_219] in [0] : vector<16xf32>, vector<16xi32> -> vector<16xf32>
          %broadcast_in_dim3A_221 = vector.shape_cast %and3A_28 : vector<16xi32> to vector<16x1xi32>
          %gather3A_222 = vector.shape_cast %broadcast_in_dim3A_221 : vector<16x1xi32> to vector<16xi32>
          %gather3A_223 = tpu.dynamic_gather %get3A_160[%gather3A_222] in [0] : vector<16xf32>, vector<16xi32> -> vector<16xf32>
          %select_n3A_224 = arith.select %eq3A_51, %get3A_160, %gather3A_220 : vector<16xi1>, vector<16xf32>
          %select_n3A_225 = arith.select %eq3A_51, %gather3A_223, %get3A_164 : vector<16xi1>, vector<16xf32>
          %broadcast_in_dim3A_226 = vector.shape_cast %and3A_4 : vector<16xi32> to vector<16x1xi32>
          %gather3A_227 = vector.shape_cast %broadcast_in_dim3A_226 : vector<16x1xi32> to vector<16xi32>
          %gather3A_228 = tpu.dynamic_gather %get3A_172[%gather3A_227] in [0] : vector<16xf32>, vector<16xi32> -> vector<16xf32>
          %broadcast_in_dim3A_229 = vector.shape_cast %and3A_28 : vector<16xi32> to vector<16x1xi32>
          %gather3A_230 = vector.shape_cast %broadcast_in_dim3A_229 : vector<16x1xi32> to vector<16xi32>
          %gather3A_231 = tpu.dynamic_gather %get3A_168[%gather3A_230] in [0] : vector<16xf32>, vector<16xi32> -> vector<16xf32>
          %select_n3A_232 = arith.select %eq3A_51, %get3A_168, %gather3A_228 : vector<16xi1>, vector<16xf32>
          %select_n3A_233 = arith.select %eq3A_51, %gather3A_231, %get3A_172 : vector<16xi1>, vector<16xf32>
          %broadcast_in_dim3A_234 = vector.shape_cast %and3A_4 : vector<16xi32> to vector<16x1xi32>
          %gather3A_235 = vector.shape_cast %broadcast_in_dim3A_234 : vector<16x1xi32> to vector<16xi32>
          %gather3A_236 = tpu.dynamic_gather %get3A_180[%gather3A_235] in [0] : vector<16xf32>, vector<16xi32> -> vector<16xf32>
          %broadcast_in_dim3A_237 = vector.shape_cast %and3A_28 : vector<16xi32> to vector<16x1xi32>
          %gather3A_238 = vector.shape_cast %broadcast_in_dim3A_237 : vector<16x1xi32> to vector<16xi32>
          %gather3A_239 = tpu.dynamic_gather %get3A_176[%gather3A_238] in [0] : vector<16xf32>, vector<16xi32> -> vector<16xf32>
          %select_n3A_240 = arith.select %eq3A_51, %get3A_176, %gather3A_236 : vector<16xi1>, vector<16xf32>
          %select_n3A_241 = arith.select %eq3A_51, %gather3A_239, %get3A_180 : vector<16xi1>, vector<16xf32>
          %broadcast_in_dim3A_242 = vector.shape_cast %and3A_4 : vector<16xi32> to vector<16x1xi32>
          %gather3A_243 = vector.shape_cast %broadcast_in_dim3A_242 : vector<16x1xi32> to vector<16xi32>
          %gather3A_244 = tpu.dynamic_gather %get3A_188[%gather3A_243] in [0] : vector<16xf32>, vector<16xi32> -> vector<16xf32>
          %broadcast_in_dim3A_245 = vector.shape_cast %and3A_28 : vector<16xi32> to vector<16x1xi32>
          %gather3A_246 = vector.shape_cast %broadcast_in_dim3A_245 : vector<16x1xi32> to vector<16xi32>
          %gather3A_247 = tpu.dynamic_gather %get3A_184[%gather3A_246] in [0] : vector<16xf32>, vector<16xi32> -> vector<16xf32>
          %select_n3A_248 = arith.select %eq3A_51, %get3A_184, %gather3A_244 : vector<16xi1>, vector<16xf32>
          %select_n3A_249 = arith.select %eq3A_51, %gather3A_247, %get3A_188 : vector<16xi1>, vector<16xf32>
          %broadcast_in_dim3A_250 = vector.shape_cast %and3A_4 : vector<16xi32> to vector<16x1xi32>
          %gather3A_251 = vector.shape_cast %broadcast_in_dim3A_250 : vector<16x1xi32> to vector<16xi32>
          %gather3A_252 = tpu.dynamic_gather %get3A_196[%gather3A_251] in [0] : vector<16xf32>, vector<16xi32> -> vector<16xf32>
          %broadcast_in_dim3A_253 = vector.shape_cast %and3A_28 : vector<16xi32> to vector<16x1xi32>
          %gather3A_254 = vector.shape_cast %broadcast_in_dim3A_253 : vector<16x1xi32> to vector<16xi32>
          %gather3A_255 = tpu.dynamic_gather %get3A_192[%gather3A_254] in [0] : vector<16xf32>, vector<16xi32> -> vector<16xf32>
          %select_n3A_256 = arith.select %eq3A_51, %get3A_192, %gather3A_252 : vector<16xi1>, vector<16xf32>
          %select_n3A_257 = arith.select %eq3A_51, %gather3A_255, %get3A_196 : vector<16xi1>, vector<16xf32>
          %broadcast_in_dim3A_258 = vector.shape_cast %and3A_10 : vector<16xi32> to vector<16x1xi32>
          %gather3A_259 = vector.shape_cast %broadcast_in_dim3A_258 : vector<16x1xi32> to vector<16xi32>
          %gather3A_260 = tpu.dynamic_gather %select_n3A_208[%gather3A_259] in [0] : vector<16xf32>, vector<16xi32> -> vector<16xf32>
          %broadcast_in_dim3A_261 = vector.shape_cast %and3A_34 : vector<16xi32> to vector<16x1xi32>
          %gather3A_262 = vector.shape_cast %broadcast_in_dim3A_261 : vector<16x1xi32> to vector<16xi32>
          %gather3A_263 = tpu.dynamic_gather %select_n3A[%gather3A_262] in [0] : vector<16xf32>, vector<16xi32> -> vector<16xf32>
          %select_n3A_264 = arith.select %eq3A_57, %select_n3A, %gather3A_260 : vector<16xi1>, vector<16xf32>
          %select_n3A_265 = arith.select %eq3A_57, %gather3A_263, %select_n3A_208 : vector<16xi1>, vector<16xf32>
          %broadcast_in_dim3A_266 = vector.shape_cast %and3A_10 : vector<16xi32> to vector<16x1xi32>
          %gather3A_267 = vector.shape_cast %broadcast_in_dim3A_266 : vector<16x1xi32> to vector<16xi32>
          %gather3A_268 = tpu.dynamic_gather %select_n3A_209[%gather3A_267] in [0] : vector<16xf32>, vector<16xi32> -> vector<16xf32>
          %broadcast_in_dim3A_269 = vector.shape_cast %and3A_34 : vector<16xi32> to vector<16x1xi32>
          %gather3A_270 = vector.shape_cast %broadcast_in_dim3A_269 : vector<16x1xi32> to vector<16xi32>
          %gather3A_271 = tpu.dynamic_gather %select_n3A_201[%gather3A_270] in [0] : vector<16xf32>, vector<16xi32> -> vector<16xf32>
          %select_n3A_272 = arith.select %eq3A_57, %select_n3A_201, %gather3A_268 : vector<16xi1>, vector<16xf32>
          %select_n3A_273 = arith.select %eq3A_57, %gather3A_271, %select_n3A_209 : vector<16xi1>, vector<16xf32>
          %broadcast_in_dim3A_274 = vector.shape_cast %and3A_10 : vector<16xi32> to vector<16x1xi32>
          %gather3A_275 = vector.shape_cast %broadcast_in_dim3A_274 : vector<16x1xi32> to vector<16xi32>
          %gather3A_276 = tpu.dynamic_gather %select_n3A_224[%gather3A_275] in [0] : vector<16xf32>, vector<16xi32> -> vector<16xf32>
          %broadcast_in_dim3A_277 = vector.shape_cast %and3A_34 : vector<16xi32> to vector<16x1xi32>
          %gather3A_278 = vector.shape_cast %broadcast_in_dim3A_277 : vector<16x1xi32> to vector<16xi32>
          %gather3A_279 = tpu.dynamic_gather %select_n3A_216[%gather3A_278] in [0] : vector<16xf32>, vector<16xi32> -> vector<16xf32>
          %select_n3A_280 = arith.select %eq3A_57, %select_n3A_216, %gather3A_276 : vector<16xi1>, vector<16xf32>
          %select_n3A_281 = arith.select %eq3A_57, %gather3A_279, %select_n3A_224 : vector<16xi1>, vector<16xf32>
          %broadcast_in_dim3A_282 = vector.shape_cast %and3A_10 : vector<16xi32> to vector<16x1xi32>
          %gather3A_283 = vector.shape_cast %broadcast_in_dim3A_282 : vector<16x1xi32> to vector<16xi32>
          %gather3A_284 = tpu.dynamic_gather %select_n3A_225[%gather3A_283] in [0] : vector<16xf32>, vector<16xi32> -> vector<16xf32>
          %broadcast_in_dim3A_285 = vector.shape_cast %and3A_34 : vector<16xi32> to vector<16x1xi32>
          %gather3A_286 = vector.shape_cast %broadcast_in_dim3A_285 : vector<16x1xi32> to vector<16xi32>
          %gather3A_287 = tpu.dynamic_gather %select_n3A_217[%gather3A_286] in [0] : vector<16xf32>, vector<16xi32> -> vector<16xf32>
          %select_n3A_288 = arith.select %eq3A_57, %select_n3A_217, %gather3A_284 : vector<16xi1>, vector<16xf32>
          %select_n3A_289 = arith.select %eq3A_57, %gather3A_287, %select_n3A_225 : vector<16xi1>, vector<16xf32>
          %broadcast_in_dim3A_290 = vector.shape_cast %and3A_10 : vector<16xi32> to vector<16x1xi32>
          %gather3A_291 = vector.shape_cast %broadcast_in_dim3A_290 : vector<16x1xi32> to vector<16xi32>
          %gather3A_292 = tpu.dynamic_gather %select_n3A_240[%gather3A_291] in [0] : vector<16xf32>, vector<16xi32> -> vector<16xf32>
          %broadcast_in_dim3A_293 = vector.shape_cast %and3A_34 : vector<16xi32> to vector<16x1xi32>
          %gather3A_294 = vector.shape_cast %broadcast_in_dim3A_293 : vector<16x1xi32> to vector<16xi32>
          %gather3A_295 = tpu.dynamic_gather %select_n3A_232[%gather3A_294] in [0] : vector<16xf32>, vector<16xi32> -> vector<16xf32>
          %select_n3A_296 = arith.select %eq3A_57, %select_n3A_232, %gather3A_292 : vector<16xi1>, vector<16xf32>
          %select_n3A_297 = arith.select %eq3A_57, %gather3A_295, %select_n3A_240 : vector<16xi1>, vector<16xf32>
          %broadcast_in_dim3A_298 = vector.shape_cast %and3A_10 : vector<16xi32> to vector<16x1xi32>
          %gather3A_299 = vector.shape_cast %broadcast_in_dim3A_298 : vector<16x1xi32> to vector<16xi32>
          %gather3A_300 = tpu.dynamic_gather %select_n3A_241[%gather3A_299] in [0] : vector<16xf32>, vector<16xi32> -> vector<16xf32>
          %broadcast_in_dim3A_301 = vector.shape_cast %and3A_34 : vector<16xi32> to vector<16x1xi32>
          %gather3A_302 = vector.shape_cast %broadcast_in_dim3A_301 : vector<16x1xi32> to vector<16xi32>
          %gather3A_303 = tpu.dynamic_gather %select_n3A_233[%gather3A_302] in [0] : vector<16xf32>, vector<16xi32> -> vector<16xf32>
          %select_n3A_304 = arith.select %eq3A_57, %select_n3A_233, %gather3A_300 : vector<16xi1>, vector<16xf32>
          %select_n3A_305 = arith.select %eq3A_57, %gather3A_303, %select_n3A_241 : vector<16xi1>, vector<16xf32>
          %broadcast_in_dim3A_306 = vector.shape_cast %and3A_10 : vector<16xi32> to vector<16x1xi32>
          %gather3A_307 = vector.shape_cast %broadcast_in_dim3A_306 : vector<16x1xi32> to vector<16xi32>
          %gather3A_308 = tpu.dynamic_gather %select_n3A_256[%gather3A_307] in [0] : vector<16xf32>, vector<16xi32> -> vector<16xf32>
          %broadcast_in_dim3A_309 = vector.shape_cast %and3A_34 : vector<16xi32> to vector<16x1xi32>
          %gather3A_310 = vector.shape_cast %broadcast_in_dim3A_309 : vector<16x1xi32> to vector<16xi32>
          %gather3A_311 = tpu.dynamic_gather %select_n3A_248[%gather3A_310] in [0] : vector<16xf32>, vector<16xi32> -> vector<16xf32>
          %select_n3A_312 = arith.select %eq3A_57, %select_n3A_248, %gather3A_308 : vector<16xi1>, vector<16xf32>
          %select_n3A_313 = arith.select %eq3A_57, %gather3A_311, %select_n3A_256 : vector<16xi1>, vector<16xf32>
          %broadcast_in_dim3A_314 = vector.shape_cast %and3A_10 : vector<16xi32> to vector<16x1xi32>
          %gather3A_315 = vector.shape_cast %broadcast_in_dim3A_314 : vector<16x1xi32> to vector<16xi32>
          %gather3A_316 = tpu.dynamic_gather %select_n3A_257[%gather3A_315] in [0] : vector<16xf32>, vector<16xi32> -> vector<16xf32>
          %broadcast_in_dim3A_317 = vector.shape_cast %and3A_34 : vector<16xi32> to vector<16x1xi32>
          %gather3A_318 = vector.shape_cast %broadcast_in_dim3A_317 : vector<16x1xi32> to vector<16xi32>
          %gather3A_319 = tpu.dynamic_gather %select_n3A_249[%gather3A_318] in [0] : vector<16xf32>, vector<16xi32> -> vector<16xf32>
          %select_n3A_320 = arith.select %eq3A_57, %select_n3A_249, %gather3A_316 : vector<16xi1>, vector<16xf32>
          %select_n3A_321 = arith.select %eq3A_57, %gather3A_319, %select_n3A_257 : vector<16xi1>, vector<16xf32>
          %broadcast_in_dim3A_322 = vector.shape_cast %and3A_16 : vector<16xi32> to vector<16x1xi32>
          %gather3A_323 = vector.shape_cast %broadcast_in_dim3A_322 : vector<16x1xi32> to vector<16xi32>
          %gather3A_324 = tpu.dynamic_gather %select_n3A_280[%gather3A_323] in [0] : vector<16xf32>, vector<16xi32> -> vector<16xf32>
          %broadcast_in_dim3A_325 = vector.shape_cast %and3A_40 : vector<16xi32> to vector<16x1xi32>
          %gather3A_326 = vector.shape_cast %broadcast_in_dim3A_325 : vector<16x1xi32> to vector<16xi32>
          %gather3A_327 = tpu.dynamic_gather %select_n3A_264[%gather3A_326] in [0] : vector<16xf32>, vector<16xi32> -> vector<16xf32>
          %select_n3A_328 = arith.select %eq3A_63, %select_n3A_264, %gather3A_324 : vector<16xi1>, vector<16xf32>
          %select_n3A_329 = arith.select %eq3A_63, %gather3A_327, %select_n3A_280 : vector<16xi1>, vector<16xf32>
          %broadcast_in_dim3A_330 = vector.shape_cast %and3A_16 : vector<16xi32> to vector<16x1xi32>
          %gather3A_331 = vector.shape_cast %broadcast_in_dim3A_330 : vector<16x1xi32> to vector<16xi32>
          %gather3A_332 = tpu.dynamic_gather %select_n3A_288[%gather3A_331] in [0] : vector<16xf32>, vector<16xi32> -> vector<16xf32>
          %broadcast_in_dim3A_333 = vector.shape_cast %and3A_40 : vector<16xi32> to vector<16x1xi32>
          %gather3A_334 = vector.shape_cast %broadcast_in_dim3A_333 : vector<16x1xi32> to vector<16xi32>
          %gather3A_335 = tpu.dynamic_gather %select_n3A_272[%gather3A_334] in [0] : vector<16xf32>, vector<16xi32> -> vector<16xf32>
          %select_n3A_336 = arith.select %eq3A_63, %select_n3A_272, %gather3A_332 : vector<16xi1>, vector<16xf32>
          %select_n3A_337 = arith.select %eq3A_63, %gather3A_335, %select_n3A_288 : vector<16xi1>, vector<16xf32>
          %broadcast_in_dim3A_338 = vector.shape_cast %and3A_16 : vector<16xi32> to vector<16x1xi32>
          %gather3A_339 = vector.shape_cast %broadcast_in_dim3A_338 : vector<16x1xi32> to vector<16xi32>
          %gather3A_340 = tpu.dynamic_gather %select_n3A_281[%gather3A_339] in [0] : vector<16xf32>, vector<16xi32> -> vector<16xf32>
          %broadcast_in_dim3A_341 = vector.shape_cast %and3A_40 : vector<16xi32> to vector<16x1xi32>
          %gather3A_342 = vector.shape_cast %broadcast_in_dim3A_341 : vector<16x1xi32> to vector<16xi32>
          %gather3A_343 = tpu.dynamic_gather %select_n3A_265[%gather3A_342] in [0] : vector<16xf32>, vector<16xi32> -> vector<16xf32>
          %select_n3A_344 = arith.select %eq3A_63, %select_n3A_265, %gather3A_340 : vector<16xi1>, vector<16xf32>
          %select_n3A_345 = arith.select %eq3A_63, %gather3A_343, %select_n3A_281 : vector<16xi1>, vector<16xf32>
          %broadcast_in_dim3A_346 = vector.shape_cast %and3A_16 : vector<16xi32> to vector<16x1xi32>
          %gather3A_347 = vector.shape_cast %broadcast_in_dim3A_346 : vector<16x1xi32> to vector<16xi32>
          %gather3A_348 = tpu.dynamic_gather %select_n3A_289[%gather3A_347] in [0] : vector<16xf32>, vector<16xi32> -> vector<16xf32>
          %broadcast_in_dim3A_349 = vector.shape_cast %and3A_40 : vector<16xi32> to vector<16x1xi32>
          %gather3A_350 = vector.shape_cast %broadcast_in_dim3A_349 : vector<16x1xi32> to vector<16xi32>
          %gather3A_351 = tpu.dynamic_gather %select_n3A_273[%gather3A_350] in [0] : vector<16xf32>, vector<16xi32> -> vector<16xf32>
          %select_n3A_352 = arith.select %eq3A_63, %select_n3A_273, %gather3A_348 : vector<16xi1>, vector<16xf32>
          %select_n3A_353 = arith.select %eq3A_63, %gather3A_351, %select_n3A_289 : vector<16xi1>, vector<16xf32>
          %broadcast_in_dim3A_354 = vector.shape_cast %and3A_16 : vector<16xi32> to vector<16x1xi32>
          %gather3A_355 = vector.shape_cast %broadcast_in_dim3A_354 : vector<16x1xi32> to vector<16xi32>
          %gather3A_356 = tpu.dynamic_gather %select_n3A_312[%gather3A_355] in [0] : vector<16xf32>, vector<16xi32> -> vector<16xf32>
          %broadcast_in_dim3A_357 = vector.shape_cast %and3A_40 : vector<16xi32> to vector<16x1xi32>
          %gather3A_358 = vector.shape_cast %broadcast_in_dim3A_357 : vector<16x1xi32> to vector<16xi32>
          %gather3A_359 = tpu.dynamic_gather %select_n3A_296[%gather3A_358] in [0] : vector<16xf32>, vector<16xi32> -> vector<16xf32>
          %select_n3A_360 = arith.select %eq3A_63, %select_n3A_296, %gather3A_356 : vector<16xi1>, vector<16xf32>
          %select_n3A_361 = arith.select %eq3A_63, %gather3A_359, %select_n3A_312 : vector<16xi1>, vector<16xf32>
          %broadcast_in_dim3A_362 = vector.shape_cast %and3A_16 : vector<16xi32> to vector<16x1xi32>
          %gather3A_363 = vector.shape_cast %broadcast_in_dim3A_362 : vector<16x1xi32> to vector<16xi32>
          %gather3A_364 = tpu.dynamic_gather %select_n3A_320[%gather3A_363] in [0] : vector<16xf32>, vector<16xi32> -> vector<16xf32>
          %broadcast_in_dim3A_365 = vector.shape_cast %and3A_40 : vector<16xi32> to vector<16x1xi32>
          %gather3A_366 = vector.shape_cast %broadcast_in_dim3A_365 : vector<16x1xi32> to vector<16xi32>
          %gather3A_367 = tpu.dynamic_gather %select_n3A_304[%gather3A_366] in [0] : vector<16xf32>, vector<16xi32> -> vector<16xf32>
          %select_n3A_368 = arith.select %eq3A_63, %select_n3A_304, %gather3A_364 : vector<16xi1>, vector<16xf32>
          %select_n3A_369 = arith.select %eq3A_63, %gather3A_367, %select_n3A_320 : vector<16xi1>, vector<16xf32>
          %broadcast_in_dim3A_370 = vector.shape_cast %and3A_16 : vector<16xi32> to vector<16x1xi32>
          %gather3A_371 = vector.shape_cast %broadcast_in_dim3A_370 : vector<16x1xi32> to vector<16xi32>
          %gather3A_372 = tpu.dynamic_gather %select_n3A_313[%gather3A_371] in [0] : vector<16xf32>, vector<16xi32> -> vector<16xf32>
          %broadcast_in_dim3A_373 = vector.shape_cast %and3A_40 : vector<16xi32> to vector<16x1xi32>
          %gather3A_374 = vector.shape_cast %broadcast_in_dim3A_373 : vector<16x1xi32> to vector<16xi32>
          %gather3A_375 = tpu.dynamic_gather %select_n3A_297[%gather3A_374] in [0] : vector<16xf32>, vector<16xi32> -> vector<16xf32>
          %select_n3A_376 = arith.select %eq3A_63, %select_n3A_297, %gather3A_372 : vector<16xi1>, vector<16xf32>
          %select_n3A_377 = arith.select %eq3A_63, %gather3A_375, %select_n3A_313 : vector<16xi1>, vector<16xf32>
          %broadcast_in_dim3A_378 = vector.shape_cast %and3A_16 : vector<16xi32> to vector<16x1xi32>
          %gather3A_379 = vector.shape_cast %broadcast_in_dim3A_378 : vector<16x1xi32> to vector<16xi32>
          %gather3A_380 = tpu.dynamic_gather %select_n3A_321[%gather3A_379] in [0] : vector<16xf32>, vector<16xi32> -> vector<16xf32>
          %broadcast_in_dim3A_381 = vector.shape_cast %and3A_40 : vector<16xi32> to vector<16x1xi32>
          %gather3A_382 = vector.shape_cast %broadcast_in_dim3A_381 : vector<16x1xi32> to vector<16xi32>
          %gather3A_383 = tpu.dynamic_gather %select_n3A_305[%gather3A_382] in [0] : vector<16xf32>, vector<16xi32> -> vector<16xf32>
          %select_n3A_384 = arith.select %eq3A_63, %select_n3A_305, %gather3A_380 : vector<16xi1>, vector<16xf32>
          %select_n3A_385 = arith.select %eq3A_63, %gather3A_383, %select_n3A_321 : vector<16xi1>, vector<16xf32>
          %broadcast_in_dim3A_386 = vector.shape_cast %and3A_22 : vector<16xi32> to vector<16x1xi32>
          %gather3A_387 = vector.shape_cast %broadcast_in_dim3A_386 : vector<16x1xi32> to vector<16xi32>
          %gather3A_388 = tpu.dynamic_gather %select_n3A_360[%gather3A_387] in [0] : vector<16xf32>, vector<16xi32> -> vector<16xf32>
          %broadcast_in_dim3A_389 = vector.shape_cast %and3A_46 : vector<16xi32> to vector<16x1xi32>
          %gather3A_390 = vector.shape_cast %broadcast_in_dim3A_389 : vector<16x1xi32> to vector<16xi32>
          %gather3A_391 = tpu.dynamic_gather %select_n3A_328[%gather3A_390] in [0] : vector<16xf32>, vector<16xi32> -> vector<16xf32>
          %select_n3A_392 = arith.select %eq3A_69, %select_n3A_328, %gather3A_388 : vector<16xi1>, vector<16xf32>
          %select_n3A_393 = arith.select %eq3A_69, %gather3A_391, %select_n3A_360 : vector<16xi1>, vector<16xf32>
          %broadcast_in_dim3A_394 = vector.shape_cast %and3A_22 : vector<16xi32> to vector<16x1xi32>
          %gather3A_395 = vector.shape_cast %broadcast_in_dim3A_394 : vector<16x1xi32> to vector<16xi32>
          %gather3A_396 = tpu.dynamic_gather %select_n3A_368[%gather3A_395] in [0] : vector<16xf32>, vector<16xi32> -> vector<16xf32>
          %broadcast_in_dim3A_397 = vector.shape_cast %and3A_46 : vector<16xi32> to vector<16x1xi32>
          %gather3A_398 = vector.shape_cast %broadcast_in_dim3A_397 : vector<16x1xi32> to vector<16xi32>
          %gather3A_399 = tpu.dynamic_gather %select_n3A_336[%gather3A_398] in [0] : vector<16xf32>, vector<16xi32> -> vector<16xf32>
          %select_n3A_400 = arith.select %eq3A_69, %select_n3A_336, %gather3A_396 : vector<16xi1>, vector<16xf32>
          %select_n3A_401 = arith.select %eq3A_69, %gather3A_399, %select_n3A_368 : vector<16xi1>, vector<16xf32>
          %broadcast_in_dim3A_402 = vector.shape_cast %and3A_22 : vector<16xi32> to vector<16x1xi32>
          %gather3A_403 = vector.shape_cast %broadcast_in_dim3A_402 : vector<16x1xi32> to vector<16xi32>
          %gather3A_404 = tpu.dynamic_gather %select_n3A_376[%gather3A_403] in [0] : vector<16xf32>, vector<16xi32> -> vector<16xf32>
          %broadcast_in_dim3A_405 = vector.shape_cast %and3A_46 : vector<16xi32> to vector<16x1xi32>
          %gather3A_406 = vector.shape_cast %broadcast_in_dim3A_405 : vector<16x1xi32> to vector<16xi32>
          %gather3A_407 = tpu.dynamic_gather %select_n3A_344[%gather3A_406] in [0] : vector<16xf32>, vector<16xi32> -> vector<16xf32>
          %select_n3A_408 = arith.select %eq3A_69, %select_n3A_344, %gather3A_404 : vector<16xi1>, vector<16xf32>
          %select_n3A_409 = arith.select %eq3A_69, %gather3A_407, %select_n3A_376 : vector<16xi1>, vector<16xf32>
          %broadcast_in_dim3A_410 = vector.shape_cast %and3A_22 : vector<16xi32> to vector<16x1xi32>
          %gather3A_411 = vector.shape_cast %broadcast_in_dim3A_410 : vector<16x1xi32> to vector<16xi32>
          %gather3A_412 = tpu.dynamic_gather %select_n3A_384[%gather3A_411] in [0] : vector<16xf32>, vector<16xi32> -> vector<16xf32>
          %broadcast_in_dim3A_413 = vector.shape_cast %and3A_46 : vector<16xi32> to vector<16x1xi32>
          %gather3A_414 = vector.shape_cast %broadcast_in_dim3A_413 : vector<16x1xi32> to vector<16xi32>
          %gather3A_415 = tpu.dynamic_gather %select_n3A_352[%gather3A_414] in [0] : vector<16xf32>, vector<16xi32> -> vector<16xf32>
          %select_n3A_416 = arith.select %eq3A_69, %select_n3A_352, %gather3A_412 : vector<16xi1>, vector<16xf32>
          %select_n3A_417 = arith.select %eq3A_69, %gather3A_415, %select_n3A_384 : vector<16xi1>, vector<16xf32>
          %broadcast_in_dim3A_418 = vector.shape_cast %and3A_22 : vector<16xi32> to vector<16x1xi32>
          %gather3A_419 = vector.shape_cast %broadcast_in_dim3A_418 : vector<16x1xi32> to vector<16xi32>
          %gather3A_420 = tpu.dynamic_gather %select_n3A_361[%gather3A_419] in [0] : vector<16xf32>, vector<16xi32> -> vector<16xf32>
          %broadcast_in_dim3A_421 = vector.shape_cast %and3A_46 : vector<16xi32> to vector<16x1xi32>
          %gather3A_422 = vector.shape_cast %broadcast_in_dim3A_421 : vector<16x1xi32> to vector<16xi32>
          %gather3A_423 = tpu.dynamic_gather %select_n3A_329[%gather3A_422] in [0] : vector<16xf32>, vector<16xi32> -> vector<16xf32>
          %select_n3A_424 = arith.select %eq3A_69, %select_n3A_329, %gather3A_420 : vector<16xi1>, vector<16xf32>
          %select_n3A_425 = arith.select %eq3A_69, %gather3A_423, %select_n3A_361 : vector<16xi1>, vector<16xf32>
          %broadcast_in_dim3A_426 = vector.shape_cast %and3A_22 : vector<16xi32> to vector<16x1xi32>
          %gather3A_427 = vector.shape_cast %broadcast_in_dim3A_426 : vector<16x1xi32> to vector<16xi32>
          %gather3A_428 = tpu.dynamic_gather %select_n3A_369[%gather3A_427] in [0] : vector<16xf32>, vector<16xi32> -> vector<16xf32>
          %broadcast_in_dim3A_429 = vector.shape_cast %and3A_46 : vector<16xi32> to vector<16x1xi32>
          %gather3A_430 = vector.shape_cast %broadcast_in_dim3A_429 : vector<16x1xi32> to vector<16xi32>
          %gather3A_431 = tpu.dynamic_gather %select_n3A_337[%gather3A_430] in [0] : vector<16xf32>, vector<16xi32> -> vector<16xf32>
          %select_n3A_432 = arith.select %eq3A_69, %select_n3A_337, %gather3A_428 : vector<16xi1>, vector<16xf32>
          %select_n3A_433 = arith.select %eq3A_69, %gather3A_431, %select_n3A_369 : vector<16xi1>, vector<16xf32>
          %broadcast_in_dim3A_434 = vector.shape_cast %and3A_22 : vector<16xi32> to vector<16x1xi32>
          %gather3A_435 = vector.shape_cast %broadcast_in_dim3A_434 : vector<16x1xi32> to vector<16xi32>
          %gather3A_436 = tpu.dynamic_gather %select_n3A_377[%gather3A_435] in [0] : vector<16xf32>, vector<16xi32> -> vector<16xf32>
          %broadcast_in_dim3A_437 = vector.shape_cast %and3A_46 : vector<16xi32> to vector<16x1xi32>
          %gather3A_438 = vector.shape_cast %broadcast_in_dim3A_437 : vector<16x1xi32> to vector<16xi32>
          %gather3A_439 = tpu.dynamic_gather %select_n3A_345[%gather3A_438] in [0] : vector<16xf32>, vector<16xi32> -> vector<16xf32>
          %select_n3A_440 = arith.select %eq3A_69, %select_n3A_345, %gather3A_436 : vector<16xi1>, vector<16xf32>
          %select_n3A_441 = arith.select %eq3A_69, %gather3A_439, %select_n3A_377 : vector<16xi1>, vector<16xf32>
          %broadcast_in_dim3A_442 = vector.shape_cast %and3A_22 : vector<16xi32> to vector<16x1xi32>
          %gather3A_443 = vector.shape_cast %broadcast_in_dim3A_442 : vector<16x1xi32> to vector<16xi32>
          %gather3A_444 = tpu.dynamic_gather %select_n3A_385[%gather3A_443] in [0] : vector<16xf32>, vector<16xi32> -> vector<16xf32>
          %broadcast_in_dim3A_445 = vector.shape_cast %and3A_46 : vector<16xi32> to vector<16x1xi32>
          %gather3A_446 = vector.shape_cast %broadcast_in_dim3A_445 : vector<16x1xi32> to vector<16xi32>
          %gather3A_447 = tpu.dynamic_gather %select_n3A_353[%gather3A_446] in [0] : vector<16xf32>, vector<16xi32> -> vector<16xf32>
          %select_n3A_448 = arith.select %eq3A_69, %select_n3A_353, %gather3A_444 : vector<16xi1>, vector<16xf32>
          %select_n3A_449 = arith.select %eq3A_69, %gather3A_447, %select_n3A_385 : vector<16xi1>, vector<16xf32>
          %add3A_450 = arith.constant 0 : i32
          %add3A_451 = arith.addi %multiple_of3A, %add3A_450 : i32
          %swap3A = arith.index_cast %add3A_451 : i32 to index
          %swap3A_452 = arith.constant 160 : index
          %swap3A_453 = tpu.vector_load %arg6[%swap3A, %swap3A_452] {strides = array<i32>} : memref<128x256xf32, #tpu.memory_space<vmem>>, vector<16xf32>,
          tpu.vector_store %arg6[%swap3A, %swap3A_452], %select_n3A_392 {strides = array<i32>} : memref<128x256xf32, #tpu.memory_space<vmem>>, vector<16xf32>,
          %add3A_454 = arith.constant 1 : i32
          %add3A_455 = arith.addi %multiple_of3A, %add3A_454 : i32
          %swap3A_456 = arith.index_cast %add3A_455 : i32 to index
          %swap3A_457 = arith.constant 160 : index
          %swap3A_458 = tpu.vector_load %arg6[%swap3A_456, %swap3A_457] {strides = array<i32>} : memref<128x256xf32, #tpu.memory_space<vmem>>, vector<16xf32>,
          tpu.vector_store %arg6[%swap3A_456, %swap3A_457], %select_n3A_400 {strides = array<i32>} : memref<128x256xf32, #tpu.memory_space<vmem>>, vector<16xf32>,
          %add3A_459 = arith.constant 2 : i32
          %add3A_460 = arith.addi %multiple_of3A, %add3A_459 : i32
          %swap3A_461 = arith.index_cast %add3A_460 : i32 to index
          %swap3A_462 = arith.constant 160 : index
          %swap3A_463 = tpu.vector_load %arg6[%swap3A_461, %swap3A_462] {strides = array<i32>} : memref<128x256xf32, #tpu.memory_space<vmem>>, vector<16xf32>,
          tpu.vector_store %arg6[%swap3A_461, %swap3A_462], %select_n3A_408 {strides = array<i32>} : memref<128x256xf32, #tpu.memory_space<vmem>>, vector<16xf32>,
          %add3A_464 = arith.constant 3 : i32
          %add3A_465 = arith.addi %multiple_of3A, %add3A_464 : i32
          %swap3A_466 = arith.index_cast %add3A_465 : i32 to index
          %swap3A_467 = arith.constant 160 : index
          %swap3A_468 = tpu.vector_load %arg6[%swap3A_466, %swap3A_467] {strides = array<i32>} : memref<128x256xf32, #tpu.memory_space<vmem>>, vector<16xf32>,
          tpu.vector_store %arg6[%swap3A_466, %swap3A_467], %select_n3A_416 {strides = array<i32>} : memref<128x256xf32, #tpu.memory_space<vmem>>, vector<16xf32>,
          %add3A_469 = arith.constant 4 : i32
          %add3A_470 = arith.addi %multiple_of3A, %add3A_469 : i32
          %swap3A_471 = arith.index_cast %add3A_470 : i32 to index
          %swap3A_472 = arith.constant 160 : index
          %swap3A_473 = tpu.vector_load %arg6[%swap3A_471, %swap3A_472] {strides = array<i32>} : memref<128x256xf32, #tpu.memory_space<vmem>>, vector<16xf32>,
          tpu.vector_store %arg6[%swap3A_471, %swap3A_472], %select_n3A_424 {strides = array<i32>} : memref<128x256xf32, #tpu.memory_space<vmem>>, vector<16xf32>,
          %add3A_474 = arith.constant 5 : i32
          %add3A_475 = arith.addi %multiple_of3A, %add3A_474 : i32
          %swap3A_476 = arith.index_cast %add3A_475 : i32 to index
          %swap3A_477 = arith.constant 160 : index
          %swap3A_478 = tpu.vector_load %arg6[%swap3A_476, %swap3A_477] {strides = array<i32>} : memref<128x256xf32, #tpu.memory_space<vmem>>, vector<16xf32>,
          tpu.vector_store %arg6[%swap3A_476, %swap3A_477], %select_n3A_432 {strides = array<i32>} : memref<128x256xf32, #tpu.memory_space<vmem>>, vector<16xf32>,
          %add3A_479 = arith.constant 6 : i32
          %add3A_480 = arith.addi %multiple_of3A, %add3A_479 : i32
          %swap3A_481 = arith.index_cast %add3A_480 : i32 to index
          %swap3A_482 = arith.constant 160 : index
          %swap3A_483 = tpu.vector_load %arg6[%swap3A_481, %swap3A_482] {strides = array<i32>} : memref<128x256xf32, #tpu.memory_space<vmem>>, vector<16xf32>,
          tpu.vector_store %arg6[%swap3A_481, %swap3A_482], %select_n3A_440 {strides = array<i32>} : memref<128x256xf32, #tpu.memory_space<vmem>>, vector<16xf32>,
          %add3A_484 = arith.constant 7 : i32
          %add3A_485 = arith.addi %multiple_of3A, %add3A_484 : i32
          %swap3A_486 = arith.index_cast %add3A_485 : i32 to index
          %swap3A_487 = arith.constant 160 : index
          %swap3A_488 = tpu.vector_load %arg6[%swap3A_486, %swap3A_487] {strides = array<i32>} : memref<128x256xf32, #tpu.memory_space<vmem>>, vector<16xf32>,
          tpu.vector_store %arg6[%swap3A_486, %swap3A_487], %select_n3A_448 {strides = array<i32>} : memref<128x256xf32, #tpu.memory_space<vmem>>, vector<16xf32>,
          %add3A_489 = arith.constant 8 : i32
          %add3A_490 = arith.addi %multiple_of3A, %add3A_489 : i32
          %swap3A_491 = arith.index_cast %add3A_490 : i32 to index
          %swap3A_492 = arith.constant 160 : index
          %swap3A_493 = tpu.vector_load %arg6[%swap3A_491, %swap3A_492] {strides = array<i32>} : memref<128x256xf32, #tpu.memory_space<vmem>>, vector<16xf32>,
          tpu.vector_store %arg6[%swap3A_491, %swap3A_492], %select_n3A_393 {strides = array<i32>} : memref<128x256xf32, #tpu.memory_space<vmem>>, vector<16xf32>,
          %add3A_494 = arith.constant 9 : i32
          %add3A_495 = arith.addi %multiple_of3A, %add3A_494 : i32
          %swap3A_496 = arith.index_cast %add3A_495 : i32 to index
          %swap3A_497 = arith.constant 160 : index
          %swap3A_498 = tpu.vector_load %arg6[%swap3A_496, %swap3A_497] {strides = array<i32>} : memref<128x256xf32, #tpu.memory_space<vmem>>, vector<16xf32>,
          tpu.vector_store %arg6[%swap3A_496, %swap3A_497], %select_n3A_401 {strides = array<i32>} : memref<128x256xf32, #tpu.memory_space<vmem>>, vector<16xf32>,
          %add3A_499 = arith.constant 10 : i32
          %add3A_500 = arith.addi %multiple_of3A, %add3A_499 : i32
          %swap3A_501 = arith.index_cast %add3A_500 : i32 to index
          %swap3A_502 = arith.constant 160 : index
          %swap3A_503 = tpu.vector_load %arg6[%swap3A_501, %swap3A_502] {strides = array<i32>} : memref<128x256xf32, #tpu.memory_space<vmem>>, vector<16xf32>,
          tpu.vector_store %arg6[%swap3A_501, %swap3A_502], %select_n3A_409 {strides = array<i32>} : memref<128x256xf32, #tpu.memory_space<vmem>>, vector<16xf32>,
          %add3A_504 = arith.constant 11 : i32
          %add3A_505 = arith.addi %multiple_of3A, %add3A_504 : i32
          %swap3A_506 = arith.index_cast %add3A_505 : i32 to index
          %swap3A_507 = arith.constant 160 : index
          %swap3A_508 = tpu.vector_load %arg6[%swap3A_506, %swap3A_507] {strides = array<i32>} : memref<128x256xf32, #tpu.memory_space<vmem>>, vector<16xf32>,
          tpu.vector_store %arg6[%swap3A_506, %swap3A_507], %select_n3A_417 {strides = array<i32>} : memref<128x256xf32, #tpu.memory_space<vmem>>, vector<16xf32>,
          %add3A_509 = arith.constant 12 : i32
          %add3A_510 = arith.addi %multiple_of3A, %add3A_509 : i32
          %swap3A_511 = arith.index_cast %add3A_510 : i32 to index
          %swap3A_512 = arith.constant 160 : index
          %swap3A_513 = tpu.vector_load %arg6[%swap3A_511, %swap3A_512] {strides = array<i32>} : memref<128x256xf32, #tpu.memory_space<vmem>>, vector<16xf32>,
          tpu.vector_store %arg6[%swap3A_511, %swap3A_512], %select_n3A_425 {strides = array<i32>} : memref<128x256xf32, #tpu.memory_space<vmem>>, vector<16xf32>,
          %add3A_514 = arith.constant 13 : i32
          %add3A_515 = arith.addi %multiple_of3A, %add3A_514 : i32
          %swap3A_516 = arith.index_cast %add3A_515 : i32 to index
          %swap3A_517 = arith.constant 160 : index
          %swap3A_518 = tpu.vector_load %arg6[%swap3A_516, %swap3A_517] {strides = array<i32>} : memref<128x256xf32, #tpu.memory_space<vmem>>, vector<16xf32>,
          tpu.vector_store %arg6[%swap3A_516, %swap3A_517], %select_n3A_433 {strides = array<i32>} : memref<128x256xf32, #tpu.memory_space<vmem>>, vector<16xf32>,
          %add3A_519 = arith.constant 14 : i32
          %add3A_520 = arith.addi %multiple_of3A, %add3A_519 : i32
          %swap3A_521 = arith.index_cast %add3A_520 : i32 to index
          %swap3A_522 = arith.constant 160 : index
          %swap3A_523 = tpu.vector_load %arg6[%swap3A_521, %swap3A_522] {strides = array<i32>} : memref<128x256xf32, #tpu.memory_space<vmem>>, vector<16xf32>,
          tpu.vector_store %arg6[%swap3A_521, %swap3A_522], %select_n3A_441 {strides = array<i32>} : memref<128x256xf32, #tpu.memory_space<vmem>>, vector<16xf32>,
          %add3A_524 = arith.constant 15 : i32
          %add3A_525 = arith.addi %multiple_of3A, %add3A_524 : i32
          %swap3A_526 = arith.index_cast %add3A_525 : i32 to index
          %swap3A_527 = arith.constant 160 : index
          %swap3A_528 = tpu.vector_load %arg6[%swap3A_526, %swap3A_527] {strides = array<i32>} : memref<128x256xf32, #tpu.memory_space<vmem>>, vector<16xf32>,
          tpu.vector_store %arg6[%swap3A_526, %swap3A_527], %select_n3A_449 {strides = array<i32>} : memref<128x256xf32, #tpu.memory_space<vmem>>, vector<16xf32>,
        }
        %scan3A_128 = arith.constant 8 : i32
        %mul3A_129 = arith.constant 128 : i32
        %mul3A_130 = arith.muli %add3A_84, %mul3A_129 : i32
        "tpu.region"() ({
          %run_scoped3A = tpu.sem_alloc : memref<!tpu.dma_semaphore, #tpu.memory_space<semaphore_mem>>
          %dma_start3A = arith.constant 0 : i32
          %dma_start3A_131 = tpu.memref_slice %arg3[%mul3A_130, %dma_start3A] : memref<400000x256xf32, #tpu.memory_space<hbm>> -> memref<128x256xf32, #tpu.memory_space<hbm>>
          %dma_start3A_132 = arith.constant 0 : i32
          %dma_start3A_133 = tpu.memref_slice %arg3[%mul3A_130, %dma_start3A_132] : memref<400000x256xf32, #tpu.memory_space<hbm>> -> memref<128x256xf32, #tpu.memory_space<hbm>>
          tpu.enqueue_dma source(%arg6 : memref<128x256xf32, #tpu.memory_space<vmem>>) target(%dma_start3A_133 : memref<128x256xf32, #tpu.memory_space<hbm>>) target_semaphore(%run_scoped3A : memref<!tpu.dma_semaphore, #tpu.memory_space<semaphore_mem>>)
          %dma_wait3A = arith.constant 0 : i32
          %dma_wait3A_134 = tpu.memref_slice %arg3[%mul3A_130, %dma_wait3A] : memref<400000x256xf32, #tpu.memory_space<hbm>> -> memref<128x256xf32, #tpu.memory_space<hbm>>
          %dma_wait3A_135 = arith.constant 0 : i32
          %dma_wait3A_136 = tpu.memref_slice %arg3[%mul3A_130, %dma_wait3A_135] : memref<400000x256xf32, #tpu.memory_space<hbm>> -> memref<128x256xf32, #tpu.memory_space<hbm>>
          tpu.wait_dma2 semaphore(%run_scoped3A : memref<!tpu.dma_semaphore, #tpu.memory_space<semaphore_mem>>) src(%arg6 : memref<128x256xf32, #tpu.memory_space<vmem>>) dst(%dma_wait3A_136 : memref<128x256xf32, #tpu.memory_space<hbm>>)
          tpu.yield
        }) : () -> ()
      } else {
      }
    }
    %scan3A_76 = arith.constant 49 : i32
    return
  }
}

#map = affine_map<(d0, d1) -> (0, 0, 0)>
#map1 = affine_map<(d0, d1) -> (0, 0)>
module attributes {stable_mosaic.version = 14 : i64} {
  func.func @_gather_body(%arg0: i32, %arg1: i32, %arg2: memref<32x50x128xi32, #tpu.memory_space<hbm>>, %arg3: memref<400000x128xf32, #tpu.memory_space<hbm>>, %arg4: memref<400000x256xf32, #tpu.memory_space<hbm>>, %arg5: memref<204800x384xf32, #tpu.memory_space<hbm>>, %arg6: memref<50x128xi32, #tpu.memory_space<vmem>>, %arg7: memref<128x384xf32, #tpu.memory_space<vmem>>, %arg8: memref<128x384xf32, #tpu.memory_space<vmem>>, %arg9: memref<!tpu.dma_semaphore, #tpu.memory_space<semaphore_mem>>) attributes {dimension_semantics = [#tpu.dimension_semantics<core_parallel>, #tpu.dimension_semantics<subcore_parallel>], iteration_bounds = array<i64: 2, 16>, scalar_prefetch = 0 : i64, scratch_operands = 4 : i64, tpu.core_type = #tpu.core_type<sc_vector_subcore>, window_params = [{transform_indices = #map}, {transform_indices = #map1}, {transform_indices = #map1}, {transform_indices = #map1}]} {
    %mul3A = arith.constant 2 : i32
    %mul3A_0 = arith.muli %arg1, %mul3A : i32
    %add3A = arith.addi %mul3A_0, %arg0 : i32
    %mul3A_1 = arith.constant 50 : i32
    %mul3A_2 = arith.muli %add3A, %mul3A_1 : i32
    "tpu.region"() ({
      %run_scoped3A = tpu.sem_alloc : memref<!tpu.dma_semaphore, #tpu.memory_space<semaphore_mem>>
      %dma_start3A_37 = arith.constant 0 : i32
      %dma_start3A_38 = arith.constant 0 : i32
      %dma_start3A_39 = tpu.memref_slice %arg2[%add3A, %dma_start3A_37, %dma_start3A_38] : memref<32x50x128xi32, #tpu.memory_space<hbm>> -> memref<1x50x128xi32, #tpu.memory_space<hbm>>
      %dma_start3A_40 = tpu.memref_squeeze %dma_start3A_39 : memref<1x50x128xi32, #tpu.memory_space<hbm>> -> memref<50x128xi32, #tpu.memory_space<hbm>>
      %dma_start3A_41 = arith.constant 0 : i32
      %dma_start3A_42 = arith.constant 0 : i32
      %dma_start3A_43 = tpu.memref_slice %arg2[%add3A, %dma_start3A_41, %dma_start3A_42] : memref<32x50x128xi32, #tpu.memory_space<hbm>> -> memref<1x50x128xi32, #tpu.memory_space<hbm>>
      %dma_start3A_44 = tpu.memref_squeeze %dma_start3A_43 : memref<1x50x128xi32, #tpu.memory_space<hbm>> -> memref<50x128xi32, #tpu.memory_space<hbm>>
      tpu.enqueue_dma source(%dma_start3A_44 : memref<50x128xi32, #tpu.memory_space<hbm>>) target(%arg6 : memref<50x128xi32, #tpu.memory_space<vmem>>) target_semaphore(%run_scoped3A : memref<!tpu.dma_semaphore, #tpu.memory_space<semaphore_mem>>)
      %dma_wait3A = arith.constant 0 : i32
      %dma_wait3A_45 = arith.constant 0 : i32
      %dma_wait3A_46 = tpu.memref_slice %arg2[%add3A, %dma_wait3A, %dma_wait3A_45] : memref<32x50x128xi32, #tpu.memory_space<hbm>> -> memref<1x50x128xi32, #tpu.memory_space<hbm>>
      %dma_wait3A_47 = tpu.memref_squeeze %dma_wait3A_46 : memref<1x50x128xi32, #tpu.memory_space<hbm>> -> memref<50x128xi32, #tpu.memory_space<hbm>>
      %dma_wait3A_48 = arith.constant 0 : i32
      %dma_wait3A_49 = arith.constant 0 : i32
      %dma_wait3A_50 = tpu.memref_slice %arg2[%add3A, %dma_wait3A_48, %dma_wait3A_49] : memref<32x50x128xi32, #tpu.memory_space<hbm>> -> memref<1x50x128xi32, #tpu.memory_space<hbm>>
      %dma_wait3A_51 = tpu.memref_squeeze %dma_wait3A_50 : memref<1x50x128xi32, #tpu.memory_space<hbm>> -> memref<50x128xi32, #tpu.memory_space<hbm>>
      tpu.wait_dma2 semaphore(%run_scoped3A : memref<!tpu.dma_semaphore, #tpu.memory_space<semaphore_mem>>) src(%dma_wait3A_51 : memref<50x128xi32, #tpu.memory_space<hbm>>) dst(%arg6 : memref<50x128xi32, #tpu.memory_space<vmem>>)
      tpu.yield
    }) : () -> ()
    %dma_start3A = arith.constant 0 : i32
    %dma_start3A_3 = arith.constant 0 : i32
    %dma_start3A_4 = arith.constant 0 : i32
    %dma_start3A_5 = tpu.memref_slice %arg7[%dma_start3A_3, %dma_start3A_4] : memref<128x384xf32, #tpu.memory_space<vmem>> -> memref<128x128xf32, #tpu.memory_space<vmem>>
    %dma_start3A_6 = arith.constant 0 : i32
    %dma_start3A_7 = tpu.memref_slice %arg6[%dma_start3A, %dma_start3A_6] : memref<50x128xi32, #tpu.memory_space<vmem>> -> memref<1x128xi32, #tpu.memory_space<vmem>>
    %dma_start3A_8 = tpu.memref_squeeze %dma_start3A_7 : memref<1x128xi32, #tpu.memory_space<vmem>> -> memref<128xi32, #tpu.memory_space<vmem>>
    %dma_start3A_9 = arith.constant 0 : i32
    %dma_start3A_10 = arith.constant 0 : i32
    %dma_start3A_11 = tpu.memref_slice %arg3[%dma_start3A_9, %dma_start3A_10] : memref<400000x128xf32, #tpu.memory_space<hbm>> -> memref<400000x128xf32, #tpu.memory_space<hbm>>
    tpu.enqueue_indirect_dma source(%dma_start3A_11 : memref<400000x128xf32, #tpu.memory_space<hbm>>) target(%dma_start3A_5 : memref<128x128xf32, #tpu.memory_space<vmem>>) offsets(%dma_start3A_8 : memref<128xi32, #tpu.memory_space<vmem>>) semaphore(%arg9 : memref<!tpu.dma_semaphore, #tpu.memory_space<semaphore_mem>>)
    %dma_start3A_12 = arith.constant 0 : i32
    %dma_start3A_13 = arith.constant 0 : i32
    %dma_start3A_14 = arith.constant 128 : i32
    %dma_start3A_15 = tpu.memref_slice %arg7[%dma_start3A_13, %dma_start3A_14] : memref<128x384xf32, #tpu.memory_space<vmem>> -> memref<128x128xf32, #tpu.memory_space<vmem>>
    %dma_start3A_16 = arith.constant 0 : i32
    %dma_start3A_17 = tpu.memref_slice %arg6[%dma_start3A_12, %dma_start3A_16] : memref<50x128xi32, #tpu.memory_space<vmem>> -> memref<1x128xi32, #tpu.memory_space<vmem>>
    %dma_start3A_18 = tpu.memref_squeeze %dma_start3A_17 : memref<1x128xi32, #tpu.memory_space<vmem>> -> memref<128xi32, #tpu.memory_space<vmem>>
    %dma_start3A_19 = arith.constant 0 : i32
    %dma_start3A_20 = arith.constant 0 : i32
    %dma_start3A_21 = tpu.memref_slice %arg4[%dma_start3A_19, %dma_start3A_20] : memref<400000x256xf32, #tpu.memory_space<hbm>> -> memref<400000x128xf32, #tpu.memory_space<hbm>>
    tpu.enqueue_indirect_dma source(%dma_start3A_21 : memref<400000x128xf32, #tpu.memory_space<hbm>>) target(%dma_start3A_15 : memref<128x128xf32, #tpu.memory_space<vmem>>) offsets(%dma_start3A_18 : memref<128xi32, #tpu.memory_space<vmem>>) semaphore(%arg9 : memref<!tpu.dma_semaphore, #tpu.memory_space<semaphore_mem>>)
    %dma_start3A_22 = arith.constant 0 : i32
    %dma_start3A_23 = arith.constant 0 : i32
    %dma_start3A_24 = arith.constant 256 : i32
    %dma_start3A_25 = tpu.memref_slice %arg7[%dma_start3A_23, %dma_start3A_24] : memref<128x384xf32, #tpu.memory_space<vmem>> -> memref<128x128xf32, #tpu.memory_space<vmem>>
    %dma_start3A_26 = arith.constant 0 : i32
    %dma_start3A_27 = tpu.memref_slice %arg6[%dma_start3A_22, %dma_start3A_26] : memref<50x128xi32, #tpu.memory_space<vmem>> -> memref<1x128xi32, #tpu.memory_space<vmem>>
    %dma_start3A_28 = tpu.memref_squeeze %dma_start3A_27 : memref<1x128xi32, #tpu.memory_space<vmem>> -> memref<128xi32, #tpu.memory_space<vmem>>
    %dma_start3A_29 = arith.constant 0 : i32
    %dma_start3A_30 = arith.constant 128 : i32
    %dma_start3A_31 = tpu.memref_slice %arg4[%dma_start3A_29, %dma_start3A_30] : memref<400000x256xf32, #tpu.memory_space<hbm>> -> memref<400000x128xf32, #tpu.memory_space<hbm>>
    tpu.enqueue_indirect_dma source(%dma_start3A_31 : memref<400000x128xf32, #tpu.memory_space<hbm>>) target(%dma_start3A_25 : memref<128x128xf32, #tpu.memory_space<vmem>>) offsets(%dma_start3A_28 : memref<128xi32, #tpu.memory_space<vmem>>) semaphore(%arg9 : memref<!tpu.dma_semaphore, #tpu.memory_space<semaphore_mem>>)
    %scan3A = arith.constant 0 : i32
    %scan3A_32 = arith.constant 0 : i32
    %scan3A_33 = arith.constant 25 : i32
    %scan3A_34 = arith.addi %scan3A_32, %scan3A_33 : i32
    %scan3A_35 = arith.constant 1 : i32
    scf.for %scan3A_37 = %scan3A_32 to %scan3A_34 step %scan3A_35  : i32 {
      %mul3A_38 = arith.constant 2 : i32
      %mul3A_39 = arith.muli %mul3A_38, %scan3A_37 : i32
      %add3A_40 = arith.constant 1 : i32
      %add3A_41 = arith.addi %mul3A_39, %add3A_40 : i32
      %lt3A = arith.constant 50 : i32
      %lt3A_42 = arith.cmpi slt, %add3A_41, %lt3A : i32
      %convert_element_type3A = arith.extui %lt3A_42 : i1 to i32
      %cond3A = arith.constant 0 : i32
      %cond3A_43 = arith.cmpi ne, %convert_element_type3A, %cond3A : i32
      scf.if %cond3A_43 {
        %dma_start3A_112 = arith.constant 0 : i32
        %dma_start3A_113 = arith.constant 0 : i32
        %dma_start3A_114 = tpu.memref_slice %arg8[%dma_start3A_112, %dma_start3A_113] : memref<128x384xf32, #tpu.memory_space<vmem>> -> memref<128x128xf32, #tpu.memory_space<vmem>>
        %dma_start3A_115 = arith.constant 0 : i32
        %dma_start3A_116 = tpu.memref_slice %arg6[%add3A_41, %dma_start3A_115] : memref<50x128xi32, #tpu.memory_space<vmem>> -> memref<1x128xi32, #tpu.memory_space<vmem>>
        %dma_start3A_117 = tpu.memref_squeeze %dma_start3A_116 : memref<1x128xi32, #tpu.memory_space<vmem>> -> memref<128xi32, #tpu.memory_space<vmem>>
        %dma_start3A_118 = arith.constant 0 : i32
        %dma_start3A_119 = arith.constant 0 : i32
        %dma_start3A_120 = tpu.memref_slice %arg3[%dma_start3A_118, %dma_start3A_119] : memref<400000x128xf32, #tpu.memory_space<hbm>> -> memref<400000x128xf32, #tpu.memory_space<hbm>>
        tpu.enqueue_indirect_dma source(%dma_start3A_120 : memref<400000x128xf32, #tpu.memory_space<hbm>>) target(%dma_start3A_114 : memref<128x128xf32, #tpu.memory_space<vmem>>) offsets(%dma_start3A_117 : memref<128xi32, #tpu.memory_space<vmem>>) semaphore(%arg9 : memref<!tpu.dma_semaphore, #tpu.memory_space<semaphore_mem>>)
        %dma_start3A_121 = arith.constant 0 : i32
        %dma_start3A_122 = arith.constant 128 : i32
        %dma_start3A_123 = tpu.memref_slice %arg8[%dma_start3A_121, %dma_start3A_122] : memref<128x384xf32, #tpu.memory_space<vmem>> -> memref<128x128xf32, #tpu.memory_space<vmem>>
        %dma_start3A_124 = arith.constant 0 : i32
        %dma_start3A_125 = tpu.memref_slice %arg6[%add3A_41, %dma_start3A_124] : memref<50x128xi32, #tpu.memory_space<vmem>> -> memref<1x128xi32, #tpu.memory_space<vmem>>
        %dma_start3A_126 = tpu.memref_squeeze %dma_start3A_125 : memref<1x128xi32, #tpu.memory_space<vmem>> -> memref<128xi32, #tpu.memory_space<vmem>>
        %dma_start3A_127 = arith.constant 0 : i32
        %dma_start3A_128 = arith.constant 0 : i32
        %dma_start3A_129 = tpu.memref_slice %arg4[%dma_start3A_127, %dma_start3A_128] : memref<400000x256xf32, #tpu.memory_space<hbm>> -> memref<400000x128xf32, #tpu.memory_space<hbm>>
        tpu.enqueue_indirect_dma source(%dma_start3A_129 : memref<400000x128xf32, #tpu.memory_space<hbm>>) target(%dma_start3A_123 : memref<128x128xf32, #tpu.memory_space<vmem>>) offsets(%dma_start3A_126 : memref<128xi32, #tpu.memory_space<vmem>>) semaphore(%arg9 : memref<!tpu.dma_semaphore, #tpu.memory_space<semaphore_mem>>)
        %dma_start3A_130 = arith.constant 0 : i32
        %dma_start3A_131 = arith.constant 256 : i32
        %dma_start3A_132 = tpu.memref_slice %arg8[%dma_start3A_130, %dma_start3A_131] : memref<128x384xf32, #tpu.memory_space<vmem>> -> memref<128x128xf32, #tpu.memory_space<vmem>>
        %dma_start3A_133 = arith.constant 0 : i32
        %dma_start3A_134 = tpu.memref_slice %arg6[%add3A_41, %dma_start3A_133] : memref<50x128xi32, #tpu.memory_space<vmem>> -> memref<1x128xi32, #tpu.memory_space<vmem>>
        %dma_start3A_135 = tpu.memref_squeeze %dma_start3A_134 : memref<1x128xi32, #tpu.memory_space<vmem>> -> memref<128xi32, #tpu.memory_space<vmem>>
        %dma_start3A_136 = arith.constant 0 : i32
        %dma_start3A_137 = arith.constant 128 : i32
        %dma_start3A_138 = tpu.memref_slice %arg4[%dma_start3A_136, %dma_start3A_137] : memref<400000x256xf32, #tpu.memory_space<hbm>> -> memref<400000x128xf32, #tpu.memory_space<hbm>>
        tpu.enqueue_indirect_dma source(%dma_start3A_138 : memref<400000x128xf32, #tpu.memory_space<hbm>>) target(%dma_start3A_132 : memref<128x128xf32, #tpu.memory_space<vmem>>) offsets(%dma_start3A_135 : memref<128xi32, #tpu.memory_space<vmem>>) semaphore(%arg9 : memref<!tpu.dma_semaphore, #tpu.memory_space<semaphore_mem>>)
      } else {
      }
      %dma_wait3A = arith.constant 0 : i32
      %dma_wait3A_44 = arith.constant 0 : i32
      %dma_wait3A_45 = tpu.memref_slice %arg7[%dma_wait3A, %dma_wait3A_44] : memref<128x384xf32, #tpu.memory_space<vmem>> -> memref<128x128xf32, #tpu.memory_space<vmem>>
      %dma_wait3A_46 = arith.constant 0 : i32
      %dma_wait3A_47 = tpu.memref_slice %arg6[%mul3A_39, %dma_wait3A_46] : memref<50x128xi32, #tpu.memory_space<vmem>> -> memref<1x128xi32, #tpu.memory_space<vmem>>
      %dma_wait3A_48 = tpu.memref_squeeze %dma_wait3A_47 : memref<1x128xi32, #tpu.memory_space<vmem>> -> memref<128xi32, #tpu.memory_space<vmem>>
      %dma_wait3A_49 = arith.constant 0 : i32
      %dma_wait3A_50 = arith.constant 0 : i32
      %dma_wait3A_51 = tpu.memref_slice %arg3[%dma_wait3A_49, %dma_wait3A_50] : memref<400000x128xf32, #tpu.memory_space<hbm>> -> memref<400000x128xf32, #tpu.memory_space<hbm>>
      tpu.wait_indirect_dma semaphore(%arg9 : memref<!tpu.dma_semaphore, #tpu.memory_space<semaphore_mem>>) src(%dma_wait3A_51 : memref<400000x128xf32, #tpu.memory_space<hbm>>) dst(%dma_wait3A_45 : memref<128x128xf32, #tpu.memory_space<vmem>>)
      %dma_wait3A_52 = arith.constant 0 : i32
      %dma_wait3A_53 = arith.constant 128 : i32
      %dma_wait3A_54 = tpu.memref_slice %arg7[%dma_wait3A_52, %dma_wait3A_53] : memref<128x384xf32, #tpu.memory_space<vmem>> -> memref<128x128xf32, #tpu.memory_space<vmem>>
      %dma_wait3A_55 = arith.constant 0 : i32
      %dma_wait3A_56 = tpu.memref_slice %arg6[%mul3A_39, %dma_wait3A_55] : memref<50x128xi32, #tpu.memory_space<vmem>> -> memref<1x128xi32, #tpu.memory_space<vmem>>
      %dma_wait3A_57 = tpu.memref_squeeze %dma_wait3A_56 : memref<1x128xi32, #tpu.memory_space<vmem>> -> memref<128xi32, #tpu.memory_space<vmem>>
      %dma_wait3A_58 = arith.constant 0 : i32
      %dma_wait3A_59 = arith.constant 0 : i32
      %dma_wait3A_60 = tpu.memref_slice %arg4[%dma_wait3A_58, %dma_wait3A_59] : memref<400000x256xf32, #tpu.memory_space<hbm>> -> memref<400000x128xf32, #tpu.memory_space<hbm>>
      tpu.wait_indirect_dma semaphore(%arg9 : memref<!tpu.dma_semaphore, #tpu.memory_space<semaphore_mem>>) src(%dma_wait3A_60 : memref<400000x128xf32, #tpu.memory_space<hbm>>) dst(%dma_wait3A_54 : memref<128x128xf32, #tpu.memory_space<vmem>>)
      %dma_wait3A_61 = arith.constant 0 : i32
      %dma_wait3A_62 = arith.constant 256 : i32
      %dma_wait3A_63 = tpu.memref_slice %arg7[%dma_wait3A_61, %dma_wait3A_62] : memref<128x384xf32, #tpu.memory_space<vmem>> -> memref<128x128xf32, #tpu.memory_space<vmem>>
      %dma_wait3A_64 = arith.constant 0 : i32
      %dma_wait3A_65 = tpu.memref_slice %arg6[%mul3A_39, %dma_wait3A_64] : memref<50x128xi32, #tpu.memory_space<vmem>> -> memref<1x128xi32, #tpu.memory_space<vmem>>
      %dma_wait3A_66 = tpu.memref_squeeze %dma_wait3A_65 : memref<1x128xi32, #tpu.memory_space<vmem>> -> memref<128xi32, #tpu.memory_space<vmem>>
      %dma_wait3A_67 = arith.constant 0 : i32
      %dma_wait3A_68 = arith.constant 128 : i32
      %dma_wait3A_69 = tpu.memref_slice %arg4[%dma_wait3A_67, %dma_wait3A_68] : memref<400000x256xf32, #tpu.memory_space<hbm>> -> memref<400000x128xf32, #tpu.memory_space<hbm>>
      tpu.wait_indirect_dma semaphore(%arg9 : memref<!tpu.dma_semaphore, #tpu.memory_space<semaphore_mem>>) src(%dma_wait3A_69 : memref<400000x128xf32, #tpu.memory_space<hbm>>) dst(%dma_wait3A_63 : memref<128x128xf32, #tpu.memory_space<vmem>>)
      %add3A_70 = arith.addi %mul3A_2, %mul3A_39 : i32
      %mul3A_71 = arith.constant 128 : i32
      %mul3A_72 = arith.muli %add3A_70, %mul3A_71 : i32
      "tpu.region"() ({
        %run_scoped3A = tpu.sem_alloc : memref<!tpu.dma_semaphore, #tpu.memory_space<semaphore_mem>>
        %dma_start3A_112 = arith.constant 0 : i32
        %dma_start3A_113 = tpu.memref_slice %arg5[%mul3A_72, %dma_start3A_112] : memref<204800x384xf32, #tpu.memory_space<hbm>> -> memref<128x384xf32, #tpu.memory_space<hbm>>
        %dma_start3A_114 = arith.constant 0 : i32
        %dma_start3A_115 = tpu.memref_slice %arg5[%mul3A_72, %dma_start3A_114] : memref<204800x384xf32, #tpu.memory_space<hbm>> -> memref<128x384xf32, #tpu.memory_space<hbm>>
        tpu.enqueue_dma source(%arg7 : memref<128x384xf32, #tpu.memory_space<vmem>>) target(%dma_start3A_115 : memref<128x384xf32, #tpu.memory_space<hbm>>) target_semaphore(%run_scoped3A : memref<!tpu.dma_semaphore, #tpu.memory_space<semaphore_mem>>)
        %dma_wait3A_116 = arith.constant 0 : i32
        %dma_wait3A_117 = tpu.memref_slice %arg5[%mul3A_72, %dma_wait3A_116] : memref<204800x384xf32, #tpu.memory_space<hbm>> -> memref<128x384xf32, #tpu.memory_space<hbm>>
        %dma_wait3A_118 = arith.constant 0 : i32
        %dma_wait3A_119 = tpu.memref_slice %arg5[%mul3A_72, %dma_wait3A_118] : memref<204800x384xf32, #tpu.memory_space<hbm>> -> memref<128x384xf32, #tpu.memory_space<hbm>>
        tpu.wait_dma2 semaphore(%run_scoped3A : memref<!tpu.dma_semaphore, #tpu.memory_space<semaphore_mem>>) src(%arg7 : memref<128x384xf32, #tpu.memory_space<vmem>>) dst(%dma_wait3A_119 : memref<128x384xf32, #tpu.memory_space<hbm>>)
        tpu.yield
      }) : () -> ()
      %add3A_73 = arith.constant 2 : i32
      %add3A_74 = arith.addi %mul3A_39, %add3A_73 : i32
      %lt3A_75 = arith.constant 50 : i32
      %lt3A_76 = arith.cmpi slt, %add3A_74, %lt3A_75 : i32
      %convert_element_type3A_77 = arith.extui %lt3A_76 : i1 to i32
      %cond3A_78 = arith.constant 0 : i32
      %cond3A_79 = arith.cmpi ne, %convert_element_type3A_77, %cond3A_78 : i32
      scf.if %cond3A_79 {
        %dma_start3A_112 = arith.constant 0 : i32
        %dma_start3A_113 = arith.constant 0 : i32
        %dma_start3A_114 = tpu.memref_slice %arg7[%dma_start3A_112, %dma_start3A_113] : memref<128x384xf32, #tpu.memory_space<vmem>> -> memref<128x128xf32, #tpu.memory_space<vmem>>
        %dma_start3A_115 = arith.constant 0 : i32
        %dma_start3A_116 = tpu.memref_slice %arg6[%add3A_74, %dma_start3A_115] : memref<50x128xi32, #tpu.memory_space<vmem>> -> memref<1x128xi32, #tpu.memory_space<vmem>>
        %dma_start3A_117 = tpu.memref_squeeze %dma_start3A_116 : memref<1x128xi32, #tpu.memory_space<vmem>> -> memref<128xi32, #tpu.memory_space<vmem>>
        %dma_start3A_118 = arith.constant 0 : i32
        %dma_start3A_119 = arith.constant 0 : i32
        %dma_start3A_120 = tpu.memref_slice %arg3[%dma_start3A_118, %dma_start3A_119] : memref<400000x128xf32, #tpu.memory_space<hbm>> -> memref<400000x128xf32, #tpu.memory_space<hbm>>
        tpu.enqueue_indirect_dma source(%dma_start3A_120 : memref<400000x128xf32, #tpu.memory_space<hbm>>) target(%dma_start3A_114 : memref<128x128xf32, #tpu.memory_space<vmem>>) offsets(%dma_start3A_117 : memref<128xi32, #tpu.memory_space<vmem>>) semaphore(%arg9 : memref<!tpu.dma_semaphore, #tpu.memory_space<semaphore_mem>>)
        %dma_start3A_121 = arith.constant 0 : i32
        %dma_start3A_122 = arith.constant 128 : i32
        %dma_start3A_123 = tpu.memref_slice %arg7[%dma_start3A_121, %dma_start3A_122] : memref<128x384xf32, #tpu.memory_space<vmem>> -> memref<128x128xf32, #tpu.memory_space<vmem>>
        %dma_start3A_124 = arith.constant 0 : i32
        %dma_start3A_125 = tpu.memref_slice %arg6[%add3A_74, %dma_start3A_124] : memref<50x128xi32, #tpu.memory_space<vmem>> -> memref<1x128xi32, #tpu.memory_space<vmem>>
        %dma_start3A_126 = tpu.memref_squeeze %dma_start3A_125 : memref<1x128xi32, #tpu.memory_space<vmem>> -> memref<128xi32, #tpu.memory_space<vmem>>
        %dma_start3A_127 = arith.constant 0 : i32
        %dma_start3A_128 = arith.constant 0 : i32
        %dma_start3A_129 = tpu.memref_slice %arg4[%dma_start3A_127, %dma_start3A_128] : memref<400000x256xf32, #tpu.memory_space<hbm>> -> memref<400000x128xf32, #tpu.memory_space<hbm>>
        tpu.enqueue_indirect_dma source(%dma_start3A_129 : memref<400000x128xf32, #tpu.memory_space<hbm>>) target(%dma_start3A_123 : memref<128x128xf32, #tpu.memory_space<vmem>>) offsets(%dma_start3A_126 : memref<128xi32, #tpu.memory_space<vmem>>) semaphore(%arg9 : memref<!tpu.dma_semaphore, #tpu.memory_space<semaphore_mem>>)
        %dma_start3A_130 = arith.constant 0 : i32
        %dma_start3A_131 = arith.constant 256 : i32
        %dma_start3A_132 = tpu.memref_slice %arg7[%dma_start3A_130, %dma_start3A_131] : memref<128x384xf32, #tpu.memory_space<vmem>> -> memref<128x128xf32, #tpu.memory_space<vmem>>
        %dma_start3A_133 = arith.constant 0 : i32
        %dma_start3A_134 = tpu.memref_slice %arg6[%add3A_74, %dma_start3A_133] : memref<50x128xi32, #tpu.memory_space<vmem>> -> memref<1x128xi32, #tpu.memory_space<vmem>>
        %dma_start3A_135 = tpu.memref_squeeze %dma_start3A_134 : memref<1x128xi32, #tpu.memory_space<vmem>> -> memref<128xi32, #tpu.memory_space<vmem>>
        %dma_start3A_136 = arith.constant 0 : i32
        %dma_start3A_137 = arith.constant 128 : i32
        %dma_start3A_138 = tpu.memref_slice %arg4[%dma_start3A_136, %dma_start3A_137] : memref<400000x256xf32, #tpu.memory_space<hbm>> -> memref<400000x128xf32, #tpu.memory_space<hbm>>
        tpu.enqueue_indirect_dma source(%dma_start3A_138 : memref<400000x128xf32, #tpu.memory_space<hbm>>) target(%dma_start3A_132 : memref<128x128xf32, #tpu.memory_space<vmem>>) offsets(%dma_start3A_135 : memref<128xi32, #tpu.memory_space<vmem>>) semaphore(%arg9 : memref<!tpu.dma_semaphore, #tpu.memory_space<semaphore_mem>>)
      } else {
      }
      %add3A_80 = arith.constant 1 : i32
      %add3A_81 = arith.addi %mul3A_39, %add3A_80 : i32
      %dma_wait3A_82 = arith.constant 0 : i32
      %dma_wait3A_83 = arith.constant 0 : i32
      %dma_wait3A_84 = tpu.memref_slice %arg8[%dma_wait3A_82, %dma_wait3A_83] : memref<128x384xf32, #tpu.memory_space<vmem>> -> memref<128x128xf32, #tpu.memory_space<vmem>>
      %dma_wait3A_85 = arith.constant 0 : i32
      %dma_wait3A_86 = tpu.memref_slice %arg6[%add3A_81, %dma_wait3A_85] : memref<50x128xi32, #tpu.memory_space<vmem>> -> memref<1x128xi32, #tpu.memory_space<vmem>>
      %dma_wait3A_87 = tpu.memref_squeeze %dma_wait3A_86 : memref<1x128xi32, #tpu.memory_space<vmem>> -> memref<128xi32, #tpu.memory_space<vmem>>
      %dma_wait3A_88 = arith.constant 0 : i32
      %dma_wait3A_89 = arith.constant 0 : i32
      %dma_wait3A_90 = tpu.memref_slice %arg3[%dma_wait3A_88, %dma_wait3A_89] : memref<400000x128xf32, #tpu.memory_space<hbm>> -> memref<400000x128xf32, #tpu.memory_space<hbm>>
      tpu.wait_indirect_dma semaphore(%arg9 : memref<!tpu.dma_semaphore, #tpu.memory_space<semaphore_mem>>) src(%dma_wait3A_90 : memref<400000x128xf32, #tpu.memory_space<hbm>>) dst(%dma_wait3A_84 : memref<128x128xf32, #tpu.memory_space<vmem>>)
      %dma_wait3A_91 = arith.constant 0 : i32
      %dma_wait3A_92 = arith.constant 128 : i32
      %dma_wait3A_93 = tpu.memref_slice %arg8[%dma_wait3A_91, %dma_wait3A_92] : memref<128x384xf32, #tpu.memory_space<vmem>> -> memref<128x128xf32, #tpu.memory_space<vmem>>
      %dma_wait3A_94 = arith.constant 0 : i32
      %dma_wait3A_95 = tpu.memref_slice %arg6[%add3A_81, %dma_wait3A_94] : memref<50x128xi32, #tpu.memory_space<vmem>> -> memref<1x128xi32, #tpu.memory_space<vmem>>
      %dma_wait3A_96 = tpu.memref_squeeze %dma_wait3A_95 : memref<1x128xi32, #tpu.memory_space<vmem>> -> memref<128xi32, #tpu.memory_space<vmem>>
      %dma_wait3A_97 = arith.constant 0 : i32
      %dma_wait3A_98 = arith.constant 0 : i32
      %dma_wait3A_99 = tpu.memref_slice %arg4[%dma_wait3A_97, %dma_wait3A_98] : memref<400000x256xf32, #tpu.memory_space<hbm>> -> memref<400000x128xf32, #tpu.memory_space<hbm>>
      tpu.wait_indirect_dma semaphore(%arg9 : memref<!tpu.dma_semaphore, #tpu.memory_space<semaphore_mem>>) src(%dma_wait3A_99 : memref<400000x128xf32, #tpu.memory_space<hbm>>) dst(%dma_wait3A_93 : memref<128x128xf32, #tpu.memory_space<vmem>>)
      %dma_wait3A_100 = arith.constant 0 : i32
      %dma_wait3A_101 = arith.constant 256 : i32
      %dma_wait3A_102 = tpu.memref_slice %arg8[%dma_wait3A_100, %dma_wait3A_101] : memref<128x384xf32, #tpu.memory_space<vmem>> -> memref<128x128xf32, #tpu.memory_space<vmem>>
      %dma_wait3A_103 = arith.constant 0 : i32
      %dma_wait3A_104 = tpu.memref_slice %arg6[%add3A_81, %dma_wait3A_103] : memref<50x128xi32, #tpu.memory_space<vmem>> -> memref<1x128xi32, #tpu.memory_space<vmem>>
      %dma_wait3A_105 = tpu.memref_squeeze %dma_wait3A_104 : memref<1x128xi32, #tpu.memory_space<vmem>> -> memref<128xi32, #tpu.memory_space<vmem>>
      %dma_wait3A_106 = arith.constant 0 : i32
      %dma_wait3A_107 = arith.constant 128 : i32
      %dma_wait3A_108 = tpu.memref_slice %arg4[%dma_wait3A_106, %dma_wait3A_107] : memref<400000x256xf32, #tpu.memory_space<hbm>> -> memref<400000x128xf32, #tpu.memory_space<hbm>>
      tpu.wait_indirect_dma semaphore(%arg9 : memref<!tpu.dma_semaphore, #tpu.memory_space<semaphore_mem>>) src(%dma_wait3A_108 : memref<400000x128xf32, #tpu.memory_space<hbm>>) dst(%dma_wait3A_102 : memref<128x128xf32, #tpu.memory_space<vmem>>)
      %add3A_109 = arith.addi %mul3A_2, %add3A_81 : i32
      %mul3A_110 = arith.constant 128 : i32
      %mul3A_111 = arith.muli %add3A_109, %mul3A_110 : i32
      "tpu.region"() ({
        %run_scoped3A = tpu.sem_alloc : memref<!tpu.dma_semaphore, #tpu.memory_space<semaphore_mem>>
        %dma_start3A_112 = arith.constant 0 : i32
        %dma_start3A_113 = tpu.memref_slice %arg5[%mul3A_111, %dma_start3A_112] : memref<204800x384xf32, #tpu.memory_space<hbm>> -> memref<128x384xf32, #tpu.memory_space<hbm>>
        %dma_start3A_114 = arith.constant 0 : i32
        %dma_start3A_115 = tpu.memref_slice %arg5[%mul3A_111, %dma_start3A_114] : memref<204800x384xf32, #tpu.memory_space<hbm>> -> memref<128x384xf32, #tpu.memory_space<hbm>>
        tpu.enqueue_dma source(%arg8 : memref<128x384xf32, #tpu.memory_space<vmem>>) target(%dma_start3A_115 : memref<128x384xf32, #tpu.memory_space<hbm>>) target_semaphore(%run_scoped3A : memref<!tpu.dma_semaphore, #tpu.memory_space<semaphore_mem>>)
        %dma_wait3A_116 = arith.constant 0 : i32
        %dma_wait3A_117 = tpu.memref_slice %arg5[%mul3A_111, %dma_wait3A_116] : memref<204800x384xf32, #tpu.memory_space<hbm>> -> memref<128x384xf32, #tpu.memory_space<hbm>>
        %dma_wait3A_118 = arith.constant 0 : i32
        %dma_wait3A_119 = tpu.memref_slice %arg5[%mul3A_111, %dma_wait3A_118] : memref<204800x384xf32, #tpu.memory_space<hbm>> -> memref<128x384xf32, #tpu.memory_space<hbm>>
        tpu.wait_dma2 semaphore(%run_scoped3A : memref<!tpu.dma_semaphore, #tpu.memory_space<semaphore_mem>>) src(%arg8 : memref<128x384xf32, #tpu.memory_space<vmem>>) dst(%dma_wait3A_119 : memref<128x384xf32, #tpu.memory_space<hbm>>)
        tpu.yield
      }) : () -> ()
    }
    %scan3A_36 = arith.constant 25 : i32
    return
  }
}

</mosaic_0001>

<sc_bundles>
// kernel: kernel.4.cloned.1.call-start
scs
__scs_entry_jumppad:
0x0: {  	(pc) =	sbr.rel $0x88, $3  }
0x1: {  	(tag) =	ssettag $0x0;
	lr =	simm.s32 $0x1  }
0x2: {  	[smem:$0x3F9F] =	sst lr;
	_ =	strace $0xD0000000  }
0x3: {  	_ = 	snop  }
0x4: {  	_ = 	snop  }
0x5: {  	_ = 	snop  }
0x6: {  	_ = 	snop  }
0x7: {  	_ = 	snop  }
__scs_overlays_trampoline_lowered:
0x8: {  	[smem:$0x3FAE] =	sst s0  }
0x9: {  	[smem:$0x3FAF] =	sst s1  }
0xa: {  	[smem:$0x3FB0] =	sst s2  }
0xb: {  	[smem:$0x3FB1] =	sst s3  }
0xc: {  	[smem:$0x3FB2] =	sst s4  }
0xd: {  	[smem:$0x3FB3] =	sst s5  }
0xe: {  	[smem:$0x3FB4] =	sst s6  }
0xf: {  	[smem:$0x3FB5] =	sst s7  }
0x10: {  	[smem:$0x3FB6] =	sst s8  }
0x11: {  	[smem:$0x3FB7] =	sst s9;
	s0 =	simm.s32 @!p0 $0x0  }
0x12: {  	s1 =	sld [smem:$0x3F9D];
	s0 =	simm.s32 @p0 $0x1  }
0x13: {  	[smem:$0x3FB8] =	sst s0;
	s0 =	simm.s32 @!p1 $0x0  }
0x14: {  	s2 =	sld [smem:$0x3F9C];
	s0 =	simm.s32 @p1 $0x1  }
0x15: {  	[smem:$0x3FB9] =	sst s0;
	s0 =	simm.s32 @!p2 $0x0  }
0x16: {  	s3 =	sld [smem:$0x3FDB];
	s0 =	simm.s32 @p2 $0x1  }
0x17: {  	s4 =	simm.s32 $0x1BF5;
	[smem:$0x3FBB] =	sst s0  }
0x18: {  	s0 =	sld [smem:$0x3F9E];
	_ =	swait.ge [sflag:s4], $0x0  }
0x19: {  	s7 =	sld [smem:$0x3F9F]  }
0x1a: {  	s8 =	sadd.s32 $0xFFFFE003, lr  }
0x1b: {  	s9 =	sadd.s32 $0xFFFFFEF7, lr;
	s5 =	simm.s32 $0xFFFFFFFF;
	p2 =	slt.u32 s8, $0xFFFFF086  }
0x1c: {  	p1 =	slt.u32 s9, $0xF7A;
	s5 =	simm.s32 @!p2 $0x0  }
0x1d: {  	s5 =	simm.s32 @p1 $0x1;
	p0 =	seq.s32 s7, s2  }
0x1e: {  	s7 =	smul.u32 @!p0 $0xF7A, s2;
	p2 =	seq.s32 @!p0 s5, $0x0  }
0x1f: {  	s9 =	smul.u32 $0xF7A, s1;
	s8 =	simm.s32 @!p0 $0x1BF5;
	p2 =	por !p2, p0  }
0x20: {  	[sflag:s8] =	ssyncset.s32 @!p0 $0xFFFFF086;
	s6 =	sadd.s32 @!p0 s3, s7;
	s7 =	simm.s32 @!p0 $0x108  }
0x21: {  	s3 =	sadd.s32 s3, s9;
	s6 =	sadd.s32 @!p0 $0x88, s6;
	s7 =	simm.s32 @p2 $0x1082  }
0x22: {  	[simem:s7], [sflag:s8] =	dma.local @!p0 [hbm:s6], $0xF7A  }
0x23: {  	s9 =	sor.u32 $0xD0000000, s2;
	s6 =	simm.s32 $0x108;
	_ =	swait.ge @!p0 [sflag:s8], $0x0  }
0x24: {  	s3 =	sadd.s32 $0x88, s3;
	s6 =	simm.s32 @!p1 $0x1082;
	[sflag:s4] =	ssyncset.s32 $0xFFFFF086  }
0x25: {  	[simem:s6], [sflag:s4] =	dma.local [hbm:s3], $0xF7A  }
0x26: {  	[smem:$0x3F9F] =	sst s1;
	(tag) =	ssettag s2;
	_ =	strace s9  }
0x27: {  	s1 =	sld [smem:$0x3FAF]  }
0x28: {  	s2 =	sld [smem:$0x3FB0]  }
0x29: {  	s4 =	sld [smem:$0x3FB2]  }
0x2a: {  	p0 =	seq.s32 s5, $0x0;
	s5 =	sld [smem:$0x3FB3]  }
0x2b: {  	s6 =	sld [smem:$0x3FB4]  }
0x2c: {  	s7 =	sld [smem:$0x3FB5]  }
0x2d: {  	s3 =	simm.s32 $0x108;
	s8 =	sld [smem:$0x3FB6]  }
0x2e: {  	s3 =	simm.s32 @!p0 $0x1082;
	s9 =	sld [smem:$0x3FB7]  }
0x2f: {  	lr =	sadd.s32 s0, s3;
	s0 =	sld [smem:$0x3FAE]  }
0x30: {  	s3 =	sld [smem:$0x3FB1]  }
0x31: {  	[smem:$0x3FBA] =	sst s10  }
0x32: {  	s10 =	sld [smem:$0x3FB8];
	_ =	sdelay $0x3  }
0x33: {  	p0 =	seq.s32 s10, $0x1;
	s10 =	sld [smem:$0x3FBA];
	_ =	sdelay $0x3  }
0x34: {  	[smem:$0x3FBA] =	sst s10  }
0x35: {  	s10 =	sld [smem:$0x3FB9];
	_ =	sdelay $0x3  }
0x36: {  	p1 =	seq.s32 s10, $0x1;
	s10 =	sld [smem:$0x3FBA];
	_ =	sdelay $0x3  }
0x37: {  	[smem:$0x3FBA] =	sst s10  }
0x38: {  	s10 =	sld [smem:$0x3FBB]  }
0x39: {  	_ = 	snop;
	(pc) =	sbr.ind lr, $3  }
0x3a: {  	_ = 	snop  }
0x3b: {  	_ = 	snop  }
0x3c: {  	p2 =	seq.s32 s10, $0x1;
	s10 =	sld [smem:$0x3FBA]  }
0x3d: {  	_ =	shalt  }
0x3e: {  	_ =	shalt  }
0x3f: {  	_ =	shalt  }
0x40: {  	_ =	shalt  }
0x41: {  	_ =	shalt  }
0x42: {  	_ =	shalt  }
0x43: {  	_ =	shalt  }
0x44: {  	_ =	shalt  }
0x45: {  	_ =	shalt  }
0x46: {  	_ =	shalt  }
0x47: {  	_ =	shalt  }
0x48: {  	_ =	shalt  }
0x49: {  	_ =	shalt  }
0x4a: {  	_ =	shalt  }
0x4b: {  	_ =	shalt  }
0x4c: {  	_ =	shalt  }
0x4d: {  	_ =	shalt  }
0x4e: {  	_ =	shalt  }
0x4f: {  	_ =	shalt  }
0x50: {  	_ =	shalt  }
0x51: {  	_ =	shalt  }
0x52: {  	_ =	shalt  }
0x53: {  	_ =	shalt  }
0x54: {  	_ =	shalt  }
0x55: {  	_ =	shalt  }
0x56: {  	_ =	shalt  }
0x57: {  	_ =	shalt  }
0x58: {  	_ =	shalt  }
0x59: {  	_ =	shalt  }
0x5a: {  	_ =	shalt  }
0x5b: {  	_ =	shalt  }
0x5c: {  	_ =	shalt  }
0x5d: {  	_ =	shalt  }
0x5e: {  	_ =	shalt  }
0x5f: {  	_ =	shalt  }
0x60: {  	_ =	shalt  }
0x61: {  	_ =	shalt  }
0x62: {  	_ =	shalt  }
0x63: {  	_ =	shalt  }
0x64: {  	_ =	shalt  }
0x65: {  	_ =	shalt  }
0x66: {  	_ =	shalt  }
0x67: {  	_ =	shalt  }
0x68: {  	_ =	shalt  }
0x69: {  	_ =	shalt  }
0x6a: {  	_ =	shalt  }
0x6b: {  	_ =	shalt  }
0x6c: {  	_ =	shalt  }
0x6d: {  	_ =	shalt  }
0x6e: {  	_ =	shalt  }
0x6f: {  	_ =	shalt  }
0x70: {  	_ =	shalt  }
0x71: {  	_ =	shalt  }
0x72: {  	_ =	shalt  }
0x73: {  	_ =	shalt  }
0x74: {  	_ =	shalt  }
0x75: {  	_ =	shalt  }
0x76: {  	_ =	shalt  }
0x77: {  	_ =	shalt  }
0x78: {  	_ =	shalt  }
0x79: {  	_ =	shalt  }
0x7a: {  	_ =	shalt  }
0x7b: {  	_ =	shalt  }
0x7c: {  	_ =	shalt  }
0x7d: {  	_ =	shalt  }
0x7e: {  	_ =	shalt  }
0x7f: {  	_ =	shalt  }
0x80: {  	_ =	shalt  }
0x81: {  	_ =	shalt  }
0x82: {  	_ =	shalt  }
0x83: {  	_ =	shalt  }
0x84: {  	_ =	shalt  }
0x85: {  	_ =	shalt  }
0x86: {  	_ =	shalt  }
0x87: {  	_ =	shalt  }
.Lfunc_end0:
.L_simem_size_0:
called_computation.1_lowered:
.L_overlay_start_0:
0x88: {  	s2 =	sld [smem:$0x3FD9]  }
0x89: {  	s3 =	sld [smem:$0x3FFE];
	_ =	sdelay $0x1  }
0x8a: {  	s1 =	srdreg.scid  }
0x8b: {  	s0 =	sand.u32 $0x1, s1  }
0x8c: {  	s17 =	sshll.u32 s0, $0xA;
	s2 =	sadd.s32 s3, s2  }
0x8d: {  	s2 =	sadd.s32 s2, s17  }
0x8e: {  	[smem:$0x3FC6] =	sst s2  }
0x8f: {  	_ = 	snop  }
0x90: {  	s2 =	sld [smem:$0x3FC8];
	(tm) =	ssettm $0x1  }
0x91: {  	s18 =	sld [smem:$0x3FFB];
	_ =	sdelay $0x3  }
0x92: {  	_ =	strace s18  }
0x93: {  	s3 =	sld [smem:$0x3FFC];
	_ =	sdelay $0x3  }
0x94: {  	_ =	strace s3  }
0x95: {  	s3 =	sld [smem:$0x3FFD];
	_ =	sdelay $0x3  }
0x96: {  	_ =	strace s3  }
0x97: {  	_ =	strace $0x8FFFFFFF  }
0x98: {  	s19 =	sld [smem:$0x3FDB];
	_ =	sdelay $0x1  }
0x99: {  	s4 =	simm.s32 $_scs_section_size  }
0x9a: {  	s5 =	simm.s32 $_size__tile_overlayer_lowered;
	s6 =	simm.s32 $_tile_overlayer_lowered  }
0x9b: {  	s22 =	simm.s32 $0x1BFF;
	s21 =	sshll.u32 s6, $0x1;
	s3 =	sadd.s32 s4, s19  }
0x9c: {  	s7 =	simm.s32 $0x0;
	s20 =	sshll.u32 s5, $0x1;
	s5 =	sadd.s32 s21, s3  }
0x9d: {  	[timem:s7], [sflag:s22] =	dma.local [hbm:s5], s20  }
0x9e: {  	_ =	swait.ge [sflag:s22], s20  }
0x9f: {  	s4 =	ssub.s32 $0x0, s20;
	[sflag:s22] =	ssyncset.done $0x0  }
0xa0: {  	[sflag:s22] =	ssyncadd.s32 s4;
	_ =	sdelay $0x1  }
0xa1: {  	s23 =	simm.s32 $0x1B8B  }
0xa2: {  	_ =	swait.ge [sflag:s23], $0x1  }
0xa3: {  	[sflag:s23] =	ssyncset.done $0x0  }
0xa4: {  	s25 =	simm.s32 $0x1B8E;
	s24 =	sld [smem:$0x3FFE];
	[sflag:s23] =	ssyncadd.s32 $0xFFFFFFFF  }
0xa5: {  	s26 =	simm.s32 $execute0_lowered;
	[smem:$0x3FD2] =	sst s25  }
0xa6: {  	s5 =	sshll.u32 s26, $0x1;
	_ =	strace $0x80000046;
	[dreg:$0x1] =	wrdreg $0xFFFFFFFF  }
0xa7: {  	s28 =	simm.s32 $_size_execute0_lowered;
	s3 =	sadd.s32 s3, s5;
	[dreg:$0x0] =	wrdreg $0x0  }
0xa8: {  	s5 =	sshll.u32 s28, $0x1;
	[dreg:$0x2] =	wrdreg s3  }
0xa9: {  	[dreg:$0x3] =	wrdreg s5  }
0xaa: {  	[dreg:$0x4] =	wrdreg $0xC0  }
0xab: {  	_ =	task [dreg:s7], $0x5FFFF  }
0xac: {  	[dreg:$0x1] =	wrdreg $0xFFFFFFFF  }
0xad: {  	[dreg:$0x0] =	wrdreg $0x60  }
0xae: {  	[dreg:$0x2] =	wrdreg s2  }
0xaf: {  	[dreg:$0x3] =	wrdreg s24  }
0xb0: {  	[dreg:$0x4] =	wrdreg $0x9  }
0xb1: {  	_ =	task.clear_ibuf [dreg:s7], $0x5FFFF;
	_ =	strace $0x90000046  }
0xb2: {  	s29 =	simm.s32 $0x9;
	_ =	strace $0x80000048  }
0xb3: {  	_ =	swait.ge [sflag:s29], $0x1  }
0xb4: {  	[sflag:s29] =	ssyncadd.s32 $0xFFFFFFFF  }
0xb5: {  	_ =	strace $0x90000048  }
0xb6: {  	_ =	sfence  }
0xb7: {  	s30 =	sld [smem:$0x0];
	_ =	sdelay $0x2  }
0xb8: {  	s31 =	sshll.u32 s1, $0xD;
	s1 =	sshrl.u32 s1, $0x2  }
0xb9: {  	s3 =	sand.u32 $0x4000, s31;
	s1 =	sadd.s32 s1, s30  }
0xba: {  	s0 =	sor.u32 s3, s0;
	s1 =	sshll.u32 s1, $0x11  }
0xbb: {  	s0 =	sor.u32 s1, s0  }
0xbc: {  	s0 =	sadd.s32 $0x8F2B, s0  }
0xbd: {  	[sflag:s0] =	ssyncadd.remote.s32 $0x1  }
0xbe: {  	_ =	sfence.sel $0xFFFF  }
0xbf: {  	[dreg:$0x0] =	wrdreg $0xFFFFFFFF;
	(pc) =	sbr.abs _section_cstart, $3  }
0xc0: {  	[dreg:$0x1] =	wrdreg $0xFFFFFFFF  }
0xc1: {  	_ =	task.clear_ibuf [dreg:s7], $0x2FFFF;
	_ =	strace $0x9FFFFFFF  }
0xc2: {  	(tm) =	ssettm $0x7FFFFFFF  }
0xc3: {  	_ =	shalt  }
tec
execute0_lowered:
.L_overlay_start_1:
0x0: {  	(tag) =	ssettag $0x1  }
0x1: {  	v0 =	vimm.s32 $0xEDCBA987  }
0x2: {  	v1 =	vimm.s32 $0x6543210F;
	v2 =	vimm.s32 $0xFEDCBA9;
	vm0 =	vcmask $0xB08  }
0x3: {  	vm1 =	vcmask $0x300;
	v3 =	vimm.s32 $0x87654321;
	v4 =	vimm.s32 $0xDCBA9876  }
0x4: {  	v5 =	vimm.s32 $0x543210FE;
	v6 =	vimm.s32 $0x3210FEDC;
	vm2 =	vcmask $0x700  }
0x5: {  	v7 =	vimm.s32 $0xFEDCBA98;
	vm3 =	vcmask $0xF00;
	v0 =	vunpack.c.l.s4.s8 v0  }
0x6: {  	v1 =	vunpack.c.l.s4.s8 v1;
	v2 =	vunpack.c.l.s4.s8 v2;
	vm0 =	vmor vm1, vm0  }
0x7: {  	vm1 =	vcmask $0x1310;
	v3 =	vunpack.c.l.s4.s8 v3;
	v4 =	vunpack.c.l.s4.s8 v4  }
0x8: {  	v5 =	vunpack.c.l.s4.s8 v5;
	v6 =	vunpack.c.l.s4.s8 v6;
	v7 =	vunpack.c.l.s4.s8 v7  }
0x9: {  	vm0 =	vmor vm0, vm1;
	vm1 =	vcmask $0x1B18;
	v0 =	vunpack.c.0.s8.s32 v0  }
0xa: {  	v1 =	vunpack.c.0.s8.s32 v1;
	v2 =	vunpack.c.0.s8.s32 v2;
	vm0 =	vmor vm0, vm1  }
0xb: {  	vm1 =	vcmask $0x2320;
	v3 =	vunpack.c.0.s8.s32 v3;
	v6 =	vunpack.c.0.s8.s32 v6  }
0xc: {  	vm0 =	vmor vm0, vm1;
	vm1 =	vcmask $0x2B28;
	v0 =	vcombine.low v1, v0  }
0xd: {  	v1 =	vcombine.low v3, v2;
	v2 =	vunpack.c.0.s8.s32 v4;
	v3 =	vunpack.c.0.s8.s32 v5  }
0xe: {  	v7 =	vunpack.c.0.s8.s32 v7;
	vm0 =	vmor vm0, vm1;
	vm1 =	vcmask $0x3330  }
0xf: {  	s0 =	rddreg [dreg:$0x0];
	v4 =	vimm.s32 $0x10FEDCBA;
	v5 =	vimm.s32 $0x98765432;
	v2 =	vcombine.low v3, v2  }
0x10: {  	s5 =	rddreg [dreg:$0x1];
	v3 =	vunpack.c.l.s4.s8 v4;
	v4 =	vunpack.c.l.s4.s8 v5;
	v5 =	vimm.s32 $0xBA987654  }
0x11: {  	s1 =	rddreg [dreg:$0x2];
	v7 =	vand.u32 $0xF, v7;
	vm0 =	vmor vm0, vm1;
	v5 =	vunpack.c.l.s4.s8 v5  }
0x12: {  	s4 =	srdreg.scid;
	s2 =	stileid.u32;
	vm1 =	vcmask $0x3B38;
	v3 =	vunpack.c.0.s8.s32 v3;
	v4 =	vunpack.c.0.s8.s32 v4  }
0x13: {  	s3 =	simm.s32 $0x0;
	s10 =	simm.s32 $0x400;
	s11 =	simm.s32 $0x30D400;
	vm0 =	vmor vm0, vm1;
	vm1 =	vcmask $0x1710;
	v5 =	vunpack.c.0.s8.s32 v5  }
0x14: {  	s12 =	simm.s32 $0x9400;
	s13 =	simm.s32 $0x1;
	s14 =	simm.s32 $0x13000;
	v0 =	vand.u32 $0xF, v0;
	v1 =	vand.u32 $0xF, v1;
	v3 =	vcombine.low v4, v3  }
0x15: {  	s15 =	simm.s32 $0x3;
	s16 =	simm.s32 $0x2;
	s17 =	simm.s32 $0x0;
	v4 =	vcombine.low v6, v5;
	v5 =	vcombine.low v5, v6;
	v6 =	vimm.s32 $0x76543210  }
.Ltmp0:
0x16: {  	s6 =	sand.u32 $0x1, s4;
	s30 =	sshll.u32 s2, $0x1;
	vm1 =	vmor vm2, vm1;
	vm2 =	vcmask $0x2720;
	v6 =	vunpack.c.l.s4.s8 v6;
	(pc) =	sbr.rel .LBB2_1-.Ltmp0, $4  }
0x17: {  	[smem:$0x7FF] =	sst s3;
	s4 =	sor.u32 s6, s30;
	s7 =	ssub.s32 $0x2, s6;
	vm1 =	vmor vm1, vm2;
	vm2 =	vcmask $0x3730;
	v2 =	vand.u32 $0xF, v2  }
0x18: {  	s5 =	sadd.s32 $0xE00, s5;
	s31 =	sshll.u32 s4, $0x7;
	s8 =	sshrl.u32 s7, $0x1;
	vm1 =	vmor vm1, vm2;
	vm2 =	vcmask $0x2F20;
	v6 =	vunpack.c.0.s8.s32 v6  }
0x19: {  	_ =	strace $0x80000047;
	s6 =	sadd.s32 s0, s31;
	s9 =	ssub.s32 s7, s8;
	vm2 =	vmor vm3, vm2;
	vm3 =	vmmov $0xff;
	v3 =	vand.u32 $0xF, v3  }
0x1a: {  	s8 =	sadd.s32 $0x2000, s0;
	s7 =	sadd.s32 $0xE1D480, s6;
	s9 =	smax.u32 s9, $0x1;
	v4 =	vand.u32 $0xF, v4;
	v5 =	vand.u32 $0xF, v5;
	v6 =	vcombine.low v7, v6  }
.LBB2_17:
0x1b: {  	s17 =	sadd.s32 $0x1, s17  }
0x1c: {  	p0 =	sne.s32 s17, s9  }
.Ltmp1:
0x1d: {  	_ = 	snop;
	(pc) =	sbr.rel @!p0 .LBB2_18-.Ltmp1, $1  }
0x1e: {  	_ =	sdelay $0x3  }
.LBB2_1:
.Ltmp2:
0x1f: {  	(pc) =	sbr.rel .LBB2_2-.Ltmp2, $4  }
0x20: {  	_ = 	snop  }
0x21: {  	[tilespmem:s3], [sflag:$0x1] =	stream.strided.gather [hbm4b:s6+s10], $0x9400, s11, s10, $0x38;
	[tilespmem:$0x1B000] =	vst v63  }
0x22: {  	s18 =	simm.s32 $0x0  }
0x23: {  	[tilespmem:s12], [sflag:$0x1] =	stream.linear.gather [hbm4b:s7+s3], $0x200, $0x38;
	[tilespmem:$0x1B000] =	vst v63  }
.LBB2_16:
0x24: {  	s18 =	sadd.s32 $0x1, s18  }
0x25: {  	p0 =	sne.s32 s18, $0x31  }
.Ltmp3:
0x26: {  	_ = 	snop;
	(pc) =	sbr.rel @!p0 .LBB2_17-.Ltmp3, $1  }
0x27: {  	_ =	sdelay $0x3  }
.LBB2_2:
0x28: {  	s19 =	sshll.u32 s18, $0x6  }
0x29: {  	s20 =	sor.u32 s4, s19  }
0x2a: {  	_ =	swait.ge [sflag:s13], $0x9600;
	s19 =	sor.u32 $0x20, s20  }
0x2b: {  	[sflag:s13] =	ssyncset.done $0x0;
	p0 =	sgt.u32 s19, $0xC34  }
0x2c: {  	[sflag:s13] =	ssyncadd.s32 $0xFFFF6A00;
	s21 =	sshll.u32 @!p0 s19, $0x7;
	s22 =	simm.s32 @!p0 $0x400  }
0x2d: {  	s23 =	simm.s32 @!p0 $0x30D400;
	s24 =	simm.s32 @!p0 $0x9800;
	s21 =	sadd.s32 @!p0 s0, s21  }
0x2e: {  	[tilespmem:s24], [sflag:$0x1] =	stream.strided.gather @!p0 [hbm4b:s21+s22], $0x9400, s23, s22, $0x38;
	[tilespmem:$0x1B000] =	vst v63  }
0x2f: {  	s21 =	sadd.s32 @!p0 $0xE1D480, s21  }
0x30: {  	s22 =	simm.s32 @!p0 $0x0;
	s23 =	simm.s32 @!p0 $0x12C00;
	s24 =	simm.s32 $0x0  }
0x31: {  	[tilespmem:s23], [sflag:$0x1] =	stream.linear.gather @!p0 [hbm4b:s21+s22], $0x200, $0x38;
	[tilespmem:$0x1B000] =	vst v63  }
0x32: {  	s21 =	simm.s32 $0x8;
	s22 =	simm.s32 $0x0;
	s23 =	simm.s32 $0x400  }
.LBB2_3:
0x33: {  	v7 =	vmov s24;
	_ =	sdelay $0x3  }
0x34: {  	s25 =	simm.s32 $0x0  }
0x35: {  	v8 =	vld.idx.msk [tilespmem:v7+s25+$0x4000 ss:$0x1], $0xffff  }
0x36: {  	v9 =	vld.idx.msk [tilespmem:v7+s25+$0x4080 ss:$0x1], $0xffff  }
0x37: {  	v10 =	vld.idx.msk [tilespmem:v7+s25+$0x4100 ss:$0x1], $0xffff  }
0x38: {  	v11 =	vld.idx.msk [tilespmem:v7+s25+$0x4180 ss:$0x1], $0xffff  }
0x39: {  	v13 =	vld.idx.msk [tilespmem:v7+s25+$0x4280 ss:$0x1], $0xffff  }
0x3a: {  	v14 =	vld.idx.msk [tilespmem:v7+s25+$0x4300 ss:$0x1], $0xffff  }
0x3b: {  	v16 =	vld.idx.msk [tilespmem:v7+s25+$0x4380 ss:$0x1], $0xffff  }
0x3c: {  	v17 =	vld.idx.msk [tilespmem:v7+s25+$0x4400 ss:$0x1], $0xffff  }
0x3d: {  	v21 =	vld.idx.msk [tilespmem:v7+s25+$0x4600 ss:$0x1], $0xffff  }
0x3e: {  	v29 =	vld.idx.msk [tilespmem:v7+s25+$0x4780 ss:$0x1], $0xffff  }
0x3f: {  	v12 =	vld.idx.msk [tilespmem:v7+s25+$0x4200 ss:$0x1], $0xffff  }
0x40: {  	v15 =	vperm.xlane v9, v0;
	v18 =	vperm.xlane v11, v0  }
0x41: {  	v36 =	vld.idx.msk [tilespmem:v7+s25+$0x4680 ss:$0x1], $0xffff;
	v22 =	vperm.xlane v13, v0;
	v25 =	vperm.xlane v16, v0  }
0x42: {  	v27 =	vperm.xlane v14, v1;
	v37 =	vperm.xlane v17, v1  }
0x43: {  	v19 =	vld.idx.msk [tilespmem:v7+s25+$0x4500 ss:$0x1], $0xffff;
	v28 =	vperm.xlane v21, v1;
	v41 =	vperm.xlane v29, v0;
	v15 =	vsel vm0, v8, v15  }
0x44: {  	v23 =	vld.idx.msk [tilespmem:v7+s25+$0x4700 ss:$0x1], $0xffff;
	v18 =	vsel vm0, v10, v18;
	v8 =	vperm.xlane v8, v1;
	v22 =	vsel vm0, v12, v22  }
0x45: {  	v63 =	vld.idx.msk [tilespmem:v7+s25+$0x4480 ss:$0x1], $0xffff;
	v10 =	vperm.xlane v10, v1;
	v12 =	vperm.xlane v12, v1;
	v14 =	vsel vm0, v14, v25  }
0x46: {  	v28 =	vsel vm0, v28, v36;
	v20 =	vperm.xlane v15, v3;
	v24 =	vperm.xlane v18, v2  }
0x47: {  	v32 =	vperm.xlane v28, v3;
	v43 =	vperm.xlane v14, v2  }
0x48: {  	v26 =	vld.idx.msk [tilespmem:v7+s25+$0x4580 ss:$0x1], $0xffff;
	v44 =	vperm.xlane v22, v3;
	v8 =	vsel vm0, v8, v9;
	v9 =	vperm.xlane v19, v1  }
0x49: {  	v10 =	vsel vm0, v10, v11;
	v11 =	vperm.xlane v23, v1;
	v12 =	vsel vm0, v12, v13  }
0x4a: {  	v13 =	vsel vm0, v27, v16;
	v16 =	vsel vm0, v37, v63;
	v30 =	vperm.xlane v8, v3  }
0x4b: {  	v18 =	vsel vm1, v20, v18;
	v39 =	vperm.xlane v12, v3;
	v40 =	vperm.xlane v16, v3  }
0x4c: {  	v15 =	vsel vm1, v15, v24;
	v20 =	vperm.xlane v63, v0;
	v24 =	vperm.xlane v36, v0  }
0x4d: {  	v22 =	vsel vm1, v22, v43;
	v14 =	vsel vm1, v44, v14;
	v9 =	vsel vm0, v9, v26  }
0x4e: {  	v11 =	vsel vm0, v11, v29;
	v26 =	vperm.xlane v26, v0;
	v48 =	vperm.xlane v15, v5  }
0x4f: {  	v51 =	vperm.xlane v18, v5;
	v38 =	vsel vm1, v30, v10;
	v27 =	vsel vm1, v39, v13  }
0x50: {  	v30 =	vsel vm1, v40, v9;
	v32 =	vsel vm1, v32, v11;
	v10 =	vperm.xlane v10, v2  }
0x51: {  	v17 =	vsel vm0, v17, v20;
	v9 =	vperm.xlane v9, v2;
	v11 =	vperm.xlane v11, v2  }
0x52: {  	v20 =	vsel vm0, v23, v41;
	v31 =	vperm.xlane v38, v5;
	v33 =	vperm.xlane v30, v5  }
0x53: {  	v21 =	vsel vm0, v21, v24;
	v45 =	vperm.xlane v17, v3;
	v46 =	vperm.xlane v20, v2  }
0x54: {  	v19 =	vsel vm0, v19, v26;
	v47 =	vperm.xlane v21, v3;
	v52 =	vperm.xlane v27, v4  }
0x55: {  	v59 =	vperm.xlane v32, v4;
	v8 =	vsel vm1, v8, v10;
	v10 =	vperm.xlane v13, v2  }
0x56: {  	v13 =	vperm.xlane v19, v2;
	v9 =	vsel vm1, v16, v9;
	v11 =	vsel vm1, v28, v11  }
0x57: {  	v31 =	vsel vm2, v31, v27;
	v33 =	vsel vm2, v33, v32;
	v50 =	vperm.xlane v8, v5  }
0x58: {  	v16 =	vsel vm1, v21, v46;
	v55 =	vperm.xlane v11, v4;
	v56 =	vperm.xlane v9, v5  }
0x59: {  	v34 =	vperm.xlane v31, v6;
	v10 =	vsel vm1, v12, v10;
	v12 =	vsel vm1, v17, v13  }
0x5a: {  	v13 =	vsel vm1, v45, v19;
	v17 =	vsel vm1, v47, v20;
	v19 =	vperm.xlane v22, v4  }
0x5b: {  	s31 =	sshll.u32 s23, $0x2;
	s26 =	sand.u32 $0x7, s22;
	v20 =	vsel vm2, v48, v22;
	v53 =	vperm.xlane v16, v4;
	v49 =	vperm.xlane v10, v4  }
0x5c: {  	s26 =	sshll.u32 s26, $0x6;
	s25 =	sand.u32 $0xFFFFF000, s31;
	v22 =	vsel vm2, v38, v52;
	v54 =	vperm.xlane v12, v5;
	v57 =	vperm.xlane v17, v4  }
0x5d: {  	s25 =	sor.u32 s26, s25;
	v9 =	vsel vm2, v9, v55;
	v42 =	vsel vm3, v34, v33;
	v15 =	vsel vm2, v15, v19  }
0x5e: {  	s25 =	sshrl.u32 s25, $0x2;
	v19 =	vperm.xlane v14, v4;
	v12 =	vsel vm2, v12, v53;
	v60 =	vperm.xlane v9, v6  }
0x5f: {  	s25 =	sadd.s32 $0x13400, s25;
	v8 =	vsel vm2, v8, v49;
	v26 =	vperm.xlane v12, v6;
	v58 =	vperm.xlane v15, v6  }
0x60: {  	[tilespmem:s25+$0x380] =	vst v42;
	v18 =	vsel vm2, v18, v19;
	v61 =	vperm.xlane v8, v6;
	v8 =	vsel vm3, v8, v60  }
0x61: {  	v19 =	vperm.xlane v13, v5;
	v13 =	vsel vm2, v13, v57;
	v15 =	vsel vm3, v15, v26;
	[tilespmem:s25+$0xFFFFF880] =	vst v8  }
0x62: {  	v12 =	vsel vm3, v58, v12;
	v62 =	vperm.xlane v13, v6;
	[tilespmem:s25+$0xFFFFF800] =	vst v15;
	v15 =	vsel vm2, v30, v59  }
0x63: {  	[tilespmem:s25+$0x0] =	vst v12;
	v12 =	vsel vm2, v54, v16;
	v9 =	vsel vm3, v61, v9;
	v16 =	vperm.xlane v15, v6  }
0x64: {  	v8 =	vsel vm2, v56, v11;
	v11 =	vperm.xlane v12, v6;
	v63 =	vsel vm3, v18, v62;
	[tilespmem:s25+$0x80] =	vst v9  }
0x65: {  	v9 =	vsel vm2, v19, v17;
	v17 =	vperm.xlane v8, v6;
	[tilespmem:s25+$0xFFFFF900] =	vst v63;
	v16 =	vsel vm3, v22, v16  }
0x66: {  	v10 =	vsel vm2, v50, v10;
	v19 =	vperm.xlane v9, v6;
	v11 =	vsel vm3, v20, v11;
	[tilespmem:s25+$0xFFFFF980] =	vst v16  }
0x67: {  	v14 =	vsel vm2, v51, v14;
	v17 =	vsel vm3, v10, v17;
	v10 =	vperm.xlane v10, v6;
	[tilespmem:s25+$0xFFFFFA00] =	vst v11  }
0x68: {  	v16 =	vperm.xlane v33, v6;
	v11 =	vperm.xlane v18, v6;
	v18 =	vsel vm3, v14, v19;
	[tilespmem:s25+$0xFFFFFA80] =	vst v17  }
0x69: {  	[tilespmem:s25+$0xFFFFFB00] =	vst v18;
	v8 =	vsel vm3, v10, v8  }
0x6a: {  	v17 =	vperm.xlane v22, v6;
	v16 =	vsel vm3, v31, v16;
	[tilespmem:s25+$0x280] =	vst v8  }
0x6b: {  	v18 =	vperm.xlane v20, v6;
	v11 =	vsel vm3, v11, v13;
	[tilespmem:s25+$0xFFFFFB80] =	vst v16  }
0x6c: {  	v13 =	vsel vm3, v17, v15;
	[tilespmem:s25+$0x100] =	vst v11;
	v11 =	vperm.xlane v14, v6  }
0x6d: {  	v12 =	vsel vm3, v18, v12;
	[tilespmem:s25+$0x180] =	vst v13  }
0x6e: {  	[tilespmem:s25+$0x200] =	vst v12;
	v9 =	vsel vm3, v11, v9  }
0x6f: {  	s28 =	simm.s32 $0x10;
	[tilespmem:s25+$0x300] =	vst v9  }
0x70: {  	v14 =	vld.idx.msk [tilespmem:v7+s28+$0x4000 ss:$0x1], $0xffff  }
0x71: {  	v10 =	vld.idx.msk [tilespmem:v7+s28+$0x4080 ss:$0x1], $0xffff  }
0x72: {  	v12 =	vld.idx.msk [tilespmem:v7+s28+$0x4100 ss:$0x1], $0xffff  }
0x73: {  	v9 =	vld.idx.msk [tilespmem:v7+s28+$0x4180 ss:$0x1], $0xffff  }
0x74: {  	v15 =	vld.idx.msk [tilespmem:v7+s28+$0x4200 ss:$0x1], $0xffff  }
0x75: {  	v8 =	vld.idx.msk [tilespmem:v7+s28+$0x4280 ss:$0x1], $0xffff  }
0x76: {  	v13 =	vld.idx.msk [tilespmem:v7+s28+$0x4300 ss:$0x1], $0xffff  }
0x77: {  	s26 =	simm.s32 $0x80;
	v11 =	vld.idx.msk [tilespmem:v7+s28+$0x4380 ss:$0x1], $0xffff;
	v16 =	vperm.xlane v10, v0  }
.LBB2_4:
0x78: {  	p1 =	sne.s32 s26, $0x1C0;
	v17 =	vld.idx.msk [tilespmem:v7+s28+$0x4400 ss:$0x1], $0xffff  }
0x79: {  	v19 =	vperm.xlane v9, v0;
	v18 =	vld.idx.msk [tilespmem:v7+s28+$0x4500 ss:$0x1], $0xffff;
	v16 =	vsel vm0, v14, v16  }
0x7a: {  	v20 =	vld.idx.msk [tilespmem:v7+s28+$0x4600 ss:$0x1], $0xffff;
	v21 =	vperm.xlane v16, v3  }
0x7b: {  	v19 =	vsel vm0, v12, v19;
	v23 =	vperm.xlane v8, v0;
	v22 =	vld.idx.msk [tilespmem:v7+s28+$0x4700 ss:$0x1], $0xffff  }
0x7c: {  	v25 =	vperm.xlane v19, v2;
	v24 =	vld.idx.msk [tilespmem:v7+s28+$0x4480 ss:$0x1], $0xffff;
	v19 =	vsel vm1, v21, v19  }
0x7d: {  	v14 =	vperm.xlane v14, v1;
	v23 =	vsel vm0, v15, v23;
	v26 =	vperm.xlane v11, v0;
	v21 =	vld.idx.msk [tilespmem:v7+s28+$0x4580 ss:$0x1], $0xffff  }
0x7e: {  	v12 =	vperm.xlane v12, v1;
	v15 =	vperm.xlane v15, v1;
	v16 =	vsel vm1, v16, v25;
	v27 =	vld.idx.msk [tilespmem:v7+s28+$0x4680 ss:$0x1], $0xffff  }
0x7f: {  	v25 =	vperm.xlane v13, v1;
	v13 =	vsel vm0, v13, v26;
	v26 =	vperm.xlane v17, v1  }
0x80: {  	v10 =	vsel vm0, v14, v10;
	v14 =	vperm.xlane v18, v1;
	v29 =	vperm.xlane v20, v1;
	v28 =	vld.idx.msk [tilespmem:v7+s28+$0x4780 ss:$0x1], $0xffff  }
0x81: {  	v9 =	vsel vm0, v12, v9;
	v30 =	vperm.xlane v10, v3;
	v12 =	vperm.xlane v22, v1  }
0x82: {  	v15 =	vsel vm0, v15, v8;
	v11 =	vsel vm0, v25, v11;
	v25 =	vsel vm0, v26, v24  }
0x83: {  	v8 =	vperm.xlane v15, v3;
	v26 =	vsel vm1, v30, v9;
	v30 =	vperm.xlane v25, v3  }
0x84: {  	v14 =	vsel vm0, v14, v21;
	v31 =	vperm.xlane v26, v5;
	v29 =	vsel vm0, v29, v27  }
0x85: {  	v32 =	vsel vm1, v8, v11;
	v30 =	vsel vm1, v30, v14;
	v33 =	vperm.xlane v29, v3  }
0x86: {  	v8 =	vsel vm2, v31, v32;
	v12 =	vsel vm0, v12, v28;
	v31 =	vperm.xlane v30, v5  }
0x87: {  	v24 =	vperm.xlane v24, v0;
	v34 =	vperm.xlane v8, v6;
	v33 =	vsel vm1, v33, v12  }
0x88: {  	v21 =	vperm.xlane v21, v0;
	v27 =	vperm.xlane v27, v0;
	v31 =	vsel vm2, v31, v33  }
0x89: {  	s25 =	sadd.s32 $0x1000, s25;
	v17 =	vsel vm0, v17, v24;
	v24 =	vperm.xlane v28, v0;
	v28 =	vsel vm3, v34, v31  }
0x8a: {  	v9 =	vperm.xlane v9, v2;
	v18 =	vsel vm0, v18, v21;
	v20 =	vsel vm0, v20, v27;
	[tilespmem:s25+$0x380] =	vst v28  }
0x8b: {  	v21 =	vsel vm0, v22, v24;
	v22 =	vperm.xlane v13, v2;
	v24 =	vperm.xlane v23, v3  }
0x8c: {  	v9 =	vsel vm1, v10, v9;
	v10 =	vperm.xlane v11, v2;
	v11 =	vperm.xlane v18, v2  }
0x8d: {  	v14 =	vperm.xlane v14, v2;
	v22 =	vsel vm1, v23, v22;
	v23 =	vperm.xlane v17, v3  }
0x8e: {  	v27 =	vperm.xlane v20, v3;
	v13 =	vsel vm1, v24, v13;
	v24 =	vperm.xlane v21, v2  }
0x8f: {  	v10 =	vsel vm1, v15, v10;
	v12 =	vperm.xlane v12, v2;
	v11 =	vsel vm1, v17, v11  }
0x90: {  	v14 =	vsel vm1, v25, v14;
	v15 =	vsel vm1, v23, v18;
	v17 =	vsel vm1, v20, v24  }
0x91: {  	v12 =	vsel vm1, v29, v12;
	v18 =	vsel vm1, v27, v21;
	v20 =	vperm.xlane v22, v4  }
0x92: {  	v21 =	vperm.xlane v16, v5;
	v23 =	vperm.xlane v10, v4  }
0x93: {  	v24 =	vperm.xlane v13, v4;
	v16 =	vsel vm2, v16, v20;
	v20 =	vperm.xlane v9, v5  }
0x94: {  	v25 =	vperm.xlane v32, v4;
	v21 =	vsel vm2, v21, v22;
	v22 =	vperm.xlane v19, v5  }
0x95: {  	v27 =	vperm.xlane v11, v5;
	v9 =	vsel vm2, v9, v23;
	v23 =	vperm.xlane v17, v4  }
0x96: {  	v28 =	vperm.xlane v14, v5;
	v10 =	vsel vm2, v20, v10;
	v20 =	vperm.xlane v12, v4  }
0x97: {  	v29 =	vperm.xlane v15, v5;
	v19 =	vsel vm2, v19, v24;
	v24 =	vperm.xlane v18, v4  }
0x98: {  	v13 =	vsel vm2, v22, v13;
	v22 =	vsel vm2, v26, v25;
	v25 =	vperm.xlane v33, v4  }
0x99: {  	v17 =	vsel vm2, v27, v17;
	v11 =	vsel vm2, v11, v23;
	v14 =	vsel vm2, v14, v20  }
0x9a: {  	v18 =	vsel vm2, v29, v18;
	v12 =	vsel vm2, v28, v12;
	v15 =	vsel vm2, v15, v24  }
0x9b: {  	v24 =	vperm.xlane v16, v6;
	v23 =	vperm.xlane v11, v6;
	v20 =	vsel vm2, v30, v25  }
0x9c: {  	v26 =	vperm.xlane v9, v6;
	v25 =	vperm.xlane v14, v6  }
0x9d: {  	v27 =	vperm.xlane v19, v6;
	v16 =	vsel vm3, v16, v23;
	v23 =	vperm.xlane v15, v6  }
0x9e: {  	v28 =	vperm.xlane v22, v6;
	v11 =	vsel vm3, v24, v11;
	v24 =	vperm.xlane v20, v6;
	[tilespmem:s25+$0xFFFFF800] =	vst v16  }
0x9f: {  	v9 =	vsel vm3, v9, v25;
	v25 =	vperm.xlane v21, v6;
	v16 =	vperm.xlane v17, v6;
	[tilespmem:s25+$0x0] =	vst v11  }
0xa0: {  	v11 =	vsel vm3, v26, v14;
	v14 =	vperm.xlane v12, v6;
	v26 =	vperm.xlane v10, v6;
	[tilespmem:s25+$0xFFFFF880] =	vst v9  }
0xa1: {  	v9 =	vsel vm3, v19, v23;
	v19 =	vperm.xlane v18, v6;
	v23 =	vperm.xlane v13, v6;
	[tilespmem:s25+$0x80] =	vst v11  }
0xa2: {  	v11 =	vsel vm3, v27, v15;
	v15 =	vsel vm3, v22, v24;
	v22 =	vperm.xlane v31, v6;
	[tilespmem:s25+$0xFFFFF900] =	vst v9  }
0xa3: {  	v17 =	vsel vm3, v25, v17;
	v16 =	vsel vm3, v21, v16;
	v9 =	vsel vm3, v28, v20;
	[tilespmem:s25+$0xFFFFF980] =	vst v15  }
0xa4: {  	v10 =	vsel vm3, v10, v14;
	v12 =	vsel vm3, v26, v12;
	v13 =	vsel vm3, v13, v19;
	[tilespmem:s25+$0xFFFFFA00] =	vst v16  }
0xa5: {  	v14 =	vsel vm3, v23, v18;
	v8 =	vsel vm3, v8, v22;
	[tilespmem:s25+$0xFFFFFA80] =	vst v10  }
0xa6: {  	[tilespmem:s25+$0xFFFFFB00] =	vst v13  }
0xa7: {  	[tilespmem:s25+$0xFFFFFB80] =	vst v8  }
0xa8: {  	[tilespmem:s25+$0x100] =	vst v11  }
0xa9: {  	[tilespmem:s25+$0x180] =	vst v9  }
0xaa: {  	[tilespmem:s25+$0x200] =	vst v17  }
0xab: {  	[tilespmem:s25+$0x280] =	vst v12  }
0xac: {  	s28 =	sshra.s32 s26, $0x2;
	[tilespmem:s25+$0x300] =	vst v14  }
0xad: {  	v14 =	vld.idx.msk [tilespmem:v7+s28+$0x4000 ss:$0x1], $0xffff  }
0xae: {  	v10 =	vld.idx.msk [tilespmem:v7+s28+$0x4080 ss:$0x1], $0xffff  }
0xaf: {  	v12 =	vld.idx.msk [tilespmem:v7+s28+$0x4100 ss:$0x1], $0xffff  }
.Ltmp4:
0xb0: {  	v9 =	vld.idx.msk [tilespmem:v7+s28+$0x4180 ss:$0x1], $0xffff;
	(pc) =	sbr.rel @p1 .LBB2_4-.Ltmp4, $4  }
0xb1: {  	v15 =	vld.idx.msk [tilespmem:v7+s28+$0x4200 ss:$0x1], $0xffff  }
0xb2: {  	v8 =	vld.idx.msk [tilespmem:v7+s28+$0x4280 ss:$0x1], $0xffff  }
0xb3: {  	v13 =	vld.idx.msk [tilespmem:v7+s28+$0x4300 ss:$0x1], $0xffff  }
0xb4: {  	s26 =	sadd.s32 $0x40, s26;
	v16 =	vperm.xlane v10, v0;
	v11 =	vld.idx.msk [tilespmem:v7+s28+$0x4380 ss:$0x1], $0xffff  }
0xb5: {  	_ =	sdelay $0x3  }
0xb6: {  	v17 =	vld.idx.msk [tilespmem:v7+s28+$0x4400 ss:$0x1], $0xffff  }
0xb7: {  	v18 =	vperm.xlane v9, v0;
	v19 =	vld.idx.msk [tilespmem:v7+s28+$0x4500 ss:$0x1], $0xffff;
	v38 =	vperm.xlane v14, v1  }
0xb8: {  	v21 =	vld.idx.msk [tilespmem:v7+s28+$0x4600 ss:$0x1], $0xffff;
	v39 =	vperm.xlane v12, v1;
	v16 =	vsel vm0, v14, v16;
	v40 =	vperm.xlane v15, v1  }
0xb9: {  	v23 =	vld.idx.msk [tilespmem:v7+s28+$0x4700 ss:$0x1], $0xffff;
	v20 =	vperm.xlane v16, v3;
	v18 =	vsel vm0, v12, v18;
	v22 =	vperm.xlane v8, v0  }
0xba: {  	v37 =	vld.idx.msk [tilespmem:v7+s28+$0x4480 ss:$0x1], $0xffff;
	v10 =	vsel vm0, v38, v10;
	v45 =	vsel vm0, v39, v9;
	v24 =	vperm.xlane v18, v2  }
0xbb: {  	v41 =	vld.idx.msk [tilespmem:v7+s28+$0x4680 ss:$0x1], $0xffff;
	v27 =	vperm.xlane v13, v1;
	v29 =	vperm.xlane v10, v3;
	v8 =	vsel vm0, v40, v8  }
0xbc: {  	v9 =	vperm.xlane v45, v2;
	v18 =	vsel vm1, v20, v18;
	v25 =	vperm.xlane v11, v0  }
0xbd: {  	v22 =	vsel vm0, v15, v22;
	v50 =	vperm.xlane v8, v3;
	v43 =	vperm.xlane v17, v1  }
0xbe: {  	v26 =	vld.idx.msk [tilespmem:v7+s28+$0x4580 ss:$0x1], $0xffff;
	v16 =	vsel vm1, v16, v24;
	v44 =	vperm.xlane v19, v1;
	v28 =	vperm.xlane v21, v1  }
0xbf: {  	v7 =	vld.idx.msk [tilespmem:v7+s28+$0x4780 ss:$0x1], $0xffff;
	v46 =	vperm.xlane v23, v1;
	v47 =	vsel vm0, v27, v11;
	v20 =	vperm.xlane v37, v0  }
0xc0: {  	v49 =	vsel vm1, v29, v45;
	v24 =	vperm.xlane v41, v0;
	v54 =	vperm.xlane v22, v3  }
0xc1: {  	v9 =	vsel vm1, v10, v9;
	v39 =	vperm.xlane v18, v5;
	v42 =	vsel vm0, v13, v25  }
0xc2: {  	v30 =	vperm.xlane v49, v5;
	v27 =	vsel vm1, v50, v47;
	v55 =	vperm.xlane v47, v2  }
0xc3: {  	v35 =	vperm.xlane v16, v5;
	v48 =	vsel vm0, v43, v37;
	v14 =	vsel vm0, v44, v26  }
0xc4: {  	v28 =	vsel vm0, v28, v41;
	v12 =	vsel vm0, v46, v7;
	v26 =	vperm.xlane v26, v0  }
0xc5: {  	v17 =	vsel vm0, v17, v20;
	v7 =	vperm.xlane v7, v0;
	v53 =	vperm.xlane v42, v2  }
0xc6: {  	v21 =	vsel vm0, v21, v24;
	v37 =	vperm.xlane v9, v5;
	v40 =	vperm.xlane v27, v4  }
0xc7: {  	v13 =	vsel vm1, v54, v42;
	v51 =	vperm.xlane v48, v3;
	v31 =	vperm.xlane v28, v3  }
0xc8: {  	v30 =	vsel vm2, v30, v27;
	v57 =	vperm.xlane v17, v3;
	v59 =	vperm.xlane v21, v3  }
0xc9: {  	v8 =	vsel vm1, v8, v55;
	v61 =	vperm.xlane v12, v2;
	v38 =	vperm.xlane v13, v4  }
0xca: {  	v33 =	vperm.xlane v30, v6;
	v19 =	vsel vm0, v19, v26;
	v7 =	vsel vm0, v23, v7  }
0xcb: {  	v22 =	vsel vm1, v22, v53;
	v36 =	vperm.xlane v8, v4;
	v29 =	vsel vm1, v51, v14  }
0xcc: {  	v31 =	vsel vm1, v31, v12;
	v56 =	vperm.xlane v19, v2;
	v14 =	vperm.xlane v14, v2  }
0xcd: {  	v58 =	vperm.xlane v7, v2;
	v62 =	vsel vm1, v57, v19;
	v7 =	vsel vm1, v59, v7  }
0xce: {  	v34 =	vperm.xlane v22, v4;
	v11 =	vsel vm1, v28, v61;
	v19 =	vsel vm2, v35, v22  }
0xcf: {  	v22 =	vsel vm2, v49, v40;
	v32 =	vperm.xlane v29, v5;
	v43 =	vperm.xlane v11, v4  }
0xd0: {  	v9 =	vsel vm2, v9, v36;
	v45 =	vperm.xlane v7, v4;
	v46 =	vperm.xlane v62, v5  }
0xd1: {  	v60 =	vsel vm1, v17, v56;
	v14 =	vsel vm1, v48, v14;
	v63 =	vsel vm1, v21, v58  }
0xd2: {  	v16 =	vsel vm2, v16, v34;
	v17 =	vsel vm2, v18, v38;
	v48 =	vperm.xlane v31, v4  }
0xd3: {  	v49 =	vperm.xlane v9, v6;
	v32 =	vsel vm2, v32, v31;
	v41 =	vperm.xlane v63, v4  }
0xd4: {  	v44 =	vperm.xlane v14, v5;
	v14 =	vsel vm2, v14, v43;
	v47 =	vperm.xlane v16, v6  }
0xd5: {  	s25 =	sadd.s32 $0x1000, s25;
	v12 =	vsel vm2, v62, v45;
	v7 =	vsel vm2, v46, v7;
	v52 =	vsel vm3, v33, v32  }
0xd6: {  	v27 =	vperm.xlane v14, v6;
	v14 =	vsel vm3, v49, v14;
	v10 =	vsel vm2, v60, v41;
	[tilespmem:s25+$0x380] =	vst v52  }
0xd7: {  	v51 =	vperm.xlane v12, v6;
	[tilespmem:s25+$0x80] =	vst v14;
	v26 =	vperm.xlane v10, v6;
	v10 =	vsel vm3, v47, v10  }
0xd8: {  	v50 =	vsel vm2, v29, v48;
	v18 =	vperm.xlane v7, v6;
	v9 =	vsel vm3, v9, v27;
	[tilespmem:s25+$0x0] =	vst v10  }
0xd9: {  	v13 =	vsel vm2, v39, v13;
	v53 =	vperm.xlane v50, v6;
	v20 =	vsel vm3, v17, v51;
	[tilespmem:s25+$0xFFFFF880] =	vst v9  }
0xda: {  	v42 =	vperm.xlane v60, v5;
	v60 =	vperm.xlane v22, v6;
	v59 =	vsel vm3, v13, v18;
	[tilespmem:s25+$0xFFFFF900] =	vst v20  }
0xdb: {  	v61 =	vperm.xlane v19, v6;
	v15 =	vsel vm3, v22, v53;
	[tilespmem:s25+$0xFFFFFB00] =	vst v59  }
0xdc: {  	v52 =	vsel vm2, v42, v63;
	v63 =	vperm.xlane v13, v6;
	v62 =	vsel vm3, v60, v50;
	[tilespmem:s25+$0xFFFFF980] =	vst v15  }
0xdd: {  	v10 =	vsel vm3, v61, v52;
	[tilespmem:s25+$0x180] =	vst v62  }
0xde: {  	v54 =	vsel vm2, v44, v11;
	v55 =	vperm.xlane v52, v6;
	v7 =	vsel vm3, v63, v7;
	[tilespmem:s25+$0x200] =	vst v10  }
0xdf: {  	s21 =	sadd.s32 $0x1, s21;
	v56 =	vperm.xlane v54, v6;
	v16 =	vsel vm3, v16, v26;
	[tilespmem:s25+$0x300] =	vst v7  }
0xe0: {  	p1 =	sne.s32 s21, $0x12;
	v8 =	vsel vm2, v37, v8;
	v57 =	vperm.xlane v32, v6;
	v11 =	vsel vm3, v19, v55;
	[tilespmem:s25+$0xFFFFF800] =	vst v16  }
.Ltmp5:
0xe1: {  	v58 =	vperm.xlane v17, v6;
	v14 =	vsel vm3, v8, v56;
	[tilespmem:s25+$0xFFFFFA00] =	vst v11;
	(pc) =	sbr.rel @p1 .LBB2_3-.Ltmp5, $4  }
0xe2: {  	v15 =	vsel vm3, v30, v57;
	v8 =	vperm.xlane v8, v6;
	[tilespmem:s25+$0xFFFFFA80] =	vst v14  }
0xe3: {  	v11 =	vsel vm3, v58, v12;
	[tilespmem:s25+$0xFFFFFB80] =	vst v15  }
0xe4: {  	[tilespmem:s25+$0x100] =	vst v11;
	v8 =	vsel vm3, v8, v54  }
0xe5: {  	s24 =	sadd.s32 $0x800, s24;
	s23 =	sadd.s32 $0x80, s23;
	s22 =	sadd.s32 $0x1, s22;
	[tilespmem:s25+$0x280] =	vst v8  }
0xe6: {  	s21 =	simm.s32 $0x0  }
0xe7: {  	v7 =	vld [tilespmem:s21+$0x9280]  }
0xe8: {  	v18 =	vld [tilespmem:s21+$0x9580]  }
0xe9: {  	v11 =	vld [tilespmem:s21+$0x9480]  }
0xea: {  	v26 =	vld [tilespmem:s21+$0x9200]  }
0xeb: {  	v19 =	vld [tilespmem:s21+$0x9080]  }
0xec: {  	v23 =	vld [tilespmem:s21+$0x9180]  }
0xed: {  	v14 =	vld [tilespmem:s21+$0x9100]  }
0xee: {  	v32 =	vld [tilespmem:s21+$0x9500]  }
0xef: {  	v9 =	vld [tilespmem:s21+$0x9000]  }
0xf0: {  	v25 =	vld [tilespmem:s21+$0x9380];
	v31 =	vperm.xlane v18, v0  }
0xf1: {  	v16 =	vld [tilespmem:s21+$0x9300];
	v8 =	vperm.xlane v18, v1;
	v33 =	vperm.xlane v7, v0  }
0xf2: {  	v21 =	vperm.xlane v11, v0;
	v12 =	vperm.xlane v26, v1  }
0xf3: {  	v10 =	vperm.xlane v19, v0;
	v22 =	vperm.xlane v23, v0  }
0xf4: {  	v34 =	vperm.xlane v14, v1;
	v27 =	vperm.xlane v32, v1  }
0xf5: {  	v28 =	vperm.xlane v9, v1;
	v29 =	vperm.xlane v25, v0  }
0xf6: {  	v30 =	vperm.xlane v16, v1;
	v13 =	vsel vm0, v18, v31;
	v20 =	vsel vm0, v8, v18  }
0xf7: {  	v8 =	vperm.xlane v13, v3;
	v24 =	vperm.xlane v20, v3  }
0xf8: {  	v12 =	vsel vm0, v12, v7;
	v23 =	vsel vm0, v34, v23;
	v17 =	vperm.xlane v13, v2  }
0xf9: {  	v15 =	vsel vm1, v8, v13;
	v8 =	vsel vm1, v24, v20;
	v24 =	vsel vm0, v27, v18;
	v27 =	vld [tilespmem:s21+$0x9400]  }
0xfa: {  	s22 =	simm.s32 $0x13C20;
	s23 =	simm.s32 $0x40;
	v18 =	vsel vm0, v26, v33;
	v26 =	vsel vm0, v32, v31;
	s21 =	simm.s32 $0x13C20;
	v7 =	vperm.xlane v8, v4  }
.LBB2_7:
0xfb: {  	p1 =	sne.s32 s23, $0x1C0  }
0xfc: {  	v16 =	vsel vm0, v16, v29;
	v25 =	vsel vm0, v30, v25;
	v29 =	vperm.xlane v23, v2;
	s22 =	sadd.s32 $0x1000, s22;
	s24 =	smov.u32 s23;
	s23 =	sadd.s32 $0x40, s23  }
0xfd: {  	v19 =	vsel vm0, v28, v19;
	v30 =	vperm.xlane v20, v2;
	v28 =	vperm.xlane v25, v2  }
0xfe: {  	v31 =	vperm.xlane v27, v1;
	v21 =	vsel vm0, v27, v21;
	v27 =	vperm.xlane v19, v3  }
0xff: {  	v32 =	vperm.xlane v26, v2;
	v20 =	vsel vm1, v20, v30;
	v33 =	vperm.xlane v21, v3  }
0x100: {  	v14 =	vsel vm0, v14, v22;
	v22 =	vperm.xlane v24, v2;
	v11 =	vsel vm0, v31, v11  }
0x101: {  	v21 =	vsel vm1, v21, v32;
	v31 =	vperm.xlane v15, v4;
	v30 =	vperm.xlane v11, v3  }
0x102: {  	v32 =	vperm.xlane v16, v2;
	v26 =	vsel vm1, v33, v26;
	v11 =	vsel vm1, v11, v22  }
0x103: {  	v22 =	vperm.xlane v14, v2;
	v24 =	vsel vm1, v30, v24;
	v30 =	vperm.xlane v26, v5  }
0x104: {  	v13 =	vsel vm1, v13, v17;
	v17 =	vperm.xlane v20, v4;
	v33 =	vperm.xlane v24, v5  }
0x105: {  	v23 =	vsel vm1, v27, v23;
	v27 =	vperm.xlane v13, v4;
	v15 =	vsel vm2, v30, v15  }
0x106: {  	v17 =	vsel vm2, v11, v17;
	v30 =	vperm.xlane v18, v3;
	v34 =	vperm.xlane v15, v6  }
0x107: {  	v9 =	vsel vm0, v9, v10;
	v10 =	vsel vm1, v19, v29;
	v19 =	vperm.xlane v12, v3  }
0x108: {  	v29 =	vperm.xlane v9, v3;
	v18 =	vsel vm1, v18, v32;
	v32 =	vperm.xlane v23, v5  }
0x109: {  	v12 =	vsel vm1, v12, v28;
	v19 =	vsel vm1, v19, v25;
	v25 =	vsel vm2, v26, v31  }
0x10a: {  	v28 =	vperm.xlane v21, v5;
	v14 =	vsel vm1, v29, v14;
	v26 =	vperm.xlane v12, v4  }
0x10b: {  	v9 =	vsel vm1, v9, v22;
	v22 =	vperm.xlane v14, v5;
	v29 =	vperm.xlane v25, v6  }
0x10c: {  	v13 =	vsel vm2, v28, v13;
	v11 =	vperm.xlane v11, v5;
	v16 =	vsel vm1, v30, v16  }
0x10d: {  	v28 =	vperm.xlane v9, v5;
	v30 =	vperm.xlane v16, v4;
	v16 =	vsel vm2, v22, v16  }
0x10e: {  	v11 =	vsel vm2, v11, v20;
	v22 =	vsel vm2, v32, v19;
	v20 =	vperm.xlane v16, v6  }
0x10f: {  	v31 =	vperm.xlane v13, v6;
	v28 =	vsel vm2, v28, v18;
	v8 =	vsel vm2, v33, v8  }
0x110: {  	v32 =	vperm.xlane v28, v6;
	v15 =	vsel vm3, v20, v15;
	v20 =	vperm.xlane v8, v6  }
0x111: {  	v21 =	vsel vm2, v21, v27;
	v33 =	vperm.xlane v10, v5;
	v27 =	vsel vm3, v28, v31  }
0x112: {  	v28 =	vperm.xlane v11, v6;
	v13 =	vsel vm3, v32, v13;
	v20 =	vsel vm3, v22, v20;
	[tilespmem:s21+$0xFFFFFA00] =	vst v27  }
0x113: {  	v12 =	vsel vm2, v33, v12;
	v16 =	vsel vm3, v16, v34;
	v22 =	vperm.xlane v22, v6;
	[tilespmem:s21+$0xFFFFFB80] =	vst v20  }
0x114: {  	v18 =	vperm.xlane v18, v4;
	v14 =	vsel vm2, v14, v30;
	v20 =	vperm.xlane v12, v6;
	[tilespmem:s21+$0x200] =	vst v13  }
0x115: {  	v12 =	vsel vm3, v12, v28;
	v13 =	vperm.xlane v14, v6;
	v14 =	vsel vm3, v14, v29;
	[tilespmem:s21+$0xFFFFFB00] =	vst v16  }
0x116: {  	v9 =	vsel vm2, v9, v18;
	v18 =	vperm.xlane v17, v6;
	v16 =	vperm.xlane v21, v6;
	[tilespmem:s21+$0xFFFFF900] =	vst v14  }
0x117: {  	v10 =	vsel vm2, v10, v26;
	v14 =	vperm.xlane v9, v6;
	v13 =	vsel vm3, v13, v25;
	[tilespmem:s21+$0x300] =	vst v15  }
0x118: {  	v11 =	vsel vm3, v20, v11;
	v15 =	vperm.xlane v10, v6;
	v10 =	vsel vm3, v10, v18;
	[tilespmem:s21+$0xFFFFFA80] =	vst v12  }
0x119: {  	v7 =	vsel vm2, v24, v7;
	v12 =	vperm.xlane v19, v4;
	v14 =	vsel vm3, v14, v21;
	[tilespmem:s21+$0xFFFFF880] =	vst v10  }
0x11a: {  	v8 =	vsel vm3, v22, v8;
	v10 =	vsel vm3, v15, v17;
	v15 =	vperm.xlane v7, v6;
	[tilespmem:s21+$0x0] =	vst v14  }
0x11b: {  	v9 =	vsel vm3, v9, v16;
	v12 =	vsel vm2, v23, v12;
	[tilespmem:s21+$0x100] =	vst v13  }
0x11c: {  	v13 =	vperm.xlane v12, v6;
	v12 =	vsel vm3, v12, v15;
	[tilespmem:s21+$0x80] =	vst v10  }
0x11d: {  	[tilespmem:s21+$0xFFFFF980] =	vst v12  }
0x11e: {  	v7 =	vsel vm3, v13, v7;
	[tilespmem:s21+$0x380] =	vst v8  }
0x11f: {  	[tilespmem:s21+$0xFFFFF800] =	vst v9  }
0x120: {  	[tilespmem:s21+$0x180] =	vst v7  }
0x121: {  	s24 =	sshra.s32 s24, $0x2;
	[tilespmem:s21+$0x280] =	vst v11;
	s21 =	smov.u32 s22  }
0x122: {  	v16 =	vld [tilespmem:s24+$0x9300]  }
0x123: {  	v7 =	vld [tilespmem:s24+$0x9280]  }
0x124: {  	v18 =	vld [tilespmem:s24+$0x9580]  }
0x125: {  	v11 =	vld [tilespmem:s24+$0x9480]  }
0x126: {  	v26 =	vld [tilespmem:s24+$0x9200]  }
0x127: {  	v19 =	vld [tilespmem:s24+$0x9080]  }
0x128: {  	v23 =	vld [tilespmem:s24+$0x9180]  }
0x129: {  	v14 =	vld [tilespmem:s24+$0x9100];
	v31 =	vperm.xlane v18, v0;
	v8 =	vperm.xlane v18, v1  }
0x12a: {  	v33 =	vperm.xlane v7, v0;
	v32 =	vld [tilespmem:s24+$0x9500];
	v21 =	vperm.xlane v11, v0  }
0x12b: {  	v9 =	vld [tilespmem:s24+$0x9000];
	v12 =	vperm.xlane v26, v1;
	v13 =	vsel vm0, v18, v31;
	v20 =	vsel vm0, v8, v18  }
0x12c: {  	v25 =	vld [tilespmem:s24+$0x9380];
	v10 =	vperm.xlane v19, v0;
	v8 =	vperm.xlane v13, v3  }
0x12d: {  	v24 =	vperm.xlane v20, v3;
	v22 =	vperm.xlane v23, v0  }
.Ltmp6:
0x12e: {  	v17 =	vperm.xlane v13, v2;
	v34 =	vperm.xlane v14, v1;
	(pc) =	sbr.rel @p1 .LBB2_7-.Ltmp6, $4  }
0x12f: {  	v15 =	vsel vm1, v8, v13;
	v8 =	vsel vm1, v24, v20;
	v35 =	vperm.xlane v32, v1  }
0x130: {  	v12 =	vsel vm0, v12, v7;
	v7 =	vperm.xlane v8, v4;
	v27 =	vld [tilespmem:s24+$0x9400];
	v28 =	vperm.xlane v9, v1  }
0x131: {  	v30 =	vperm.xlane v16, v1;
	v29 =	vperm.xlane v25, v0;
	v24 =	vsel vm0, v35, v18  }
0x132: {  	v23 =	vsel vm0, v34, v23;
	v18 =	vsel vm0, v26, v33;
	v26 =	vsel vm0, v32, v31  }
0x133: {  	v25 =	vsel vm0, v30, v25;
	v45 =	vperm.xlane v23, v2;
	v46 =	vperm.xlane v20, v2  }
0x134: {  	v16 =	vsel vm0, v16, v29;
	v32 =	vperm.xlane v26, v2;
	v48 =	vperm.xlane v24, v2  }
0x135: {  	v19 =	vsel vm0, v28, v19;
	v50 =	vperm.xlane v15, v4;
	v59 =	vperm.xlane v18, v3  }
0x136: {  	v14 =	vsel vm0, v14, v22;
	v61 =	vperm.xlane v12, v3;
	v30 =	vperm.xlane v25, v2  }
0x137: {  	v13 =	vsel vm1, v13, v17;
	v47 =	vperm.xlane v19, v3;
	v51 =	vperm.xlane v16, v2  }
0x138: {  	v9 =	vsel vm0, v9, v10;
	v53 =	vperm.xlane v14, v2;
	v57 =	vperm.xlane v13, v4  }
0x139: {  	v62 =	vperm.xlane v9, v3;
	v31 =	vperm.xlane v27, v1  }
0x13a: {  	v21 =	vsel vm0, v27, v21;
	v20 =	vsel vm1, v20, v46;
	v60 =	vsel vm1, v19, v45  }
0x13b: {  	v19 =	vsel vm1, v61, v25;
	v33 =	vperm.xlane v21, v3;
	v21 =	vsel vm1, v21, v32  }
0x13c: {  	v55 =	vperm.xlane v20, v4;
	v23 =	vsel vm1, v47, v23;
	v63 =	vsel vm1, v18, v51  }
0x13d: {  	v37 =	vsel vm1, v12, v30;
	v14 =	vsel vm1, v62, v14;
	v36 =	vperm.xlane v23, v5  }
0x13e: {  	v9 =	vsel vm1, v9, v53;
	v39 =	vperm.xlane v37, v4;
	v40 =	vperm.xlane v21, v5  }
0x13f: {  	v11 =	vsel vm0, v31, v11;
	v41 =	vperm.xlane v14, v5;
	v43 =	vperm.xlane v9, v5  }
0x140: {  	v16 =	vsel vm1, v59, v16;
	v18 =	vperm.xlane v63, v4;
	v49 =	vperm.xlane v11, v3  }
0x141: {  	v52 =	vsel vm1, v33, v26;
	v11 =	vsel vm1, v11, v48;
	v48 =	vperm.xlane v60, v5  }
0x142: {  	v54 =	vperm.xlane v52, v5;
	v17 =	vsel vm2, v11, v55;
	v38 =	vsel vm2, v52, v50  }
0x143: {  	v13 =	vsel vm2, v40, v13;
	v11 =	vperm.xlane v11, v5;
	v22 =	vsel vm2, v41, v16  }
0x144: {  	v28 =	vsel vm2, v43, v63;
	v16 =	vperm.xlane v16, v4;
	v29 =	vperm.xlane v13, v6  }
0x145: {  	v50 =	vsel vm2, v21, v57;
	v9 =	vsel vm2, v9, v18;
	v42 =	vperm.xlane v38, v6  }
0x146: {  	v46 =	vperm.xlane v22, v6;
	v14 =	vsel vm2, v14, v16;
	v29 =	vsel vm3, v28, v29  }
0x147: {  	v53 =	vperm.xlane v17, v6;
	v58 =	vsel vm2, v54, v15;
	v52 =	vsel vm3, v14, v42;
	[tilespmem:s21+$0xFFFFFA00] =	vst v29  }
0x148: {  	v10 =	vsel vm2, v60, v39;
	v61 =	vperm.xlane v50, v6;
	v15 =	vsel vm3, v46, v58;
	[tilespmem:s21+$0xFFFFF900] =	vst v52  }
0x149: {  	v55 =	vperm.xlane v10, v6;
	v54 =	vperm.xlane v9, v6;
	v10 =	vsel vm3, v10, v53;
	[tilespmem:s21+$0x300] =	vst v15  }
0x14a: {  	v44 =	vsel vm2, v36, v19;
	v24 =	vsel vm1, v49, v24;
	v9 =	vsel vm3, v9, v61;
	[tilespmem:s21+$0xFFFFF880] =	vst v10  }
0x14b: {  	v12 =	vsel vm2, v48, v37;
	v28 =	vperm.xlane v28, v6;
	v57 =	vsel vm3, v54, v50;
	[tilespmem:s21+$0xFFFFF800] =	vst v9  }
0x14c: {  	v11 =	vsel vm2, v11, v20;
	v34 =	vperm.xlane v58, v6;
	v15 =	vsel vm3, v55, v17;
	[tilespmem:s21+$0x0] =	vst v57  }
0x14d: {  	v56 =	vperm.xlane v24, v5;
	v51 =	vperm.xlane v11, v6;
	v13 =	vsel vm3, v28, v13;
	[tilespmem:s21+$0x80] =	vst v15  }
0x14e: {  	v60 =	vperm.xlane v44, v6;
	v14 =	vperm.xlane v14, v6;
	v49 =	vsel vm3, v22, v34;
	[tilespmem:s21+$0x200] =	vst v13  }
0x14f: {  	v7 =	vsel vm2, v24, v7;
	v8 =	vsel vm2, v56, v8;
	v16 =	vsel vm3, v12, v51;
	[tilespmem:s21+$0xFFFFFB00] =	vst v49  }
0x150: {  	v56 =	vperm.xlane v19, v4;
	v45 =	vperm.xlane v8, v6;
	v58 =	vsel vm3, v14, v38;
	[tilespmem:s21+$0xFFFFFA80] =	vst v16  }
0x151: {  	v59 =	vperm.xlane v7, v6;
	v8 =	vsel vm3, v60, v8;
	[tilespmem:s21+$0x100] =	vst v58  }
0x152: {  	v12 =	vperm.xlane v12, v6;
	v16 =	vsel vm2, v23, v56;
	[tilespmem:s21+$0x380] =	vst v8;
	v47 =	vsel vm3, v44, v45  }
0x153: {  	v62 =	vsel vm3, v16, v59;
	v63 =	vperm.xlane v16, v6;
	[tilespmem:s21+$0xFFFFFB80] =	vst v47  }
0x154: {  	v8 =	vsel vm3, v12, v11;
	[tilespmem:s21+$0xFFFFF980] =	vst v62  }
0x155: {  	s22 =	sshll.u32 s20, $0xC;
	[tilespmem:s21+$0x280] =	vst v8;
	v7 =	vsel vm3, v63, v7  }
.Ltmp7:
0x156: {  	s31 =	sadd.s32 s5, s22;
	[tilespmem:s21+$0x180] =	vst v7;
	(pc) =	sbr.rel @p0 .LBB2_16-.Ltmp7, $4  }
0x157: {  	[hbm4b:s31+s3] =	stream.linear.scatter [tilespmem:s14], [sflag:$0x3], $0x8000, $0x38;
	[tilespmem:$0x1B000] =	vst v63  }
0x158: {  	_ =	swait.ge [sflag:s15], $0x8000  }
0x159: {  	[sflag:s15] =	ssyncset.done $0x0  }
0x15a: {  	[sflag:s15] =	ssyncadd.s32 $0xFFFF8000  }
0x15b: {  	_ =	swait.ge [sflag:s13], $0x9600  }
0x15c: {  	p0 =	sgt.u32 s20, $0xBF4;
	[sflag:s13] =	ssyncset.done $0x0  }
0x15d: {  	s20 =	sshll.u32 @!p0 s20, $0x7;
	s21 =	simm.s32 @!p0 $0x400;
	s22 =	simm.s32 @!p0 $0x30D400  }
0x15e: {  	s23 =	simm.s32 @!p0 $0x0;
	[sflag:s13] =	ssyncadd.s32 $0xFFFF6A00;
	s20 =	sadd.s32 @!p0 s20, s8  }
0x15f: {  	[tilespmem:s23], [sflag:$0x1] =	stream.strided.gather @!p0 [hbm4b:s20+s21], $0x9400, s22, s21, $0x38;
	[tilespmem:$0x1B000] =	vst v63  }
0x160: {  	s20 =	sadd.s32 @!p0 $0xE1D480, s20;
	s21 =	simm.s32 @!p0 $0x9400;
	s22 =	simm.s32 $0x400  }
0x161: {  	[tilespmem:s21], [sflag:$0x1] =	stream.linear.gather @!p0 [hbm4b:s20+s23], $0x200, $0x38;
	[tilespmem:$0x1B000] =	vst v63  }
0x162: {  	s20 =	simm.s32 $0x8;
	s21 =	simm.s32 $0x9800;
	s23 =	simm.s32 $0x0  }
.LBB2_10:
0x163: {  	v7 =	vmov s21;
	_ =	sdelay $0x3  }
0x164: {  	s24 =	simm.s32 $0x0  }
0x165: {  	v8 =	vld.idx.msk [tilespmem:v7+s24+$0x4000 ss:$0x1], $0xffff  }
0x166: {  	v9 =	vld.idx.msk [tilespmem:v7+s24+$0x4080 ss:$0x1], $0xffff  }
0x167: {  	v10 =	vld.idx.msk [tilespmem:v7+s24+$0x4100 ss:$0x1], $0xffff  }
0x168: {  	v11 =	vld.idx.msk [tilespmem:v7+s24+$0x4180 ss:$0x1], $0xffff  }
0x169: {  	v13 =	vld.idx.msk [tilespmem:v7+s24+$0x4280 ss:$0x1], $0xffff  }
0x16a: {  	v14 =	vld.idx.msk [tilespmem:v7+s24+$0x4300 ss:$0x1], $0xffff  }
0x16b: {  	v16 =	vld.idx.msk [tilespmem:v7+s24+$0x4380 ss:$0x1], $0xffff  }
0x16c: {  	v17 =	vld.idx.msk [tilespmem:v7+s24+$0x4400 ss:$0x1], $0xffff  }
0x16d: {  	v21 =	vld.idx.msk [tilespmem:v7+s24+$0x4600 ss:$0x1], $0xffff  }
0x16e: {  	v29 =	vld.idx.msk [tilespmem:v7+s24+$0x4780 ss:$0x1], $0xffff  }
0x16f: {  	v12 =	vld.idx.msk [tilespmem:v7+s24+$0x4200 ss:$0x1], $0xffff  }
0x170: {  	v15 =	vperm.xlane v9, v0;
	v18 =	vperm.xlane v11, v0  }
0x171: {  	v36 =	vld.idx.msk [tilespmem:v7+s24+$0x4680 ss:$0x1], $0xffff;
	v22 =	vperm.xlane v13, v0;
	v25 =	vperm.xlane v16, v0  }
0x172: {  	v27 =	vperm.xlane v14, v1;
	v37 =	vperm.xlane v17, v1  }
0x173: {  	v19 =	vld.idx.msk [tilespmem:v7+s24+$0x4500 ss:$0x1], $0xffff;
	v28 =	vperm.xlane v21, v1;
	v41 =	vperm.xlane v29, v0;
	v15 =	vsel vm0, v8, v15  }
0x174: {  	v23 =	vld.idx.msk [tilespmem:v7+s24+$0x4700 ss:$0x1], $0xffff;
	v18 =	vsel vm0, v10, v18;
	v8 =	vperm.xlane v8, v1;
	v22 =	vsel vm0, v12, v22  }
0x175: {  	v63 =	vld.idx.msk [tilespmem:v7+s24+$0x4480 ss:$0x1], $0xffff;
	v10 =	vperm.xlane v10, v1;
	v12 =	vperm.xlane v12, v1;
	v14 =	vsel vm0, v14, v25  }
0x176: {  	v28 =	vsel vm0, v28, v36;
	v20 =	vperm.xlane v15, v3;
	v24 =	vperm.xlane v18, v2  }
0x177: {  	v32 =	vperm.xlane v28, v3;
	v43 =	vperm.xlane v14, v2  }
0x178: {  	v26 =	vld.idx.msk [tilespmem:v7+s24+$0x4580 ss:$0x1], $0xffff;
	v44 =	vperm.xlane v22, v3;
	v8 =	vsel vm0, v8, v9;
	v9 =	vperm.xlane v19, v1  }
0x179: {  	v10 =	vsel vm0, v10, v11;
	v11 =	vperm.xlane v23, v1;
	v12 =	vsel vm0, v12, v13  }
0x17a: {  	v13 =	vsel vm0, v27, v16;
	v16 =	vsel vm0, v37, v63;
	v30 =	vperm.xlane v8, v3  }
0x17b: {  	v18 =	vsel vm1, v20, v18;
	v39 =	vperm.xlane v12, v3;
	v40 =	vperm.xlane v16, v3  }
0x17c: {  	v15 =	vsel vm1, v15, v24;
	v20 =	vperm.xlane v63, v0;
	v24 =	vperm.xlane v36, v0  }
0x17d: {  	v22 =	vsel vm1, v22, v43;
	v14 =	vsel vm1, v44, v14;
	v9 =	vsel vm0, v9, v26  }
0x17e: {  	v11 =	vsel vm0, v11, v29;
	v26 =	vperm.xlane v26, v0;
	v48 =	vperm.xlane v15, v5  }
0x17f: {  	v51 =	vperm.xlane v18, v5;
	v38 =	vsel vm1, v30, v10;
	v27 =	vsel vm1, v39, v13  }
0x180: {  	v30 =	vsel vm1, v40, v9;
	v32 =	vsel vm1, v32, v11;
	v10 =	vperm.xlane v10, v2  }
0x181: {  	v17 =	vsel vm0, v17, v20;
	v9 =	vperm.xlane v9, v2;
	v11 =	vperm.xlane v11, v2  }
0x182: {  	v20 =	vsel vm0, v23, v41;
	v31 =	vperm.xlane v38, v5;
	v33 =	vperm.xlane v30, v5  }
0x183: {  	v21 =	vsel vm0, v21, v24;
	v45 =	vperm.xlane v17, v3;
	v46 =	vperm.xlane v20, v2  }
0x184: {  	v19 =	vsel vm0, v19, v26;
	v47 =	vperm.xlane v21, v3;
	v52 =	vperm.xlane v27, v4  }
0x185: {  	v59 =	vperm.xlane v32, v4;
	v8 =	vsel vm1, v8, v10;
	v10 =	vperm.xlane v13, v2  }
0x186: {  	v13 =	vperm.xlane v19, v2;
	v9 =	vsel vm1, v16, v9;
	v11 =	vsel vm1, v28, v11  }
0x187: {  	v31 =	vsel vm2, v31, v27;
	v33 =	vsel vm2, v33, v32;
	v50 =	vperm.xlane v8, v5  }
0x188: {  	v16 =	vsel vm1, v21, v46;
	v55 =	vperm.xlane v11, v4;
	v56 =	vperm.xlane v9, v5  }
0x189: {  	v34 =	vperm.xlane v31, v6;
	v10 =	vsel vm1, v12, v10;
	v12 =	vsel vm1, v17, v13  }
0x18a: {  	v13 =	vsel vm1, v45, v19;
	v17 =	vsel vm1, v47, v20;
	v19 =	vperm.xlane v22, v4  }
0x18b: {  	s31 =	sshll.u32 s22, $0x2;
	s25 =	sand.u32 $0x7, s23;
	v20 =	vsel vm2, v48, v22;
	v53 =	vperm.xlane v16, v4;
	v49 =	vperm.xlane v10, v4  }
0x18c: {  	s25 =	sshll.u32 s25, $0x6;
	s24 =	sand.u32 $0xFFFFF000, s31;
	v22 =	vsel vm2, v38, v52;
	v54 =	vperm.xlane v12, v5;
	v57 =	vperm.xlane v17, v4  }
0x18d: {  	s24 =	sor.u32 s25, s24;
	v9 =	vsel vm2, v9, v55;
	v42 =	vsel vm3, v34, v33;
	v15 =	vsel vm2, v15, v19  }
0x18e: {  	s24 =	sshrl.u32 s24, $0x2;
	v19 =	vperm.xlane v14, v4;
	v12 =	vsel vm2, v12, v53;
	v60 =	vperm.xlane v9, v6  }
0x18f: {  	s24 =	sadd.s32 $0x13400, s24;
	v8 =	vsel vm2, v8, v49;
	v26 =	vperm.xlane v12, v6;
	v58 =	vperm.xlane v15, v6  }
0x190: {  	[tilespmem:s24+$0x380] =	vst v42;
	v18 =	vsel vm2, v18, v19;
	v61 =	vperm.xlane v8, v6;
	v8 =	vsel vm3, v8, v60  }
0x191: {  	v19 =	vperm.xlane v13, v5;
	v13 =	vsel vm2, v13, v57;
	v15 =	vsel vm3, v15, v26;
	[tilespmem:s24+$0xFFFFF880] =	vst v8  }
0x192: {  	v12 =	vsel vm3, v58, v12;
	v62 =	vperm.xlane v13, v6;
	[tilespmem:s24+$0xFFFFF800] =	vst v15;
	v15 =	vsel vm2, v30, v59  }
0x193: {  	[tilespmem:s24+$0x0] =	vst v12;
	v12 =	vsel vm2, v54, v16;
	v9 =	vsel vm3, v61, v9;
	v16 =	vperm.xlane v15, v6  }
0x194: {  	v8 =	vsel vm2, v56, v11;
	v11 =	vperm.xlane v12, v6;
	v63 =	vsel vm3, v18, v62;
	[tilespmem:s24+$0x80] =	vst v9  }
0x195: {  	v9 =	vsel vm2, v19, v17;
	v17 =	vperm.xlane v8, v6;
	[tilespmem:s24+$0xFFFFF900] =	vst v63;
	v16 =	vsel vm3, v22, v16  }
0x196: {  	v10 =	vsel vm2, v50, v10;
	v19 =	vperm.xlane v9, v6;
	v11 =	vsel vm3, v20, v11;
	[tilespmem:s24+$0xFFFFF980] =	vst v16  }
0x197: {  	v14 =	vsel vm2, v51, v14;
	v17 =	vsel vm3, v10, v17;
	v10 =	vperm.xlane v10, v6;
	[tilespmem:s24+$0xFFFFFA00] =	vst v11  }
0x198: {  	v16 =	vperm.xlane v33, v6;
	v11 =	vperm.xlane v18, v6;
	v18 =	vsel vm3, v14, v19;
	[tilespmem:s24+$0xFFFFFA80] =	vst v17  }
0x199: {  	[tilespmem:s24+$0xFFFFFB00] =	vst v18;
	v8 =	vsel vm3, v10, v8  }
0x19a: {  	v17 =	vperm.xlane v22, v6;
	v16 =	vsel vm3, v31, v16;
	[tilespmem:s24+$0x280] =	vst v8  }
0x19b: {  	v18 =	vperm.xlane v20, v6;
	v11 =	vsel vm3, v11, v13;
	[tilespmem:s24+$0xFFFFFB80] =	vst v16  }
0x19c: {  	v13 =	vsel vm3, v17, v15;
	[tilespmem:s24+$0x100] =	vst v11;
	v11 =	vperm.xlane v14, v6  }
0x19d: {  	v12 =	vsel vm3, v18, v12;
	[tilespmem:s24+$0x180] =	vst v13  }
0x19e: {  	[tilespmem:s24+$0x200] =	vst v12;
	v9 =	vsel vm3, v11, v9  }
0x19f: {  	s26 =	simm.s32 $0x10;
	[tilespmem:s24+$0x300] =	vst v9  }
0x1a0: {  	v14 =	vld.idx.msk [tilespmem:v7+s26+$0x4000 ss:$0x1], $0xffff  }
0x1a1: {  	v10 =	vld.idx.msk [tilespmem:v7+s26+$0x4080 ss:$0x1], $0xffff  }
0x1a2: {  	v12 =	vld.idx.msk [tilespmem:v7+s26+$0x4100 ss:$0x1], $0xffff  }
0x1a3: {  	v9 =	vld.idx.msk [tilespmem:v7+s26+$0x4180 ss:$0x1], $0xffff  }
0x1a4: {  	v15 =	vld.idx.msk [tilespmem:v7+s26+$0x4200 ss:$0x1], $0xffff  }
0x1a5: {  	v8 =	vld.idx.msk [tilespmem:v7+s26+$0x4280 ss:$0x1], $0xffff  }
0x1a6: {  	v13 =	vld.idx.msk [tilespmem:v7+s26+$0x4300 ss:$0x1], $0xffff  }
0x1a7: {  	s25 =	simm.s32 $0x80;
	v11 =	vld.idx.msk [tilespmem:v7+s26+$0x4380 ss:$0x1], $0xffff;
	v16 =	vperm.xlane v10, v0  }
.LBB2_11:
0x1a8: {  	p0 =	sne.s32 s25, $0x1C0;
	v17 =	vld.idx.msk [tilespmem:v7+s26+$0x4400 ss:$0x1], $0xffff  }
0x1a9: {  	v19 =	vperm.xlane v9, v0;
	v18 =	vld.idx.msk [tilespmem:v7+s26+$0x4500 ss:$0x1], $0xffff;
	v16 =	vsel vm0, v14, v16  }
0x1aa: {  	v20 =	vld.idx.msk [tilespmem:v7+s26+$0x4600 ss:$0x1], $0xffff;
	v21 =	vperm.xlane v16, v3  }
0x1ab: {  	v19 =	vsel vm0, v12, v19;
	v23 =	vperm.xlane v8, v0;
	v22 =	vld.idx.msk [tilespmem:v7+s26+$0x4700 ss:$0x1], $0xffff  }
0x1ac: {  	v25 =	vperm.xlane v19, v2;
	v24 =	vld.idx.msk [tilespmem:v7+s26+$0x4480 ss:$0x1], $0xffff;
	v19 =	vsel vm1, v21, v19  }
0x1ad: {  	v14 =	vperm.xlane v14, v1;
	v23 =	vsel vm0, v15, v23;
	v26 =	vperm.xlane v11, v0;
	v21 =	vld.idx.msk [tilespmem:v7+s26+$0x4580 ss:$0x1], $0xffff  }
0x1ae: {  	v12 =	vperm.xlane v12, v1;
	v15 =	vperm.xlane v15, v1;
	v16 =	vsel vm1, v16, v25;
	v27 =	vld.idx.msk [tilespmem:v7+s26+$0x4680 ss:$0x1], $0xffff  }
0x1af: {  	v25 =	vperm.xlane v13, v1;
	v13 =	vsel vm0, v13, v26;
	v26 =	vperm.xlane v17, v1  }
0x1b0: {  	v10 =	vsel vm0, v14, v10;
	v14 =	vperm.xlane v18, v1;
	v29 =	vperm.xlane v20, v1;
	v28 =	vld.idx.msk [tilespmem:v7+s26+$0x4780 ss:$0x1], $0xffff  }
0x1b1: {  	v9 =	vsel vm0, v12, v9;
	v30 =	vperm.xlane v10, v3;
	v12 =	vperm.xlane v22, v1  }
0x1b2: {  	v15 =	vsel vm0, v15, v8;
	v11 =	vsel vm0, v25, v11;
	v25 =	vsel vm0, v26, v24  }
0x1b3: {  	v8 =	vperm.xlane v15, v3;
	v26 =	vsel vm1, v30, v9;
	v30 =	vperm.xlane v25, v3  }
0x1b4: {  	v14 =	vsel vm0, v14, v21;
	v31 =	vperm.xlane v26, v5;
	v29 =	vsel vm0, v29, v27  }
0x1b5: {  	v32 =	vsel vm1, v8, v11;
	v30 =	vsel vm1, v30, v14;
	v33 =	vperm.xlane v29, v3  }
0x1b6: {  	v8 =	vsel vm2, v31, v32;
	v12 =	vsel vm0, v12, v28;
	v31 =	vperm.xlane v30, v5  }
0x1b7: {  	v24 =	vperm.xlane v24, v0;
	v34 =	vperm.xlane v8, v6;
	v33 =	vsel vm1, v33, v12  }
0x1b8: {  	v21 =	vperm.xlane v21, v0;
	v27 =	vperm.xlane v27, v0;
	v31 =	vsel vm2, v31, v33  }
0x1b9: {  	s24 =	sadd.s32 $0x1000, s24;
	v17 =	vsel vm0, v17, v24;
	v24 =	vperm.xlane v28, v0;
	v28 =	vsel vm3, v34, v31  }
0x1ba: {  	v9 =	vperm.xlane v9, v2;
	v18 =	vsel vm0, v18, v21;
	v20 =	vsel vm0, v20, v27;
	[tilespmem:s24+$0x380] =	vst v28  }
0x1bb: {  	v21 =	vsel vm0, v22, v24;
	v22 =	vperm.xlane v13, v2;
	v24 =	vperm.xlane v23, v3  }
0x1bc: {  	v9 =	vsel vm1, v10, v9;
	v10 =	vperm.xlane v11, v2;
	v11 =	vperm.xlane v18, v2  }
0x1bd: {  	v14 =	vperm.xlane v14, v2;
	v22 =	vsel vm1, v23, v22;
	v23 =	vperm.xlane v17, v3  }
0x1be: {  	v27 =	vperm.xlane v20, v3;
	v13 =	vsel vm1, v24, v13;
	v24 =	vperm.xlane v21, v2  }
0x1bf: {  	v10 =	vsel vm1, v15, v10;
	v12 =	vperm.xlane v12, v2;
	v11 =	vsel vm1, v17, v11  }
0x1c0: {  	v14 =	vsel vm1, v25, v14;
	v15 =	vsel vm1, v23, v18;
	v17 =	vsel vm1, v20, v24  }
0x1c1: {  	v12 =	vsel vm1, v29, v12;
	v18 =	vsel vm1, v27, v21;
	v20 =	vperm.xlane v22, v4  }
0x1c2: {  	v21 =	vperm.xlane v16, v5;
	v23 =	vperm.xlane v10, v4  }
0x1c3: {  	v24 =	vperm.xlane v13, v4;
	v16 =	vsel vm2, v16, v20;
	v20 =	vperm.xlane v9, v5  }
0x1c4: {  	v25 =	vperm.xlane v32, v4;
	v21 =	vsel vm2, v21, v22;
	v22 =	vperm.xlane v19, v5  }
0x1c5: {  	v27 =	vperm.xlane v11, v5;
	v9 =	vsel vm2, v9, v23;
	v23 =	vperm.xlane v17, v4  }
0x1c6: {  	v28 =	vperm.xlane v14, v5;
	v10 =	vsel vm2, v20, v10;
	v20 =	vperm.xlane v12, v4  }
0x1c7: {  	v29 =	vperm.xlane v15, v5;
	v19 =	vsel vm2, v19, v24;
	v24 =	vperm.xlane v18, v4  }
0x1c8: {  	v13 =	vsel vm2, v22, v13;
	v22 =	vsel vm2, v26, v25;
	v25 =	vperm.xlane v33, v4  }
0x1c9: {  	v17 =	vsel vm2, v27, v17;
	v11 =	vsel vm2, v11, v23;
	v14 =	vsel vm2, v14, v20  }
0x1ca: {  	v18 =	vsel vm2, v29, v18;
	v12 =	vsel vm2, v28, v12;
	v15 =	vsel vm2, v15, v24  }
0x1cb: {  	v24 =	vperm.xlane v16, v6;
	v23 =	vperm.xlane v11, v6;
	v20 =	vsel vm2, v30, v25  }
0x1cc: {  	v26 =	vperm.xlane v9, v6;
	v25 =	vperm.xlane v14, v6  }
0x1cd: {  	v27 =	vperm.xlane v19, v6;
	v16 =	vsel vm3, v16, v23;
	v23 =	vperm.xlane v15, v6  }
0x1ce: {  	v28 =	vperm.xlane v22, v6;
	v11 =	vsel vm3, v24, v11;
	v24 =	vperm.xlane v20, v6;
	[tilespmem:s24+$0xFFFFF800] =	vst v16  }
0x1cf: {  	v9 =	vsel vm3, v9, v25;
	v25 =	vperm.xlane v21, v6;
	v16 =	vperm.xlane v17, v6;
	[tilespmem:s24+$0x0] =	vst v11  }
0x1d0: {  	v11 =	vsel vm3, v26, v14;
	v14 =	vperm.xlane v12, v6;
	v26 =	vperm.xlane v10, v6;
	[tilespmem:s24+$0xFFFFF880] =	vst v9  }
0x1d1: {  	v9 =	vsel vm3, v19, v23;
	v19 =	vperm.xlane v18, v6;
	v23 =	vperm.xlane v13, v6;
	[tilespmem:s24+$0x80] =	vst v11  }
0x1d2: {  	v11 =	vsel vm3, v27, v15;
	v15 =	vsel vm3, v22, v24;
	v22 =	vperm.xlane v31, v6;
	[tilespmem:s24+$0xFFFFF900] =	vst v9  }
0x1d3: {  	v17 =	vsel vm3, v25, v17;
	v16 =	vsel vm3, v21, v16;
	v9 =	vsel vm3, v28, v20;
	[tilespmem:s24+$0xFFFFF980] =	vst v15  }
0x1d4: {  	v10 =	vsel vm3, v10, v14;
	v12 =	vsel vm3, v26, v12;
	v13 =	vsel vm3, v13, v19;
	[tilespmem:s24+$0xFFFFFA00] =	vst v16  }
0x1d5: {  	v14 =	vsel vm3, v23, v18;
	v8 =	vsel vm3, v8, v22;
	[tilespmem:s24+$0xFFFFFA80] =	vst v10  }
0x1d6: {  	[tilespmem:s24+$0xFFFFFB00] =	vst v13  }
0x1d7: {  	[tilespmem:s24+$0xFFFFFB80] =	vst v8  }
0x1d8: {  	[tilespmem:s24+$0x100] =	vst v11  }
0x1d9: {  	[tilespmem:s24+$0x180] =	vst v9  }
0x1da: {  	[tilespmem:s24+$0x200] =	vst v17  }
0x1db: {  	[tilespmem:s24+$0x280] =	vst v12  }
0x1dc: {  	s26 =	sshra.s32 s25, $0x2;
	[tilespmem:s24+$0x300] =	vst v14  }
0x1dd: {  	v14 =	vld.idx.msk [tilespmem:v7+s26+$0x4000 ss:$0x1], $0xffff  }
0x1de: {  	v10 =	vld.idx.msk [tilespmem:v7+s26+$0x4080 ss:$0x1], $0xffff  }
0x1df: {  	v12 =	vld.idx.msk [tilespmem:v7+s26+$0x4100 ss:$0x1], $0xffff  }
.Ltmp8:
0x1e0: {  	v9 =	vld.idx.msk [tilespmem:v7+s26+$0x4180 ss:$0x1], $0xffff;
	(pc) =	sbr.rel @p0 .LBB2_11-.Ltmp8, $4  }
0x1e1: {  	v15 =	vld.idx.msk [tilespmem:v7+s26+$0x4200 ss:$0x1], $0xffff  }
0x1e2: {  	v8 =	vld.idx.msk [tilespmem:v7+s26+$0x4280 ss:$0x1], $0xffff  }
0x1e3: {  	v13 =	vld.idx.msk [tilespmem:v7+s26+$0x4300 ss:$0x1], $0xffff  }
0x1e4: {  	s25 =	sadd.s32 $0x40, s25;
	v16 =	vperm.xlane v10, v0;
	v11 =	vld.idx.msk [tilespmem:v7+s26+$0x4380 ss:$0x1], $0xffff  }
0x1e5: {  	_ =	sdelay $0x3  }
0x1e6: {  	v17 =	vld.idx.msk [tilespmem:v7+s26+$0x4400 ss:$0x1], $0xffff  }
0x1e7: {  	v18 =	vperm.xlane v9, v0;
	v19 =	vld.idx.msk [tilespmem:v7+s26+$0x4500 ss:$0x1], $0xffff;
	v38 =	vperm.xlane v14, v1  }
0x1e8: {  	v21 =	vld.idx.msk [tilespmem:v7+s26+$0x4600 ss:$0x1], $0xffff;
	v39 =	vperm.xlane v12, v1;
	v16 =	vsel vm0, v14, v16;
	v40 =	vperm.xlane v15, v1  }
0x1e9: {  	v23 =	vld.idx.msk [tilespmem:v7+s26+$0x4700 ss:$0x1], $0xffff;
	v20 =	vperm.xlane v16, v3;
	v18 =	vsel vm0, v12, v18;
	v22 =	vperm.xlane v8, v0  }
0x1ea: {  	v37 =	vld.idx.msk [tilespmem:v7+s26+$0x4480 ss:$0x1], $0xffff;
	v10 =	vsel vm0, v38, v10;
	v45 =	vsel vm0, v39, v9;
	v24 =	vperm.xlane v18, v2  }
0x1eb: {  	v41 =	vld.idx.msk [tilespmem:v7+s26+$0x4680 ss:$0x1], $0xffff;
	v27 =	vperm.xlane v13, v1;
	v29 =	vperm.xlane v10, v3;
	v8 =	vsel vm0, v40, v8  }
0x1ec: {  	v9 =	vperm.xlane v45, v2;
	v18 =	vsel vm1, v20, v18;
	v25 =	vperm.xlane v11, v0  }
0x1ed: {  	v22 =	vsel vm0, v15, v22;
	v50 =	vperm.xlane v8, v3;
	v43 =	vperm.xlane v17, v1  }
0x1ee: {  	v26 =	vld.idx.msk [tilespmem:v7+s26+$0x4580 ss:$0x1], $0xffff;
	v16 =	vsel vm1, v16, v24;
	v44 =	vperm.xlane v19, v1;
	v28 =	vperm.xlane v21, v1  }
0x1ef: {  	v7 =	vld.idx.msk [tilespmem:v7+s26+$0x4780 ss:$0x1], $0xffff;
	v46 =	vperm.xlane v23, v1;
	v47 =	vsel vm0, v27, v11;
	v20 =	vperm.xlane v37, v0  }
0x1f0: {  	v49 =	vsel vm1, v29, v45;
	v24 =	vperm.xlane v41, v0;
	v54 =	vperm.xlane v22, v3  }
0x1f1: {  	v9 =	vsel vm1, v10, v9;
	v39 =	vperm.xlane v18, v5;
	v42 =	vsel vm0, v13, v25  }
0x1f2: {  	v30 =	vperm.xlane v49, v5;
	v27 =	vsel vm1, v50, v47;
	v55 =	vperm.xlane v47, v2  }
0x1f3: {  	v35 =	vperm.xlane v16, v5;
	v48 =	vsel vm0, v43, v37;
	v14 =	vsel vm0, v44, v26  }
0x1f4: {  	v28 =	vsel vm0, v28, v41;
	v12 =	vsel vm0, v46, v7;
	v26 =	vperm.xlane v26, v0  }
0x1f5: {  	v17 =	vsel vm0, v17, v20;
	v7 =	vperm.xlane v7, v0;
	v53 =	vperm.xlane v42, v2  }
0x1f6: {  	v21 =	vsel vm0, v21, v24;
	v37 =	vperm.xlane v9, v5;
	v40 =	vperm.xlane v27, v4  }
0x1f7: {  	v13 =	vsel vm1, v54, v42;
	v51 =	vperm.xlane v48, v3;
	v31 =	vperm.xlane v28, v3  }
0x1f8: {  	v30 =	vsel vm2, v30, v27;
	v57 =	vperm.xlane v17, v3;
	v59 =	vperm.xlane v21, v3  }
0x1f9: {  	v8 =	vsel vm1, v8, v55;
	v61 =	vperm.xlane v12, v2;
	v38 =	vperm.xlane v13, v4  }
0x1fa: {  	v33 =	vperm.xlane v30, v6;
	v19 =	vsel vm0, v19, v26;
	v7 =	vsel vm0, v23, v7  }
0x1fb: {  	v22 =	vsel vm1, v22, v53;
	v36 =	vperm.xlane v8, v4;
	v29 =	vsel vm1, v51, v14  }
0x1fc: {  	v31 =	vsel vm1, v31, v12;
	v56 =	vperm.xlane v19, v2;
	v14 =	vperm.xlane v14, v2  }
0x1fd: {  	v58 =	vperm.xlane v7, v2;
	v62 =	vsel vm1, v57, v19;
	v7 =	vsel vm1, v59, v7  }
0x1fe: {  	v34 =	vperm.xlane v22, v4;
	v11 =	vsel vm1, v28, v61;
	v19 =	vsel vm2, v35, v22  }
0x1ff: {  	v22 =	vsel vm2, v49, v40;
	v32 =	vperm.xlane v29, v5;
	v43 =	vperm.xlane v11, v4  }
0x200: {  	v9 =	vsel vm2, v9, v36;
	v45 =	vperm.xlane v7, v4;
	v46 =	vperm.xlane v62, v5  }
0x201: {  	v60 =	vsel vm1, v17, v56;
	v14 =	vsel vm1, v48, v14;
	v63 =	vsel vm1, v21, v58  }
0x202: {  	v16 =	vsel vm2, v16, v34;
	v17 =	vsel vm2, v18, v38;
	v48 =	vperm.xlane v31, v4  }
0x203: {  	v49 =	vperm.xlane v9, v6;
	v32 =	vsel vm2, v32, v31;
	v41 =	vperm.xlane v63, v4  }
0x204: {  	v44 =	vperm.xlane v14, v5;
	v14 =	vsel vm2, v14, v43;
	v47 =	vperm.xlane v16, v6  }
0x205: {  	s24 =	sadd.s32 $0x1000, s24;
	v12 =	vsel vm2, v62, v45;
	v7 =	vsel vm2, v46, v7;
	v52 =	vsel vm3, v33, v32  }
0x206: {  	v27 =	vperm.xlane v14, v6;
	v14 =	vsel vm3, v49, v14;
	v10 =	vsel vm2, v60, v41;
	[tilespmem:s24+$0x380] =	vst v52  }
0x207: {  	v51 =	vperm.xlane v12, v6;
	[tilespmem:s24+$0x80] =	vst v14;
	v26 =	vperm.xlane v10, v6;
	v10 =	vsel vm3, v47, v10  }
0x208: {  	v50 =	vsel vm2, v29, v48;
	v18 =	vperm.xlane v7, v6;
	v9 =	vsel vm3, v9, v27;
	[tilespmem:s24+$0x0] =	vst v10  }
0x209: {  	v13 =	vsel vm2, v39, v13;
	v53 =	vperm.xlane v50, v6;
	v20 =	vsel vm3, v17, v51;
	[tilespmem:s24+$0xFFFFF880] =	vst v9  }
0x20a: {  	v42 =	vperm.xlane v60, v5;
	v60 =	vperm.xlane v22, v6;
	v59 =	vsel vm3, v13, v18;
	[tilespmem:s24+$0xFFFFF900] =	vst v20  }
0x20b: {  	v61 =	vperm.xlane v19, v6;
	v15 =	vsel vm3, v22, v53;
	[tilespmem:s24+$0xFFFFFB00] =	vst v59  }
0x20c: {  	v52 =	vsel vm2, v42, v63;
	v63 =	vperm.xlane v13, v6;
	v62 =	vsel vm3, v60, v50;
	[tilespmem:s24+$0xFFFFF980] =	vst v15  }
0x20d: {  	v10 =	vsel vm3, v61, v52;
	[tilespmem:s24+$0x180] =	vst v62  }
0x20e: {  	v54 =	vsel vm2, v44, v11;
	v55 =	vperm.xlane v52, v6;
	v7 =	vsel vm3, v63, v7;
	[tilespmem:s24+$0x200] =	vst v10  }
0x20f: {  	s20 =	sadd.s32 $0x1, s20;
	v56 =	vperm.xlane v54, v6;
	v16 =	vsel vm3, v16, v26;
	[tilespmem:s24+$0x300] =	vst v7  }
0x210: {  	p0 =	sne.s32 s20, $0x12;
	v8 =	vsel vm2, v37, v8;
	v57 =	vperm.xlane v32, v6;
	v11 =	vsel vm3, v19, v55;
	[tilespmem:s24+$0xFFFFF800] =	vst v16  }
.Ltmp9:
0x211: {  	v58 =	vperm.xlane v17, v6;
	v14 =	vsel vm3, v8, v56;
	[tilespmem:s24+$0xFFFFFA00] =	vst v11;
	(pc) =	sbr.rel @p0 .LBB2_10-.Ltmp9, $4  }
0x212: {  	v15 =	vsel vm3, v30, v57;
	v8 =	vperm.xlane v8, v6;
	[tilespmem:s24+$0xFFFFFA80] =	vst v14  }
0x213: {  	v11 =	vsel vm3, v58, v12;
	[tilespmem:s24+$0xFFFFFB80] =	vst v15  }
0x214: {  	[tilespmem:s24+$0x100] =	vst v11;
	v8 =	vsel vm3, v8, v54  }
0x215: {  	s21 =	sadd.s32 $0x800, s21;
	s22 =	sadd.s32 $0x80, s22;
	s23 =	sadd.s32 $0x1, s23;
	[tilespmem:s24+$0x280] =	vst v8  }
0x216: {  	s20 =	simm.s32 $0x0  }
0x217: {  	v7 =	vld [tilespmem:s20+$0x12A80]  }
0x218: {  	v18 =	vld [tilespmem:s20+$0x12D80]  }
0x219: {  	v11 =	vld [tilespmem:s20+$0x12C80]  }
0x21a: {  	v26 =	vld [tilespmem:s20+$0x12A00]  }
0x21b: {  	v19 =	vld [tilespmem:s20+$0x12880]  }
0x21c: {  	v23 =	vld [tilespmem:s20+$0x12980]  }
0x21d: {  	v14 =	vld [tilespmem:s20+$0x12900]  }
0x21e: {  	v32 =	vld [tilespmem:s20+$0x12D00]  }
0x21f: {  	v9 =	vld [tilespmem:s20+$0x12800]  }
0x220: {  	v25 =	vld [tilespmem:s20+$0x12B80];
	v31 =	vperm.xlane v18, v0  }
0x221: {  	v16 =	vld [tilespmem:s20+$0x12B00];
	v8 =	vperm.xlane v18, v1;
	v33 =	vperm.xlane v7, v0  }
0x222: {  	v21 =	vperm.xlane v11, v0;
	v12 =	vperm.xlane v26, v1  }
0x223: {  	v10 =	vperm.xlane v19, v0;
	v22 =	vperm.xlane v23, v0  }
0x224: {  	v34 =	vperm.xlane v14, v1;
	v27 =	vperm.xlane v32, v1  }
0x225: {  	v28 =	vperm.xlane v9, v1;
	v29 =	vperm.xlane v25, v0  }
0x226: {  	v30 =	vperm.xlane v16, v1;
	v13 =	vsel vm0, v18, v31;
	v20 =	vsel vm0, v8, v18  }
0x227: {  	v8 =	vperm.xlane v13, v3;
	v24 =	vperm.xlane v20, v3  }
0x228: {  	v12 =	vsel vm0, v12, v7;
	v23 =	vsel vm0, v34, v23;
	v17 =	vperm.xlane v13, v2  }
0x229: {  	v15 =	vsel vm1, v8, v13;
	v8 =	vsel vm1, v24, v20;
	v24 =	vsel vm0, v27, v18;
	v27 =	vld [tilespmem:s20+$0x12C00]  }
0x22a: {  	s21 =	simm.s32 $0x13C20;
	s22 =	simm.s32 $0x40;
	v18 =	vsel vm0, v26, v33;
	v26 =	vsel vm0, v32, v31;
	s20 =	simm.s32 $0x13C20;
	v7 =	vperm.xlane v8, v4  }
.LBB2_14:
0x22b: {  	p0 =	sne.s32 s22, $0x1C0  }
0x22c: {  	v16 =	vsel vm0, v16, v29;
	v25 =	vsel vm0, v30, v25;
	v29 =	vperm.xlane v23, v2;
	s21 =	sadd.s32 $0x1000, s21;
	s23 =	smov.u32 s22;
	s22 =	sadd.s32 $0x40, s22  }
0x22d: {  	v19 =	vsel vm0, v28, v19;
	v30 =	vperm.xlane v20, v2;
	v28 =	vperm.xlane v25, v2  }
0x22e: {  	v31 =	vperm.xlane v27, v1;
	v21 =	vsel vm0, v27, v21;
	v27 =	vperm.xlane v19, v3  }
0x22f: {  	v32 =	vperm.xlane v26, v2;
	v20 =	vsel vm1, v20, v30;
	v33 =	vperm.xlane v21, v3  }
0x230: {  	v14 =	vsel vm0, v14, v22;
	v22 =	vperm.xlane v24, v2;
	v11 =	vsel vm0, v31, v11  }
0x231: {  	v21 =	vsel vm1, v21, v32;
	v31 =	vperm.xlane v15, v4;
	v30 =	vperm.xlane v11, v3  }
0x232: {  	v32 =	vperm.xlane v16, v2;
	v26 =	vsel vm1, v33, v26;
	v11 =	vsel vm1, v11, v22  }
0x233: {  	v22 =	vperm.xlane v14, v2;
	v24 =	vsel vm1, v30, v24;
	v30 =	vperm.xlane v26, v5  }
0x234: {  	v13 =	vsel vm1, v13, v17;
	v17 =	vperm.xlane v20, v4;
	v33 =	vperm.xlane v24, v5  }
0x235: {  	v23 =	vsel vm1, v27, v23;
	v27 =	vperm.xlane v13, v4;
	v15 =	vsel vm2, v30, v15  }
0x236: {  	v17 =	vsel vm2, v11, v17;
	v30 =	vperm.xlane v18, v3;
	v34 =	vperm.xlane v15, v6  }
0x237: {  	v9 =	vsel vm0, v9, v10;
	v10 =	vsel vm1, v19, v29;
	v19 =	vperm.xlane v12, v3  }
0x238: {  	v29 =	vperm.xlane v9, v3;
	v18 =	vsel vm1, v18, v32;
	v32 =	vperm.xlane v23, v5  }
0x239: {  	v12 =	vsel vm1, v12, v28;
	v19 =	vsel vm1, v19, v25;
	v25 =	vsel vm2, v26, v31  }
0x23a: {  	v28 =	vperm.xlane v21, v5;
	v14 =	vsel vm1, v29, v14;
	v26 =	vperm.xlane v12, v4  }
0x23b: {  	v9 =	vsel vm1, v9, v22;
	v22 =	vperm.xlane v14, v5;
	v29 =	vperm.xlane v25, v6  }
0x23c: {  	v13 =	vsel vm2, v28, v13;
	v11 =	vperm.xlane v11, v5;
	v16 =	vsel vm1, v30, v16  }
0x23d: {  	v28 =	vperm.xlane v9, v5;
	v30 =	vperm.xlane v16, v4;
	v16 =	vsel vm2, v22, v16  }
0x23e: {  	v11 =	vsel vm2, v11, v20;
	v22 =	vsel vm2, v32, v19;
	v20 =	vperm.xlane v16, v6  }
0x23f: {  	v31 =	vperm.xlane v13, v6;
	v28 =	vsel vm2, v28, v18;
	v8 =	vsel vm2, v33, v8  }
0x240: {  	v32 =	vperm.xlane v28, v6;
	v15 =	vsel vm3, v20, v15;
	v20 =	vperm.xlane v8, v6  }
0x241: {  	v21 =	vsel vm2, v21, v27;
	v33 =	vperm.xlane v10, v5;
	v27 =	vsel vm3, v28, v31  }
0x242: {  	v28 =	vperm.xlane v11, v6;
	v13 =	vsel vm3, v32, v13;
	v20 =	vsel vm3, v22, v20;
	[tilespmem:s20+$0xFFFFFA00] =	vst v27  }
0x243: {  	v12 =	vsel vm2, v33, v12;
	v16 =	vsel vm3, v16, v34;
	v22 =	vperm.xlane v22, v6;
	[tilespmem:s20+$0xFFFFFB80] =	vst v20  }
0x244: {  	v18 =	vperm.xlane v18, v4;
	v14 =	vsel vm2, v14, v30;
	v20 =	vperm.xlane v12, v6;
	[tilespmem:s20+$0x200] =	vst v13  }
0x245: {  	v12 =	vsel vm3, v12, v28;
	v13 =	vperm.xlane v14, v6;
	v14 =	vsel vm3, v14, v29;
	[tilespmem:s20+$0xFFFFFB00] =	vst v16  }
0x246: {  	v9 =	vsel vm2, v9, v18;
	v18 =	vperm.xlane v17, v6;
	v16 =	vperm.xlane v21, v6;
	[tilespmem:s20+$0xFFFFF900] =	vst v14  }
0x247: {  	v10 =	vsel vm2, v10, v26;
	v14 =	vperm.xlane v9, v6;
	v13 =	vsel vm3, v13, v25;
	[tilespmem:s20+$0x300] =	vst v15  }
0x248: {  	v11 =	vsel vm3, v20, v11;
	v15 =	vperm.xlane v10, v6;
	v10 =	vsel vm3, v10, v18;
	[tilespmem:s20+$0xFFFFFA80] =	vst v12  }
0x249: {  	v7 =	vsel vm2, v24, v7;
	v12 =	vperm.xlane v19, v4;
	v14 =	vsel vm3, v14, v21;
	[tilespmem:s20+$0xFFFFF880] =	vst v10  }
0x24a: {  	v8 =	vsel vm3, v22, v8;
	v10 =	vsel vm3, v15, v17;
	v15 =	vperm.xlane v7, v6;
	[tilespmem:s20+$0x0] =	vst v14  }
0x24b: {  	v9 =	vsel vm3, v9, v16;
	v12 =	vsel vm2, v23, v12;
	[tilespmem:s20+$0x100] =	vst v13  }
0x24c: {  	v13 =	vperm.xlane v12, v6;
	v12 =	vsel vm3, v12, v15;
	[tilespmem:s20+$0x80] =	vst v10  }
0x24d: {  	[tilespmem:s20+$0xFFFFF980] =	vst v12  }
0x24e: {  	v7 =	vsel vm3, v13, v7;
	[tilespmem:s20+$0x380] =	vst v8  }
0x24f: {  	[tilespmem:s20+$0xFFFFF800] =	vst v9  }
0x250: {  	[tilespmem:s20+$0x180] =	vst v7  }
0x251: {  	s23 =	sshra.s32 s23, $0x2;
	[tilespmem:s20+$0x280] =	vst v11;
	s20 =	smov.u32 s21  }
0x252: {  	v16 =	vld [tilespmem:s23+$0x12B00]  }
0x253: {  	v7 =	vld [tilespmem:s23+$0x12A80]  }
0x254: {  	v18 =	vld [tilespmem:s23+$0x12D80]  }
0x255: {  	v11 =	vld [tilespmem:s23+$0x12C80]  }
0x256: {  	v26 =	vld [tilespmem:s23+$0x12A00]  }
0x257: {  	v19 =	vld [tilespmem:s23+$0x12880]  }
0x258: {  	v23 =	vld [tilespmem:s23+$0x12980]  }
0x259: {  	v14 =	vld [tilespmem:s23+$0x12900];
	v31 =	vperm.xlane v18, v0;
	v8 =	vperm.xlane v18, v1  }
0x25a: {  	v33 =	vperm.xlane v7, v0;
	v32 =	vld [tilespmem:s23+$0x12D00];
	v21 =	vperm.xlane v11, v0  }
0x25b: {  	v9 =	vld [tilespmem:s23+$0x12800];
	v12 =	vperm.xlane v26, v1;
	v13 =	vsel vm0, v18, v31;
	v20 =	vsel vm0, v8, v18  }
0x25c: {  	v25 =	vld [tilespmem:s23+$0x12B80];
	v10 =	vperm.xlane v19, v0;
	v8 =	vperm.xlane v13, v3  }
0x25d: {  	v24 =	vperm.xlane v20, v3;
	v22 =	vperm.xlane v23, v0  }
.Ltmp10:
0x25e: {  	v17 =	vperm.xlane v13, v2;
	v34 =	vperm.xlane v14, v1;
	(pc) =	sbr.rel @p0 .LBB2_14-.Ltmp10, $4  }
0x25f: {  	v15 =	vsel vm1, v8, v13;
	v8 =	vsel vm1, v24, v20;
	v35 =	vperm.xlane v32, v1  }
0x260: {  	v12 =	vsel vm0, v12, v7;
	v7 =	vperm.xlane v8, v4;
	v27 =	vld [tilespmem:s23+$0x12C00];
	v28 =	vperm.xlane v9, v1  }
0x261: {  	v30 =	vperm.xlane v16, v1;
	v29 =	vperm.xlane v25, v0;
	v24 =	vsel vm0, v35, v18  }
0x262: {  	v23 =	vsel vm0, v34, v23;
	v18 =	vsel vm0, v26, v33;
	v26 =	vsel vm0, v32, v31  }
0x263: {  	v25 =	vsel vm0, v30, v25;
	v45 =	vperm.xlane v23, v2;
	v46 =	vperm.xlane v20, v2  }
0x264: {  	v16 =	vsel vm0, v16, v29;
	v32 =	vperm.xlane v26, v2;
	v48 =	vperm.xlane v24, v2  }
0x265: {  	v19 =	vsel vm0, v28, v19;
	v50 =	vperm.xlane v15, v4;
	v59 =	vperm.xlane v18, v3  }
0x266: {  	v14 =	vsel vm0, v14, v22;
	v61 =	vperm.xlane v12, v3;
	v30 =	vperm.xlane v25, v2  }
0x267: {  	v13 =	vsel vm1, v13, v17;
	v47 =	vperm.xlane v19, v3;
	v51 =	vperm.xlane v16, v2  }
0x268: {  	v9 =	vsel vm0, v9, v10;
	v53 =	vperm.xlane v14, v2;
	v57 =	vperm.xlane v13, v4  }
0x269: {  	v62 =	vperm.xlane v9, v3;
	v31 =	vperm.xlane v27, v1  }
0x26a: {  	v21 =	vsel vm0, v27, v21;
	v20 =	vsel vm1, v20, v46;
	v60 =	vsel vm1, v19, v45  }
0x26b: {  	v19 =	vsel vm1, v61, v25;
	v33 =	vperm.xlane v21, v3;
	v21 =	vsel vm1, v21, v32  }
0x26c: {  	v55 =	vperm.xlane v20, v4;
	v23 =	vsel vm1, v47, v23;
	v63 =	vsel vm1, v18, v51  }
0x26d: {  	v37 =	vsel vm1, v12, v30;
	v14 =	vsel vm1, v62, v14;
	v36 =	vperm.xlane v23, v5  }
0x26e: {  	v9 =	vsel vm1, v9, v53;
	v39 =	vperm.xlane v37, v4;
	v40 =	vperm.xlane v21, v5  }
0x26f: {  	v11 =	vsel vm0, v31, v11;
	v41 =	vperm.xlane v14, v5;
	v43 =	vperm.xlane v9, v5  }
0x270: {  	v16 =	vsel vm1, v59, v16;
	v18 =	vperm.xlane v63, v4;
	v49 =	vperm.xlane v11, v3  }
0x271: {  	v52 =	vsel vm1, v33, v26;
	v11 =	vsel vm1, v11, v48;
	v48 =	vperm.xlane v60, v5  }
0x272: {  	v54 =	vperm.xlane v52, v5;
	v17 =	vsel vm2, v11, v55;
	v38 =	vsel vm2, v52, v50  }
0x273: {  	v13 =	vsel vm2, v40, v13;
	v11 =	vperm.xlane v11, v5;
	v22 =	vsel vm2, v41, v16  }
0x274: {  	v28 =	vsel vm2, v43, v63;
	v16 =	vperm.xlane v16, v4;
	v29 =	vperm.xlane v13, v6  }
0x275: {  	v50 =	vsel vm2, v21, v57;
	v9 =	vsel vm2, v9, v18;
	v42 =	vperm.xlane v38, v6  }
0x276: {  	v46 =	vperm.xlane v22, v6;
	v14 =	vsel vm2, v14, v16;
	v29 =	vsel vm3, v28, v29  }
0x277: {  	v53 =	vperm.xlane v17, v6;
	v58 =	vsel vm2, v54, v15;
	v52 =	vsel vm3, v14, v42;
	[tilespmem:s20+$0xFFFFFA00] =	vst v29  }
0x278: {  	v10 =	vsel vm2, v60, v39;
	v61 =	vperm.xlane v50, v6;
	v15 =	vsel vm3, v46, v58;
	[tilespmem:s20+$0xFFFFF900] =	vst v52  }
0x279: {  	v55 =	vperm.xlane v10, v6;
	v54 =	vperm.xlane v9, v6;
	v10 =	vsel vm3, v10, v53;
	[tilespmem:s20+$0x300] =	vst v15  }
0x27a: {  	v44 =	vsel vm2, v36, v19;
	v24 =	vsel vm1, v49, v24;
	v9 =	vsel vm3, v9, v61;
	[tilespmem:s20+$0xFFFFF880] =	vst v10  }
0x27b: {  	v12 =	vsel vm2, v48, v37;
	v28 =	vperm.xlane v28, v6;
	v57 =	vsel vm3, v54, v50;
	[tilespmem:s20+$0xFFFFF800] =	vst v9  }
0x27c: {  	v11 =	vsel vm2, v11, v20;
	v34 =	vperm.xlane v58, v6;
	v15 =	vsel vm3, v55, v17;
	[tilespmem:s20+$0x0] =	vst v57  }
0x27d: {  	v56 =	vperm.xlane v24, v5;
	v51 =	vperm.xlane v11, v6;
	v13 =	vsel vm3, v28, v13;
	[tilespmem:s20+$0x80] =	vst v15  }
0x27e: {  	v60 =	vperm.xlane v44, v6;
	v14 =	vperm.xlane v14, v6;
	v49 =	vsel vm3, v22, v34;
	[tilespmem:s20+$0x200] =	vst v13  }
0x27f: {  	v7 =	vsel vm2, v24, v7;
	v8 =	vsel vm2, v56, v8;
	v16 =	vsel vm3, v12, v51;
	[tilespmem:s20+$0xFFFFFB00] =	vst v49  }
0x280: {  	v56 =	vperm.xlane v19, v4;
	v45 =	vperm.xlane v8, v6;
	v58 =	vsel vm3, v14, v38;
	[tilespmem:s20+$0xFFFFFA80] =	vst v16  }
0x281: {  	v59 =	vperm.xlane v7, v6;
	v8 =	vsel vm3, v60, v8;
	[tilespmem:s20+$0x100] =	vst v58  }
0x282: {  	v12 =	vperm.xlane v12, v6;
	v16 =	vsel vm2, v23, v56;
	[tilespmem:s20+$0x380] =	vst v8;
	v47 =	vsel vm3, v44, v45  }
0x283: {  	v62 =	vsel vm3, v16, v59;
	v63 =	vperm.xlane v16, v6;
	[tilespmem:s20+$0xFFFFFB80] =	vst v47  }
0x284: {  	v8 =	vsel vm3, v12, v11;
	[tilespmem:s20+$0xFFFFF980] =	vst v62  }
0x285: {  	s19 =	sshll.u32 s19, $0xC;
	[tilespmem:s20+$0x280] =	vst v8;
	v7 =	vsel vm3, v63, v7  }
.Ltmp11:
0x286: {  	s19 =	sadd.s32 s5, s19;
	[tilespmem:s20+$0x180] =	vst v7;
	(pc) =	sbr.rel .LBB2_16-.Ltmp11, $4  }
0x287: {  	[hbm4b:s19+s3] =	stream.linear.scatter [tilespmem:s14], [sflag:$0x2], $0x8000, $0x38;
	[tilespmem:$0x1B000] =	vst v63  }
0x288: {  	_ =	swait.ge [sflag:s16], $0x8000  }
0x289: {  	[sflag:s16] =	ssyncset.done $0x0  }
0x28a: {  	[sflag:s16] =	ssyncadd.s32 $0xFFFF8000  }
.LBB2_18:
0x28b: {  	_ =	sfence.sel $0x180000  }
0x28c: {  	[bflag:$0x0] =	sbarrier.arrive $0xFFFF  }
0x28d: {  	p0 =	sne.s32 s2, $0x0;
	_ =	strace $0x90000047  }
0x28e: {  	s0 =	sadd.s32 @!p0 $0x100000, s1;
	[bflag:$0x2] =	sbarrier.arrive $0xFFFF  }
0x28f: {  	[sflag:s0] =	ssyncadd.tile.s32 @!p0 $0x1;
	_ =	shalt  }
.Lfunc_end2:
_tile_overlayer_lowered:
.L_overlay_start_2:
0x290: {  	(tag) =	ssettag $0x2  }
0x291: {  	s0 =	rddreg [dreg:$0x0];
	s2 =	stileid.u32  }
0x292: {  	s1 =	rddreg [dreg:$0x1];
	p0 =	sne.s32 s2, $0x0  }
0x293: {  	s3 =	rddreg [dreg:$0x2];
	[bflag:$0x3] =	sbarrier.arrive $0xFFFF;
	s2 =	simm.s32 @!p0 $0x1C02  }
0x294: {  	[timem:s3], [sflag:s2] =	dma.local @!p0 [hbm:s0], s1  }
0x295: {  	s0 =	simm.s32 @!p0 $0x2  }
0x296: {  	_ =	swait.ge @!p0 [sflag:s0], s1  }
0x297: {  	s1 =	ssub.s32 @!p0 $0x0, s1;
	[sflag:s0] =	ssyncset.done @!p0 $0x0  }
0x298: {  	[sflag:s0] =	ssyncadd.s32 @!p0 s1  }
0x299: {  	[bflag:$0x3] =	sbarrier.arrive $0xFFFF  }
0x29a: {  	_ =	shalt  }

// kernel: kernel.7.cloned.1.call-start
scs
__scs_entry_jumppad:
0x0: {  	(pc) =	sbr.rel $0x88, $3  }
0x1: {  	(tag) =	ssettag $0x0;
	lr =	simm.s32 $0x1  }
0x2: {  	[smem:$0x3F9F] =	sst lr;
	_ =	strace $0xD0000000  }
0x3: {  	_ = 	snop  }
0x4: {  	_ = 	snop  }
0x5: {  	_ = 	snop  }
0x6: {  	_ = 	snop  }
0x7: {  	_ = 	snop  }
__scs_overlays_trampoline_lowered:
0x8: {  	[smem:$0x3FAE] =	sst s0  }
0x9: {  	[smem:$0x3FAF] =	sst s1  }
0xa: {  	[smem:$0x3FB0] =	sst s2  }
0xb: {  	[smem:$0x3FB1] =	sst s3  }
0xc: {  	[smem:$0x3FB2] =	sst s4  }
0xd: {  	[smem:$0x3FB3] =	sst s5  }
0xe: {  	[smem:$0x3FB4] =	sst s6  }
0xf: {  	[smem:$0x3FB5] =	sst s7  }
0x10: {  	[smem:$0x3FB6] =	sst s8  }
0x11: {  	[smem:$0x3FB7] =	sst s9;
	s0 =	simm.s32 @!p0 $0x0  }
0x12: {  	s1 =	sld [smem:$0x3F9D];
	s0 =	simm.s32 @p0 $0x1  }
0x13: {  	[smem:$0x3FB8] =	sst s0;
	s0 =	simm.s32 @!p1 $0x0  }
0x14: {  	s2 =	sld [smem:$0x3F9C];
	s0 =	simm.s32 @p1 $0x1  }
0x15: {  	[smem:$0x3FB9] =	sst s0;
	s0 =	simm.s32 @!p2 $0x0  }
0x16: {  	s3 =	sld [smem:$0x3FDB];
	s0 =	simm.s32 @p2 $0x1  }
0x17: {  	s4 =	simm.s32 $0x1BF5;
	[smem:$0x3FBB] =	sst s0  }
0x18: {  	s0 =	sld [smem:$0x3F9E];
	_ =	swait.ge [sflag:s4], $0x0  }
0x19: {  	s7 =	sld [smem:$0x3F9F]  }
0x1a: {  	s8 =	sadd.s32 $0xFFFFE003, lr  }
0x1b: {  	s9 =	sadd.s32 $0xFFFFFEF7, lr;
	s5 =	simm.s32 $0xFFFFFFFF;
	p2 =	slt.u32 s8, $0xFFFFF086  }
0x1c: {  	p1 =	slt.u32 s9, $0xF7A;
	s5 =	simm.s32 @!p2 $0x0  }
0x1d: {  	s5 =	simm.s32 @p1 $0x1;
	p0 =	seq.s32 s7, s2  }
0x1e: {  	s7 =	smul.u32 @!p0 $0xF7A, s2;
	p2 =	seq.s32 @!p0 s5, $0x0  }
0x1f: {  	s9 =	smul.u32 $0xF7A, s1;
	s8 =	simm.s32 @!p0 $0x1BF5;
	p2 =	por !p2, p0  }
0x20: {  	[sflag:s8] =	ssyncset.s32 @!p0 $0xFFFFF086;
	s6 =	sadd.s32 @!p0 s3, s7;
	s7 =	simm.s32 @!p0 $0x108  }
0x21: {  	s3 =	sadd.s32 s3, s9;
	s6 =	sadd.s32 @!p0 $0x88, s6;
	s7 =	simm.s32 @p2 $0x1082  }
0x22: {  	[simem:s7], [sflag:s8] =	dma.local @!p0 [hbm:s6], $0xF7A  }
0x23: {  	s9 =	sor.u32 $0xD0000000, s2;
	s6 =	simm.s32 $0x108;
	_ =	swait.ge @!p0 [sflag:s8], $0x0  }
0x24: {  	s3 =	sadd.s32 $0x88, s3;
	s6 =	simm.s32 @!p1 $0x1082;
	[sflag:s4] =	ssyncset.s32 $0xFFFFF086  }
0x25: {  	[simem:s6], [sflag:s4] =	dma.local [hbm:s3], $0xF7A  }
0x26: {  	[smem:$0x3F9F] =	sst s1;
	(tag) =	ssettag s2;
	_ =	strace s9  }
0x27: {  	s1 =	sld [smem:$0x3FAF]  }
0x28: {  	s2 =	sld [smem:$0x3FB0]  }
0x29: {  	s4 =	sld [smem:$0x3FB2]  }
0x2a: {  	p0 =	seq.s32 s5, $0x0;
	s5 =	sld [smem:$0x3FB3]  }
0x2b: {  	s6 =	sld [smem:$0x3FB4]  }
0x2c: {  	s7 =	sld [smem:$0x3FB5]  }
0x2d: {  	s3 =	simm.s32 $0x108;
	s8 =	sld [smem:$0x3FB6]  }
0x2e: {  	s3 =	simm.s32 @!p0 $0x1082;
	s9 =	sld [smem:$0x3FB7]  }
0x2f: {  	lr =	sadd.s32 s0, s3;
	s0 =	sld [smem:$0x3FAE]  }
0x30: {  	s3 =	sld [smem:$0x3FB1]  }
0x31: {  	[smem:$0x3FBA] =	sst s10  }
0x32: {  	s10 =	sld [smem:$0x3FB8];
	_ =	sdelay $0x3  }
0x33: {  	p0 =	seq.s32 s10, $0x1;
	s10 =	sld [smem:$0x3FBA];
	_ =	sdelay $0x3  }
0x34: {  	[smem:$0x3FBA] =	sst s10  }
0x35: {  	s10 =	sld [smem:$0x3FB9];
	_ =	sdelay $0x3  }
0x36: {  	p1 =	seq.s32 s10, $0x1;
	s10 =	sld [smem:$0x3FBA];
	_ =	sdelay $0x3  }
0x37: {  	[smem:$0x3FBA] =	sst s10  }
0x38: {  	s10 =	sld [smem:$0x3FBB]  }
0x39: {  	_ = 	snop;
	(pc) =	sbr.ind lr, $3  }
0x3a: {  	_ = 	snop  }
0x3b: {  	_ = 	snop  }
0x3c: {  	p2 =	seq.s32 s10, $0x1;
	s10 =	sld [smem:$0x3FBA]  }
0x3d: {  	_ =	shalt  }
0x3e: {  	_ =	shalt  }
0x3f: {  	_ =	shalt  }
0x40: {  	_ =	shalt  }
0x41: {  	_ =	shalt  }
0x42: {  	_ =	shalt  }
0x43: {  	_ =	shalt  }
0x44: {  	_ =	shalt  }
0x45: {  	_ =	shalt  }
0x46: {  	_ =	shalt  }
0x47: {  	_ =	shalt  }
0x48: {  	_ =	shalt  }
0x49: {  	_ =	shalt  }
0x4a: {  	_ =	shalt  }
0x4b: {  	_ =	shalt  }
0x4c: {  	_ =	shalt  }
0x4d: {  	_ =	shalt  }
0x4e: {  	_ =	shalt  }
0x4f: {  	_ =	shalt  }
0x50: {  	_ =	shalt  }
0x51: {  	_ =	shalt  }
0x52: {  	_ =	shalt  }
0x53: {  	_ =	shalt  }
0x54: {  	_ =	shalt  }
0x55: {  	_ =	shalt  }
0x56: {  	_ =	shalt  }
0x57: {  	_ =	shalt  }
0x58: {  	_ =	shalt  }
0x59: {  	_ =	shalt  }
0x5a: {  	_ =	shalt  }
0x5b: {  	_ =	shalt  }
0x5c: {  	_ =	shalt  }
0x5d: {  	_ =	shalt  }
0x5e: {  	_ =	shalt  }
0x5f: {  	_ =	shalt  }
0x60: {  	_ =	shalt  }
0x61: {  	_ =	shalt  }
0x62: {  	_ =	shalt  }
0x63: {  	_ =	shalt  }
0x64: {  	_ =	shalt  }
0x65: {  	_ =	shalt  }
0x66: {  	_ =	shalt  }
0x67: {  	_ =	shalt  }
0x68: {  	_ =	shalt  }
0x69: {  	_ =	shalt  }
0x6a: {  	_ =	shalt  }
0x6b: {  	_ =	shalt  }
0x6c: {  	_ =	shalt  }
0x6d: {  	_ =	shalt  }
0x6e: {  	_ =	shalt  }
0x6f: {  	_ =	shalt  }
0x70: {  	_ =	shalt  }
0x71: {  	_ =	shalt  }
0x72: {  	_ =	shalt  }
0x73: {  	_ =	shalt  }
0x74: {  	_ =	shalt  }
0x75: {  	_ =	shalt  }
0x76: {  	_ =	shalt  }
0x77: {  	_ =	shalt  }
0x78: {  	_ =	shalt  }
0x79: {  	_ =	shalt  }
0x7a: {  	_ =	shalt  }
0x7b: {  	_ =	shalt  }
0x7c: {  	_ =	shalt  }
0x7d: {  	_ =	shalt  }
0x7e: {  	_ =	shalt  }
0x7f: {  	_ =	shalt  }
0x80: {  	_ =	shalt  }
0x81: {  	_ =	shalt  }
0x82: {  	_ =	shalt  }
0x83: {  	_ =	shalt  }
0x84: {  	_ =	shalt  }
0x85: {  	_ =	shalt  }
0x86: {  	_ =	shalt  }
0x87: {  	_ =	shalt  }
.Lfunc_end0:
.L_simem_size_0:
called_computation.2_lowered:
.L_overlay_start_0:
0x88: {  	s2 =	sld [smem:$0x3FD9]  }
0x89: {  	s3 =	sld [smem:$0x3FFE];
	_ =	sdelay $0x1  }
0x8a: {  	s1 =	srdreg.scid  }
0x8b: {  	s0 =	sand.u32 $0x1, s1  }
0x8c: {  	s16 =	sshll.u32 s0, $0xA;
	s2 =	sadd.s32 s3, s2  }
0x8d: {  	s2 =	sadd.s32 s2, s16  }
0x8e: {  	[smem:$0x3FC6] =	sst s2  }
0x8f: {  	_ = 	snop  }
0x90: {  	(tm) =	ssettm $0x1  }
0x91: {  	s17 =	sld [smem:$0x3FFB];
	_ =	sdelay $0x3  }
0x92: {  	_ =	strace s17  }
0x93: {  	s2 =	sld [smem:$0x3FFC];
	_ =	sdelay $0x3  }
0x94: {  	_ =	strace s2  }
0x95: {  	s2 =	sld [smem:$0x3FFD];
	_ =	sdelay $0x3  }
0x96: {  	_ =	strace s2  }
0x97: {  	_ =	strace $0x8FFFFFFF  }
0x98: {  	s18 =	sld [smem:$0x3FDB];
	_ =	sdelay $0x1  }
0x99: {  	s19 =	simm.s32 $_scs_section_size  }
0x9a: {  	s4 =	simm.s32 $_size__tile_overlayer_lowered;
	s5 =	simm.s32 $_tile_overlayer_lowered  }
0x9b: {  	s22 =	simm.s32 $0x1BFF;
	s21 =	sshll.u32 s5, $0x1;
	s2 =	sadd.s32 s19, s18  }
0x9c: {  	s6 =	simm.s32 $0x0;
	s20 =	sshll.u32 s4, $0x1;
	s4 =	sadd.s32 s21, s2  }
0x9d: {  	[timem:s6], [sflag:s22] =	dma.local [hbm:s4], s20  }
0x9e: {  	_ =	swait.ge [sflag:s22], s20  }
0x9f: {  	s3 =	ssub.s32 $0x0, s20;
	[sflag:s22] =	ssyncset.done $0x0  }
0xa0: {  	[sflag:s22] =	ssyncadd.s32 s3;
	_ =	sdelay $0x1  }
0xa1: {  	s23 =	simm.s32 $0x1B8B  }
0xa2: {  	_ =	swait.ge [sflag:s23], $0x1  }
0xa3: {  	[sflag:s23] =	ssyncset.done $0x0  }
0xa4: {  	s25 =	simm.s32 $0x1B8E;
	s24 =	sld [smem:$0x3FFE];
	[sflag:s23] =	ssyncadd.s32 $0xFFFFFFFF  }
0xa5: {  	s26 =	simm.s32 $execute0_lowered;
	[smem:$0x3FD2] =	sst s25  }
0xa6: {  	s4 =	sshll.u32 s26, $0x1;
	_ =	strace $0x80000049;
	[dreg:$0x1] =	wrdreg $0xFFFFFFFF  }
0xa7: {  	s28 =	simm.s32 $_size_execute0_lowered;
	s2 =	sadd.s32 s2, s4;
	[dreg:$0x0] =	wrdreg $0x0  }
0xa8: {  	s4 =	sshll.u32 s28, $0x1;
	[dreg:$0x2] =	wrdreg s2  }
0xa9: {  	[dreg:$0x3] =	wrdreg s4  }
0xaa: {  	[dreg:$0x4] =	wrdreg $0xC0  }
0xab: {  	_ =	task [dreg:s6], $0x5FFFF  }
0xac: {  	[dreg:$0x1] =	wrdreg $0xFFFFFFFF  }
0xad: {  	[dreg:$0x0] =	wrdreg $0x60  }
0xae: {  	[dreg:$0x2] =	wrdreg s24  }
0xaf: {  	[dreg:$0x3] =	wrdreg $0x9  }
0xb0: {  	_ =	task.clear_ibuf [dreg:s6], $0x4FFFF;
	_ =	strace $0x90000049  }
0xb1: {  	s29 =	simm.s32 $0x9;
	_ =	strace $0x8000004B  }
0xb2: {  	_ =	swait.ge [sflag:s29], $0x1  }
0xb3: {  	[sflag:s29] =	ssyncadd.s32 $0xFFFFFFFF  }
0xb4: {  	_ =	strace $0x9000004B  }
0xb5: {  	_ =	sfence  }
0xb6: {  	s30 =	sld [smem:$0x0];
	_ =	sdelay $0x2  }
0xb7: {  	s31 =	sshll.u32 s1, $0xD;
	s1 =	sshrl.u32 s1, $0x2  }
0xb8: {  	s3 =	sand.u32 $0x4000, s31;
	s1 =	sadd.s32 s1, s30  }
0xb9: {  	s0 =	sor.u32 s3, s0;
	s1 =	sshll.u32 s1, $0x11  }
0xba: {  	s0 =	sor.u32 s1, s0  }
0xbb: {  	s0 =	sadd.s32 $0x8F2B, s0  }
0xbc: {  	[sflag:s0] =	ssyncadd.remote.s32 $0x1  }
0xbd: {  	_ =	sfence.sel $0xFFFF  }
0xbe: {  	[dreg:$0x0] =	wrdreg $0xFFFFFFFF;
	(pc) =	sbr.abs _section_cstart, $3  }
0xbf: {  	[dreg:$0x1] =	wrdreg $0xFFFFFFFF  }
0xc0: {  	_ =	task.clear_ibuf [dreg:s6], $0x2FFFF;
	_ =	strace $0x9FFFFFFF  }
0xc1: {  	(tm) =	ssettm $0x7FFFFFFF  }
tec
execute0_lowered:
.L_overlay_start_1:
0x0: {  	(tag) =	ssettag $0x1  }
0x1: {  	s0 =	srdreg.scid;
	s9 =	stileid.u32  }
0x2: {  	s5 =	rddreg [dreg:$0x0];
	s2 =	simm.s32 $0x0;
	s13 =	simm.s32 $0xDC00  }
0x3: {  	s21 =	simm.s32 $0x18800;
	s22 =	simm.s32 $0x19400;
	s28 =	simm.s32 $0x11400  }
0x4: {  	s29 =	simm.s32 $0x12000;
	s30 =	simm.s32 $0x12C00;
	s31 =	simm.s32 $0x13800  }
0x5: {  	s12 =	simm.s32 $0x17400;
	s14 =	simm.s32 $0x18000;
	s15 =	simm.s32 $0x18C00  }
0x6: {  	s16 =	simm.s32 $0x19800;
	s17 =	simm.s32 $0x1;
	s19 =	simm.s32 $0x0  }
0x7: {  	s0 =	sand.u32 $0x1, s0;
	s1 =	sshll.u32 s9, $0x1;
	s6 =	smul.u32 $0x64, s9  }
0x8: {  	[smem:$0x7FF] =	sst s2;
	s3 =	sadd.s32 $0xC3CE00, s5;
	s9 =	smul.u32 $0x96000, s9  }
0x9: {  	s4 =	sadd.s32 $0xE00, s5;
	s23 =	sadd.s32 $0x1257600, s5;
	s7 =	smul.u32 $0x32, s0  }
0xa: {  	s1 =	sor.u32 s0, s1;
	s8 =	ssub.s32 $0x2, s0;
	s0 =	smul.u32 $0x4B000, s0  }
0xb: {  	_ =	strace $0x8000004A;
	s1 =	smul.u32 $0x380, s1;
	s10 =	sshrl.u32 s8, $0x1  }
0xc: {  	s24 =	sadd.s32 s9, s23;
	s6 =	sadd.s32 s7, s6;
	s8 =	ssub.s32 s8, s10  }
0xd: {  	s10 =	simm.s32 $0x2;
	s7 =	simm.s32 $0x16800;
	s1 =	sadd.s32 s1, s5  }
0xe: {  	s11 =	smul.u32 $0x1800, s6;
	s6 =	sadd.s32 $0xE80, s5;
	s26 =	smax.u32 s8, $0x1  }
.Ltmp0:
0xf: {  	s8 =	sadd.s32 s0, s24;
	s24 =	simm.s32 $0xF000;
	(pc) =	sbr.rel .LBB2_1-.Ltmp0, $4  }
0x10: {  	s0 =	simm.s32 $0x15000;
	s1 =	sadd.s32 $0xC35E00, s1;
	[dreg:$0x3] =	wrdreg s26  }
0x11: {  	v2 =	vlaneseq.u32;
	s5 =	simm.s32 $0x15C00;
	s26 =	simm.s32 $0x10800;
	[dreg:$0x2] =	wrdreg s1  }
0x12: {  	vm0 =	vmmov $0xff;
	v1 =	vshrl.u32 v2, $0x3;
	s25 =	sadd.s32 s11, s23;
	s11 =	simm.s32 $0x1C00;
	s23 =	simm.s32 $0xE400  }
0x13: {  	v0 =	vand.u32 $0x7, v2;
	v2 =	vor.u32 $0x8, v2;
	v1 =	vmul.u32 $0x8, v1;
	s1 =	simm.s32 $0x14400;
	s9 =	sadd.s32 $0x1800, s25;
	s25 =	simm.s32 $0xFC00  }
.LBB2_5:
0x14: {  	s19 =	rddreg [dreg:$0x4]  }
0x15: {  	s18 =	rddreg [dreg:$0x3];
	s19 =	sadd.s32 $0x1, s19  }
0x16: {  	p0 =	sne.s32 s19, s18  }
.Ltmp1:
0x17: {  	_ = 	snop;
	(pc) =	sbr.rel @!p0 .LBB2_6-.Ltmp1, $1  }
0x18: {  	_ =	sdelay $0x3  }
.LBB2_1:
0x19: {  	[dreg:$0x4] =	wrdreg s19  }
0x1a: {  	s18 =	rddreg [dreg:$0x2]  }
0x1b: {  	[tilespmem:s2], [sflag:$0x2] =	stream.linear.gather [hbm4b:s18+s2], $0x1900, $0x38;
	[tilespmem:$0x19C00] =	vst v63  }
0x1c: {  	_ =	swait.ge [sflag:s10], $0x1900  }
0x1d: {  	[sflag:s10] =	ssyncset.done $0x0  }
0x1e: {  	[sflag:s10] =	ssyncadd.s32 $0xFFFFE700  }
0x1f: {  	v3 =	vld [tilespmem:$0x0];
	_ =	sdelay $0x4  }
0x20: {  	v4 =	vperm.xlane v3, v0;
	_ =	sdelay $0x1  }
0x21: {  	v3 =	vperm.xlane v3, v2;
	v4 =	vadd.s32 v1, v4;
	_ =	sdelay $0x1  }
0x22: {  	v3 =	vadd.s32 v1, v3;
	_ =	sdelay $0x2  }
0x23: {  	[tilespmem:s11], [sflag:$0x1] =	stream.indirect_vreg.gather [hbm4b:s3+s2], $0x80, v4, vm0, $0xb8;
	[tilespmem:$0x19C00] =	vst v63  }
0x24: {  	s20 =	simm.s32 $0x2800  }
0x25: {  	[tilespmem:s20], [sflag:$0x1] =	stream.indirect_vreg.gather [hbm4b:s3+s2], $0x80, v3, vm0, $0xb8;
	[tilespmem:$0x19C00] =	vst v63  }
0x26: {  	v3 =	vld [tilespmem:$0x10];
	_ =	sdelay $0x4  }
0x27: {  	v41 =	vperm.xlane v3, v0;
	_ =	sdelay $0x1  }
0x28: {  	v3 =	vperm.xlane v3, v2;
	v4 =	vadd.s32 v1, v41;
	_ =	sdelay $0x1  }
0x29: {  	v3 =	vadd.s32 v1, v3;
	_ =	sdelay $0x1  }
0x2a: {  	s19 =	simm.s32 $0x3400  }
0x2b: {  	[tilespmem:s19], [sflag:$0x1] =	stream.indirect_vreg.gather [hbm4b:s3+s2], $0x80, v4, vm0, $0xb8;
	[tilespmem:$0x19C00] =	vst v63  }
0x2c: {  	s20 =	simm.s32 $0x4000  }
0x2d: {  	[tilespmem:s20], [sflag:$0x1] =	stream.indirect_vreg.gather [hbm4b:s3+s2], $0x80, v3, vm0, $0xb8;
	[tilespmem:$0x19C00] =	vst v63  }
0x2e: {  	v3 =	vld [tilespmem:$0x20];
	_ =	sdelay $0x4  }
0x2f: {  	v42 =	vperm.xlane v3, v0;
	_ =	sdelay $0x1  }
0x30: {  	v3 =	vperm.xlane v3, v2;
	v4 =	vadd.s32 v1, v42;
	_ =	sdelay $0x1  }
0x31: {  	v3 =	vadd.s32 v1, v3;
	_ =	sdelay $0x1  }
0x32: {  	s19 =	simm.s32 $0x4C00  }
0x33: {  	[tilespmem:s19], [sflag:$0x1] =	stream.indirect_vreg.gather [hbm4b:s3+s2], $0x80, v4, vm0, $0xb8;
	[tilespmem:$0x19C00] =	vst v63  }
0x34: {  	s20 =	simm.s32 $0x5800  }
0x35: {  	[tilespmem:s20], [sflag:$0x1] =	stream.indirect_vreg.gather [hbm4b:s3+s2], $0x80, v3, vm0, $0xb8;
	[tilespmem:$0x19C00] =	vst v63  }
0x36: {  	v3 =	vld [tilespmem:$0x30];
	_ =	sdelay $0x4  }
0x37: {  	v43 =	vperm.xlane v3, v0;
	_ =	sdelay $0x1  }
0x38: {  	v3 =	vperm.xlane v3, v2;
	v4 =	vadd.s32 v1, v43;
	_ =	sdelay $0x1  }
0x39: {  	v3 =	vadd.s32 v1, v3;
	_ =	sdelay $0x1  }
0x3a: {  	s19 =	simm.s32 $0x6400  }
0x3b: {  	[tilespmem:s19], [sflag:$0x1] =	stream.indirect_vreg.gather [hbm4b:s3+s2], $0x80, v4, vm0, $0xb8;
	[tilespmem:$0x19C00] =	vst v63  }
0x3c: {  	s20 =	simm.s32 $0x7000  }
0x3d: {  	[tilespmem:s20], [sflag:$0x1] =	stream.indirect_vreg.gather [hbm4b:s3+s2], $0x80, v3, vm0, $0xb8;
	[tilespmem:$0x19C00] =	vst v63  }
0x3e: {  	v3 =	vld [tilespmem:$0x40];
	_ =	sdelay $0x4  }
0x3f: {  	v44 =	vperm.xlane v3, v0;
	_ =	sdelay $0x1  }
0x40: {  	v3 =	vperm.xlane v3, v2;
	v4 =	vadd.s32 v1, v44;
	_ =	sdelay $0x1  }
0x41: {  	v3 =	vadd.s32 v1, v3;
	_ =	sdelay $0x1  }
0x42: {  	s19 =	simm.s32 $0x7C00  }
0x43: {  	[tilespmem:s19], [sflag:$0x1] =	stream.indirect_vreg.gather [hbm4b:s3+s2], $0x80, v4, vm0, $0xb8;
	[tilespmem:$0x19C00] =	vst v63  }
0x44: {  	s20 =	simm.s32 $0x8800  }
0x45: {  	[tilespmem:s20], [sflag:$0x1] =	stream.indirect_vreg.gather [hbm4b:s3+s2], $0x80, v3, vm0, $0xb8;
	[tilespmem:$0x19C00] =	vst v63  }
0x46: {  	v3 =	vld [tilespmem:$0x50];
	_ =	sdelay $0x4  }
0x47: {  	v45 =	vperm.xlane v3, v0;
	_ =	sdelay $0x1  }
0x48: {  	v3 =	vperm.xlane v3, v2;
	v4 =	vadd.s32 v1, v45;
	_ =	sdelay $0x1  }
0x49: {  	v3 =	vadd.s32 v1, v3;
	_ =	sdelay $0x1  }
0x4a: {  	s19 =	simm.s32 $0x9400  }
0x4b: {  	[tilespmem:s19], [sflag:$0x1] =	stream.indirect_vreg.gather [hbm4b:s3+s2], $0x80, v4, vm0, $0xb8;
	[tilespmem:$0x19C00] =	vst v63  }
0x4c: {  	s20 =	simm.s32 $0xA000  }
0x4d: {  	[tilespmem:s20], [sflag:$0x1] =	stream.indirect_vreg.gather [hbm4b:s3+s2], $0x80, v3, vm0, $0xb8;
	[tilespmem:$0x19C00] =	vst v63  }
0x4e: {  	v3 =	vld [tilespmem:$0x60];
	_ =	sdelay $0x4  }
0x4f: {  	v46 =	vperm.xlane v3, v0;
	_ =	sdelay $0x1  }
0x50: {  	v3 =	vperm.xlane v3, v2;
	v4 =	vadd.s32 v1, v46;
	_ =	sdelay $0x1  }
0x51: {  	v3 =	vadd.s32 v1, v3;
	_ =	sdelay $0x1  }
0x52: {  	s19 =	simm.s32 $0xAC00  }
0x53: {  	[tilespmem:s19], [sflag:$0x1] =	stream.indirect_vreg.gather [hbm4b:s3+s2], $0x80, v4, vm0, $0xb8;
	[tilespmem:$0x19C00] =	vst v63  }
0x54: {  	s20 =	simm.s32 $0xB800  }
0x55: {  	[tilespmem:s20], [sflag:$0x1] =	stream.indirect_vreg.gather [hbm4b:s3+s2], $0x80, v3, vm0, $0xb8;
	[tilespmem:$0x19C00] =	vst v63  }
0x56: {  	v3 =	vld [tilespmem:$0x70];
	_ =	sdelay $0x4  }
0x57: {  	v47 =	vperm.xlane v3, v0;
	_ =	sdelay $0x1  }
0x58: {  	v3 =	vperm.xlane v3, v2;
	v4 =	vadd.s32 v1, v47;
	_ =	sdelay $0x1  }
0x59: {  	v3 =	vadd.s32 v1, v3;
	_ =	sdelay $0x1  }
0x5a: {  	s19 =	simm.s32 $0xC400  }
0x5b: {  	[tilespmem:s19], [sflag:$0x1] =	stream.indirect_vreg.gather [hbm4b:s3+s2], $0x80, v4, vm0, $0xb8;
	[tilespmem:$0x19C00] =	vst v63  }
0x5c: {  	s20 =	simm.s32 $0xD000  }
0x5d: {  	[tilespmem:s20], [sflag:$0x1] =	stream.indirect_vreg.gather [hbm4b:s3+s2], $0x80, v3, vm0, $0xb8;
	[tilespmem:$0x19C00] =	vst v63  }
0x5e: {  	v3 =	vld [tilespmem:$0x0];
	_ =	sdelay $0x4  }
0x5f: {  	v48 =	vshll.u32 v3, $0x1  }
0x60: {  	v3 =	vand.u32 $0x7, v3;
	v4 =	vand.u32 $0xFFFFFFF0, v48  }
0x61: {  	v3 =	vor.u32 v3, v4  }
0x62: {  	v4 =	vperm.xlane v3, v0;
	_ =	sdelay $0x1  }
0x63: {  	v3 =	vperm.xlane v3, v2;
	v4 =	vadd.s32 v1, v4;
	_ =	sdelay $0x1  }
0x64: {  	v3 =	vadd.s32 v1, v3;
	_ =	sdelay $0x1  }
0x65: {  	s19 =	simm.s32 $0x2000  }
0x66: {  	[tilespmem:s19], [sflag:$0x1] =	stream.indirect_vreg.gather [hbm4b:s4+s2], $0x80, v4, vm0, $0xb8;
	[tilespmem:$0x19C00] =	vst v63  }
0x67: {  	s20 =	simm.s32 $0x2C00  }
0x68: {  	[tilespmem:s20], [sflag:$0x1] =	stream.indirect_vreg.gather [hbm4b:s4+s2], $0x80, v3, vm0, $0xb8;
	[tilespmem:$0x19C00] =	vst v63  }
0x69: {  	v3 =	vld [tilespmem:$0x10];
	_ =	sdelay $0x4  }
0x6a: {  	v49 =	vshll.u32 v3, $0x1  }
0x6b: {  	v3 =	vand.u32 $0x7, v3;
	v4 =	vand.u32 $0xFFFFFFF0, v49  }
0x6c: {  	v3 =	vor.u32 v3, v4  }
0x6d: {  	v4 =	vperm.xlane v3, v0;
	_ =	sdelay $0x1  }
0x6e: {  	v3 =	vperm.xlane v3, v2;
	v4 =	vadd.s32 v1, v4;
	_ =	sdelay $0x1  }
0x6f: {  	v3 =	vadd.s32 v1, v3;
	_ =	sdelay $0x1  }
0x70: {  	s19 =	simm.s32 $0x3800  }
0x71: {  	[tilespmem:s19], [sflag:$0x1] =	stream.indirect_vreg.gather [hbm4b:s4+s2], $0x80, v4, vm0, $0xb8;
	[tilespmem:$0x19C00] =	vst v63  }
0x72: {  	s20 =	simm.s32 $0x4400  }
0x73: {  	[tilespmem:s20], [sflag:$0x1] =	stream.indirect_vreg.gather [hbm4b:s4+s2], $0x80, v3, vm0, $0xb8;
	[tilespmem:$0x19C00] =	vst v63  }
0x74: {  	v3 =	vld [tilespmem:$0x20];
	_ =	sdelay $0x4  }
0x75: {  	v50 =	vshll.u32 v3, $0x1  }
0x76: {  	v3 =	vand.u32 $0x7, v3;
	v4 =	vand.u32 $0xFFFFFFF0, v50  }
0x77: {  	v3 =	vor.u32 v3, v4  }
0x78: {  	v4 =	vperm.xlane v3, v0;
	_ =	sdelay $0x1  }
0x79: {  	v3 =	vperm.xlane v3, v2;
	v4 =	vadd.s32 v1, v4;
	_ =	sdelay $0x1  }
0x7a: {  	v3 =	vadd.s32 v1, v3;
	_ =	sdelay $0x1  }
0x7b: {  	s19 =	simm.s32 $0x5000  }
0x7c: {  	[tilespmem:s19], [sflag:$0x1] =	stream.indirect_vreg.gather [hbm4b:s4+s2], $0x80, v4, vm0, $0xb8;
	[tilespmem:$0x19C00] =	vst v63  }
0x7d: {  	s20 =	simm.s32 $0x5C00  }
0x7e: {  	[tilespmem:s20], [sflag:$0x1] =	stream.indirect_vreg.gather [hbm4b:s4+s2], $0x80, v3, vm0, $0xb8;
	[tilespmem:$0x19C00] =	vst v63  }
0x7f: {  	v3 =	vld [tilespmem:$0x30];
	_ =	sdelay $0x4  }
0x80: {  	v51 =	vshll.u32 v3, $0x1  }
0x81: {  	v3 =	vand.u32 $0x7, v3;
	v4 =	vand.u32 $0xFFFFFFF0, v51  }
0x82: {  	v3 =	vor.u32 v3, v4  }
0x83: {  	v4 =	vperm.xlane v3, v0;
	_ =	sdelay $0x1  }
0x84: {  	v3 =	vperm.xlane v3, v2;
	v4 =	vadd.s32 v1, v4;
	_ =	sdelay $0x1  }
0x85: {  	v3 =	vadd.s32 v1, v3;
	_ =	sdelay $0x1  }
0x86: {  	s19 =	simm.s32 $0x6800  }
0x87: {  	[tilespmem:s19], [sflag:$0x1] =	stream.indirect_vreg.gather [hbm4b:s4+s2], $0x80, v4, vm0, $0xb8;
	[tilespmem:$0x19C00] =	vst v63  }
0x88: {  	s20 =	simm.s32 $0x7400  }
0x89: {  	[tilespmem:s20], [sflag:$0x1] =	stream.indirect_vreg.gather [hbm4b:s4+s2], $0x80, v3, vm0, $0xb8;
	[tilespmem:$0x19C00] =	vst v63  }
0x8a: {  	v3 =	vld [tilespmem:$0x40];
	_ =	sdelay $0x4  }
0x8b: {  	v52 =	vshll.u32 v3, $0x1  }
0x8c: {  	v3 =	vand.u32 $0x7, v3;
	v4 =	vand.u32 $0xFFFFFFF0, v52  }
0x8d: {  	v3 =	vor.u32 v3, v4  }
0x8e: {  	v4 =	vperm.xlane v3, v0;
	_ =	sdelay $0x1  }
0x8f: {  	v3 =	vperm.xlane v3, v2;
	v4 =	vadd.s32 v1, v4;
	_ =	sdelay $0x1  }
0x90: {  	v3 =	vadd.s32 v1, v3;
	_ =	sdelay $0x1  }
0x91: {  	s19 =	simm.s32 $0x8000  }
0x92: {  	[tilespmem:s19], [sflag:$0x1] =	stream.indirect_vreg.gather [hbm4b:s4+s2], $0x80, v4, vm0, $0xb8;
	[tilespmem:$0x19C00] =	vst v63  }
0x93: {  	s20 =	simm.s32 $0x8C00  }
0x94: {  	[tilespmem:s20], [sflag:$0x1] =	stream.indirect_vreg.gather [hbm4b:s4+s2], $0x80, v3, vm0, $0xb8;
	[tilespmem:$0x19C00] =	vst v63  }
0x95: {  	v3 =	vld [tilespmem:$0x50];
	_ =	sdelay $0x4  }
0x96: {  	v53 =	vshll.u32 v3, $0x1  }
0x97: {  	v3 =	vand.u32 $0x7, v3;
	v4 =	vand.u32 $0xFFFFFFF0, v53  }
0x98: {  	v3 =	vor.u32 v3, v4  }
0x99: {  	v4 =	vperm.xlane v3, v0;
	_ =	sdelay $0x1  }
0x9a: {  	v3 =	vperm.xlane v3, v2;
	v4 =	vadd.s32 v1, v4;
	_ =	sdelay $0x1  }
0x9b: {  	v3 =	vadd.s32 v1, v3;
	_ =	sdelay $0x1  }
0x9c: {  	s19 =	simm.s32 $0x9800  }
0x9d: {  	[tilespmem:s19], [sflag:$0x1] =	stream.indirect_vreg.gather [hbm4b:s4+s2], $0x80, v4, vm0, $0xb8;
	[tilespmem:$0x19C00] =	vst v63  }
0x9e: {  	s20 =	simm.s32 $0xA400  }
0x9f: {  	[tilespmem:s20], [sflag:$0x1] =	stream.indirect_vreg.gather [hbm4b:s4+s2], $0x80, v3, vm0, $0xb8;
	[tilespmem:$0x19C00] =	vst v63  }
0xa0: {  	v3 =	vld [tilespmem:$0x60];
	_ =	sdelay $0x4  }
0xa1: {  	v54 =	vshll.u32 v3, $0x1  }
0xa2: {  	v3 =	vand.u32 $0x7, v3;
	v4 =	vand.u32 $0xFFFFFFF0, v54  }
0xa3: {  	v3 =	vor.u32 v3, v4  }
0xa4: {  	v4 =	vperm.xlane v3, v0;
	_ =	sdelay $0x1  }
0xa5: {  	v3 =	vperm.xlane v3, v2;
	v4 =	vadd.s32 v1, v4;
	_ =	sdelay $0x1  }
0xa6: {  	v3 =	vadd.s32 v1, v3;
	_ =	sdelay $0x1  }
0xa7: {  	s19 =	simm.s32 $0xB000  }
0xa8: {  	[tilespmem:s19], [sflag:$0x1] =	stream.indirect_vreg.gather [hbm4b:s4+s2], $0x80, v4, vm0, $0xb8;
	[tilespmem:$0x19C00] =	vst v63  }
0xa9: {  	s20 =	simm.s32 $0xBC00  }
0xaa: {  	[tilespmem:s20], [sflag:$0x1] =	stream.indirect_vreg.gather [hbm4b:s4+s2], $0x80, v3, vm0, $0xb8;
	[tilespmem:$0x19C00] =	vst v63  }
0xab: {  	v3 =	vld [tilespmem:$0x70];
	_ =	sdelay $0x4  }
0xac: {  	v55 =	vshll.u32 v3, $0x1  }
0xad: {  	v3 =	vand.u32 $0x7, v3;
	v4 =	vand.u32 $0xFFFFFFF0, v55  }
0xae: {  	v3 =	vor.u32 v3, v4  }
0xaf: {  	v4 =	vperm.xlane v3, v0;
	_ =	sdelay $0x1  }
0xb0: {  	v3 =	vperm.xlane v3, v2;
	v4 =	vadd.s32 v1, v4;
	_ =	sdelay $0x1  }
0xb1: {  	v3 =	vadd.s32 v1, v3;
	_ =	sdelay $0x1  }
0xb2: {  	s19 =	simm.s32 $0xC800  }
0xb3: {  	[tilespmem:s19], [sflag:$0x1] =	stream.indirect_vreg.gather [hbm4b:s4+s2], $0x80, v4, vm0, $0xb8;
	[tilespmem:$0x19C00] =	vst v63  }
0xb4: {  	s20 =	simm.s32 $0xD400  }
0xb5: {  	[tilespmem:s20], [sflag:$0x1] =	stream.indirect_vreg.gather [hbm4b:s4+s2], $0x80, v3, vm0, $0xb8;
	[tilespmem:$0x19C00] =	vst v63  }
0xb6: {  	v3 =	vld [tilespmem:$0x0];
	_ =	sdelay $0x4  }
0xb7: {  	v56 =	vshll.u32 v3, $0x1  }
0xb8: {  	v3 =	vand.u32 $0x7, v3;
	v4 =	vand.u32 $0xFFFFFFF0, v56  }
0xb9: {  	v3 =	vor.u32 v3, v4  }
0xba: {  	v4 =	vperm.xlane v3, v0;
	_ =	sdelay $0x1  }
0xbb: {  	v3 =	vperm.xlane v3, v2;
	v4 =	vadd.s32 v1, v4;
	_ =	sdelay $0x1  }
0xbc: {  	v3 =	vadd.s32 v1, v3;
	_ =	sdelay $0x1  }
0xbd: {  	s19 =	simm.s32 $0x2400  }
0xbe: {  	[tilespmem:s19], [sflag:$0x1] =	stream.indirect_vreg.gather [hbm4b:s6+s2], $0x80, v4, vm0, $0xb8;
	[tilespmem:$0x19C00] =	vst v63  }
0xbf: {  	s20 =	simm.s32 $0x3000  }
0xc0: {  	[tilespmem:s20], [sflag:$0x1] =	stream.indirect_vreg.gather [hbm4b:s6+s2], $0x80, v3, vm0, $0xb8;
	[tilespmem:$0x19C00] =	vst v63  }
0xc1: {  	v3 =	vld [tilespmem:$0x10];
	_ =	sdelay $0x4  }
0xc2: {  	v57 =	vshll.u32 v3, $0x1  }
0xc3: {  	v3 =	vand.u32 $0x7, v3;
	v4 =	vand.u32 $0xFFFFFFF0, v57  }
0xc4: {  	v3 =	vor.u32 v3, v4  }
0xc5: {  	v4 =	vperm.xlane v3, v0;
	_ =	sdelay $0x1  }
0xc6: {  	v3 =	vperm.xlane v3, v2;
	v4 =	vadd.s32 v1, v4;
	_ =	sdelay $0x1  }
0xc7: {  	v3 =	vadd.s32 v1, v3;
	_ =	sdelay $0x1  }
0xc8: {  	s19 =	simm.s32 $0x3C00  }
0xc9: {  	[tilespmem:s19], [sflag:$0x1] =	stream.indirect_vreg.gather [hbm4b:s6+s2], $0x80, v4, vm0, $0xb8;
	[tilespmem:$0x19C00] =	vst v63  }
0xca: {  	s20 =	simm.s32 $0x4800  }
0xcb: {  	[tilespmem:s20], [sflag:$0x1] =	stream.indirect_vreg.gather [hbm4b:s6+s2], $0x80, v3, vm0, $0xb8;
	[tilespmem:$0x19C00] =	vst v63  }
0xcc: {  	v3 =	vld [tilespmem:$0x20];
	_ =	sdelay $0x4  }
0xcd: {  	v58 =	vshll.u32 v3, $0x1  }
0xce: {  	v3 =	vand.u32 $0x7, v3;
	v4 =	vand.u32 $0xFFFFFFF0, v58  }
0xcf: {  	v3 =	vor.u32 v3, v4  }
0xd0: {  	v4 =	vperm.xlane v3, v0;
	_ =	sdelay $0x1  }
0xd1: {  	v3 =	vperm.xlane v3, v2;
	v4 =	vadd.s32 v1, v4;
	_ =	sdelay $0x1  }
0xd2: {  	v3 =	vadd.s32 v1, v3;
	_ =	sdelay $0x1  }
0xd3: {  	s19 =	simm.s32 $0x5400  }
0xd4: {  	[tilespmem:s19], [sflag:$0x1] =	stream.indirect_vreg.gather [hbm4b:s6+s2], $0x80, v4, vm0, $0xb8;
	[tilespmem:$0x19C00] =	vst v63  }
0xd5: {  	s20 =	simm.s32 $0x6000  }
0xd6: {  	[tilespmem:s20], [sflag:$0x1] =	stream.indirect_vreg.gather [hbm4b:s6+s2], $0x80, v3, vm0, $0xb8;
	[tilespmem:$0x19C00] =	vst v63  }
0xd7: {  	v3 =	vld [tilespmem:$0x30];
	_ =	sdelay $0x4  }
0xd8: {  	v59 =	vshll.u32 v3, $0x1  }
0xd9: {  	v3 =	vand.u32 $0x7, v3;
	v4 =	vand.u32 $0xFFFFFFF0, v59  }
0xda: {  	v3 =	vor.u32 v3, v4  }
0xdb: {  	v4 =	vperm.xlane v3, v0;
	_ =	sdelay $0x1  }
0xdc: {  	v3 =	vperm.xlane v3, v2;
	v4 =	vadd.s32 v1, v4;
	_ =	sdelay $0x1  }
0xdd: {  	v3 =	vadd.s32 v1, v3;
	_ =	sdelay $0x1  }
0xde: {  	s19 =	simm.s32 $0x6C00  }
0xdf: {  	[tilespmem:s19], [sflag:$0x1] =	stream.indirect_vreg.gather [hbm4b:s6+s2], $0x80, v4, vm0, $0xb8;
	[tilespmem:$0x19C00] =	vst v63  }
0xe0: {  	s20 =	simm.s32 $0x7800  }
0xe1: {  	[tilespmem:s20], [sflag:$0x1] =	stream.indirect_vreg.gather [hbm4b:s6+s2], $0x80, v3, vm0, $0xb8;
	[tilespmem:$0x19C00] =	vst v63  }
0xe2: {  	v3 =	vld [tilespmem:$0x40];
	_ =	sdelay $0x4  }
0xe3: {  	v60 =	vshll.u32 v3, $0x1  }
0xe4: {  	v3 =	vand.u32 $0x7, v3;
	v4 =	vand.u32 $0xFFFFFFF0, v60  }
0xe5: {  	v3 =	vor.u32 v3, v4  }
0xe6: {  	v4 =	vperm.xlane v3, v0;
	_ =	sdelay $0x1  }
0xe7: {  	v3 =	vperm.xlane v3, v2;
	v4 =	vadd.s32 v1, v4;
	_ =	sdelay $0x1  }
0xe8: {  	v3 =	vadd.s32 v1, v3;
	_ =	sdelay $0x1  }
0xe9: {  	s19 =	simm.s32 $0x8400  }
0xea: {  	[tilespmem:s19], [sflag:$0x1] =	stream.indirect_vreg.gather [hbm4b:s6+s2], $0x80, v4, vm0, $0xb8;
	[tilespmem:$0x19C00] =	vst v63  }
0xeb: {  	s20 =	simm.s32 $0x9000  }
0xec: {  	[tilespmem:s20], [sflag:$0x1] =	stream.indirect_vreg.gather [hbm4b:s6+s2], $0x80, v3, vm0, $0xb8;
	[tilespmem:$0x19C00] =	vst v63  }
0xed: {  	v3 =	vld [tilespmem:$0x50];
	_ =	sdelay $0x4  }
0xee: {  	v61 =	vshll.u32 v3, $0x1  }
0xef: {  	v3 =	vand.u32 $0x7, v3;
	v4 =	vand.u32 $0xFFFFFFF0, v61  }
0xf0: {  	v3 =	vor.u32 v3, v4  }
0xf1: {  	v4 =	vperm.xlane v3, v0;
	_ =	sdelay $0x1  }
0xf2: {  	v3 =	vperm.xlane v3, v2;
	v4 =	vadd.s32 v1, v4;
	_ =	sdelay $0x1  }
0xf3: {  	v3 =	vadd.s32 v1, v3;
	_ =	sdelay $0x1  }
0xf4: {  	s19 =	simm.s32 $0x9C00  }
0xf5: {  	[tilespmem:s19], [sflag:$0x1] =	stream.indirect_vreg.gather [hbm4b:s6+s2], $0x80, v4, vm0, $0xb8;
	[tilespmem:$0x19C00] =	vst v63  }
0xf6: {  	s20 =	simm.s32 $0xA800  }
0xf7: {  	[tilespmem:s20], [sflag:$0x1] =	stream.indirect_vreg.gather [hbm4b:s6+s2], $0x80, v3, vm0, $0xb8;
	[tilespmem:$0x19C00] =	vst v63  }
0xf8: {  	v3 =	vld [tilespmem:$0x60];
	_ =	sdelay $0x4  }
0xf9: {  	v62 =	vshll.u32 v3, $0x1  }
0xfa: {  	v3 =	vand.u32 $0x7, v3;
	v4 =	vand.u32 $0xFFFFFFF0, v62  }
0xfb: {  	v3 =	vor.u32 v3, v4  }
0xfc: {  	v4 =	vperm.xlane v3, v0;
	_ =	sdelay $0x1  }
0xfd: {  	v3 =	vperm.xlane v3, v2;
	v4 =	vadd.s32 v1, v4;
	_ =	sdelay $0x1  }
0xfe: {  	v3 =	vadd.s32 v1, v3;
	_ =	sdelay $0x1  }
0xff: {  	s19 =	simm.s32 $0xB400  }
0x100: {  	[tilespmem:s19], [sflag:$0x1] =	stream.indirect_vreg.gather [hbm4b:s6+s2], $0x80, v4, vm0, $0xb8;
	[tilespmem:$0x19C00] =	vst v63  }
0x101: {  	s20 =	simm.s32 $0xC000  }
0x102: {  	[tilespmem:s20], [sflag:$0x1] =	stream.indirect_vreg.gather [hbm4b:s6+s2], $0x80, v3, vm0, $0xb8;
	[tilespmem:$0x19C00] =	vst v63  }
0x103: {  	v3 =	vld [tilespmem:$0x70];
	_ =	sdelay $0x4  }
0x104: {  	v63 =	vshll.u32 v3, $0x1  }
0x105: {  	v3 =	vand.u32 $0x7, v3;
	v4 =	vand.u32 $0xFFFFFFF0, v63  }
0x106: {  	v3 =	vor.u32 v3, v4  }
0x107: {  	v4 =	vperm.xlane v3, v0;
	_ =	sdelay $0x1  }
0x108: {  	v3 =	vperm.xlane v3, v2;
	v4 =	vadd.s32 v1, v4;
	_ =	sdelay $0x1  }
0x109: {  	v3 =	vadd.s32 v1, v3  }
.Ltmp2:
0x10a: {  	_ = 	snop;
	(pc) =	sbr.rel .LBB2_2-.Ltmp2, $4  }
0x10b: {  	s19 =	simm.s32 $0xCC00  }
0x10c: {  	[tilespmem:s19], [sflag:$0x1] =	stream.indirect_vreg.gather [hbm4b:s6+s2], $0x80, v4, vm0, $0xb8;
	[tilespmem:$0x19C00] =	vst v63  }
0x10d: {  	s18 =	simm.s32 $0xC0;
	s20 =	simm.s32 $0xD800;
	s19 =	simm.s32 $0x0  }
0x10e: {  	[tilespmem:s20], [sflag:$0x1] =	stream.indirect_vreg.gather [hbm4b:s6+s2], $0x80, v3, vm0, $0xb8;
	[tilespmem:$0x19C00] =	vst v63  }
.LBB2_4:
0x10f: {  	_ =	swait.ge [sflag:s17], $0x4000  }
0x110: {  	[sflag:s17] =	ssyncset.done $0x0  }
0x111: {  	[sflag:s17] =	ssyncadd.s32 $0xFFFFC000  }
0x112: {  	_ =	swait.ge [sflag:s17], $0x4000  }
0x113: {  	[sflag:s17] =	ssyncset.done $0x0  }
0x114: {  	[sflag:s17] =	ssyncadd.s32 $0xFFFFC000  }
0x115: {  	s20 =	sadd.s32 s19, s9;
	s19 =	sadd.s32 $0x3000, s19;
	_ =	swait.ge [sflag:s17], $0x4000  }
0x116: {  	p0 =	sne.s32 s19, $0x4B000;
	[sflag:s17] =	ssyncset.done $0x0  }
.Ltmp3:
0x117: {  	[sflag:s17] =	ssyncadd.s32 $0xFFFFC000;
	(pc) =	sbr.rel @!p0 .LBB2_5-.Ltmp3, $4  }
0x118: {  	[hbm4b:s20+s2] =	stream.linear.scatter [tilespmem:s13], [sflag:$0x2], $0xC000, $0x38;
	[tilespmem:$0x19C00] =	vst v63  }
0x119: {  	_ =	swait.ge [sflag:s10], $0xC000  }
0x11a: {  	[sflag:s10] =	ssyncset.done $0x0  }
0x11b: {  	s18 =	sadd.s32 $0x100, s18;
	[sflag:s10] =	ssyncadd.s32 $0xFFFF4000  }
.LBB2_2:
0x11c: {  	v3 =	vld [tilespmem:s18+$0xFFFFFFC0];
	_ =	sdelay $0x4  }
0x11d: {  	v4 =	vperm.xlane v3, v0;
	_ =	sdelay $0x1  }
0x11e: {  	v3 =	vperm.xlane v3, v2;
	v4 =	vadd.s32 v1, v4;
	_ =	sdelay $0x1  }
0x11f: {  	v3 =	vadd.s32 v1, v3;
	_ =	sdelay $0x2  }
0x120: {  	[tilespmem:s13], [sflag:$0x1] =	stream.indirect_vreg.gather [hbm4b:s3+s2], $0x80, v4, vm0, $0xb8;
	[tilespmem:$0x19C00] =	vst v63  }
0x121: {  	s20 =	simm.s32 $0xE800  }
0x122: {  	[tilespmem:s20], [sflag:$0x1] =	stream.indirect_vreg.gather [hbm4b:s3+s2], $0x80, v3, vm0, $0xb8;
	[tilespmem:$0x19C00] =	vst v63  }
0x123: {  	v3 =	vld [tilespmem:s18+$0xFFFFFFD0];
	_ =	sdelay $0x4  }
0x124: {  	v41 =	vperm.xlane v3, v0;
	_ =	sdelay $0x1  }
0x125: {  	v3 =	vperm.xlane v3, v2;
	v4 =	vadd.s32 v1, v41;
	_ =	sdelay $0x1  }
0x126: {  	v3 =	vadd.s32 v1, v3;
	_ =	sdelay $0x1  }
0x127: {  	s20 =	simm.s32 $0xF400  }
0x128: {  	[tilespmem:s20], [sflag:$0x1] =	stream.indirect_vreg.gather [hbm4b:s3+s2], $0x80, v4, vm0, $0xb8;
	[tilespmem:$0x19C00] =	vst v63  }
0x129: {  	s20 =	simm.s32 $0x10000  }
0x12a: {  	[tilespmem:s20], [sflag:$0x1] =	stream.indirect_vreg.gather [hbm4b:s3+s2], $0x80, v3, vm0, $0xb8;
	[tilespmem:$0x19C00] =	vst v63  }
0x12b: {  	v3 =	vld [tilespmem:s18+$0xFFFFFFE0];
	_ =	sdelay $0x4  }
0x12c: {  	v42 =	vperm.xlane v3, v0;
	_ =	sdelay $0x1  }
0x12d: {  	v3 =	vperm.xlane v3, v2;
	v4 =	vadd.s32 v1, v42;
	_ =	sdelay $0x1  }
0x12e: {  	v3 =	vadd.s32 v1, v3;
	_ =	sdelay $0x1  }
0x12f: {  	s20 =	simm.s32 $0x10C00  }
0x130: {  	[tilespmem:s20], [sflag:$0x1] =	stream.indirect_vreg.gather [hbm4b:s3+s2], $0x80, v4, vm0, $0xb8;
	[tilespmem:$0x19C00] =	vst v63  }
0x131: {  	s20 =	simm.s32 $0x11800  }
0x132: {  	[tilespmem:s20], [sflag:$0x1] =	stream.indirect_vreg.gather [hbm4b:s3+s2], $0x80, v3, vm0, $0xb8;
	[tilespmem:$0x19C00] =	vst v63  }
0x133: {  	v3 =	vld [tilespmem:s18+$0xFFFFFFF0];
	_ =	sdelay $0x4  }
0x134: {  	v43 =	vperm.xlane v3, v0;
	_ =	sdelay $0x1  }
0x135: {  	v3 =	vperm.xlane v3, v2;
	v4 =	vadd.s32 v1, v43;
	_ =	sdelay $0x1  }
0x136: {  	v3 =	vadd.s32 v1, v3;
	_ =	sdelay $0x1  }
0x137: {  	s20 =	simm.s32 $0x12400  }
0x138: {  	[tilespmem:s20], [sflag:$0x1] =	stream.indirect_vreg.gather [hbm4b:s3+s2], $0x80, v4, vm0, $0xb8;
	[tilespmem:$0x19C00] =	vst v63  }
0x139: {  	s20 =	simm.s32 $0x13000  }
0x13a: {  	[tilespmem:s20], [sflag:$0x1] =	stream.indirect_vreg.gather [hbm4b:s3+s2], $0x80, v3, vm0, $0xb8;
	[tilespmem:$0x19C00] =	vst v63  }
0x13b: {  	v3 =	vld [tilespmem:s18+$0x0];
	_ =	sdelay $0x4  }
0x13c: {  	v44 =	vperm.xlane v3, v0;
	_ =	sdelay $0x1  }
0x13d: {  	v3 =	vperm.xlane v3, v2;
	v4 =	vadd.s32 v1, v44;
	_ =	sdelay $0x1  }
0x13e: {  	v3 =	vadd.s32 v1, v3;
	_ =	sdelay $0x1  }
0x13f: {  	s20 =	simm.s32 $0x13C00  }
0x140: {  	[tilespmem:s20], [sflag:$0x1] =	stream.indirect_vreg.gather [hbm4b:s3+s2], $0x80, v4, vm0, $0xb8;
	[tilespmem:$0x19C00] =	vst v63  }
0x141: {  	s20 =	simm.s32 $0x14800  }
0x142: {  	[tilespmem:s20], [sflag:$0x1] =	stream.indirect_vreg.gather [hbm4b:s3+s2], $0x80, v3, vm0, $0xb8;
	[tilespmem:$0x19C00] =	vst v63  }
0x143: {  	v3 =	vld [tilespmem:s18+$0x10];
	_ =	sdelay $0x4  }
0x144: {  	v45 =	vperm.xlane v3, v0;
	_ =	sdelay $0x1  }
0x145: {  	v3 =	vperm.xlane v3, v2;
	v4 =	vadd.s32 v1, v45;
	_ =	sdelay $0x1  }
0x146: {  	v3 =	vadd.s32 v1, v3;
	_ =	sdelay $0x1  }
0x147: {  	s20 =	simm.s32 $0x15400  }
0x148: {  	[tilespmem:s20], [sflag:$0x1] =	stream.indirect_vreg.gather [hbm4b:s3+s2], $0x80, v4, vm0, $0xb8;
	[tilespmem:$0x19C00] =	vst v63  }
0x149: {  	s20 =	simm.s32 $0x16000  }
0x14a: {  	[tilespmem:s20], [sflag:$0x1] =	stream.indirect_vreg.gather [hbm4b:s3+s2], $0x80, v3, vm0, $0xb8;
	[tilespmem:$0x19C00] =	vst v63  }
0x14b: {  	v3 =	vld [tilespmem:s18+$0x20];
	_ =	sdelay $0x4  }
0x14c: {  	v46 =	vperm.xlane v3, v0;
	_ =	sdelay $0x1  }
0x14d: {  	v3 =	vperm.xlane v3, v2;
	v4 =	vadd.s32 v1, v46;
	_ =	sdelay $0x1  }
0x14e: {  	v3 =	vadd.s32 v1, v3;
	_ =	sdelay $0x1  }
0x14f: {  	s20 =	simm.s32 $0x16C00  }
0x150: {  	[tilespmem:s20], [sflag:$0x1] =	stream.indirect_vreg.gather [hbm4b:s3+s2], $0x80, v4, vm0, $0xb8;
	[tilespmem:$0x19C00] =	vst v63  }
0x151: {  	s20 =	simm.s32 $0x17800  }
0x152: {  	[tilespmem:s20], [sflag:$0x1] =	stream.indirect_vreg.gather [hbm4b:s3+s2], $0x80, v3, vm0, $0xb8;
	[tilespmem:$0x19C00] =	vst v63  }
0x153: {  	v3 =	vld [tilespmem:s18+$0x30];
	_ =	sdelay $0x4  }
0x154: {  	v47 =	vperm.xlane v3, v0;
	_ =	sdelay $0x1  }
0x155: {  	v3 =	vperm.xlane v3, v2;
	v4 =	vadd.s32 v1, v47;
	_ =	sdelay $0x1  }
0x156: {  	v3 =	vadd.s32 v1, v3;
	_ =	sdelay $0x1  }
0x157: {  	s20 =	simm.s32 $0x18400  }
0x158: {  	[tilespmem:s20], [sflag:$0x1] =	stream.indirect_vreg.gather [hbm4b:s3+s2], $0x80, v4, vm0, $0xb8;
	[tilespmem:$0x19C00] =	vst v63  }
0x159: {  	s20 =	simm.s32 $0x19000  }
0x15a: {  	[tilespmem:s20], [sflag:$0x1] =	stream.indirect_vreg.gather [hbm4b:s3+s2], $0x80, v3, vm0, $0xb8;
	[tilespmem:$0x19C00] =	vst v63  }
0x15b: {  	v3 =	vld [tilespmem:s18+$0xFFFFFFC0];
	_ =	sdelay $0x4  }
0x15c: {  	v48 =	vshll.u32 v3, $0x1  }
0x15d: {  	v3 =	vand.u32 $0x7, v3;
	v4 =	vand.u32 $0xFFFFFFF0, v48  }
0x15e: {  	v3 =	vor.u32 v3, v4  }
0x15f: {  	v4 =	vperm.xlane v3, v0;
	_ =	sdelay $0x1  }
0x160: {  	v3 =	vperm.xlane v3, v2;
	v4 =	vadd.s32 v1, v4;
	_ =	sdelay $0x1  }
0x161: {  	v3 =	vadd.s32 v1, v3;
	_ =	sdelay $0x1  }
0x162: {  	s20 =	simm.s32 $0xE000  }
0x163: {  	[tilespmem:s20], [sflag:$0x1] =	stream.indirect_vreg.gather [hbm4b:s4+s2], $0x80, v4, vm0, $0xb8;
	[tilespmem:$0x19C00] =	vst v63  }
0x164: {  	s20 =	simm.s32 $0xEC00  }
0x165: {  	[tilespmem:s20], [sflag:$0x1] =	stream.indirect_vreg.gather [hbm4b:s4+s2], $0x80, v3, vm0, $0xb8;
	[tilespmem:$0x19C00] =	vst v63  }
0x166: {  	v3 =	vld [tilespmem:s18+$0xFFFFFFD0];
	_ =	sdelay $0x4  }
0x167: {  	v49 =	vshll.u32 v3, $0x1  }
0x168: {  	v3 =	vand.u32 $0x7, v3;
	v4 =	vand.u32 $0xFFFFFFF0, v49  }
0x169: {  	v3 =	vor.u32 v3, v4  }
0x16a: {  	v4 =	vperm.xlane v3, v0;
	_ =	sdelay $0x1  }
0x16b: {  	v3 =	vperm.xlane v3, v2;
	v4 =	vadd.s32 v1, v4;
	_ =	sdelay $0x1  }
0x16c: {  	v3 =	vadd.s32 v1, v3;
	_ =	sdelay $0x1  }
0x16d: {  	s20 =	simm.s32 $0xF800  }
0x16e: {  	[tilespmem:s20], [sflag:$0x1] =	stream.indirect_vreg.gather [hbm4b:s4+s2], $0x80, v4, vm0, $0xb8;
	[tilespmem:$0x19C00] =	vst v63  }
0x16f: {  	s20 =	simm.s32 $0x10400  }
0x170: {  	[tilespmem:s20], [sflag:$0x1] =	stream.indirect_vreg.gather [hbm4b:s4+s2], $0x80, v3, vm0, $0xb8;
	[tilespmem:$0x19C00] =	vst v63  }
0x171: {  	v3 =	vld [tilespmem:s18+$0xFFFFFFE0];
	_ =	sdelay $0x4  }
0x172: {  	v50 =	vshll.u32 v3, $0x1  }
0x173: {  	v3 =	vand.u32 $0x7, v3;
	v4 =	vand.u32 $0xFFFFFFF0, v50  }
0x174: {  	v3 =	vor.u32 v3, v4  }
0x175: {  	v4 =	vperm.xlane v3, v0;
	_ =	sdelay $0x1  }
0x176: {  	v3 =	vperm.xlane v3, v2;
	v4 =	vadd.s32 v1, v4;
	_ =	sdelay $0x1  }
0x177: {  	v3 =	vadd.s32 v1, v3;
	_ =	sdelay $0x1  }
0x178: {  	s20 =	simm.s32 $0x11000  }
0x179: {  	[tilespmem:s20], [sflag:$0x1] =	stream.indirect_vreg.gather [hbm4b:s4+s2], $0x80, v4, vm0, $0xb8;
	[tilespmem:$0x19C00] =	vst v63  }
0x17a: {  	s20 =	simm.s32 $0x11C00  }
0x17b: {  	[tilespmem:s20], [sflag:$0x1] =	stream.indirect_vreg.gather [hbm4b:s4+s2], $0x80, v3, vm0, $0xb8;
	[tilespmem:$0x19C00] =	vst v63  }
0x17c: {  	v3 =	vld [tilespmem:s18+$0xFFFFFFF0];
	_ =	sdelay $0x4  }
0x17d: {  	v51 =	vshll.u32 v3, $0x1  }
0x17e: {  	v3 =	vand.u32 $0x7, v3;
	v4 =	vand.u32 $0xFFFFFFF0, v51  }
0x17f: {  	v3 =	vor.u32 v3, v4  }
0x180: {  	v4 =	vperm.xlane v3, v0;
	_ =	sdelay $0x1  }
0x181: {  	v3 =	vperm.xlane v3, v2;
	v4 =	vadd.s32 v1, v4;
	_ =	sdelay $0x1  }
0x182: {  	v3 =	vadd.s32 v1, v3;
	_ =	sdelay $0x1  }
0x183: {  	s20 =	simm.s32 $0x12800  }
0x184: {  	[tilespmem:s20], [sflag:$0x1] =	stream.indirect_vreg.gather [hbm4b:s4+s2], $0x80, v4, vm0, $0xb8;
	[tilespmem:$0x19C00] =	vst v63  }
0x185: {  	s20 =	simm.s32 $0x13400  }
0x186: {  	[tilespmem:s20], [sflag:$0x1] =	stream.indirect_vreg.gather [hbm4b:s4+s2], $0x80, v3, vm0, $0xb8;
	[tilespmem:$0x19C00] =	vst v63  }
0x187: {  	v3 =	vld [tilespmem:s18+$0x0];
	_ =	sdelay $0x4  }
0x188: {  	v52 =	vshll.u32 v3, $0x1  }
0x189: {  	v3 =	vand.u32 $0x7, v3;
	v4 =	vand.u32 $0xFFFFFFF0, v52  }
0x18a: {  	v3 =	vor.u32 v3, v4  }
0x18b: {  	v4 =	vperm.xlane v3, v0;
	_ =	sdelay $0x1  }
0x18c: {  	v3 =	vperm.xlane v3, v2;
	v4 =	vadd.s32 v1, v4;
	_ =	sdelay $0x1  }
0x18d: {  	v3 =	vadd.s32 v1, v3;
	_ =	sdelay $0x1  }
0x18e: {  	s20 =	simm.s32 $0x14000  }
0x18f: {  	[tilespmem:s20], [sflag:$0x1] =	stream.indirect_vreg.gather [hbm4b:s4+s2], $0x80, v4, vm0, $0xb8;
	[tilespmem:$0x19C00] =	vst v63  }
0x190: {  	s20 =	simm.s32 $0x14C00  }
0x191: {  	[tilespmem:s20], [sflag:$0x1] =	stream.indirect_vreg.gather [hbm4b:s4+s2], $0x80, v3, vm0, $0xb8;
	[tilespmem:$0x19C00] =	vst v63  }
0x192: {  	v3 =	vld [tilespmem:s18+$0x10];
	_ =	sdelay $0x4  }
0x193: {  	v53 =	vshll.u32 v3, $0x1  }
0x194: {  	v3 =	vand.u32 $0x7, v3;
	v4 =	vand.u32 $0xFFFFFFF0, v53  }
0x195: {  	v3 =	vor.u32 v3, v4  }
0x196: {  	v4 =	vperm.xlane v3, v0;
	_ =	sdelay $0x1  }
0x197: {  	v3 =	vperm.xlane v3, v2;
	v4 =	vadd.s32 v1, v4;
	_ =	sdelay $0x1  }
0x198: {  	v3 =	vadd.s32 v1, v3;
	_ =	sdelay $0x1  }
0x199: {  	s20 =	simm.s32 $0x15800  }
0x19a: {  	[tilespmem:s20], [sflag:$0x1] =	stream.indirect_vreg.gather [hbm4b:s4+s2], $0x80, v4, vm0, $0xb8;
	[tilespmem:$0x19C00] =	vst v63  }
0x19b: {  	s20 =	simm.s32 $0x16400  }
0x19c: {  	[tilespmem:s20], [sflag:$0x1] =	stream.indirect_vreg.gather [hbm4b:s4+s2], $0x80, v3, vm0, $0xb8;
	[tilespmem:$0x19C00] =	vst v63  }
0x19d: {  	v3 =	vld [tilespmem:s18+$0x20];
	_ =	sdelay $0x4  }
0x19e: {  	v54 =	vshll.u32 v3, $0x1  }
0x19f: {  	v3 =	vand.u32 $0x7, v3;
	v4 =	vand.u32 $0xFFFFFFF0, v54  }
0x1a0: {  	v3 =	vor.u32 v3, v4  }
0x1a1: {  	v4 =	vperm.xlane v3, v0;
	_ =	sdelay $0x1  }
0x1a2: {  	v3 =	vperm.xlane v3, v2;
	v4 =	vadd.s32 v1, v4;
	_ =	sdelay $0x1  }
0x1a3: {  	v3 =	vadd.s32 v1, v3;
	_ =	sdelay $0x1  }
0x1a4: {  	s20 =	simm.s32 $0x17000  }
0x1a5: {  	[tilespmem:s20], [sflag:$0x1] =	stream.indirect_vreg.gather [hbm4b:s4+s2], $0x80, v4, vm0, $0xb8;
	[tilespmem:$0x19C00] =	vst v63  }
0x1a6: {  	s20 =	simm.s32 $0x17C00  }
0x1a7: {  	[tilespmem:s20], [sflag:$0x1] =	stream.indirect_vreg.gather [hbm4b:s4+s2], $0x80, v3, vm0, $0xb8;
	[tilespmem:$0x19C00] =	vst v63  }
0x1a8: {  	v3 =	vld [tilespmem:s18+$0x30];
	_ =	sdelay $0x4  }
0x1a9: {  	v55 =	vshll.u32 v3, $0x1  }
0x1aa: {  	v3 =	vand.u32 $0x7, v3;
	v4 =	vand.u32 $0xFFFFFFF0, v55  }
0x1ab: {  	v3 =	vor.u32 v3, v4  }
0x1ac: {  	v4 =	vperm.xlane v3, v0;
	_ =	sdelay $0x1  }
0x1ad: {  	v3 =	vperm.xlane v3, v2;
	v4 =	vadd.s32 v1, v4;
	_ =	sdelay $0x1  }
0x1ae: {  	v3 =	vadd.s32 v1, v3;
	_ =	sdelay $0x2  }
0x1af: {  	[tilespmem:s21], [sflag:$0x1] =	stream.indirect_vreg.gather [hbm4b:s4+s2], $0x80, v4, vm0, $0xb8;
	[tilespmem:$0x19C00] =	vst v63  }
0x1b0: {  	_ = 	snop  }
0x1b1: {  	[tilespmem:s22], [sflag:$0x1] =	stream.indirect_vreg.gather [hbm4b:s4+s2], $0x80, v3, vm0, $0xb8;
	[tilespmem:$0x19C00] =	vst v63  }
0x1b2: {  	v3 =	vld [tilespmem:s18+$0xFFFFFFC0];
	_ =	sdelay $0x4  }
0x1b3: {  	v56 =	vshll.u32 v3, $0x1  }
0x1b4: {  	v3 =	vand.u32 $0x7, v3;
	v4 =	vand.u32 $0xFFFFFFF0, v56  }
0x1b5: {  	v3 =	vor.u32 v3, v4  }
0x1b6: {  	v4 =	vperm.xlane v3, v0;
	_ =	sdelay $0x1  }
0x1b7: {  	v3 =	vperm.xlane v3, v2;
	v4 =	vadd.s32 v1, v4;
	_ =	sdelay $0x1  }
0x1b8: {  	v3 =	vadd.s32 v1, v3;
	_ =	sdelay $0x2  }
0x1b9: {  	[tilespmem:s23], [sflag:$0x1] =	stream.indirect_vreg.gather [hbm4b:s6+s2], $0x80, v4, vm0, $0xb8;
	[tilespmem:$0x19C00] =	vst v63  }
0x1ba: {  	_ = 	snop  }
0x1bb: {  	[tilespmem:s24], [sflag:$0x1] =	stream.indirect_vreg.gather [hbm4b:s6+s2], $0x80, v3, vm0, $0xb8;
	[tilespmem:$0x19C00] =	vst v63  }
0x1bc: {  	v3 =	vld [tilespmem:s18+$0xFFFFFFD0];
	_ =	sdelay $0x4  }
0x1bd: {  	v57 =	vshll.u32 v3, $0x1  }
0x1be: {  	v3 =	vand.u32 $0x7, v3;
	v4 =	vand.u32 $0xFFFFFFF0, v57  }
0x1bf: {  	v3 =	vor.u32 v3, v4  }
0x1c0: {  	v4 =	vperm.xlane v3, v0;
	_ =	sdelay $0x1  }
0x1c1: {  	v3 =	vperm.xlane v3, v2;
	v4 =	vadd.s32 v1, v4;
	_ =	sdelay $0x1  }
0x1c2: {  	v3 =	vadd.s32 v1, v3;
	_ =	sdelay $0x2  }
0x1c3: {  	[tilespmem:s25], [sflag:$0x1] =	stream.indirect_vreg.gather [hbm4b:s6+s2], $0x80, v4, vm0, $0xb8;
	[tilespmem:$0x19C00] =	vst v63  }
0x1c4: {  	_ = 	snop  }
0x1c5: {  	[tilespmem:s26], [sflag:$0x1] =	stream.indirect_vreg.gather [hbm4b:s6+s2], $0x80, v3, vm0, $0xb8;
	[tilespmem:$0x19C00] =	vst v63  }
0x1c6: {  	v3 =	vld [tilespmem:s18+$0xFFFFFFE0];
	_ =	sdelay $0x4  }
0x1c7: {  	v58 =	vshll.u32 v3, $0x1  }
0x1c8: {  	v3 =	vand.u32 $0x7, v3;
	v4 =	vand.u32 $0xFFFFFFF0, v58  }
0x1c9: {  	v3 =	vor.u32 v3, v4  }
0x1ca: {  	v4 =	vperm.xlane v3, v0;
	_ =	sdelay $0x1  }
0x1cb: {  	v3 =	vperm.xlane v3, v2;
	v4 =	vadd.s32 v1, v4;
	_ =	sdelay $0x1  }
0x1cc: {  	v3 =	vadd.s32 v1, v3;
	_ =	sdelay $0x2  }
0x1cd: {  	[tilespmem:s28], [sflag:$0x1] =	stream.indirect_vreg.gather [hbm4b:s6+s2], $0x80, v4, vm0, $0xb8;
	[tilespmem:$0x19C00] =	vst v63  }
0x1ce: {  	_ = 	snop  }
0x1cf: {  	[tilespmem:s29], [sflag:$0x1] =	stream.indirect_vreg.gather [hbm4b:s6+s2], $0x80, v3, vm0, $0xb8;
	[tilespmem:$0x19C00] =	vst v63  }
0x1d0: {  	v3 =	vld [tilespmem:s18+$0xFFFFFFF0];
	_ =	sdelay $0x4  }
0x1d1: {  	v59 =	vshll.u32 v3, $0x1  }
0x1d2: {  	v3 =	vand.u32 $0x7, v3;
	v4 =	vand.u32 $0xFFFFFFF0, v59  }
0x1d3: {  	v3 =	vor.u32 v3, v4  }
0x1d4: {  	v4 =	vperm.xlane v3, v0;
	_ =	sdelay $0x1  }
0x1d5: {  	v3 =	vperm.xlane v3, v2;
	v4 =	vadd.s32 v1, v4;
	_ =	sdelay $0x1  }
0x1d6: {  	v3 =	vadd.s32 v1, v3;
	_ =	sdelay $0x2  }
0x1d7: {  	[tilespmem:s30], [sflag:$0x1] =	stream.indirect_vreg.gather [hbm4b:s6+s2], $0x80, v4, vm0, $0xb8;
	[tilespmem:$0x19C00] =	vst v63  }
0x1d8: {  	_ = 	snop  }
0x1d9: {  	[tilespmem:s31], [sflag:$0x1] =	stream.indirect_vreg.gather [hbm4b:s6+s2], $0x80, v3, vm0, $0xb8;
	[tilespmem:$0x19C00] =	vst v63  }
0x1da: {  	v3 =	vld [tilespmem:s18+$0x0];
	_ =	sdelay $0x4  }
0x1db: {  	v60 =	vshll.u32 v3, $0x1  }
0x1dc: {  	v3 =	vand.u32 $0x7, v3;
	v4 =	vand.u32 $0xFFFFFFF0, v60  }
0x1dd: {  	v3 =	vor.u32 v3, v4  }
0x1de: {  	v4 =	vperm.xlane v3, v0;
	_ =	sdelay $0x1  }
0x1df: {  	v3 =	vperm.xlane v3, v2;
	v4 =	vadd.s32 v1, v4;
	_ =	sdelay $0x1  }
0x1e0: {  	v3 =	vadd.s32 v1, v3;
	_ =	sdelay $0x2  }
0x1e1: {  	[tilespmem:s1], [sflag:$0x1] =	stream.indirect_vreg.gather [hbm4b:s6+s2], $0x80, v4, vm0, $0xb8;
	[tilespmem:$0x19C00] =	vst v63  }
0x1e2: {  	_ = 	snop  }
0x1e3: {  	[tilespmem:s0], [sflag:$0x1] =	stream.indirect_vreg.gather [hbm4b:s6+s2], $0x80, v3, vm0, $0xb8;
	[tilespmem:$0x19C00] =	vst v63  }
0x1e4: {  	v3 =	vld [tilespmem:s18+$0x10];
	_ =	sdelay $0x4  }
0x1e5: {  	v61 =	vshll.u32 v3, $0x1  }
0x1e6: {  	v3 =	vand.u32 $0x7, v3;
	v4 =	vand.u32 $0xFFFFFFF0, v61  }
0x1e7: {  	v3 =	vor.u32 v3, v4  }
0x1e8: {  	v4 =	vperm.xlane v3, v0;
	_ =	sdelay $0x1  }
0x1e9: {  	v3 =	vperm.xlane v3, v2;
	v4 =	vadd.s32 v1, v4;
	_ =	sdelay $0x1  }
0x1ea: {  	v3 =	vadd.s32 v1, v3;
	_ =	sdelay $0x2  }
0x1eb: {  	[tilespmem:s5], [sflag:$0x1] =	stream.indirect_vreg.gather [hbm4b:s6+s2], $0x80, v4, vm0, $0xb8;
	[tilespmem:$0x19C00] =	vst v63  }
0x1ec: {  	_ = 	snop  }
0x1ed: {  	[tilespmem:s7], [sflag:$0x1] =	stream.indirect_vreg.gather [hbm4b:s6+s2], $0x80, v3, vm0, $0xb8;
	[tilespmem:$0x19C00] =	vst v63  }
0x1ee: {  	v3 =	vld [tilespmem:s18+$0x20];
	_ =	sdelay $0x4  }
0x1ef: {  	v62 =	vshll.u32 v3, $0x1  }
0x1f0: {  	v3 =	vand.u32 $0x7, v3;
	v4 =	vand.u32 $0xFFFFFFF0, v62  }
0x1f1: {  	v3 =	vor.u32 v3, v4  }
0x1f2: {  	v4 =	vperm.xlane v3, v0;
	_ =	sdelay $0x1  }
0x1f3: {  	v3 =	vperm.xlane v3, v2;
	v4 =	vadd.s32 v1, v4;
	_ =	sdelay $0x1  }
0x1f4: {  	v3 =	vadd.s32 v1, v3;
	_ =	sdelay $0x2  }
0x1f5: {  	[tilespmem:s12], [sflag:$0x1] =	stream.indirect_vreg.gather [hbm4b:s6+s2], $0x80, v4, vm0, $0xb8;
	[tilespmem:$0x19C00] =	vst v63  }
0x1f6: {  	_ = 	snop  }
0x1f7: {  	[tilespmem:s14], [sflag:$0x1] =	stream.indirect_vreg.gather [hbm4b:s6+s2], $0x80, v3, vm0, $0xb8;
	[tilespmem:$0x19C00] =	vst v63  }
0x1f8: {  	v3 =	vld [tilespmem:s18+$0x30];
	_ =	sdelay $0x4  }
0x1f9: {  	v63 =	vshll.u32 v3, $0x1  }
0x1fa: {  	v3 =	vand.u32 $0x7, v3;
	v4 =	vand.u32 $0xFFFFFFF0, v63  }
0x1fb: {  	v3 =	vor.u32 v3, v4  }
0x1fc: {  	v4 =	vperm.xlane v3, v0;
	_ =	sdelay $0x1  }
0x1fd: {  	v3 =	vperm.xlane v3, v2;
	v4 =	vadd.s32 v1, v4;
	_ =	sdelay $0x1  }
0x1fe: {  	v3 =	vadd.s32 v1, v3;
	_ =	sdelay $0x2  }
0x1ff: {  	[tilespmem:s15], [sflag:$0x1] =	stream.indirect_vreg.gather [hbm4b:s6+s2], $0x80, v4, vm0, $0xb8;
	[tilespmem:$0x19C00] =	vst v63  }
0x200: {  	_ = 	snop  }
0x201: {  	[tilespmem:s16], [sflag:$0x1] =	stream.indirect_vreg.gather [hbm4b:s6+s2], $0x80, v3, vm0, $0xb8;
	[tilespmem:$0x19C00] =	vst v63  }
0x202: {  	_ =	swait.ge [sflag:s17], $0x4000  }
0x203: {  	[sflag:s17] =	ssyncset.done $0x0  }
0x204: {  	[sflag:s17] =	ssyncadd.s32 $0xFFFFC000  }
0x205: {  	_ =	swait.ge [sflag:s17], $0x4000  }
0x206: {  	[sflag:s17] =	ssyncset.done $0x0  }
0x207: {  	[sflag:s17] =	ssyncadd.s32 $0xFFFFC000  }
0x208: {  	_ =	swait.ge [sflag:s17], $0x4000  }
0x209: {  	p0 =	seq.s32 s19, $0x48000;
	[sflag:s17] =	ssyncset.done $0x0  }
.Ltmp4:
0x20a: {  	s20 =	sadd.s32 s19, s8;
	[sflag:s17] =	ssyncadd.s32 $0xFFFFC000;
	(pc) =	sbr.rel @p0 .LBB2_4-.Ltmp4, $4  }
0x20b: {  	[hbm4b:s20+s2] =	stream.linear.scatter [tilespmem:s11], [sflag:$0x2], $0xC000, $0x38;
	[tilespmem:$0x19C00] =	vst v63  }
0x20c: {  	_ =	swait.ge [sflag:s10], $0xC000  }
0x20d: {  	[sflag:s10] =	ssyncset.done $0x0  }
0x20e: {  	[sflag:s10] =	ssyncadd.s32 $0xFFFF4000  }
0x20f: {  	v3 =	vld [tilespmem:s18+$0x40];
	_ =	sdelay $0x4  }
0x210: {  	v4 =	vperm.xlane v3, v0;
	_ =	sdelay $0x1  }
0x211: {  	v3 =	vperm.xlane v3, v2;
	v4 =	vadd.s32 v1, v4;
	_ =	sdelay $0x1  }
0x212: {  	v3 =	vadd.s32 v1, v3;
	_ =	sdelay $0x2  }
0x213: {  	[tilespmem:s11], [sflag:$0x1] =	stream.indirect_vreg.gather [hbm4b:s3+s2], $0x80, v4, vm0, $0xb8;
	[tilespmem:$0x19C00] =	vst v63  }
0x214: {  	s20 =	simm.s32 $0x2800  }
0x215: {  	[tilespmem:s20], [sflag:$0x1] =	stream.indirect_vreg.gather [hbm4b:s3+s2], $0x80, v3, vm0, $0xb8;
	[tilespmem:$0x19C00] =	vst v63  }
0x216: {  	v3 =	vld [tilespmem:s18+$0x50];
	_ =	sdelay $0x4  }
0x217: {  	v41 =	vperm.xlane v3, v0;
	_ =	sdelay $0x1  }
0x218: {  	v3 =	vperm.xlane v3, v2;
	v4 =	vadd.s32 v1, v41;
	_ =	sdelay $0x1  }
0x219: {  	v3 =	vadd.s32 v1, v3;
	_ =	sdelay $0x1  }
0x21a: {  	s20 =	simm.s32 $0x3400  }
0x21b: {  	[tilespmem:s20], [sflag:$0x1] =	stream.indirect_vreg.gather [hbm4b:s3+s2], $0x80, v4, vm0, $0xb8;
	[tilespmem:$0x19C00] =	vst v63  }
0x21c: {  	s20 =	simm.s32 $0x4000  }
0x21d: {  	[tilespmem:s20], [sflag:$0x1] =	stream.indirect_vreg.gather [hbm4b:s3+s2], $0x80, v3, vm0, $0xb8;
	[tilespmem:$0x19C00] =	vst v63  }
0x21e: {  	v3 =	vld [tilespmem:s18+$0x60];
	_ =	sdelay $0x4  }
0x21f: {  	v42 =	vperm.xlane v3, v0;
	_ =	sdelay $0x1  }
0x220: {  	v3 =	vperm.xlane v3, v2;
	v4 =	vadd.s32 v1, v42;
	_ =	sdelay $0x1  }
0x221: {  	v3 =	vadd.s32 v1, v3;
	_ =	sdelay $0x1  }
0x222: {  	s20 =	simm.s32 $0x4C00  }
0x223: {  	[tilespmem:s20], [sflag:$0x1] =	stream.indirect_vreg.gather [hbm4b:s3+s2], $0x80, v4, vm0, $0xb8;
	[tilespmem:$0x19C00] =	vst v63  }
0x224: {  	s20 =	simm.s32 $0x5800  }
0x225: {  	[tilespmem:s20], [sflag:$0x1] =	stream.indirect_vreg.gather [hbm4b:s3+s2], $0x80, v3, vm0, $0xb8;
	[tilespmem:$0x19C00] =	vst v63  }
0x226: {  	v3 =	vld [tilespmem:s18+$0x70];
	_ =	sdelay $0x4  }
0x227: {  	v43 =	vperm.xlane v3, v0;
	_ =	sdelay $0x1  }
0x228: {  	v3 =	vperm.xlane v3, v2;
	v4 =	vadd.s32 v1, v43;
	_ =	sdelay $0x1  }
0x229: {  	v3 =	vadd.s32 v1, v3;
	_ =	sdelay $0x1  }
0x22a: {  	s20 =	simm.s32 $0x6400  }
0x22b: {  	[tilespmem:s20], [sflag:$0x1] =	stream.indirect_vreg.gather [hbm4b:s3+s2], $0x80, v4, vm0, $0xb8;
	[tilespmem:$0x19C00] =	vst v63  }
0x22c: {  	s20 =	simm.s32 $0x7000  }
0x22d: {  	[tilespmem:s20], [sflag:$0x1] =	stream.indirect_vreg.gather [hbm4b:s3+s2], $0x80, v3, vm0, $0xb8;
	[tilespmem:$0x19C00] =	vst v63  }
0x22e: {  	v3 =	vld [tilespmem:s18+$0x80];
	_ =	sdelay $0x4  }
0x22f: {  	v44 =	vperm.xlane v3, v0;
	_ =	sdelay $0x1  }
0x230: {  	v3 =	vperm.xlane v3, v2;
	v4 =	vadd.s32 v1, v44;
	_ =	sdelay $0x1  }
0x231: {  	v3 =	vadd.s32 v1, v3;
	_ =	sdelay $0x1  }
0x232: {  	s20 =	simm.s32 $0x7C00  }
0x233: {  	[tilespmem:s20], [sflag:$0x1] =	stream.indirect_vreg.gather [hbm4b:s3+s2], $0x80, v4, vm0, $0xb8;
	[tilespmem:$0x19C00] =	vst v63  }
0x234: {  	s20 =	simm.s32 $0x8800  }
0x235: {  	[tilespmem:s20], [sflag:$0x1] =	stream.indirect_vreg.gather [hbm4b:s3+s2], $0x80, v3, vm0, $0xb8;
	[tilespmem:$0x19C00] =	vst v63  }
0x236: {  	v3 =	vld [tilespmem:s18+$0x90];
	_ =	sdelay $0x4  }
0x237: {  	v45 =	vperm.xlane v3, v0;
	_ =	sdelay $0x1  }
0x238: {  	v3 =	vperm.xlane v3, v2;
	v4 =	vadd.s32 v1, v45;
	_ =	sdelay $0x1  }
0x239: {  	v3 =	vadd.s32 v1, v3;
	_ =	sdelay $0x1  }
0x23a: {  	s20 =	simm.s32 $0x9400  }
0x23b: {  	[tilespmem:s20], [sflag:$0x1] =	stream.indirect_vreg.gather [hbm4b:s3+s2], $0x80, v4, vm0, $0xb8;
	[tilespmem:$0x19C00] =	vst v63  }
0x23c: {  	s20 =	simm.s32 $0xA000  }
0x23d: {  	[tilespmem:s20], [sflag:$0x1] =	stream.indirect_vreg.gather [hbm4b:s3+s2], $0x80, v3, vm0, $0xb8;
	[tilespmem:$0x19C00] =	vst v63  }
0x23e: {  	v3 =	vld [tilespmem:s18+$0xA0];
	_ =	sdelay $0x4  }
0x23f: {  	v46 =	vperm.xlane v3, v0;
	_ =	sdelay $0x1  }
0x240: {  	v3 =	vperm.xlane v3, v2;
	v4 =	vadd.s32 v1, v46;
	_ =	sdelay $0x1  }
0x241: {  	v3 =	vadd.s32 v1, v3;
	_ =	sdelay $0x1  }
0x242: {  	s20 =	simm.s32 $0xAC00  }
0x243: {  	[tilespmem:s20], [sflag:$0x1] =	stream.indirect_vreg.gather [hbm4b:s3+s2], $0x80, v4, vm0, $0xb8;
	[tilespmem:$0x19C00] =	vst v63  }
0x244: {  	s20 =	simm.s32 $0xB800  }
0x245: {  	[tilespmem:s20], [sflag:$0x1] =	stream.indirect_vreg.gather [hbm4b:s3+s2], $0x80, v3, vm0, $0xb8;
	[tilespmem:$0x19C00] =	vst v63  }
0x246: {  	v3 =	vld [tilespmem:s18+$0xB0];
	_ =	sdelay $0x4  }
0x247: {  	v47 =	vperm.xlane v3, v0;
	_ =	sdelay $0x1  }
0x248: {  	v3 =	vperm.xlane v3, v2;
	v4 =	vadd.s32 v1, v47;
	_ =	sdelay $0x1  }
0x249: {  	v3 =	vadd.s32 v1, v3;
	_ =	sdelay $0x1  }
0x24a: {  	s20 =	simm.s32 $0xC400  }
0x24b: {  	[tilespmem:s20], [sflag:$0x1] =	stream.indirect_vreg.gather [hbm4b:s3+s2], $0x80, v4, vm0, $0xb8;
	[tilespmem:$0x19C00] =	vst v63  }
0x24c: {  	s20 =	simm.s32 $0xD000  }
0x24d: {  	[tilespmem:s20], [sflag:$0x1] =	stream.indirect_vreg.gather [hbm4b:s3+s2], $0x80, v3, vm0, $0xb8;
	[tilespmem:$0x19C00] =	vst v63  }
0x24e: {  	v3 =	vld [tilespmem:s18+$0x40];
	_ =	sdelay $0x4  }
0x24f: {  	v48 =	vshll.u32 v3, $0x1  }
0x250: {  	v3 =	vand.u32 $0x7, v3;
	v4 =	vand.u32 $0xFFFFFFF0, v48  }
0x251: {  	v3 =	vor.u32 v3, v4  }
0x252: {  	v4 =	vperm.xlane v3, v0;
	_ =	sdelay $0x1  }
0x253: {  	v3 =	vperm.xlane v3, v2;
	v4 =	vadd.s32 v1, v4;
	_ =	sdelay $0x1  }
0x254: {  	v3 =	vadd.s32 v1, v3;
	_ =	sdelay $0x1  }
0x255: {  	s20 =	simm.s32 $0x2000  }
0x256: {  	[tilespmem:s20], [sflag:$0x1] =	stream.indirect_vreg.gather [hbm4b:s4+s2], $0x80, v4, vm0, $0xb8;
	[tilespmem:$0x19C00] =	vst v63  }
0x257: {  	s20 =	simm.s32 $0x2C00  }
0x258: {  	[tilespmem:s20], [sflag:$0x1] =	stream.indirect_vreg.gather [hbm4b:s4+s2], $0x80, v3, vm0, $0xb8;
	[tilespmem:$0x19C00] =	vst v63  }
0x259: {  	v3 =	vld [tilespmem:s18+$0x50];
	_ =	sdelay $0x4  }
0x25a: {  	v49 =	vshll.u32 v3, $0x1  }
0x25b: {  	v3 =	vand.u32 $0x7, v3;
	v4 =	vand.u32 $0xFFFFFFF0, v49  }
0x25c: {  	v3 =	vor.u32 v3, v4  }
0x25d: {  	v4 =	vperm.xlane v3, v0;
	_ =	sdelay $0x1  }
0x25e: {  	v3 =	vperm.xlane v3, v2;
	v4 =	vadd.s32 v1, v4;
	_ =	sdelay $0x1  }
0x25f: {  	v3 =	vadd.s32 v1, v3;
	_ =	sdelay $0x1  }
0x260: {  	s20 =	simm.s32 $0x3800  }
0x261: {  	[tilespmem:s20], [sflag:$0x1] =	stream.indirect_vreg.gather [hbm4b:s4+s2], $0x80, v4, vm0, $0xb8;
	[tilespmem:$0x19C00] =	vst v63  }
0x262: {  	s20 =	simm.s32 $0x4400  }
0x263: {  	[tilespmem:s20], [sflag:$0x1] =	stream.indirect_vreg.gather [hbm4b:s4+s2], $0x80, v3, vm0, $0xb8;
	[tilespmem:$0x19C00] =	vst v63  }
0x264: {  	v3 =	vld [tilespmem:s18+$0x60];
	_ =	sdelay $0x4  }
0x265: {  	v50 =	vshll.u32 v3, $0x1  }
0x266: {  	v3 =	vand.u32 $0x7, v3;
	v4 =	vand.u32 $0xFFFFFFF0, v50  }
0x267: {  	v3 =	vor.u32 v3, v4  }
0x268: {  	v4 =	vperm.xlane v3, v0;
	_ =	sdelay $0x1  }
0x269: {  	v3 =	vperm.xlane v3, v2;
	v4 =	vadd.s32 v1, v4;
	_ =	sdelay $0x1  }
0x26a: {  	v3 =	vadd.s32 v1, v3;
	_ =	sdelay $0x1  }
0x26b: {  	s20 =	simm.s32 $0x5000  }
0x26c: {  	[tilespmem:s20], [sflag:$0x1] =	stream.indirect_vreg.gather [hbm4b:s4+s2], $0x80, v4, vm0, $0xb8;
	[tilespmem:$0x19C00] =	vst v63  }
0x26d: {  	s20 =	simm.s32 $0x5C00  }
0x26e: {  	[tilespmem:s20], [sflag:$0x1] =	stream.indirect_vreg.gather [hbm4b:s4+s2], $0x80, v3, vm0, $0xb8;
	[tilespmem:$0x19C00] =	vst v63  }
0x26f: {  	v3 =	vld [tilespmem:s18+$0x70];
	_ =	sdelay $0x4  }
0x270: {  	v51 =	vshll.u32 v3, $0x1  }
0x271: {  	v3 =	vand.u32 $0x7, v3;
	v4 =	vand.u32 $0xFFFFFFF0, v51  }
0x272: {  	v3 =	vor.u32 v3, v4  }
0x273: {  	v4 =	vperm.xlane v3, v0;
	_ =	sdelay $0x1  }
0x274: {  	v3 =	vperm.xlane v3, v2;
	v4 =	vadd.s32 v1, v4;
	_ =	sdelay $0x1  }
0x275: {  	v3 =	vadd.s32 v1, v3;
	_ =	sdelay $0x1  }
0x276: {  	s20 =	simm.s32 $0x6800  }
0x277: {  	[tilespmem:s20], [sflag:$0x1] =	stream.indirect_vreg.gather [hbm4b:s4+s2], $0x80, v4, vm0, $0xb8;
	[tilespmem:$0x19C00] =	vst v63  }
0x278: {  	s20 =	simm.s32 $0x7400  }
0x279: {  	[tilespmem:s20], [sflag:$0x1] =	stream.indirect_vreg.gather [hbm4b:s4+s2], $0x80, v3, vm0, $0xb8;
	[tilespmem:$0x19C00] =	vst v63  }
0x27a: {  	v3 =	vld [tilespmem:s18+$0x80];
	_ =	sdelay $0x4  }
0x27b: {  	v52 =	vshll.u32 v3, $0x1  }
0x27c: {  	v3 =	vand.u32 $0x7, v3;
	v4 =	vand.u32 $0xFFFFFFF0, v52  }
0x27d: {  	v3 =	vor.u32 v3, v4  }
0x27e: {  	v4 =	vperm.xlane v3, v0;
	_ =	sdelay $0x1  }
0x27f: {  	v3 =	vperm.xlane v3, v2;
	v4 =	vadd.s32 v1, v4;
	_ =	sdelay $0x1  }
0x280: {  	v3 =	vadd.s32 v1, v3;
	_ =	sdelay $0x1  }
0x281: {  	s20 =	simm.s32 $0x8000  }
0x282: {  	[tilespmem:s20], [sflag:$0x1] =	stream.indirect_vreg.gather [hbm4b:s4+s2], $0x80, v4, vm0, $0xb8;
	[tilespmem:$0x19C00] =	vst v63  }
0x283: {  	s20 =	simm.s32 $0x8C00  }
0x284: {  	[tilespmem:s20], [sflag:$0x1] =	stream.indirect_vreg.gather [hbm4b:s4+s2], $0x80, v3, vm0, $0xb8;
	[tilespmem:$0x19C00] =	vst v63  }
0x285: {  	v3 =	vld [tilespmem:s18+$0x90];
	_ =	sdelay $0x4  }
0x286: {  	v53 =	vshll.u32 v3, $0x1  }
0x287: {  	v3 =	vand.u32 $0x7, v3;
	v4 =	vand.u32 $0xFFFFFFF0, v53  }
0x288: {  	v3 =	vor.u32 v3, v4  }
0x289: {  	v4 =	vperm.xlane v3, v0;
	_ =	sdelay $0x1  }
0x28a: {  	v3 =	vperm.xlane v3, v2;
	v4 =	vadd.s32 v1, v4;
	_ =	sdelay $0x1  }
0x28b: {  	v3 =	vadd.s32 v1, v3;
	_ =	sdelay $0x1  }
0x28c: {  	s20 =	simm.s32 $0x9800  }
0x28d: {  	[tilespmem:s20], [sflag:$0x1] =	stream.indirect_vreg.gather [hbm4b:s4+s2], $0x80, v4, vm0, $0xb8;
	[tilespmem:$0x19C00] =	vst v63  }
0x28e: {  	s20 =	simm.s32 $0xA400  }
0x28f: {  	[tilespmem:s20], [sflag:$0x1] =	stream.indirect_vreg.gather [hbm4b:s4+s2], $0x80, v3, vm0, $0xb8;
	[tilespmem:$0x19C00] =	vst v63  }
0x290: {  	v3 =	vld [tilespmem:s18+$0xA0];
	_ =	sdelay $0x4  }
0x291: {  	v54 =	vshll.u32 v3, $0x1  }
0x292: {  	v3 =	vand.u32 $0x7, v3;
	v4 =	vand.u32 $0xFFFFFFF0, v54  }
0x293: {  	v3 =	vor.u32 v3, v4  }
0x294: {  	v4 =	vperm.xlane v3, v0;
	_ =	sdelay $0x1  }
0x295: {  	v3 =	vperm.xlane v3, v2;
	v4 =	vadd.s32 v1, v4;
	_ =	sdelay $0x1  }
0x296: {  	v3 =	vadd.s32 v1, v3;
	_ =	sdelay $0x1  }
0x297: {  	s20 =	simm.s32 $0xB000  }
0x298: {  	[tilespmem:s20], [sflag:$0x1] =	stream.indirect_vreg.gather [hbm4b:s4+s2], $0x80, v4, vm0, $0xb8;
	[tilespmem:$0x19C00] =	vst v63  }
0x299: {  	s20 =	simm.s32 $0xBC00  }
0x29a: {  	[tilespmem:s20], [sflag:$0x1] =	stream.indirect_vreg.gather [hbm4b:s4+s2], $0x80, v3, vm0, $0xb8;
	[tilespmem:$0x19C00] =	vst v63  }
0x29b: {  	v3 =	vld [tilespmem:s18+$0xB0];
	_ =	sdelay $0x4  }
0x29c: {  	v55 =	vshll.u32 v3, $0x1  }
0x29d: {  	v3 =	vand.u32 $0x7, v3;
	v4 =	vand.u32 $0xFFFFFFF0, v55  }
0x29e: {  	v3 =	vor.u32 v3, v4  }
0x29f: {  	v4 =	vperm.xlane v3, v0;
	_ =	sdelay $0x1  }
0x2a0: {  	v3 =	vperm.xlane v3, v2;
	v4 =	vadd.s32 v1, v4;
	_ =	sdelay $0x1  }
0x2a1: {  	v3 =	vadd.s32 v1, v3;
	_ =	sdelay $0x1  }
0x2a2: {  	s20 =	simm.s32 $0xC800  }
0x2a3: {  	[tilespmem:s20], [sflag:$0x1] =	stream.indirect_vreg.gather [hbm4b:s4+s2], $0x80, v4, vm0, $0xb8;
	[tilespmem:$0x19C00] =	vst v63  }
0x2a4: {  	s20 =	simm.s32 $0xD400  }
0x2a5: {  	[tilespmem:s20], [sflag:$0x1] =	stream.indirect_vreg.gather [hbm4b:s4+s2], $0x80, v3, vm0, $0xb8;
	[tilespmem:$0x19C00] =	vst v63  }
0x2a6: {  	v3 =	vld [tilespmem:s18+$0x40];
	_ =	sdelay $0x4  }
0x2a7: {  	v56 =	vshll.u32 v3, $0x1  }
0x2a8: {  	v3 =	vand.u32 $0x7, v3;
	v4 =	vand.u32 $0xFFFFFFF0, v56  }
0x2a9: {  	v3 =	vor.u32 v3, v4  }
0x2aa: {  	v4 =	vperm.xlane v3, v0;
	_ =	sdelay $0x1  }
0x2ab: {  	v3 =	vperm.xlane v3, v2;
	v4 =	vadd.s32 v1, v4;
	_ =	sdelay $0x1  }
0x2ac: {  	v3 =	vadd.s32 v1, v3;
	_ =	sdelay $0x1  }
0x2ad: {  	s20 =	simm.s32 $0x2400  }
0x2ae: {  	[tilespmem:s20], [sflag:$0x1] =	stream.indirect_vreg.gather [hbm4b:s6+s2], $0x80, v4, vm0, $0xb8;
	[tilespmem:$0x19C00] =	vst v63  }
0x2af: {  	s20 =	simm.s32 $0x3000  }
0x2b0: {  	[tilespmem:s20], [sflag:$0x1] =	stream.indirect_vreg.gather [hbm4b:s6+s2], $0x80, v3, vm0, $0xb8;
	[tilespmem:$0x19C00] =	vst v63  }
0x2b1: {  	v3 =	vld [tilespmem:s18+$0x50];
	_ =	sdelay $0x4  }
0x2b2: {  	v57 =	vshll.u32 v3, $0x1  }
0x2b3: {  	v3 =	vand.u32 $0x7, v3;
	v4 =	vand.u32 $0xFFFFFFF0, v57  }
0x2b4: {  	v3 =	vor.u32 v3, v4  }
0x2b5: {  	v4 =	vperm.xlane v3, v0;
	_ =	sdelay $0x1  }
0x2b6: {  	v3 =	vperm.xlane v3, v2;
	v4 =	vadd.s32 v1, v4;
	_ =	sdelay $0x1  }
0x2b7: {  	v3 =	vadd.s32 v1, v3;
	_ =	sdelay $0x1  }
0x2b8: {  	s20 =	simm.s32 $0x3C00  }
0x2b9: {  	[tilespmem:s20], [sflag:$0x1] =	stream.indirect_vreg.gather [hbm4b:s6+s2], $0x80, v4, vm0, $0xb8;
	[tilespmem:$0x19C00] =	vst v63  }
0x2ba: {  	s20 =	simm.s32 $0x4800  }
0x2bb: {  	[tilespmem:s20], [sflag:$0x1] =	stream.indirect_vreg.gather [hbm4b:s6+s2], $0x80, v3, vm0, $0xb8;
	[tilespmem:$0x19C00] =	vst v63  }
0x2bc: {  	v3 =	vld [tilespmem:s18+$0x60];
	_ =	sdelay $0x4  }
0x2bd: {  	v58 =	vshll.u32 v3, $0x1  }
0x2be: {  	v3 =	vand.u32 $0x7, v3;
	v4 =	vand.u32 $0xFFFFFFF0, v58  }
0x2bf: {  	v3 =	vor.u32 v3, v4  }
0x2c0: {  	v4 =	vperm.xlane v3, v0;
	_ =	sdelay $0x1  }
0x2c1: {  	v3 =	vperm.xlane v3, v2;
	v4 =	vadd.s32 v1, v4;
	_ =	sdelay $0x1  }
0x2c2: {  	v3 =	vadd.s32 v1, v3;
	_ =	sdelay $0x1  }
0x2c3: {  	s20 =	simm.s32 $0x5400  }
0x2c4: {  	[tilespmem:s20], [sflag:$0x1] =	stream.indirect_vreg.gather [hbm4b:s6+s2], $0x80, v4, vm0, $0xb8;
	[tilespmem:$0x19C00] =	vst v63  }
0x2c5: {  	s20 =	simm.s32 $0x6000  }
0x2c6: {  	[tilespmem:s20], [sflag:$0x1] =	stream.indirect_vreg.gather [hbm4b:s6+s2], $0x80, v3, vm0, $0xb8;
	[tilespmem:$0x19C00] =	vst v63  }
0x2c7: {  	v3 =	vld [tilespmem:s18+$0x70];
	_ =	sdelay $0x4  }
0x2c8: {  	v59 =	vshll.u32 v3, $0x1  }
0x2c9: {  	v3 =	vand.u32 $0x7, v3;
	v4 =	vand.u32 $0xFFFFFFF0, v59  }
0x2ca: {  	v3 =	vor.u32 v3, v4  }
0x2cb: {  	v4 =	vperm.xlane v3, v0;
	_ =	sdelay $0x1  }
0x2cc: {  	v3 =	vperm.xlane v3, v2;
	v4 =	vadd.s32 v1, v4;
	_ =	sdelay $0x1  }
0x2cd: {  	v3 =	vadd.s32 v1, v3;
	_ =	sdelay $0x1  }
0x2ce: {  	s20 =	simm.s32 $0x6C00  }
0x2cf: {  	[tilespmem:s20], [sflag:$0x1] =	stream.indirect_vreg.gather [hbm4b:s6+s2], $0x80, v4, vm0, $0xb8;
	[tilespmem:$0x19C00] =	vst v63  }
0x2d0: {  	s20 =	simm.s32 $0x7800  }
0x2d1: {  	[tilespmem:s20], [sflag:$0x1] =	stream.indirect_vreg.gather [hbm4b:s6+s2], $0x80, v3, vm0, $0xb8;
	[tilespmem:$0x19C00] =	vst v63  }
0x2d2: {  	v3 =	vld [tilespmem:s18+$0x80];
	_ =	sdelay $0x4  }
0x2d3: {  	v60 =	vshll.u32 v3, $0x1  }
0x2d4: {  	v3 =	vand.u32 $0x7, v3;
	v4 =	vand.u32 $0xFFFFFFF0, v60  }
0x2d5: {  	v3 =	vor.u32 v3, v4  }
0x2d6: {  	v4 =	vperm.xlane v3, v0;
	_ =	sdelay $0x1  }
0x2d7: {  	v3 =	vperm.xlane v3, v2;
	v4 =	vadd.s32 v1, v4;
	_ =	sdelay $0x1  }
0x2d8: {  	v3 =	vadd.s32 v1, v3;
	_ =	sdelay $0x1  }
0x2d9: {  	s20 =	simm.s32 $0x8400  }
0x2da: {  	[tilespmem:s20], [sflag:$0x1] =	stream.indirect_vreg.gather [hbm4b:s6+s2], $0x80, v4, vm0, $0xb8;
	[tilespmem:$0x19C00] =	vst v63  }
0x2db: {  	s20 =	simm.s32 $0x9000  }
0x2dc: {  	[tilespmem:s20], [sflag:$0x1] =	stream.indirect_vreg.gather [hbm4b:s6+s2], $0x80, v3, vm0, $0xb8;
	[tilespmem:$0x19C00] =	vst v63  }
0x2dd: {  	v3 =	vld [tilespmem:s18+$0x90];
	_ =	sdelay $0x4  }
0x2de: {  	v61 =	vshll.u32 v3, $0x1  }
0x2df: {  	v3 =	vand.u32 $0x7, v3;
	v4 =	vand.u32 $0xFFFFFFF0, v61  }
0x2e0: {  	v3 =	vor.u32 v3, v4  }
0x2e1: {  	v4 =	vperm.xlane v3, v0;
	_ =	sdelay $0x1  }
0x2e2: {  	v3 =	vperm.xlane v3, v2;
	v4 =	vadd.s32 v1, v4;
	_ =	sdelay $0x1  }
0x2e3: {  	v3 =	vadd.s32 v1, v3;
	_ =	sdelay $0x1  }
0x2e4: {  	s20 =	simm.s32 $0x9C00  }
0x2e5: {  	[tilespmem:s20], [sflag:$0x1] =	stream.indirect_vreg.gather [hbm4b:s6+s2], $0x80, v4, vm0, $0xb8;
	[tilespmem:$0x19C00] =	vst v63  }
0x2e6: {  	s20 =	simm.s32 $0xA800  }
0x2e7: {  	[tilespmem:s20], [sflag:$0x1] =	stream.indirect_vreg.gather [hbm4b:s6+s2], $0x80, v3, vm0, $0xb8;
	[tilespmem:$0x19C00] =	vst v63  }
0x2e8: {  	v3 =	vld [tilespmem:s18+$0xA0];
	_ =	sdelay $0x4  }
0x2e9: {  	v62 =	vshll.u32 v3, $0x1  }
0x2ea: {  	v3 =	vand.u32 $0x7, v3;
	v4 =	vand.u32 $0xFFFFFFF0, v62  }
0x2eb: {  	v3 =	vor.u32 v3, v4  }
0x2ec: {  	v4 =	vperm.xlane v3, v0;
	_ =	sdelay $0x1  }
0x2ed: {  	v3 =	vperm.xlane v3, v2;
	v4 =	vadd.s32 v1, v4;
	_ =	sdelay $0x1  }
0x2ee: {  	v3 =	vadd.s32 v1, v3;
	_ =	sdelay $0x1  }
0x2ef: {  	s20 =	simm.s32 $0xB400  }
0x2f0: {  	[tilespmem:s20], [sflag:$0x1] =	stream.indirect_vreg.gather [hbm4b:s6+s2], $0x80, v4, vm0, $0xb8;
	[tilespmem:$0x19C00] =	vst v63  }
0x2f1: {  	s20 =	simm.s32 $0xC000  }
0x2f2: {  	[tilespmem:s20], [sflag:$0x1] =	stream.indirect_vreg.gather [hbm4b:s6+s2], $0x80, v3, vm0, $0xb8;
	[tilespmem:$0x19C00] =	vst v63  }
0x2f3: {  	v3 =	vld [tilespmem:s18+$0xB0];
	_ =	sdelay $0x4  }
0x2f4: {  	v63 =	vshll.u32 v3, $0x1  }
0x2f5: {  	v3 =	vand.u32 $0x7, v3;
	v4 =	vand.u32 $0xFFFFFFF0, v63  }
0x2f6: {  	v3 =	vor.u32 v3, v4  }
0x2f7: {  	v4 =	vperm.xlane v3, v0;
	_ =	sdelay $0x1  }
0x2f8: {  	v3 =	vperm.xlane v3, v2;
	v4 =	vadd.s32 v1, v4;
	_ =	sdelay $0x1  }
0x2f9: {  	v3 =	vadd.s32 v1, v3  }
.Ltmp5:
0x2fa: {  	_ = 	snop;
	(pc) =	sbr.rel .LBB2_4-.Ltmp5, $4  }
0x2fb: {  	s20 =	simm.s32 $0xCC00  }
0x2fc: {  	[tilespmem:s20], [sflag:$0x1] =	stream.indirect_vreg.gather [hbm4b:s6+s2], $0x80, v4, vm0, $0xb8;
	[tilespmem:$0x19C00] =	vst v63  }
0x2fd: {  	s20 =	simm.s32 $0xD800  }
0x2fe: {  	[tilespmem:s20], [sflag:$0x1] =	stream.indirect_vreg.gather [hbm4b:s6+s2], $0x80, v3, vm0, $0xb8;
	[tilespmem:$0x19C00] =	vst v63  }
.LBB2_6:
0x2ff: {  	_ =	sfence.sel $0x180000  }
0x300: {  	[bflag:$0x0] =	sbarrier.arrive $0xFFFF  }
0x301: {  	_ =	strace $0x9000004A  }
0x302: {  	s0 =	stileid.u32;
	[bflag:$0x2] =	sbarrier.arrive $0xFFFF  }
0x303: {  	p0 =	sne.s32 s0, $0x0;
	s0 =	rddreg [dreg:$0x1]  }
0x304: {  	s0 =	sadd.s32 @!p0 $0x100000, s0  }
0x305: {  	[sflag:s0] =	ssyncadd.tile.s32 @!p0 $0x1;
	_ =	shalt  }
.Lfunc_end2:
_tile_overlayer_lowered:
.L_overlay_start_2:
0x306: {  	(tag) =	ssettag $0x2  }
0x307: {  	s0 =	rddreg [dreg:$0x0];
	s2 =	stileid.u32  }
0x308: {  	s1 =	rddreg [dreg:$0x1];
	p0 =	sne.s32 s2, $0x0  }
0x309: {  	s3 =	rddreg [dreg:$0x2];
	[bflag:$0x3] =	sbarrier.arrive $0xFFFF;
	s2 =	simm.s32 @!p0 $0x1C02  }
0x30a: {  	[timem:s3], [sflag:s2] =	dma.local @!p0 [hbm:s0], s1  }
0x30b: {  	s0 =	simm.s32 @!p0 $0x2  }
0x30c: {  	_ =	swait.ge @!p0 [sflag:s0], s1  }
0x30d: {  	s1 =	ssub.s32 @!p0 $0x0, s1;
	[sflag:s0] =	ssyncset.done @!p0 $0x0  }
0x30e: {  	[sflag:s0] =	ssyncadd.s32 @!p0 s1  }
0x30f: {  	[bflag:$0x3] =	sbarrier.arrive $0xFFFF  }
0x310: {  	_ =	shalt  }

// kernel: sparse-core-data-format-call.cloned.1.call-start
scs
called_computation_lowered:
.L_overlay_start_0:
0x0: {  	s2 =	sld [smem:$0x3FD9]  }
0x1: {  	s3 =	sld [smem:$0x3FFE];
	_ =	sdelay $0x1  }
0x2: {  	s1 =	srdreg.scid  }
0x3: {  	s0 =	sand.u32 $0x1, s1  }
0x4: {  	s18 =	sshll.u32 s0, $0xA;
	s2 =	sadd.s32 s3, s2  }
0x5: {  	s2 =	sadd.s32 s2, s18  }
0x6: {  	[smem:$0x3FC6] =	sst s2  }
0x7: {  	_ = 	snop  }
0x8: {  	s2 =	sld [smem:$0x3FD0];
	(tm) =	ssettm $0x1  }
0x9: {  	s19 =	sld [smem:$0x3FFB];
	_ =	sdelay $0x3  }
0xa: {  	_ =	strace s19  }
0xb: {  	s3 =	sld [smem:$0x3FFC];
	_ =	sdelay $0x3  }
0xc: {  	_ =	strace s3  }
0xd: {  	s3 =	sld [smem:$0x3FFD];
	_ =	sdelay $0x3  }
0xe: {  	_ =	strace s3  }
0xf: {  	_ =	strace $0x8FFFFFFF  }
0x10: {  	s20 =	sld [smem:$0x3FDB];
	_ =	sdelay $0x1  }
0x11: {  	s4 =	simm.s32 $_scs_section_size  }
0x12: {  	s5 =	simm.s32 $_size__tile_overlayer_lowered;
	s6 =	simm.s32 $_tile_overlayer_lowered  }
0x13: {  	s23 =	simm.s32 $0x1BFF;
	s22 =	sshll.u32 s6, $0x1;
	s3 =	sadd.s32 s4, s20  }
0x14: {  	s7 =	simm.s32 $0x0;
	s21 =	sshll.u32 s5, $0x1;
	s5 =	sadd.s32 s22, s3  }
0x15: {  	[timem:s7], [sflag:s23] =	dma.local [hbm:s5], s21  }
0x16: {  	_ =	swait.ge [sflag:s23], s21  }
0x17: {  	s4 =	ssub.s32 $0x0, s21;
	[sflag:s23] =	ssyncset.done $0x0  }
0x18: {  	[sflag:s23] =	ssyncadd.s32 s4;
	_ =	sdelay $0x1  }
0x19: {  	s24 =	simm.s32 $0x1B8B  }
0x1a: {  	_ =	swait.ge [sflag:s24], $0x1  }
0x1b: {  	[sflag:s24] =	ssyncset.done $0x0  }
0x1c: {  	s26 =	simm.s32 $0x1B8E;
	s25 =	sld [smem:$0x3FFE];
	[sflag:s24] =	ssyncadd.s32 $0xFFFFFFFF  }
0x1d: {  	s27 =	simm.s32 $execute0_lowered;
	[smem:$0x3FD2] =	sst s26  }
0x1e: {  	s5 =	sshll.u32 s27, $0x1;
	_ =	strace $0x8000004C;
	[dreg:$0x1] =	wrdreg $0xFFFFFFFF  }
0x1f: {  	s28 =	simm.s32 $_size_execute0_lowered;
	s3 =	sadd.s32 s3, s5;
	[dreg:$0x0] =	wrdreg $0x0  }
0x20: {  	s5 =	sshll.u32 s28, $0x1;
	[dreg:$0x2] =	wrdreg s3  }
0x21: {  	[dreg:$0x3] =	wrdreg s5  }
0x22: {  	[dreg:$0x4] =	wrdreg $0xC0  }
0x23: {  	_ =	task [dreg:s7], $0x5FFFF  }
0x24: {  	[dreg:$0x1] =	wrdreg $0xFFFFFFFF  }
0x25: {  	[dreg:$0x0] =	wrdreg $0x60  }
0x26: {  	[dreg:$0x2] =	wrdreg s25  }
0x27: {  	[dreg:$0x3] =	wrdreg s2  }
0x28: {  	[dreg:$0x4] =	wrdreg $0x9  }
0x29: {  	_ =	task.clear_ibuf [dreg:s7], $0x5FFFF;
	_ =	strace $0x9000004C  }
0x2a: {  	s29 =	simm.s32 $0x9;
	_ =	strace $0x8000004E  }
0x2b: {  	_ =	swait.ge [sflag:s29], $0x1  }
0x2c: {  	[sflag:s29] =	ssyncadd.s32 $0xFFFFFFFF  }
0x2d: {  	_ =	strace $0x9000004E  }
0x2e: {  	_ =	sfence  }
0x2f: {  	s30 =	sld [smem:$0x0];
	_ =	sdelay $0x2  }
0x30: {  	s31 =	sshll.u32 s1, $0xD;
	s1 =	sshrl.u32 s1, $0x2  }
0x31: {  	s3 =	sand.u32 $0x4000, s31;
	s1 =	sadd.s32 s1, s30  }
0x32: {  	s0 =	sor.u32 s3, s0;
	s1 =	sshll.u32 s1, $0x11  }
0x33: {  	s0 =	sor.u32 s1, s0  }
0x34: {  	s0 =	sadd.s32 $0x8F2B, s0  }
0x35: {  	[sflag:s0] =	ssyncadd.remote.s32 $0x1  }
0x36: {  	_ =	sfence.sel $0xFFFF  }
0x37: {  	[dreg:$0x0] =	wrdreg $0xFFFFFFFF;
	(pc) =	sbr.abs _section_cstart, $3  }
0x38: {  	[dreg:$0x1] =	wrdreg $0xFFFFFFFF  }
0x39: {  	_ =	task.clear_ibuf [dreg:s7], $0x2FFFF;
	_ =	strace $0x9FFFFFFF  }
0x3a: {  	(tm) =	ssettm $0x7FFFFFFF  }
0x3b: {  	_ =	shalt  }
tec
execute0_lowered:
.L_overlay_start_1:
0x0: {  	(tag) =	ssettag $0x1  }
0x1: {  	s0 =	srdreg.scid;
	s6 =	rddreg [dreg:$0x0]  }
0x2: {  	s3 =	rddreg [dreg:$0x1];
	s1 =	sshll.u32 s0, $0x4  }
0x3: {  	s5 =	simm.s32 $0x1;
	s0 =	stileid.u32;
	s1 =	sand.u32 $0x10, s1  }
0x4: {  	s31 =	simm.s32 $0x2;
	s16 =	simm.s32 $0x0;
	s1 =	sor.u32 s0, s1  }
0x5: {  	s8 =	simm.s32 $0x8000;
	s18 =	simm.s32 $0x0;
	s2 =	sshll.u32 s1, $0x7  }
0x6: {  	s17 =	simm.s32 $0x0;
	s9 =	simm.s32 $0x0;
	s4 =	ssub.s32 $0x1000, s2  }
0x7: {  	s10 =	simm.s32 $0x0;
	s11 =	simm.s32 $0x0;
	s30 =	sand.u32 $0xF80, s4  }
0x8: {  	s12 =	simm.s32 $0x0;
	s13 =	simm.s32 $0x0;
	p0 =	sne.s32 s30, $0x0  }
.Ltmp0:
0x9: {  	s7 =	sshrl.u32 s4, $0xC;
	s5 =	simm.s32 @!p0 $0x0;
	(pc) =	sbr.rel .LBB1_1-.Ltmp0, $4  }
0xa: {  	s15 =	simm.s32 $0x0;
	s1 =	rddreg [dreg:$0x2];
	s5 =	sadd.s32 s5, s7  }
0xb: {  	_ =	strace $0x8000004D;
	s4 =	simm.s32 $0x1;
	s5 =	smul.u32 $0x96, s5  }
0xc: {  	s6 =	sadd.s32 $0xE00, s6;
	s14 =	smov.u32 s2;
	[sflag:s4] =	ssyncpa.u1 $0x0  }
0xd: {  	[sflag:s31] =	ssyncpa.u1 $0x0;
	p0 =	por $0x0, $0x0;
	s7 =	sor.u32 $0x1, s5  }
.LBB1_4:
0xe: {  	s23 =	sshra.s32 s23, $0x2;
	s30 =	sshll.u32 s9, $0xC  }
0xf: {  	p1 =	sgt.s32 s10, $0x31;
	s24 =	smov.u32 s10;
	s25 =	sshra.s32 s10, $0x1F  }
0x10: {  	s26 =	sshll.u32 s11, $0x3;
	s28 =	smov.u32 s11;
	s29 =	sshra.s32 s11, $0x1F  }
0x11: {  	s22 =	sadd.s32 s23, s22;
	s24 =	simm.s32 @!p1 $0x31;
	s25 =	sand.u32 s25, s10  }
0x12: {  	s23 =	sand.u32 $0xFFFF8000, s30;
	s27 =	sand.u32 $0xFFFFFC00, s26;
	p1 =	sgt.s32 s9, $0xB0  }
0x13: {  	s31 =	sand.u32 s29, s11;
	s29 =	sshll.u32 s9, $0x7;
	s30 =	sshra.s32 s9, $0x1F  }
0x14: {  	[tilespmem:s21+$0x2040 ss:$0x81] =	vst.msk $0xffff, v4;
	s24 =	ssub.s32 s24, s25;
	s23 =	sadd.s32 s27, s23;
	s27 =	smov.u32 s9  }
0x15: {  	[tilespmem:s21+$0x2850 ss:$0x81] =	vst.msk $0xffff, v3;
	s29 =	sand.u32 $0x380, s29;
	s25 =	sadd.s32 $0xFFFFFFCF, s24;
	s27 =	simm.s32 @!p1 $0xB0  }
0x16: {  	v5 =	vld [tilespmem:s20+$0xFFFFFFD0];
	[tilespmem:s21+$0x3060 ss:$0x81] =	vst.msk $0xffff, v2;
	p1 =	sgt.s32 s11, $0xF80;
	s23 =	sshrl.u32 s23, $0xC;
	s24 =	ssub.s32 $0x32, s24  }
0x17: {  	v58 =	vld [tilespmem:s20+$0xFFFFFFE0];
	[tilespmem:s21+$0x0 ss:$0x81] =	vst.msk $0xffff, v1;
	s28 =	simm.s32 @!p1 $0xF80;
	p1 =	sgt.s32 s25, $0x0;
	s21 =	smulhi.u32 $0xD79436, s23  }
0x18: {  	v59 =	vld [tilespmem:s20+$0xFFFFFFF0];
	s25 =	ssub.s32 s28, s31;
	s28 =	sand.u32 s30, s9;
	s24 =	simm.s32 @p1 $0x0  }
0x19: {  	v60 =	vld [tilespmem:s20+$0x0];
	s27 =	ssub.s32 s27, s28;
	s31 =	sadd.s32 $0xFFFFF080, s25;
	s25 =	ssub.s32 $0x1000, s25  }
0x1a: {  	v61 =	vld [tilespmem:s20+$0x10];
	[tilespmem:s22+$0x3870 ss:$0x81] =	vst.msk $0xffff, v0;
	s21 =	smul.u32 $0x130, s21;
	s28 =	sand.u32 $0x7, s11;
	p1 =	sgt.s32 s31, $0x7F  }
0x1b: {  	v62 =	vld [tilespmem:s20+$0x20];
	[tilespmem:s22+$0x810 ss:$0x81] =	vst.msk $0xffff, v5;
	s30 =	sadd.s32 $0xFFFFFF50, s27;
	s31 =	sand.u32 $0x78, s11;
	s25 =	simm.s32 @p1 $0x0  }
0x1c: {  	v63 =	vld [tilespmem:s20+$0xFFFFFFC0];
	[tilespmem:s22+$0x1020 ss:$0x81] =	vst.msk $0xffff, v58;
	p1 =	sgt.s32 s30, $0x7F;
	s30 =	sand.u32 $0xC00, s26;
	s24 =	smul.u32 s25, s24  }
0x1d: {  	[tilespmem:s22+$0x1830 ss:$0x81] =	vst.msk $0xffff, v59;
	s26 =	ssub.s32 $0x130, s27;
	s20 =	sor.u32 s31, s30;
	s31 =	smul.u32 $0x26000, s10  }
0x1e: {  	[tilespmem:s22+$0x2040 ss:$0x81] =	vst.msk $0xffff, v60;
	s21 =	ssub.s32 s23, s21;
	s26 =	simm.s32 @p1 $0x0;
	s20 =	sor.u32 s29, s20  }
0x1f: {  	[tilespmem:s22+$0x2850 ss:$0x81] =	vst.msk $0xffff, v61;
	s26 =	smul.u32 s26, s24;
	s20 =	sshrl.u32 s20, $0x3;
	s27 =	sadd.s32 s3, s31  }
0x20: {  	[tilespmem:s22+$0x3060 ss:$0x81] =	vst.msk $0xffff, v62;
	s21 =	sshll.u32 s21, $0x9;
	s29 =	sshll.u32 s28, $0x12;
	s20 =	sadd.s32 s20, s27  }
0x21: {  	[tilespmem:s22+$0x0 ss:$0x81] =	vst.msk $0xffff, v63;
	s31 =	sor.u32 $0x400, s29;
	s30 =	sand.u32 $0x3FFFFFFF, s26;
	s20 =	sadd.s32 s21, s20  }
0x22: {  	[hbm4b:s20+s31] =	stream.strided.scatter [tilespmem:s19], [sflag:$0x2], s30, s8, s31, $0x20;
	[tilespmem:$0x10100] =	vst v63  }
.LBB1_5:
0x23: {  	p1 =	slt.u32 s15, $0x2  }
0x24: {  	p2 =	sgt.s32 @!p1 s18, $0x31  }
0x25: {  	s19 =	smov.u32 s18;
	s20 =	sshra.s32 @!p1 s18, $0x1F;
	p2 =	por !p2, p1  }
0x26: {  	s18 =	sand.u32 @!p1 s20, s18;
	s19 =	simm.s32 @p2 $0x31  }
0x27: {  	p3 =	sgt.s32 @!p1 s16, $0xB0;
	s18 =	ssub.s32 @!p1 s19, s18  }
0x28: {  	p4 =	sgt.s32 @!p1 s17, $0xF80;
	s21 =	sshra.s32 @!p1 s17, $0x1F;
	s19 =	sadd.s32 @!p1 $0xFFFFFFCF, s18  }
0x29: {  	s20 =	smov.u32 s16;
	p2 =	sgt.s32 @!p1 s19, $0x0;
	s19 =	sshra.s32 @!p1 s16, $0x1F  }
0x2a: {  	p4 =	por !p4, p1;
	s16 =	sand.u32 @!p1 s19, s16;
	s19 =	smov.u32 s17  }
0x2b: {  	p3 =	por !p3, p1;
	s17 =	sand.u32 @!p1 s21, s17;
	s19 =	simm.s32 @p4 $0xF80  }
0x2c: {  	s20 =	simm.s32 @p3 $0xB0;
	s18 =	ssub.s32 @!p1 $0x32, s18;
	s17 =	ssub.s32 @!p1 s19, s17  }
0x2d: {  	p2 =	por !p2, p1;
	s16 =	ssub.s32 @!p1 s20, s16;
	s20 =	sadd.s32 @!p1 $0xFFFFF080, s17  }
0x2e: {  	s18 =	simm.s32 @!p2 $0x0;
	p3 =	sgt.s32 @!p1 s20, $0x7F  }
0x2f: {  	s19 =	sadd.s32 @!p1 $0xFFFFFF50, s16;
	s17 =	ssub.s32 @!p1 $0x1000, s17;
	p3 =	por !p3, p1  }
0x30: {  	p2 =	sgt.s32 @!p1 s19, $0x7F;
	s19 =	sadd.s32 $0x80, s12;
	s17 =	simm.s32 @!p3 $0x0  }
0x31: {  	p3 =	sgt.s32 s19, $0x12B;
	s17 =	smul.u32 @!p1 s17, s18;
	s18 =	simm.s32 $0x1  }
0x32: {  	s16 =	ssub.s32 @!p1 $0x130, s16;
	p2 =	por !p2, p1;
	s18 =	simm.s32 @!p3 $0x0  }
0x33: {  	s21 =	smov.u32 s14;
	s16 =	simm.s32 @!p2 $0x0;
	s20 =	sadd.s32 s18, s13  }
0x34: {  	s16 =	smul.u32 @!p1 s16, s17;
	s17 =	sadd.s32 $0x1000, s14;
	p2 =	sgt.s32 s20, $0x31  }
0x35: {  	p0 =	por !p0, !p0;
	s22 =	simm.s32 @!p1 $0x2;
	s21 =	smov.u32 @p2 s17  }
0x36: {  	s19 =	simm.s32 @p3 $0x0;
	s20 =	simm.s32 @p2 $0x0;
	p2 =	sgt.s32 s21, $0xFFF  }
0x37: {  	s18 =	smov.u32 s10;
	s21 =	smov.u32 @p2 s2;
	p2 =	sne.s32 s15, s7  }
.Ltmp1:
0x38: {  	s10 =	smov.u32 s13;
	s16 =	sand.u32 @!p1 $0x3FFFFFFF, s16;
	(pc) =	sbr.rel @!p2 .LBB1_6-.Ltmp1, $4  }
0x39: {  	s17 =	smov.u32 s11;
	s11 =	smov.u32 s14;
	_ =	swait.ge @!p1 [sflag:s22], s16  }
0x3a: {  	s23 =	ssub.s32 @!p1 $0x0, s16;
	s16 =	smov.u32 s9;
	s9 =	smov.u32 s12  }
0x3b: {  	s12 =	smov.u32 s19;
	s13 =	smov.u32 s20;
	[sflag:s22] =	ssyncset.done @!p1 $0x0  }
0x3c: {  	s15 =	sadd.s32 $0x1, s15;
	[sflag:s22] =	ssyncadd.s32 @!p1 s23;
	s14 =	smov.u32 s21  }
.LBB1_1:
0x3d: {  	p1 =	sge.u32 s15, s5  }
0x3e: {  	s19 =	sshrl.u32 @!p1 s13, $0x3  }
0x3f: {  	s20 =	sshll.u32 @!p1 s12, $0x3;
	s19 =	smul.u32 @!p1 $0xC00, s19  }
0x40: {  	s21 =	sshll.u32 @!p1 s13, $0x7;
	s20 =	sand.u32 @!p1 $0xFFFFFC00, s20  }
0x41: {  	s19 =	sadd.s32 @!p1 s19, s20;
	s20 =	sand.u32 @!p1 $0x380, s21  }
0x42: {  	s19 =	sor.u32 @!p1 s20, s19  }
0x43: {  	s20 =	sand.u32 @!p1 $0x7F, s12;
	s21 =	smulhi.u32 @!p1 $0xAAAAAAAB, s19  }
0x44: {  	s19 =	sor.u32 @!p1 s20, s19  }
0x45: {  	s20 =	smulhi.u32 @!p1 $0xAAAAAAAB, s19;
	s21 =	sshrl.u32 @!p1 s21, $0x8  }
0x46: {  	s22 =	smulhi.u32 @!p1 $0x4924925, s21;
	_ =	sdelay $0x1  }
0x47: {  	s20 =	sshrl.u32 @!p1 s20, $0x8;
	s22 =	smul.u32 @!p1 $0x38, s22  }
0x48: {  	s31 =	sadd.s32 $0xFFFFFFFF, s15;
	s20 =	smul.u32 @!p1 $0x180, s20  }
0x49: {  	s23 =	sxor.u32 @!p1 $0xFFFFFFFF, s15;
	s21 =	ssub.s32 @!p1 s21, s22;
	s22 =	smul.u32 @!p1 $0xA80, s14  }
0x4a: {  	s23 =	sshll.u32 @!p1 s23, $0xE;
	s19 =	ssub.s32 @!p1 s19, s20;
	s20 =	smul.u32 @!p1 $0x30, s21  }
0x4b: {  	s21 =	sand.u32 @!p1 $0x4000, s23;
	s23 =	sand.u32 @!p1 $0x7, s19;
	s22 =	sadd.s32 @!p1 s6, s22  }
0x4c: {  	s19 =	sshrl.u32 @!p1 s19, $0x3;
	s20 =	sadd.s32 @!p1 s20, s22;
	s22 =	sshll.u32 @!p1 s23, $0x12  }
0x4d: {  	s19 =	sadd.s32 @!p1 s19, s20;
	s20 =	sor.u32 @!p1 $0x80, s22;
	s22 =	simm.s32 @!p1 $0x5400  }
0x4e: {  	[tilespmem:s21], [sflag:$0x1] =	stream.strided.gather @!p1 [hbm4b:s19+s20], $0x4000, s22, s20, $0x38;
	[tilespmem:$0x10100] =	vst v63  }
0x4f: {  	p1 =	sge.u32 s31, s5  }
.Ltmp2:
0x50: {  	_ = 	snop;
	(pc) =	sbr.rel @p1 .LBB1_5-.Ltmp2, $1  }
0x51: {  	_ =	sdelay $0x3  }
0x52: {  	s19 =	simm.s32 $0x1  }
0x53: {  	_ =	swait.ge [sflag:s4], $0x4000;
	s19 =	simm.s32 @!p0 $0x0  }
0x54: {  	[sflag:s4] =	ssyncset.done $0x0;
	s20 =	sshll.u32 s19, $0xE  }
0x55: {  	[sflag:s4] =	ssyncadd.s32 $0xFFFFC000;
	s20 =	sor.u32 $0x40, s20  }
0x56: {  	s19 =	smul.u32 $0x10200, s19;
	v0 =	vld [tilespmem:s20+$0x30]  }
0x57: {  	v1 =	vld [tilespmem:s20+$0xFFFFFFD0]  }
0x58: {  	s19 =	sshrl.u32 s19, $0x2;
	v5 =	vld [tilespmem:s20+$0xFFFFFFE0]  }
0x59: {  	v6 =	vld [tilespmem:s20+$0xFFFFFFF0];
	s22 =	sor.u32 $0x8000, s19  }
0x5a: {  	s31 =	sand.u32 $0x1, s15;
	v4 =	vld [tilespmem:s20+$0x0];
	s21 =	sadd.s32 $0x0, s22  }
0x5b: {  	v3 =	vld [tilespmem:s20+$0x10];
	s19 =	smul.u32 $0x10200, s31;
	[tilespmem:s21+$0x3870 ss:$0x81] =	vst.msk $0xffff, v0  }
0x5c: {  	v2 =	vld [tilespmem:s20+$0x20];
	[tilespmem:s21+$0x810 ss:$0x81] =	vst.msk $0xffff, v1  }
0x5d: {  	s19 =	sshrl.u32 s19, $0x2;
	v1 =	vld [tilespmem:s20+$0xFFFFFFC0];
	[tilespmem:s21+$0x1020 ss:$0x81] =	vst.msk $0xffff, v5;
	s20 =	sadd.s32 $0x80, s20  }
0x5e: {  	s23 =	simm.s32 $0x4;
	s24 =	simm.s32 $0x8;
	s19 =	sor.u32 $0x8000, s19;
	[tilespmem:s21+$0x1830 ss:$0x81] =	vst.msk $0xffff, v6;
	v0 =	vld [tilespmem:s20+$0x30]  }
.LBB1_3:
0x5f: {  	p1 =	sne.s32 s24, $0x1FC;
	v5 =	vld [tilespmem:s20+$0xFFFFFFD0];
	[tilespmem:s21+$0x2040 ss:$0x81] =	vst.msk $0xffff, v4  }
0x60: {  	v6 =	vld [tilespmem:s20+$0xFFFFFFE0];
	[tilespmem:s21+$0x2850 ss:$0x81] =	vst.msk $0xffff, v3  }
0x61: {  	s25 =	sshra.s32 s23, $0x2;
	s23 =	smov.u32 s24;
	v7 =	vld [tilespmem:s20+$0xFFFFFFF0];
	[tilespmem:s21+$0x3060 ss:$0x81] =	vst.msk $0xffff, v2  }
.Ltmp3:
0x62: {  	v4 =	vld [tilespmem:s20+$0x0];
	[tilespmem:s21+$0x0 ss:$0x81] =	vst.msk $0xffff, v1;
	s21 =	sadd.s32 s25, s22;
	(pc) =	sbr.rel @p1 .LBB1_3-.Ltmp3, $4  }
0x63: {  	v3 =	vld [tilespmem:s20+$0x10];
	[tilespmem:s21+$0x3870 ss:$0x81] =	vst.msk $0xffff, v0  }
0x64: {  	[tilespmem:s21+$0x810 ss:$0x81] =	vst.msk $0xffff, v5;
	v2 =	vld [tilespmem:s20+$0x20]  }
0x65: {  	v1 =	vld [tilespmem:s20+$0xFFFFFFC0];
	[tilespmem:s21+$0x1020 ss:$0x81] =	vst.msk $0xffff, v6;
	s20 =	sadd.s32 $0x80, s20  }
0x66: {  	s24 =	sadd.s32 $0x4, s24;
	v0 =	vld [tilespmem:s20+$0x30];
	[tilespmem:s21+$0x1830 ss:$0x81] =	vst.msk $0xffff, v7  }
.Ltmp4:
0x67: {  	_ = 	snop;
	(pc) =	sbr.rel .LBB1_4-.Ltmp4, $1  }
0x68: {  	_ =	sdelay $0x3  }
.LBB1_6:
0x69: {  	_ =	sfence.sel $0x180000  }
0x6a: {  	s2 =	simm.s32 $0x1;
	[bflag:$0x0] =	sbarrier.arrive $0xFFFF  }
0x6b: {  	s31 =	simm.s32 $0x2;
	[sflag:s2] =	ssyncpa.u1 $0x1  }
0x6c: {  	[sflag:s31] =	ssyncpa.u1 $0x1  }
0x6d: {  	p0 =	sne.s32 s0, $0x0;
	_ =	strace $0x9000004D  }
0x6e: {  	s0 =	sadd.s32 @!p0 $0x100000, s1;
	[bflag:$0x2] =	sbarrier.arrive $0xFFFF  }
0x6f: {  	[sflag:s0] =	ssyncadd.tile.s32 @!p0 $0x1;
	_ =	shalt  }
.Lfunc_end1:
_tile_overlayer_lowered:
.L_overlay_start_2:
0x70: {  	(tag) =	ssettag $0x2  }
0x71: {  	s0 =	rddreg [dreg:$0x0];
	s2 =	stileid.u32  }
0x72: {  	s1 =	rddreg [dreg:$0x1];
	p0 =	sne.s32 s2, $0x0  }
0x73: {  	s3 =	rddreg [dreg:$0x2];
	[bflag:$0x3] =	sbarrier.arrive $0xFFFF;
	s2 =	simm.s32 @!p0 $0x1C01  }
0x74: {  	[timem:s3], [sflag:s2] =	dma.local @!p0 [hbm:s0], s1  }
0x75: {  	s0 =	simm.s32 @!p0 $0x1  }
0x76: {  	_ =	swait.ge @!p0 [sflag:s0], s1  }
0x77: {  	s1 =	ssub.s32 @!p0 $0x0, s1;
	[sflag:s0] =	ssyncset.done @!p0 $0x0  }
0x78: {  	[sflag:s0] =	ssyncadd.s32 @!p0 s1  }
0x79: {  	[bflag:$0x3] =	sbarrier.arrive $0xFFFF  }
0x7a: {  	_ =	shalt  }

</sc_bundles>
